<compile_context>
chip_gen: v7x
topology: tpu7x:2x2x1
jax: 0.10.2.dev20260603
libtpu: 0.0.44.dev20260713+nightly
codegen_flags: <defaults>
</compile_context>

<pallas_src>
import functools

import jax
import jax.numpy as jnp
import numpy as np
from jax import lax
from jax.experimental import pallas as pl
from jax.experimental.pallas import tpu as pltpu
from jax.experimental.pallas import tpu_sc as plsc

_SHUFFLE_SEED = 42
_B, _N, _D = 4, 4096, 2048
_ROWS = _B * _N
_NC, _NS = 2, 16
_NW = _NC * _NS
_RPW = _ROWS // _NW
_K = 8
_CHUNKS = _RPW // _K
_NBUF = 6
_LEAD = 3

_mesh = plsc.VectorSubcoreMesh(core_axis_name="c", subcore_axis_name="s",
                               num_cores=_NC, num_subcores=_NS)


@functools.partial(
    pl.kernel,
    out_type=jax.ShapeDtypeStruct((_ROWS, _D), jnp.float32),
    mesh=_mesh,
    scratch_types=(
        [pltpu.VMEM((_RPW,), jnp.int32)]
        + [pltpu.VMEM((_K, _D), jnp.float32) for _ in range(_NBUF)]
        + [pltpu.SemaphoreType.DMA for _ in range(2 * _NBUF)]
    ),
)
def _sc_shuffle(table_hbm, idx_hbm, out_hbm, idx_v, *bufs_and_sems):
    bufs = bufs_and_sems[:_NBUF]
    gsems = bufs_and_sems[_NBUF:2 * _NBUF]
    osems = bufs_and_sems[2 * _NBUF:]
    wid = lax.axis_index("s") * _NC + lax.axis_index("c")
    base = wid * _RPW

    pltpu.sync_copy(idx_hbm.at[pl.ds(base, _RPW)], idx_v)

    def gather_desc(g):
        s = g % _NBUF
        return pltpu.make_async_copy(
            table_hbm.at[idx_v.at[pl.ds(g * _K, _K)]], bufs[s], gsems[s])

    def out_desc(g):
        s = g % _NBUF
        return pltpu.make_async_copy(bufs[s], out_hbm.at[pl.ds(base + g * _K, _K)],
                                     osems[s])

    for g in range(min(_LEAD, _CHUNKS)):
        gather_desc(g).start()
    for g in range(_CHUNKS):
        ahead = g + _LEAD
        if ahead < _CHUNKS:
            if ahead >= _NBUF:
                out_desc(ahead - _NBUF).wait()
            gather_desc(ahead).start()
        gather_desc(g).wait()
        out_desc(g).start()
    for g in range(max(0, _CHUNKS - _NBUF), _CHUNKS):
        out_desc(g).wait()


def _traced_global_index():
    perm = jax.random.permutation(jax.random.key(_SHUFFLE_SEED), _N)
    return (jnp.arange(_B, dtype=jnp.int32)[:, None] * _N
            + perm[None, :].astype(jnp.int32)).reshape(-1)


def _eager_global_index():
    with jax.default_device(jax.devices("cpu")[0]):
        return np.asarray(_traced_global_index())


try:
    _GLOBAL_IDX = _eager_global_index()
except Exception:
    _GLOBAL_IDX = None


def kernel(inputs):
    flat = inputs.reshape(_ROWS, _D)
    idx = (jnp.asarray(_GLOBAL_IDX) if _GLOBAL_IDX is not None
           else _traced_global_index())
    out = _sc_shuffle(flat, idx)
    return out.reshape(_B, _N, _D)

# --- scband reference (transcript-rebuilt; emitter-appended) ---
"""Pipeline reference for scband-shuffle-20985210208404 (READ-ONLY COPY).

The authoritative reference and input builder live on the scoring server;
editing this copy changes nothing except your own understanding.
"""

import jax, jax.numpy as jnp
import numpy as np

SHUFFLE_AXIS = 1
SEED = 42

def setup_inputs(seed: int = 0) -> dict:
    key = jax.random.key(seed)
    inputs = jax.random.normal(key, (4, 4096, 2048), dtype=jnp.float32)
    return {"inputs": inputs}

def reference(inputs):
    # tf.random.shuffle(tf.range(shape[axis])) -> random permutation of indices
    n = inputs.shape[SHUFFLE_AXIS]
    ridxs = jax.random.permutation(jax.random.key(SEED), n)
    # tf.gather(inputs, ridxs, axis=shuffle_axis)
    return jnp.take(inputs, ridxs, axis=SHUFFLE_AXIS)

if __name__ == "__main__":
    import jax
    _d = setup_inputs()
    print(jax.jit(kernel)(*tuple(_d.values())))

</pallas_src>

<mosaic_0001>
#map = affine_map<(d0, d1) -> (0, 0)>
#map1 = affine_map<(d0, d1) -> (0)>
module attributes {stable_mosaic.version = 14 : i64} {
  func.func @_sc_shuffle(%arg0: i32, %arg1: i32, %arg2: memref<16384x2048xf32, #tpu.memory_space<hbm>>, %arg3: memref<16384xi32, #tpu.memory_space<hbm>>, %arg4: memref<16384x2048xf32, #tpu.memory_space<hbm>>, %arg5: memref<512xi32, #tpu.memory_space<vmem>>, %arg6: memref<8x2048xf32, #tpu.memory_space<vmem>>, %arg7: memref<8x2048xf32, #tpu.memory_space<vmem>>, %arg8: memref<8x2048xf32, #tpu.memory_space<vmem>>, %arg9: memref<8x2048xf32, #tpu.memory_space<vmem>>, %arg10: memref<8x2048xf32, #tpu.memory_space<vmem>>, %arg11: memref<8x2048xf32, #tpu.memory_space<vmem>>, %arg12: memref<!tpu.dma_semaphore, #tpu.memory_space<semaphore_mem>>, %arg13: memref<!tpu.dma_semaphore, #tpu.memory_space<semaphore_mem>>, %arg14: memref<!tpu.dma_semaphore, #tpu.memory_space<semaphore_mem>>, %arg15: memref<!tpu.dma_semaphore, #tpu.memory_space<semaphore_mem>>, %arg16: memref<!tpu.dma_semaphore, #tpu.memory_space<semaphore_mem>>, %arg17: memref<!tpu.dma_semaphore, #tpu.memory_space<semaphore_mem>>, %arg18: memref<!tpu.dma_semaphore, #tpu.memory_space<semaphore_mem>>, %arg19: memref<!tpu.dma_semaphore, #tpu.memory_space<semaphore_mem>>, %arg20: memref<!tpu.dma_semaphore, #tpu.memory_space<semaphore_mem>>, %arg21: memref<!tpu.dma_semaphore, #tpu.memory_space<semaphore_mem>>, %arg22: memref<!tpu.dma_semaphore, #tpu.memory_space<semaphore_mem>>, %arg23: memref<!tpu.dma_semaphore, #tpu.memory_space<semaphore_mem>>) attributes {dimension_semantics = [#tpu.dimension_semantics<core_parallel>, #tpu.dimension_semantics<subcore_parallel>], iteration_bounds = array<i64: 2, 16>, scalar_prefetch = 0 : i64, scratch_operands = 19 : i64, tpu.core_type = #tpu.core_type<sc_vector_subcore>, window_params = [{transform_indices = #map}, {transform_indices = #map1}, {transform_indices = #map}]} {
    %mul3A = arith.constant 2 : i32
    %mul3A_0 = arith.muli %arg1, %mul3A : i32
    %add3A = arith.addi %mul3A_0, %arg0 : i32
    %mul3A_1 = arith.constant 512 : i32
    %mul3A_2 = arith.muli %add3A, %mul3A_1 : i32
    "tpu.region"() ({
      %run_scoped3A = tpu.sem_alloc : memref<!tpu.dma_semaphore, #tpu.memory_space<semaphore_mem>>
      %dma_start3A_1409 = tpu.memref_slice %arg3[%mul3A_2] : memref<16384xi32, #tpu.memory_space<hbm>> -> memref<512xi32, #tpu.memory_space<hbm>>
      %dma_start3A_1410 = tpu.memref_slice %arg3[%mul3A_2] : memref<16384xi32, #tpu.memory_space<hbm>> -> memref<512xi32, #tpu.memory_space<hbm>>
      tpu.enqueue_dma source(%dma_start3A_1410 : memref<512xi32, #tpu.memory_space<hbm>>) target(%arg5 : memref<512xi32, #tpu.memory_space<vmem>>) target_semaphore(%run_scoped3A : memref<!tpu.dma_semaphore, #tpu.memory_space<semaphore_mem>>)
      %dma_wait3A_1411 = tpu.memref_slice %arg3[%mul3A_2] : memref<16384xi32, #tpu.memory_space<hbm>> -> memref<512xi32, #tpu.memory_space<hbm>>
      %dma_wait3A_1412 = tpu.memref_slice %arg3[%mul3A_2] : memref<16384xi32, #tpu.memory_space<hbm>> -> memref<512xi32, #tpu.memory_space<hbm>>
      tpu.wait_dma2 semaphore(%run_scoped3A : memref<!tpu.dma_semaphore, #tpu.memory_space<semaphore_mem>>) src(%dma_wait3A_1412 : memref<512xi32, #tpu.memory_space<hbm>>) dst(%arg5 : memref<512xi32, #tpu.memory_space<vmem>>)
      tpu.yield
    }) : () -> ()
    %dma_start3A = arith.constant 0 : i32
    %dma_start3A_3 = tpu.memref_slice %arg5[%dma_start3A] : memref<512xi32, #tpu.memory_space<vmem>> -> memref<8xi32, #tpu.memory_space<vmem>>
    %dma_start3A_4 = arith.constant 0 : i32
    %dma_start3A_5 = arith.constant 0 : i32
    %dma_start3A_6 = tpu.memref_slice %arg2[%dma_start3A_4, %dma_start3A_5] : memref<16384x2048xf32, #tpu.memory_space<hbm>> -> memref<16384x2048xf32, #tpu.memory_space<hbm>>
    tpu.enqueue_indirect_dma source(%dma_start3A_6 : memref<16384x2048xf32, #tpu.memory_space<hbm>>) target(%arg6 : memref<8x2048xf32, #tpu.memory_space<vmem>>) offsets(%dma_start3A_3 : memref<8xi32, #tpu.memory_space<vmem>>) semaphore(%arg12 : memref<!tpu.dma_semaphore, #tpu.memory_space<semaphore_mem>>)
    %dma_start3A_7 = arith.constant 8 : i32
    %dma_start3A_8 = tpu.memref_slice %arg5[%dma_start3A_7] : memref<512xi32, #tpu.memory_space<vmem>> -> memref<8xi32, #tpu.memory_space<vmem>>
    %dma_start3A_9 = arith.constant 0 : i32
    %dma_start3A_10 = arith.constant 0 : i32
    %dma_start3A_11 = tpu.memref_slice %arg2[%dma_start3A_9, %dma_start3A_10] : memref<16384x2048xf32, #tpu.memory_space<hbm>> -> memref<16384x2048xf32, #tpu.memory_space<hbm>>
    tpu.enqueue_indirect_dma source(%dma_start3A_11 : memref<16384x2048xf32, #tpu.memory_space<hbm>>) target(%arg7 : memref<8x2048xf32, #tpu.memory_space<vmem>>) offsets(%dma_start3A_8 : memref<8xi32, #tpu.memory_space<vmem>>) semaphore(%arg13 : memref<!tpu.dma_semaphore, #tpu.memory_space<semaphore_mem>>)
    %dma_start3A_12 = arith.constant 16 : i32
    %dma_start3A_13 = tpu.memref_slice %arg5[%dma_start3A_12] : memref<512xi32, #tpu.memory_space<vmem>> -> memref<8xi32, #tpu.memory_space<vmem>>
    %dma_start3A_14 = arith.constant 0 : i32
    %dma_start3A_15 = arith.constant 0 : i32
    %dma_start3A_16 = tpu.memref_slice %arg2[%dma_start3A_14, %dma_start3A_15] : memref<16384x2048xf32, #tpu.memory_space<hbm>> -> memref<16384x2048xf32, #tpu.memory_space<hbm>>
    tpu.enqueue_indirect_dma source(%dma_start3A_16 : memref<16384x2048xf32, #tpu.memory_space<hbm>>) target(%arg8 : memref<8x2048xf32, #tpu.memory_space<vmem>>) offsets(%dma_start3A_13 : memref<8xi32, #tpu.memory_space<vmem>>) semaphore(%arg14 : memref<!tpu.dma_semaphore, #tpu.memory_space<semaphore_mem>>)
    %dma_start3A_17 = arith.constant 24 : i32
    %dma_start3A_18 = tpu.memref_slice %arg5[%dma_start3A_17] : memref<512xi32, #tpu.memory_space<vmem>> -> memref<8xi32, #tpu.memory_space<vmem>>
    %dma_start3A_19 = arith.constant 0 : i32
    %dma_start3A_20 = arith.constant 0 : i32
    %dma_start3A_21 = tpu.memref_slice %arg2[%dma_start3A_19, %dma_start3A_20] : memref<16384x2048xf32, #tpu.memory_space<hbm>> -> memref<16384x2048xf32, #tpu.memory_space<hbm>>
    tpu.enqueue_indirect_dma source(%dma_start3A_21 : memref<16384x2048xf32, #tpu.memory_space<hbm>>) target(%arg9 : memref<8x2048xf32, #tpu.memory_space<vmem>>) offsets(%dma_start3A_18 : memref<8xi32, #tpu.memory_space<vmem>>) semaphore(%arg15 : memref<!tpu.dma_semaphore, #tpu.memory_space<semaphore_mem>>)
    %dma_wait3A = arith.constant 0 : i32
    %dma_wait3A_22 = tpu.memref_slice %arg5[%dma_wait3A] : memref<512xi32, #tpu.memory_space<vmem>> -> memref<8xi32, #tpu.memory_space<vmem>>
    %dma_wait3A_23 = arith.constant 0 : i32
    %dma_wait3A_24 = arith.constant 0 : i32
    %dma_wait3A_25 = tpu.memref_slice %arg2[%dma_wait3A_23, %dma_wait3A_24] : memref<16384x2048xf32, #tpu.memory_space<hbm>> -> memref<16384x2048xf32, #tpu.memory_space<hbm>>
    tpu.wait_indirect_dma semaphore(%arg12 : memref<!tpu.dma_semaphore, #tpu.memory_space<semaphore_mem>>) src(%dma_wait3A_25 : memref<16384x2048xf32, #tpu.memory_space<hbm>>) dst(%arg6 : memref<8x2048xf32, #tpu.memory_space<vmem>>)
    %add3A_26 = arith.constant 0 : i32
    %add3A_27 = arith.addi %mul3A_2, %add3A_26 : i32
    %dma_start3A_28 = arith.constant 0 : i32
    %dma_start3A_29 = tpu.memref_slice %arg4[%add3A_27, %dma_start3A_28] : memref<16384x2048xf32, #tpu.memory_space<hbm>> -> memref<8x2048xf32, #tpu.memory_space<hbm>>
    %dma_start3A_30 = arith.constant 0 : i32
    %dma_start3A_31 = tpu.memref_slice %arg4[%add3A_27, %dma_start3A_30] : memref<16384x2048xf32, #tpu.memory_space<hbm>> -> memref<8x2048xf32, #tpu.memory_space<hbm>>
    tpu.enqueue_dma source(%arg6 : memref<8x2048xf32, #tpu.memory_space<vmem>>) target(%dma_start3A_31 : memref<8x2048xf32, #tpu.memory_space<hbm>>) target_semaphore(%arg18 : memref<!tpu.dma_semaphore, #tpu.memory_space<semaphore_mem>>)
    %dma_start3A_32 = arith.constant 32 : i32
    %dma_start3A_33 = tpu.memref_slice %arg5[%dma_start3A_32] : memref<512xi32, #tpu.memory_space<vmem>> -> memref<8xi32, #tpu.memory_space<vmem>>
    %dma_start3A_34 = arith.constant 0 : i32
    %dma_start3A_35 = arith.constant 0 : i32
    %dma_start3A_36 = tpu.memref_slice %arg2[%dma_start3A_34, %dma_start3A_35] : memref<16384x2048xf32, #tpu.memory_space<hbm>> -> memref<16384x2048xf32, #tpu.memory_space<hbm>>
    tpu.enqueue_indirect_dma source(%dma_start3A_36 : memref<16384x2048xf32, #tpu.memory_space<hbm>>) target(%arg10 : memref<8x2048xf32, #tpu.memory_space<vmem>>) offsets(%dma_start3A_33 : memref<8xi32, #tpu.memory_space<vmem>>) semaphore(%arg16 : memref<!tpu.dma_semaphore, #tpu.memory_space<semaphore_mem>>)
    %dma_wait3A_37 = arith.constant 8 : i32
    %dma_wait3A_38 = tpu.memref_slice %arg5[%dma_wait3A_37] : memref<512xi32, #tpu.memory_space<vmem>> -> memref<8xi32, #tpu.memory_space<vmem>>
    %dma_wait3A_39 = arith.constant 0 : i32
    %dma_wait3A_40 = arith.constant 0 : i32
    %dma_wait3A_41 = tpu.memref_slice %arg2[%dma_wait3A_39, %dma_wait3A_40] : memref<16384x2048xf32, #tpu.memory_space<hbm>> -> memref<16384x2048xf32, #tpu.memory_space<hbm>>
    tpu.wait_indirect_dma semaphore(%arg13 : memref<!tpu.dma_semaphore, #tpu.memory_space<semaphore_mem>>) src(%dma_wait3A_41 : memref<16384x2048xf32, #tpu.memory_space<hbm>>) dst(%arg7 : memref<8x2048xf32, #tpu.memory_space<vmem>>)
    %add3A_42 = arith.constant 8 : i32
    %add3A_43 = arith.addi %mul3A_2, %add3A_42 : i32
    %dma_start3A_44 = arith.constant 0 : i32
    %dma_start3A_45 = tpu.memref_slice %arg4[%add3A_43, %dma_start3A_44] : memref<16384x2048xf32, #tpu.memory_space<hbm>> -> memref<8x2048xf32, #tpu.memory_space<hbm>>
    %dma_start3A_46 = arith.constant 0 : i32
    %dma_start3A_47 = tpu.memref_slice %arg4[%add3A_43, %dma_start3A_46] : memref<16384x2048xf32, #tpu.memory_space<hbm>> -> memref<8x2048xf32, #tpu.memory_space<hbm>>
    tpu.enqueue_dma source(%arg7 : memref<8x2048xf32, #tpu.memory_space<vmem>>) target(%dma_start3A_47 : memref<8x2048xf32, #tpu.memory_space<hbm>>) target_semaphore(%arg19 : memref<!tpu.dma_semaphore, #tpu.memory_space<semaphore_mem>>)
    %dma_start3A_48 = arith.constant 40 : i32
    %dma_start3A_49 = tpu.memref_slice %arg5[%dma_start3A_48] : memref<512xi32, #tpu.memory_space<vmem>> -> memref<8xi32, #tpu.memory_space<vmem>>
    %dma_start3A_50 = arith.constant 0 : i32
    %dma_start3A_51 = arith.constant 0 : i32
    %dma_start3A_52 = tpu.memref_slice %arg2[%dma_start3A_50, %dma_start3A_51] : memref<16384x2048xf32, #tpu.memory_space<hbm>> -> memref<16384x2048xf32, #tpu.memory_space<hbm>>
    tpu.enqueue_indirect_dma source(%dma_start3A_52 : memref<16384x2048xf32, #tpu.memory_space<hbm>>) target(%arg11 : memref<8x2048xf32, #tpu.memory_space<vmem>>) offsets(%dma_start3A_49 : memref<8xi32, #tpu.memory_space<vmem>>) semaphore(%arg17 : memref<!tpu.dma_semaphore, #tpu.memory_space<semaphore_mem>>)
    %dma_wait3A_53 = arith.constant 16 : i32
    %dma_wait3A_54 = tpu.memref_slice %arg5[%dma_wait3A_53] : memref<512xi32, #tpu.memory_space<vmem>> -> memref<8xi32, #tpu.memory_space<vmem>>
    %dma_wait3A_55 = arith.constant 0 : i32
    %dma_wait3A_56 = arith.constant 0 : i32
    %dma_wait3A_57 = tpu.memref_slice %arg2[%dma_wait3A_55, %dma_wait3A_56] : memref<16384x2048xf32, #tpu.memory_space<hbm>> -> memref<16384x2048xf32, #tpu.memory_space<hbm>>
    tpu.wait_indirect_dma semaphore(%arg14 : memref<!tpu.dma_semaphore, #tpu.memory_space<semaphore_mem>>) src(%dma_wait3A_57 : memref<16384x2048xf32, #tpu.memory_space<hbm>>) dst(%arg8 : memref<8x2048xf32, #tpu.memory_space<vmem>>)
    %add3A_58 = arith.constant 16 : i32
    %add3A_59 = arith.addi %mul3A_2, %add3A_58 : i32
    %dma_start3A_60 = arith.constant 0 : i32
    %dma_start3A_61 = tpu.memref_slice %arg4[%add3A_59, %dma_start3A_60] : memref<16384x2048xf32, #tpu.memory_space<hbm>> -> memref<8x2048xf32, #tpu.memory_space<hbm>>
    %dma_start3A_62 = arith.constant 0 : i32
    %dma_start3A_63 = tpu.memref_slice %arg4[%add3A_59, %dma_start3A_62] : memref<16384x2048xf32, #tpu.memory_space<hbm>> -> memref<8x2048xf32, #tpu.memory_space<hbm>>
    tpu.enqueue_dma source(%arg8 : memref<8x2048xf32, #tpu.memory_space<vmem>>) target(%dma_start3A_63 : memref<8x2048xf32, #tpu.memory_space<hbm>>) target_semaphore(%arg20 : memref<!tpu.dma_semaphore, #tpu.memory_space<semaphore_mem>>)
    %add3A_64 = arith.constant 0 : i32
    %add3A_65 = arith.addi %mul3A_2, %add3A_64 : i32
    %dma_wait3A_66 = arith.constant 0 : i32
    %dma_wait3A_67 = tpu.memref_slice %arg4[%add3A_65, %dma_wait3A_66] : memref<16384x2048xf32, #tpu.memory_space<hbm>> -> memref<8x2048xf32, #tpu.memory_space<hbm>>
    %dma_wait3A_68 = arith.constant 0 : i32
    %dma_wait3A_69 = tpu.memref_slice %arg4[%add3A_65, %dma_wait3A_68] : memref<16384x2048xf32, #tpu.memory_space<hbm>> -> memref<8x2048xf32, #tpu.memory_space<hbm>>
    tpu.wait_dma2 semaphore(%arg18 : memref<!tpu.dma_semaphore, #tpu.memory_space<semaphore_mem>>) src(%arg6 : memref<8x2048xf32, #tpu.memory_space<vmem>>) dst(%dma_wait3A_69 : memref<8x2048xf32, #tpu.memory_space<hbm>>)
    %dma_start3A_70 = arith.constant 48 : i32
    %dma_start3A_71 = tpu.memref_slice %arg5[%dma_start3A_70] : memref<512xi32, #tpu.memory_space<vmem>> -> memref<8xi32, #tpu.memory_space<vmem>>
    %dma_start3A_72 = arith.constant 0 : i32
    %dma_start3A_73 = arith.constant 0 : i32
    %dma_start3A_74 = tpu.memref_slice %arg2[%dma_start3A_72, %dma_start3A_73] : memref<16384x2048xf32, #tpu.memory_space<hbm>> -> memref<16384x2048xf32, #tpu.memory_space<hbm>>
    tpu.enqueue_indirect_dma source(%dma_start3A_74 : memref<16384x2048xf32, #tpu.memory_space<hbm>>) target(%arg6 : memref<8x2048xf32, #tpu.memory_space<vmem>>) offsets(%dma_start3A_71 : memref<8xi32, #tpu.memory_space<vmem>>) semaphore(%arg12 : memref<!tpu.dma_semaphore, #tpu.memory_space<semaphore_mem>>)
    %dma_wait3A_75 = arith.constant 24 : i32
    %dma_wait3A_76 = tpu.memref_slice %arg5[%dma_wait3A_75] : memref<512xi32, #tpu.memory_space<vmem>> -> memref<8xi32, #tpu.memory_space<vmem>>
    %dma_wait3A_77 = arith.constant 0 : i32
    %dma_wait3A_78 = arith.constant 0 : i32
    %dma_wait3A_79 = tpu.memref_slice %arg2[%dma_wait3A_77, %dma_wait3A_78] : memref<16384x2048xf32, #tpu.memory_space<hbm>> -> memref<16384x2048xf32, #tpu.memory_space<hbm>>
    tpu.wait_indirect_dma semaphore(%arg15 : memref<!tpu.dma_semaphore, #tpu.memory_space<semaphore_mem>>) src(%dma_wait3A_79 : memref<16384x2048xf32, #tpu.memory_space<hbm>>) dst(%arg9 : memref<8x2048xf32, #tpu.memory_space<vmem>>)
    %add3A_80 = arith.constant 24 : i32
    %add3A_81 = arith.addi %mul3A_2, %add3A_80 : i32
    %dma_start3A_82 = arith.constant 0 : i32
    %dma_start3A_83 = tpu.memref_slice %arg4[%add3A_81, %dma_start3A_82] : memref<16384x2048xf32, #tpu.memory_space<hbm>> -> memref<8x2048xf32, #tpu.memory_space<hbm>>
    %dma_start3A_84 = arith.constant 0 : i32
    %dma_start3A_85 = tpu.memref_slice %arg4[%add3A_81, %dma_start3A_84] : memref<16384x2048xf32, #tpu.memory_space<hbm>> -> memref<8x2048xf32, #tpu.memory_space<hbm>>
    tpu.enqueue_dma source(%arg9 : memref<8x2048xf32, #tpu.memory_space<vmem>>) target(%dma_start3A_85 : memref<8x2048xf32, #tpu.memory_space<hbm>>) target_semaphore(%arg21 : memref<!tpu.dma_semaphore, #tpu.memory_space<semaphore_mem>>)
    %add3A_86 = arith.constant 8 : i32
    %add3A_87 = arith.addi %mul3A_2, %add3A_86 : i32
    %dma_wait3A_88 = arith.constant 0 : i32
    %dma_wait3A_89 = tpu.memref_slice %arg4[%add3A_87, %dma_wait3A_88] : memref<16384x2048xf32, #tpu.memory_space<hbm>> -> memref<8x2048xf32, #tpu.memory_space<hbm>>
    %dma_wait3A_90 = arith.constant 0 : i32
    %dma_wait3A_91 = tpu.memref_slice %arg4[%add3A_87, %dma_wait3A_90] : memref<16384x2048xf32, #tpu.memory_space<hbm>> -> memref<8x2048xf32, #tpu.memory_space<hbm>>
    tpu.wait_dma2 semaphore(%arg19 : memref<!tpu.dma_semaphore, #tpu.memory_space<semaphore_mem>>) src(%arg7 : memref<8x2048xf32, #tpu.memory_space<vmem>>) dst(%dma_wait3A_91 : memref<8x2048xf32, #tpu.memory_space<hbm>>)
    %dma_start3A_92 = arith.constant 56 : i32
    %dma_start3A_93 = tpu.memref_slice %arg5[%dma_start3A_92] : memref<512xi32, #tpu.memory_space<vmem>> -> memref<8xi32, #tpu.memory_space<vmem>>
    %dma_start3A_94 = arith.constant 0 : i32
    %dma_start3A_95 = arith.constant 0 : i32
    %dma_start3A_96 = tpu.memref_slice %arg2[%dma_start3A_94, %dma_start3A_95] : memref<16384x2048xf32, #tpu.memory_space<hbm>> -> memref<16384x2048xf32, #tpu.memory_space<hbm>>
    tpu.enqueue_indirect_dma source(%dma_start3A_96 : memref<16384x2048xf32, #tpu.memory_space<hbm>>) target(%arg7 : memref<8x2048xf32, #tpu.memory_space<vmem>>) offsets(%dma_start3A_93 : memref<8xi32, #tpu.memory_space<vmem>>) semaphore(%arg13 : memref<!tpu.dma_semaphore, #tpu.memory_space<semaphore_mem>>)
    %dma_wait3A_97 = arith.constant 32 : i32
    %dma_wait3A_98 = tpu.memref_slice %arg5[%dma_wait3A_97] : memref<512xi32, #tpu.memory_space<vmem>> -> memref<8xi32, #tpu.memory_space<vmem>>
    %dma_wait3A_99 = arith.constant 0 : i32
    %dma_wait3A_100 = arith.constant 0 : i32
    %dma_wait3A_101 = tpu.memref_slice %arg2[%dma_wait3A_99, %dma_wait3A_100] : memref<16384x2048xf32, #tpu.memory_space<hbm>> -> memref<16384x2048xf32, #tpu.memory_space<hbm>>
    tpu.wait_indirect_dma semaphore(%arg16 : memref<!tpu.dma_semaphore, #tpu.memory_space<semaphore_mem>>) src(%dma_wait3A_101 : memref<16384x2048xf32, #tpu.memory_space<hbm>>) dst(%arg10 : memref<8x2048xf32, #tpu.memory_space<vmem>>)
    %add3A_102 = arith.constant 32 : i32
    %add3A_103 = arith.addi %mul3A_2, %add3A_102 : i32
    %dma_start3A_104 = arith.constant 0 : i32
    %dma_start3A_105 = tpu.memref_slice %arg4[%add3A_103, %dma_start3A_104] : memref<16384x2048xf32, #tpu.memory_space<hbm>> -> memref<8x2048xf32, #tpu.memory_space<hbm>>
    %dma_start3A_106 = arith.constant 0 : i32
    %dma_start3A_107 = tpu.memref_slice %arg4[%add3A_103, %dma_start3A_106] : memref<16384x2048xf32, #tpu.memory_space<hbm>> -> memref<8x2048xf32, #tpu.memory_space<hbm>>
    tpu.enqueue_dma source(%arg10 : memref<8x2048xf32, #tpu.memory_space<vmem>>) target(%dma_start3A_107 : memref<8x2048xf32, #tpu.memory_space<hbm>>) target_semaphore(%arg22 : memref<!tpu.dma_semaphore, #tpu.memory_space<semaphore_mem>>)
    %add3A_108 = arith.constant 16 : i32
    %add3A_109 = arith.addi %mul3A_2, %add3A_108 : i32
    %dma_wait3A_110 = arith.constant 0 : i32
    %dma_wait3A_111 = tpu.memref_slice %arg4[%add3A_109, %dma_wait3A_110] : memref<16384x2048xf32, #tpu.memory_space<hbm>> -> memref<8x2048xf32, #tpu.memory_space<hbm>>
    %dma_wait3A_112 = arith.constant 0 : i32
    %dma_wait3A_113 = tpu.memref_slice %arg4[%add3A_109, %dma_wait3A_112] : memref<16384x2048xf32, #tpu.memory_space<hbm>> -> memref<8x2048xf32, #tpu.memory_space<hbm>>
    tpu.wait_dma2 semaphore(%arg20 : memref<!tpu.dma_semaphore, #tpu.memory_space<semaphore_mem>>) src(%arg8 : memref<8x2048xf32, #tpu.memory_space<vmem>>) dst(%dma_wait3A_113 : memref<8x2048xf32, #tpu.memory_space<hbm>>)
    %dma_start3A_114 = arith.constant 64 : i32
    %dma_start3A_115 = tpu.memref_slice %arg5[%dma_start3A_114] : memref<512xi32, #tpu.memory_space<vmem>> -> memref<8xi32, #tpu.memory_space<vmem>>
    %dma_start3A_116 = arith.constant 0 : i32
    %dma_start3A_117 = arith.constant 0 : i32
    %dma_start3A_118 = tpu.memref_slice %arg2[%dma_start3A_116, %dma_start3A_117] : memref<16384x2048xf32, #tpu.memory_space<hbm>> -> memref<16384x2048xf32, #tpu.memory_space<hbm>>
    tpu.enqueue_indirect_dma source(%dma_start3A_118 : memref<16384x2048xf32, #tpu.memory_space<hbm>>) target(%arg8 : memref<8x2048xf32, #tpu.memory_space<vmem>>) offsets(%dma_start3A_115 : memref<8xi32, #tpu.memory_space<vmem>>) semaphore(%arg14 : memref<!tpu.dma_semaphore, #tpu.memory_space<semaphore_mem>>)
    %dma_wait3A_119 = arith.constant 40 : i32
    %dma_wait3A_120 = tpu.memref_slice %arg5[%dma_wait3A_119] : memref<512xi32, #tpu.memory_space<vmem>> -> memref<8xi32, #tpu.memory_space<vmem>>
    %dma_wait3A_121 = arith.constant 0 : i32
    %dma_wait3A_122 = arith.constant 0 : i32
    %dma_wait3A_123 = tpu.memref_slice %arg2[%dma_wait3A_121, %dma_wait3A_122] : memref<16384x2048xf32, #tpu.memory_space<hbm>> -> memref<16384x2048xf32, #tpu.memory_space<hbm>>
    tpu.wait_indirect_dma semaphore(%arg17 : memref<!tpu.dma_semaphore, #tpu.memory_space<semaphore_mem>>) src(%dma_wait3A_123 : memref<16384x2048xf32, #tpu.memory_space<hbm>>) dst(%arg11 : memref<8x2048xf32, #tpu.memory_space<vmem>>)
    %add3A_124 = arith.constant 40 : i32
    %add3A_125 = arith.addi %mul3A_2, %add3A_124 : i32
    %dma_start3A_126 = arith.constant 0 : i32
    %dma_start3A_127 = tpu.memref_slice %arg4[%add3A_125, %dma_start3A_126] : memref<16384x2048xf32, #tpu.memory_space<hbm>> -> memref<8x2048xf32, #tpu.memory_space<hbm>>
    %dma_start3A_128 = arith.constant 0 : i32
    %dma_start3A_129 = tpu.memref_slice %arg4[%add3A_125, %dma_start3A_128] : memref<16384x2048xf32, #tpu.memory_space<hbm>> -> memref<8x2048xf32, #tpu.memory_space<hbm>>
    tpu.enqueue_dma source(%arg11 : memref<8x2048xf32, #tpu.memory_space<vmem>>) target(%dma_start3A_129 : memref<8x2048xf32, #tpu.memory_space<hbm>>) target_semaphore(%arg23 : memref<!tpu.dma_semaphore, #tpu.memory_space<semaphore_mem>>)
    %add3A_130 = arith.constant 24 : i32
    %add3A_131 = arith.addi %mul3A_2, %add3A_130 : i32
    %dma_wait3A_132 = arith.constant 0 : i32
    %dma_wait3A_133 = tpu.memref_slice %arg4[%add3A_131, %dma_wait3A_132] : memref<16384x2048xf32, #tpu.memory_space<hbm>> -> memref<8x2048xf32, #tpu.memory_space<hbm>>
    %dma_wait3A_134 = arith.constant 0 : i32
    %dma_wait3A_135 = tpu.memref_slice %arg4[%add3A_131, %dma_wait3A_134] : memref<16384x2048xf32, #tpu.memory_space<hbm>> -> memref<8x2048xf32, #tpu.memory_space<hbm>>
    tpu.wait_dma2 semaphore(%arg21 : memref<!tpu.dma_semaphore, #tpu.memory_space<semaphore_mem>>) src(%arg9 : memref<8x2048xf32, #tpu.memory_space<vmem>>) dst(%dma_wait3A_135 : memref<8x2048xf32, #tpu.memory_space<hbm>>)
    %dma_start3A_136 = arith.constant 72 : i32
    %dma_start3A_137 = tpu.memref_slice %arg5[%dma_start3A_136] : memref<512xi32, #tpu.memory_space<vmem>> -> memref<8xi32, #tpu.memory_space<vmem>>
    %dma_start3A_138 = arith.constant 0 : i32
    %dma_start3A_139 = arith.constant 0 : i32
    %dma_start3A_140 = tpu.memref_slice %arg2[%dma_start3A_138, %dma_start3A_139] : memref<16384x2048xf32, #tpu.memory_space<hbm>> -> memref<16384x2048xf32, #tpu.memory_space<hbm>>
    tpu.enqueue_indirect_dma source(%dma_start3A_140 : memref<16384x2048xf32, #tpu.memory_space<hbm>>) target(%arg9 : memref<8x2048xf32, #tpu.memory_space<vmem>>) offsets(%dma_start3A_137 : memref<8xi32, #tpu.memory_space<vmem>>) semaphore(%arg15 : memref<!tpu.dma_semaphore, #tpu.memory_space<semaphore_mem>>)
    %dma_wait3A_141 = arith.constant 48 : i32
    %dma_wait3A_142 = tpu.memref_slice %arg5[%dma_wait3A_141] : memref<512xi32, #tpu.memory_space<vmem>> -> memref<8xi32, #tpu.memory_space<vmem>>
    %dma_wait3A_143 = arith.constant 0 : i32
    %dma_wait3A_144 = arith.constant 0 : i32
    %dma_wait3A_145 = tpu.memref_slice %arg2[%dma_wait3A_143, %dma_wait3A_144] : memref<16384x2048xf32, #tpu.memory_space<hbm>> -> memref<16384x2048xf32, #tpu.memory_space<hbm>>
    tpu.wait_indirect_dma semaphore(%arg12 : memref<!tpu.dma_semaphore, #tpu.memory_space<semaphore_mem>>) src(%dma_wait3A_145 : memref<16384x2048xf32, #tpu.memory_space<hbm>>) dst(%arg6 : memref<8x2048xf32, #tpu.memory_space<vmem>>)
    %add3A_146 = arith.constant 48 : i32
    %add3A_147 = arith.addi %mul3A_2, %add3A_146 : i32
    %dma_start3A_148 = arith.constant 0 : i32
    %dma_start3A_149 = tpu.memref_slice %arg4[%add3A_147, %dma_start3A_148] : memref<16384x2048xf32, #tpu.memory_space<hbm>> -> memref<8x2048xf32, #tpu.memory_space<hbm>>
    %dma_start3A_150 = arith.constant 0 : i32
    %dma_start3A_151 = tpu.memref_slice %arg4[%add3A_147, %dma_start3A_150] : memref<16384x2048xf32, #tpu.memory_space<hbm>> -> memref<8x2048xf32, #tpu.memory_space<hbm>>
    tpu.enqueue_dma source(%arg6 : memref<8x2048xf32, #tpu.memory_space<vmem>>) target(%dma_start3A_151 : memref<8x2048xf32, #tpu.memory_space<hbm>>) target_semaphore(%arg18 : memref<!tpu.dma_semaphore, #tpu.memory_space<semaphore_mem>>)
    %add3A_152 = arith.constant 32 : i32
    %add3A_153 = arith.addi %mul3A_2, %add3A_152 : i32
    %dma_wait3A_154 = arith.constant 0 : i32
    %dma_wait3A_155 = tpu.memref_slice %arg4[%add3A_153, %dma_wait3A_154] : memref<16384x2048xf32, #tpu.memory_space<hbm>> -> memref<8x2048xf32, #tpu.memory_space<hbm>>
    %dma_wait3A_156 = arith.constant 0 : i32
    %dma_wait3A_157 = tpu.memref_slice %arg4[%add3A_153, %dma_wait3A_156] : memref<16384x2048xf32, #tpu.memory_space<hbm>> -> memref<8x2048xf32, #tpu.memory_space<hbm>>
    tpu.wait_dma2 semaphore(%arg22 : memref<!tpu.dma_semaphore, #tpu.memory_space<semaphore_mem>>) src(%arg10 : memref<8x2048xf32, #tpu.memory_space<vmem>>) dst(%dma_wait3A_157 : memref<8x2048xf32, #tpu.memory_space<hbm>>)
    %dma_start3A_158 = arith.constant 80 : i32
    %dma_start3A_159 = tpu.memref_slice %arg5[%dma_start3A_158] : memref<512xi32, #tpu.memory_space<vmem>> -> memref<8xi32, #tpu.memory_space<vmem>>
    %dma_start3A_160 = arith.constant 0 : i32
    %dma_start3A_161 = arith.constant 0 : i32
    %dma_start3A_162 = tpu.memref_slice %arg2[%dma_start3A_160, %dma_start3A_161] : memref<16384x2048xf32, #tpu.memory_space<hbm>> -> memref<16384x2048xf32, #tpu.memory_space<hbm>>
    tpu.enqueue_indirect_dma source(%dma_start3A_162 : memref<16384x2048xf32, #tpu.memory_space<hbm>>) target(%arg10 : memref<8x2048xf32, #tpu.memory_space<vmem>>) offsets(%dma_start3A_159 : memref<8xi32, #tpu.memory_space<vmem>>) semaphore(%arg16 : memref<!tpu.dma_semaphore, #tpu.memory_space<semaphore_mem>>)
    %dma_wait3A_163 = arith.constant 56 : i32
    %dma_wait3A_164 = tpu.memref_slice %arg5[%dma_wait3A_163] : memref<512xi32, #tpu.memory_space<vmem>> -> memref<8xi32, #tpu.memory_space<vmem>>
    %dma_wait3A_165 = arith.constant 0 : i32
    %dma_wait3A_166 = arith.constant 0 : i32
    %dma_wait3A_167 = tpu.memref_slice %arg2[%dma_wait3A_165, %dma_wait3A_166] : memref<16384x2048xf32, #tpu.memory_space<hbm>> -> memref<16384x2048xf32, #tpu.memory_space<hbm>>
    tpu.wait_indirect_dma semaphore(%arg13 : memref<!tpu.dma_semaphore, #tpu.memory_space<semaphore_mem>>) src(%dma_wait3A_167 : memref<16384x2048xf32, #tpu.memory_space<hbm>>) dst(%arg7 : memref<8x2048xf32, #tpu.memory_space<vmem>>)
    %add3A_168 = arith.constant 56 : i32
    %add3A_169 = arith.addi %mul3A_2, %add3A_168 : i32
    %dma_start3A_170 = arith.constant 0 : i32
    %dma_start3A_171 = tpu.memref_slice %arg4[%add3A_169, %dma_start3A_170] : memref<16384x2048xf32, #tpu.memory_space<hbm>> -> memref<8x2048xf32, #tpu.memory_space<hbm>>
    %dma_start3A_172 = arith.constant 0 : i32
    %dma_start3A_173 = tpu.memref_slice %arg4[%add3A_169, %dma_start3A_172] : memref<16384x2048xf32, #tpu.memory_space<hbm>> -> memref<8x2048xf32, #tpu.memory_space<hbm>>
    tpu.enqueue_dma source(%arg7 : memref<8x2048xf32, #tpu.memory_space<vmem>>) target(%dma_start3A_173 : memref<8x2048xf32, #tpu.memory_space<hbm>>) target_semaphore(%arg19 : memref<!tpu.dma_semaphore, #tpu.memory_space<semaphore_mem>>)
    %add3A_174 = arith.constant 40 : i32
    %add3A_175 = arith.addi %mul3A_2, %add3A_174 : i32
    %dma_wait3A_176 = arith.constant 0 : i32
    %dma_wait3A_177 = tpu.memref_slice %arg4[%add3A_175, %dma_wait3A_176] : memref<16384x2048xf32, #tpu.memory_space<hbm>> -> memref<8x2048xf32, #tpu.memory_space<hbm>>
    %dma_wait3A_178 = arith.constant 0 : i32
    %dma_wait3A_179 = tpu.memref_slice %arg4[%add3A_175, %dma_wait3A_178] : memref<16384x2048xf32, #tpu.memory_space<hbm>> -> memref<8x2048xf32, #tpu.memory_space<hbm>>
    tpu.wait_dma2 semaphore(%arg23 : memref<!tpu.dma_semaphore, #tpu.memory_space<semaphore_mem>>) src(%arg11 : memref<8x2048xf32, #tpu.memory_space<vmem>>) dst(%dma_wait3A_179 : memref<8x2048xf32, #tpu.memory_space<hbm>>)
    %dma_start3A_180 = arith.constant 88 : i32
    %dma_start3A_181 = tpu.memref_slice %arg5[%dma_start3A_180] : memref<512xi32, #tpu.memory_space<vmem>> -> memref<8xi32, #tpu.memory_space<vmem>>
    %dma_start3A_182 = arith.constant 0 : i32
    %dma_start3A_183 = arith.constant 0 : i32
    %dma_start3A_184 = tpu.memref_slice %arg2[%dma_start3A_182, %dma_start3A_183] : memref<16384x2048xf32, #tpu.memory_space<hbm>> -> memref<16384x2048xf32, #tpu.memory_space<hbm>>
    tpu.enqueue_indirect_dma source(%dma_start3A_184 : memref<16384x2048xf32, #tpu.memory_space<hbm>>) target(%arg11 : memref<8x2048xf32, #tpu.memory_space<vmem>>) offsets(%dma_start3A_181 : memref<8xi32, #tpu.memory_space<vmem>>) semaphore(%arg17 : memref<!tpu.dma_semaphore, #tpu.memory_space<semaphore_mem>>)
    %dma_wait3A_185 = arith.constant 64 : i32
    %dma_wait3A_186 = tpu.memref_slice %arg5[%dma_wait3A_185] : memref<512xi32, #tpu.memory_space<vmem>> -> memref<8xi32, #tpu.memory_space<vmem>>
    %dma_wait3A_187 = arith.constant 0 : i32
    %dma_wait3A_188 = arith.constant 0 : i32
    %dma_wait3A_189 = tpu.memref_slice %arg2[%dma_wait3A_187, %dma_wait3A_188] : memref<16384x2048xf32, #tpu.memory_space<hbm>> -> memref<16384x2048xf32, #tpu.memory_space<hbm>>
    tpu.wait_indirect_dma semaphore(%arg14 : memref<!tpu.dma_semaphore, #tpu.memory_space<semaphore_mem>>) src(%dma_wait3A_189 : memref<16384x2048xf32, #tpu.memory_space<hbm>>) dst(%arg8 : memref<8x2048xf32, #tpu.memory_space<vmem>>)
    %add3A_190 = arith.constant 64 : i32
    %add3A_191 = arith.addi %mul3A_2, %add3A_190 : i32
    %dma_start3A_192 = arith.constant 0 : i32
    %dma_start3A_193 = tpu.memref_slice %arg4[%add3A_191, %dma_start3A_192] : memref<16384x2048xf32, #tpu.memory_space<hbm>> -> memref<8x2048xf32, #tpu.memory_space<hbm>>
    %dma_start3A_194 = arith.constant 0 : i32
    %dma_start3A_195 = tpu.memref_slice %arg4[%add3A_191, %dma_start3A_194] : memref<16384x2048xf32, #tpu.memory_space<hbm>> -> memref<8x2048xf32, #tpu.memory_space<hbm>>
    tpu.enqueue_dma source(%arg8 : memref<8x2048xf32, #tpu.memory_space<vmem>>) target(%dma_start3A_195 : memref<8x2048xf32, #tpu.memory_space<hbm>>) target_semaphore(%arg20 : memref<!tpu.dma_semaphore, #tpu.memory_space<semaphore_mem>>)
    %add3A_196 = arith.constant 48 : i32
    %add3A_197 = arith.addi %mul3A_2, %add3A_196 : i32
    %dma_wait3A_198 = arith.constant 0 : i32
    %dma_wait3A_199 = tpu.memref_slice %arg4[%add3A_197, %dma_wait3A_198] : memref<16384x2048xf32, #tpu.memory_space<hbm>> -> memref<8x2048xf32, #tpu.memory_space<hbm>>
    %dma_wait3A_200 = arith.constant 0 : i32
    %dma_wait3A_201 = tpu.memref_slice %arg4[%add3A_197, %dma_wait3A_200] : memref<16384x2048xf32, #tpu.memory_space<hbm>> -> memref<8x2048xf32, #tpu.memory_space<hbm>>
    tpu.wait_dma2 semaphore(%arg18 : memref<!tpu.dma_semaphore, #tpu.memory_space<semaphore_mem>>) src(%arg6 : memref<8x2048xf32, #tpu.memory_space<vmem>>) dst(%dma_wait3A_201 : memref<8x2048xf32, #tpu.memory_space<hbm>>)
    %dma_start3A_202 = arith.constant 96 : i32
    %dma_start3A_203 = tpu.memref_slice %arg5[%dma_start3A_202] : memref<512xi32, #tpu.memory_space<vmem>> -> memref<8xi32, #tpu.memory_space<vmem>>
    %dma_start3A_204 = arith.constant 0 : i32
    %dma_start3A_205 = arith.constant 0 : i32
    %dma_start3A_206 = tpu.memref_slice %arg2[%dma_start3A_204, %dma_start3A_205] : memref<16384x2048xf32, #tpu.memory_space<hbm>> -> memref<16384x2048xf32, #tpu.memory_space<hbm>>
    tpu.enqueue_indirect_dma source(%dma_start3A_206 : memref<16384x2048xf32, #tpu.memory_space<hbm>>) target(%arg6 : memref<8x2048xf32, #tpu.memory_space<vmem>>) offsets(%dma_start3A_203 : memref<8xi32, #tpu.memory_space<vmem>>) semaphore(%arg12 : memref<!tpu.dma_semaphore, #tpu.memory_space<semaphore_mem>>)
    %dma_wait3A_207 = arith.constant 72 : i32
    %dma_wait3A_208 = tpu.memref_slice %arg5[%dma_wait3A_207] : memref<512xi32, #tpu.memory_space<vmem>> -> memref<8xi32, #tpu.memory_space<vmem>>
    %dma_wait3A_209 = arith.constant 0 : i32
    %dma_wait3A_210 = arith.constant 0 : i32
    %dma_wait3A_211 = tpu.memref_slice %arg2[%dma_wait3A_209, %dma_wait3A_210] : memref<16384x2048xf32, #tpu.memory_space<hbm>> -> memref<16384x2048xf32, #tpu.memory_space<hbm>>
    tpu.wait_indirect_dma semaphore(%arg15 : memref<!tpu.dma_semaphore, #tpu.memory_space<semaphore_mem>>) src(%dma_wait3A_211 : memref<16384x2048xf32, #tpu.memory_space<hbm>>) dst(%arg9 : memref<8x2048xf32, #tpu.memory_space<vmem>>)
    %add3A_212 = arith.constant 72 : i32
    %add3A_213 = arith.addi %mul3A_2, %add3A_212 : i32
    %dma_start3A_214 = arith.constant 0 : i32
    %dma_start3A_215 = tpu.memref_slice %arg4[%add3A_213, %dma_start3A_214] : memref<16384x2048xf32, #tpu.memory_space<hbm>> -> memref<8x2048xf32, #tpu.memory_space<hbm>>
    %dma_start3A_216 = arith.constant 0 : i32
    %dma_start3A_217 = tpu.memref_slice %arg4[%add3A_213, %dma_start3A_216] : memref<16384x2048xf32, #tpu.memory_space<hbm>> -> memref<8x2048xf32, #tpu.memory_space<hbm>>
    tpu.enqueue_dma source(%arg9 : memref<8x2048xf32, #tpu.memory_space<vmem>>) target(%dma_start3A_217 : memref<8x2048xf32, #tpu.memory_space<hbm>>) target_semaphore(%arg21 : memref<!tpu.dma_semaphore, #tpu.memory_space<semaphore_mem>>)
    %add3A_218 = arith.constant 56 : i32
    %add3A_219 = arith.addi %mul3A_2, %add3A_218 : i32
    %dma_wait3A_220 = arith.constant 0 : i32
    %dma_wait3A_221 = tpu.memref_slice %arg4[%add3A_219, %dma_wait3A_220] : memref<16384x2048xf32, #tpu.memory_space<hbm>> -> memref<8x2048xf32, #tpu.memory_space<hbm>>
    %dma_wait3A_222 = arith.constant 0 : i32
    %dma_wait3A_223 = tpu.memref_slice %arg4[%add3A_219, %dma_wait3A_222] : memref<16384x2048xf32, #tpu.memory_space<hbm>> -> memref<8x2048xf32, #tpu.memory_space<hbm>>
    tpu.wait_dma2 semaphore(%arg19 : memref<!tpu.dma_semaphore, #tpu.memory_space<semaphore_mem>>) src(%arg7 : memref<8x2048xf32, #tpu.memory_space<vmem>>) dst(%dma_wait3A_223 : memref<8x2048xf32, #tpu.memory_space<hbm>>)
    %dma_start3A_224 = arith.constant 104 : i32
    %dma_start3A_225 = tpu.memref_slice %arg5[%dma_start3A_224] : memref<512xi32, #tpu.memory_space<vmem>> -> memref<8xi32, #tpu.memory_space<vmem>>
    %dma_start3A_226 = arith.constant 0 : i32
    %dma_start3A_227 = arith.constant 0 : i32
    %dma_start3A_228 = tpu.memref_slice %arg2[%dma_start3A_226, %dma_start3A_227] : memref<16384x2048xf32, #tpu.memory_space<hbm>> -> memref<16384x2048xf32, #tpu.memory_space<hbm>>
    tpu.enqueue_indirect_dma source(%dma_start3A_228 : memref<16384x2048xf32, #tpu.memory_space<hbm>>) target(%arg7 : memref<8x2048xf32, #tpu.memory_space<vmem>>) offsets(%dma_start3A_225 : memref<8xi32, #tpu.memory_space<vmem>>) semaphore(%arg13 : memref<!tpu.dma_semaphore, #tpu.memory_space<semaphore_mem>>)
    %dma_wait3A_229 = arith.constant 80 : i32
    %dma_wait3A_230 = tpu.memref_slice %arg5[%dma_wait3A_229] : memref<512xi32, #tpu.memory_space<vmem>> -> memref<8xi32, #tpu.memory_space<vmem>>
    %dma_wait3A_231 = arith.constant 0 : i32
    %dma_wait3A_232 = arith.constant 0 : i32
    %dma_wait3A_233 = tpu.memref_slice %arg2[%dma_wait3A_231, %dma_wait3A_232] : memref<16384x2048xf32, #tpu.memory_space<hbm>> -> memref<16384x2048xf32, #tpu.memory_space<hbm>>
    tpu.wait_indirect_dma semaphore(%arg16 : memref<!tpu.dma_semaphore, #tpu.memory_space<semaphore_mem>>) src(%dma_wait3A_233 : memref<16384x2048xf32, #tpu.memory_space<hbm>>) dst(%arg10 : memref<8x2048xf32, #tpu.memory_space<vmem>>)
    %add3A_234 = arith.constant 80 : i32
    %add3A_235 = arith.addi %mul3A_2, %add3A_234 : i32
    %dma_start3A_236 = arith.constant 0 : i32
    %dma_start3A_237 = tpu.memref_slice %arg4[%add3A_235, %dma_start3A_236] : memref<16384x2048xf32, #tpu.memory_space<hbm>> -> memref<8x2048xf32, #tpu.memory_space<hbm>>
    %dma_start3A_238 = arith.constant 0 : i32
    %dma_start3A_239 = tpu.memref_slice %arg4[%add3A_235, %dma_start3A_238] : memref<16384x2048xf32, #tpu.memory_space<hbm>> -> memref<8x2048xf32, #tpu.memory_space<hbm>>
    tpu.enqueue_dma source(%arg10 : memref<8x2048xf32, #tpu.memory_space<vmem>>) target(%dma_start3A_239 : memref<8x2048xf32, #tpu.memory_space<hbm>>) target_semaphore(%arg22 : memref<!tpu.dma_semaphore, #tpu.memory_space<semaphore_mem>>)
    %add3A_240 = arith.constant 64 : i32
    %add3A_241 = arith.addi %mul3A_2, %add3A_240 : i32
    %dma_wait3A_242 = arith.constant 0 : i32
    %dma_wait3A_243 = tpu.memref_slice %arg4[%add3A_241, %dma_wait3A_242] : memref<16384x2048xf32, #tpu.memory_space<hbm>> -> memref<8x2048xf32, #tpu.memory_space<hbm>>
    %dma_wait3A_244 = arith.constant 0 : i32
    %dma_wait3A_245 = tpu.memref_slice %arg4[%add3A_241, %dma_wait3A_244] : memref<16384x2048xf32, #tpu.memory_space<hbm>> -> memref<8x2048xf32, #tpu.memory_space<hbm>>
    tpu.wait_dma2 semaphore(%arg20 : memref<!tpu.dma_semaphore, #tpu.memory_space<semaphore_mem>>) src(%arg8 : memref<8x2048xf32, #tpu.memory_space<vmem>>) dst(%dma_wait3A_245 : memref<8x2048xf32, #tpu.memory_space<hbm>>)
    %dma_start3A_246 = arith.constant 112 : i32
    %dma_start3A_247 = tpu.memref_slice %arg5[%dma_start3A_246] : memref<512xi32, #tpu.memory_space<vmem>> -> memref<8xi32, #tpu.memory_space<vmem>>
    %dma_start3A_248 = arith.constant 0 : i32
    %dma_start3A_249 = arith.constant 0 : i32
    %dma_start3A_250 = tpu.memref_slice %arg2[%dma_start3A_248, %dma_start3A_249] : memref<16384x2048xf32, #tpu.memory_space<hbm>> -> memref<16384x2048xf32, #tpu.memory_space<hbm>>
    tpu.enqueue_indirect_dma source(%dma_start3A_250 : memref<16384x2048xf32, #tpu.memory_space<hbm>>) target(%arg8 : memref<8x2048xf32, #tpu.memory_space<vmem>>) offsets(%dma_start3A_247 : memref<8xi32, #tpu.memory_space<vmem>>) semaphore(%arg14 : memref<!tpu.dma_semaphore, #tpu.memory_space<semaphore_mem>>)
    %dma_wait3A_251 = arith.constant 88 : i32
    %dma_wait3A_252 = tpu.memref_slice %arg5[%dma_wait3A_251] : memref<512xi32, #tpu.memory_space<vmem>> -> memref<8xi32, #tpu.memory_space<vmem>>
    %dma_wait3A_253 = arith.constant 0 : i32
    %dma_wait3A_254 = arith.constant 0 : i32
    %dma_wait3A_255 = tpu.memref_slice %arg2[%dma_wait3A_253, %dma_wait3A_254] : memref<16384x2048xf32, #tpu.memory_space<hbm>> -> memref<16384x2048xf32, #tpu.memory_space<hbm>>
    tpu.wait_indirect_dma semaphore(%arg17 : memref<!tpu.dma_semaphore, #tpu.memory_space<semaphore_mem>>) src(%dma_wait3A_255 : memref<16384x2048xf32, #tpu.memory_space<hbm>>) dst(%arg11 : memref<8x2048xf32, #tpu.memory_space<vmem>>)
    %add3A_256 = arith.constant 88 : i32
    %add3A_257 = arith.addi %mul3A_2, %add3A_256 : i32
    %dma_start3A_258 = arith.constant 0 : i32
    %dma_start3A_259 = tpu.memref_slice %arg4[%add3A_257, %dma_start3A_258] : memref<16384x2048xf32, #tpu.memory_space<hbm>> -> memref<8x2048xf32, #tpu.memory_space<hbm>>
    %dma_start3A_260 = arith.constant 0 : i32
    %dma_start3A_261 = tpu.memref_slice %arg4[%add3A_257, %dma_start3A_260] : memref<16384x2048xf32, #tpu.memory_space<hbm>> -> memref<8x2048xf32, #tpu.memory_space<hbm>>
    tpu.enqueue_dma source(%arg11 : memref<8x2048xf32, #tpu.memory_space<vmem>>) target(%dma_start3A_261 : memref<8x2048xf32, #tpu.memory_space<hbm>>) target_semaphore(%arg23 : memref<!tpu.dma_semaphore, #tpu.memory_space<semaphore_mem>>)
    %add3A_262 = arith.constant 72 : i32
    %add3A_263 = arith.addi %mul3A_2, %add3A_262 : i32
    %dma_wait3A_264 = arith.constant 0 : i32
    %dma_wait3A_265 = tpu.memref_slice %arg4[%add3A_263, %dma_wait3A_264] : memref<16384x2048xf32, #tpu.memory_space<hbm>> -> memref<8x2048xf32, #tpu.memory_space<hbm>>
    %dma_wait3A_266 = arith.constant 0 : i32
    %dma_wait3A_267 = tpu.memref_slice %arg4[%add3A_263, %dma_wait3A_266] : memref<16384x2048xf32, #tpu.memory_space<hbm>> -> memref<8x2048xf32, #tpu.memory_space<hbm>>
    tpu.wait_dma2 semaphore(%arg21 : memref<!tpu.dma_semaphore, #tpu.memory_space<semaphore_mem>>) src(%arg9 : memref<8x2048xf32, #tpu.memory_space<vmem>>) dst(%dma_wait3A_267 : memref<8x2048xf32, #tpu.memory_space<hbm>>)
    %dma_start3A_268 = arith.constant 120 : i32
    %dma_start3A_269 = tpu.memref_slice %arg5[%dma_start3A_268] : memref<512xi32, #tpu.memory_space<vmem>> -> memref<8xi32, #tpu.memory_space<vmem>>
    %dma_start3A_270 = arith.constant 0 : i32
    %dma_start3A_271 = arith.constant 0 : i32
    %dma_start3A_272 = tpu.memref_slice %arg2[%dma_start3A_270, %dma_start3A_271] : memref<16384x2048xf32, #tpu.memory_space<hbm>> -> memref<16384x2048xf32, #tpu.memory_space<hbm>>
    tpu.enqueue_indirect_dma source(%dma_start3A_272 : memref<16384x2048xf32, #tpu.memory_space<hbm>>) target(%arg9 : memref<8x2048xf32, #tpu.memory_space<vmem>>) offsets(%dma_start3A_269 : memref<8xi32, #tpu.memory_space<vmem>>) semaphore(%arg15 : memref<!tpu.dma_semaphore, #tpu.memory_space<semaphore_mem>>)
    %dma_wait3A_273 = arith.constant 96 : i32
    %dma_wait3A_274 = tpu.memref_slice %arg5[%dma_wait3A_273] : memref<512xi32, #tpu.memory_space<vmem>> -> memref<8xi32, #tpu.memory_space<vmem>>
    %dma_wait3A_275 = arith.constant 0 : i32
    %dma_wait3A_276 = arith.constant 0 : i32
    %dma_wait3A_277 = tpu.memref_slice %arg2[%dma_wait3A_275, %dma_wait3A_276] : memref<16384x2048xf32, #tpu.memory_space<hbm>> -> memref<16384x2048xf32, #tpu.memory_space<hbm>>
    tpu.wait_indirect_dma semaphore(%arg12 : memref<!tpu.dma_semaphore, #tpu.memory_space<semaphore_mem>>) src(%dma_wait3A_277 : memref<16384x2048xf32, #tpu.memory_space<hbm>>) dst(%arg6 : memref<8x2048xf32, #tpu.memory_space<vmem>>)
    %add3A_278 = arith.constant 96 : i32
    %add3A_279 = arith.addi %mul3A_2, %add3A_278 : i32
    %dma_start3A_280 = arith.constant 0 : i32
    %dma_start3A_281 = tpu.memref_slice %arg4[%add3A_279, %dma_start3A_280] : memref<16384x2048xf32, #tpu.memory_space<hbm>> -> memref<8x2048xf32, #tpu.memory_space<hbm>>
    %dma_start3A_282 = arith.constant 0 : i32
    %dma_start3A_283 = tpu.memref_slice %arg4[%add3A_279, %dma_start3A_282] : memref<16384x2048xf32, #tpu.memory_space<hbm>> -> memref<8x2048xf32, #tpu.memory_space<hbm>>
    tpu.enqueue_dma source(%arg6 : memref<8x2048xf32, #tpu.memory_space<vmem>>) target(%dma_start3A_283 : memref<8x2048xf32, #tpu.memory_space<hbm>>) target_semaphore(%arg18 : memref<!tpu.dma_semaphore, #tpu.memory_space<semaphore_mem>>)
    %add3A_284 = arith.constant 80 : i32
    %add3A_285 = arith.addi %mul3A_2, %add3A_284 : i32
    %dma_wait3A_286 = arith.constant 0 : i32
    %dma_wait3A_287 = tpu.memref_slice %arg4[%add3A_285, %dma_wait3A_286] : memref<16384x2048xf32, #tpu.memory_space<hbm>> -> memref<8x2048xf32, #tpu.memory_space<hbm>>
    %dma_wait3A_288 = arith.constant 0 : i32
    %dma_wait3A_289 = tpu.memref_slice %arg4[%add3A_285, %dma_wait3A_288] : memref<16384x2048xf32, #tpu.memory_space<hbm>> -> memref<8x2048xf32, #tpu.memory_space<hbm>>
    tpu.wait_dma2 semaphore(%arg22 : memref<!tpu.dma_semaphore, #tpu.memory_space<semaphore_mem>>) src(%arg10 : memref<8x2048xf32, #tpu.memory_space<vmem>>) dst(%dma_wait3A_289 : memref<8x2048xf32, #tpu.memory_space<hbm>>)
    %dma_start3A_290 = arith.constant 128 : i32
    %dma_start3A_291 = tpu.memref_slice %arg5[%dma_start3A_290] : memref<512xi32, #tpu.memory_space<vmem>> -> memref<8xi32, #tpu.memory_space<vmem>>
    %dma_start3A_292 = arith.constant 0 : i32
    %dma_start3A_293 = arith.constant 0 : i32
    %dma_start3A_294 = tpu.memref_slice %arg2[%dma_start3A_292, %dma_start3A_293] : memref<16384x2048xf32, #tpu.memory_space<hbm>> -> memref<16384x2048xf32, #tpu.memory_space<hbm>>
    tpu.enqueue_indirect_dma source(%dma_start3A_294 : memref<16384x2048xf32, #tpu.memory_space<hbm>>) target(%arg10 : memref<8x2048xf32, #tpu.memory_space<vmem>>) offsets(%dma_start3A_291 : memref<8xi32, #tpu.memory_space<vmem>>) semaphore(%arg16 : memref<!tpu.dma_semaphore, #tpu.memory_space<semaphore_mem>>)
    %dma_wait3A_295 = arith.constant 104 : i32
    %dma_wait3A_296 = tpu.memref_slice %arg5[%dma_wait3A_295] : memref<512xi32, #tpu.memory_space<vmem>> -> memref<8xi32, #tpu.memory_space<vmem>>
    %dma_wait3A_297 = arith.constant 0 : i32
    %dma_wait3A_298 = arith.constant 0 : i32
    %dma_wait3A_299 = tpu.memref_slice %arg2[%dma_wait3A_297, %dma_wait3A_298] : memref<16384x2048xf32, #tpu.memory_space<hbm>> -> memref<16384x2048xf32, #tpu.memory_space<hbm>>
    tpu.wait_indirect_dma semaphore(%arg13 : memref<!tpu.dma_semaphore, #tpu.memory_space<semaphore_mem>>) src(%dma_wait3A_299 : memref<16384x2048xf32, #tpu.memory_space<hbm>>) dst(%arg7 : memref<8x2048xf32, #tpu.memory_space<vmem>>)
    %add3A_300 = arith.constant 104 : i32
    %add3A_301 = arith.addi %mul3A_2, %add3A_300 : i32
    %dma_start3A_302 = arith.constant 0 : i32
    %dma_start3A_303 = tpu.memref_slice %arg4[%add3A_301, %dma_start3A_302] : memref<16384x2048xf32, #tpu.memory_space<hbm>> -> memref<8x2048xf32, #tpu.memory_space<hbm>>
    %dma_start3A_304 = arith.constant 0 : i32
    %dma_start3A_305 = tpu.memref_slice %arg4[%add3A_301, %dma_start3A_304] : memref<16384x2048xf32, #tpu.memory_space<hbm>> -> memref<8x2048xf32, #tpu.memory_space<hbm>>
    tpu.enqueue_dma source(%arg7 : memref<8x2048xf32, #tpu.memory_space<vmem>>) target(%dma_start3A_305 : memref<8x2048xf32, #tpu.memory_space<hbm>>) target_semaphore(%arg19 : memref<!tpu.dma_semaphore, #tpu.memory_space<semaphore_mem>>)
    %add3A_306 = arith.constant 88 : i32
    %add3A_307 = arith.addi %mul3A_2, %add3A_306 : i32
    %dma_wait3A_308 = arith.constant 0 : i32
    %dma_wait3A_309 = tpu.memref_slice %arg4[%add3A_307, %dma_wait3A_308] : memref<16384x2048xf32, #tpu.memory_space<hbm>> -> memref<8x2048xf32, #tpu.memory_space<hbm>>
    %dma_wait3A_310 = arith.constant 0 : i32
    %dma_wait3A_311 = tpu.memref_slice %arg4[%add3A_307, %dma_wait3A_310] : memref<16384x2048xf32, #tpu.memory_space<hbm>> -> memref<8x2048xf32, #tpu.memory_space<hbm>>
    tpu.wait_dma2 semaphore(%arg23 : memref<!tpu.dma_semaphore, #tpu.memory_space<semaphore_mem>>) src(%arg11 : memref<8x2048xf32, #tpu.memory_space<vmem>>) dst(%dma_wait3A_311 : memref<8x2048xf32, #tpu.memory_space<hbm>>)
    %dma_start3A_312 = arith.constant 136 : i32
    %dma_start3A_313 = tpu.memref_slice %arg5[%dma_start3A_312] : memref<512xi32, #tpu.memory_space<vmem>> -> memref<8xi32, #tpu.memory_space<vmem>>
    %dma_start3A_314 = arith.constant 0 : i32
    %dma_start3A_315 = arith.constant 0 : i32
    %dma_start3A_316 = tpu.memref_slice %arg2[%dma_start3A_314, %dma_start3A_315] : memref<16384x2048xf32, #tpu.memory_space<hbm>> -> memref<16384x2048xf32, #tpu.memory_space<hbm>>
    tpu.enqueue_indirect_dma source(%dma_start3A_316 : memref<16384x2048xf32, #tpu.memory_space<hbm>>) target(%arg11 : memref<8x2048xf32, #tpu.memory_space<vmem>>) offsets(%dma_start3A_313 : memref<8xi32, #tpu.memory_space<vmem>>) semaphore(%arg17 : memref<!tpu.dma_semaphore, #tpu.memory_space<semaphore_mem>>)
    %dma_wait3A_317 = arith.constant 112 : i32
    %dma_wait3A_318 = tpu.memref_slice %arg5[%dma_wait3A_317] : memref<512xi32, #tpu.memory_space<vmem>> -> memref<8xi32, #tpu.memory_space<vmem>>
    %dma_wait3A_319 = arith.constant 0 : i32
    %dma_wait3A_320 = arith.constant 0 : i32
    %dma_wait3A_321 = tpu.memref_slice %arg2[%dma_wait3A_319, %dma_wait3A_320] : memref<16384x2048xf32, #tpu.memory_space<hbm>> -> memref<16384x2048xf32, #tpu.memory_space<hbm>>
    tpu.wait_indirect_dma semaphore(%arg14 : memref<!tpu.dma_semaphore, #tpu.memory_space<semaphore_mem>>) src(%dma_wait3A_321 : memref<16384x2048xf32, #tpu.memory_space<hbm>>) dst(%arg8 : memref<8x2048xf32, #tpu.memory_space<vmem>>)
    %add3A_322 = arith.constant 112 : i32
    %add3A_323 = arith.addi %mul3A_2, %add3A_322 : i32
    %dma_start3A_324 = arith.constant 0 : i32
    %dma_start3A_325 = tpu.memref_slice %arg4[%add3A_323, %dma_start3A_324] : memref<16384x2048xf32, #tpu.memory_space<hbm>> -> memref<8x2048xf32, #tpu.memory_space<hbm>>
    %dma_start3A_326 = arith.constant 0 : i32
    %dma_start3A_327 = tpu.memref_slice %arg4[%add3A_323, %dma_start3A_326] : memref<16384x2048xf32, #tpu.memory_space<hbm>> -> memref<8x2048xf32, #tpu.memory_space<hbm>>
    tpu.enqueue_dma source(%arg8 : memref<8x2048xf32, #tpu.memory_space<vmem>>) target(%dma_start3A_327 : memref<8x2048xf32, #tpu.memory_space<hbm>>) target_semaphore(%arg20 : memref<!tpu.dma_semaphore, #tpu.memory_space<semaphore_mem>>)
    %add3A_328 = arith.constant 96 : i32
    %add3A_329 = arith.addi %mul3A_2, %add3A_328 : i32
    %dma_wait3A_330 = arith.constant 0 : i32
    %dma_wait3A_331 = tpu.memref_slice %arg4[%add3A_329, %dma_wait3A_330] : memref<16384x2048xf32, #tpu.memory_space<hbm>> -> memref<8x2048xf32, #tpu.memory_space<hbm>>
    %dma_wait3A_332 = arith.constant 0 : i32
    %dma_wait3A_333 = tpu.memref_slice %arg4[%add3A_329, %dma_wait3A_332] : memref<16384x2048xf32, #tpu.memory_space<hbm>> -> memref<8x2048xf32, #tpu.memory_space<hbm>>
    tpu.wait_dma2 semaphore(%arg18 : memref<!tpu.dma_semaphore, #tpu.memory_space<semaphore_mem>>) src(%arg6 : memref<8x2048xf32, #tpu.memory_space<vmem>>) dst(%dma_wait3A_333 : memref<8x2048xf32, #tpu.memory_space<hbm>>)
    %dma_start3A_334 = arith.constant 144 : i32
    %dma_start3A_335 = tpu.memref_slice %arg5[%dma_start3A_334] : memref<512xi32, #tpu.memory_space<vmem>> -> memref<8xi32, #tpu.memory_space<vmem>>
    %dma_start3A_336 = arith.constant 0 : i32
    %dma_start3A_337 = arith.constant 0 : i32
    %dma_start3A_338 = tpu.memref_slice %arg2[%dma_start3A_336, %dma_start3A_337] : memref<16384x2048xf32, #tpu.memory_space<hbm>> -> memref<16384x2048xf32, #tpu.memory_space<hbm>>
    tpu.enqueue_indirect_dma source(%dma_start3A_338 : memref<16384x2048xf32, #tpu.memory_space<hbm>>) target(%arg6 : memref<8x2048xf32, #tpu.memory_space<vmem>>) offsets(%dma_start3A_335 : memref<8xi32, #tpu.memory_space<vmem>>) semaphore(%arg12 : memref<!tpu.dma_semaphore, #tpu.memory_space<semaphore_mem>>)
    %dma_wait3A_339 = arith.constant 120 : i32
    %dma_wait3A_340 = tpu.memref_slice %arg5[%dma_wait3A_339] : memref<512xi32, #tpu.memory_space<vmem>> -> memref<8xi32, #tpu.memory_space<vmem>>
    %dma_wait3A_341 = arith.constant 0 : i32
    %dma_wait3A_342 = arith.constant 0 : i32
    %dma_wait3A_343 = tpu.memref_slice %arg2[%dma_wait3A_341, %dma_wait3A_342] : memref<16384x2048xf32, #tpu.memory_space<hbm>> -> memref<16384x2048xf32, #tpu.memory_space<hbm>>
    tpu.wait_indirect_dma semaphore(%arg15 : memref<!tpu.dma_semaphore, #tpu.memory_space<semaphore_mem>>) src(%dma_wait3A_343 : memref<16384x2048xf32, #tpu.memory_space<hbm>>) dst(%arg9 : memref<8x2048xf32, #tpu.memory_space<vmem>>)
    %add3A_344 = arith.constant 120 : i32
    %add3A_345 = arith.addi %mul3A_2, %add3A_344 : i32
    %dma_start3A_346 = arith.constant 0 : i32
    %dma_start3A_347 = tpu.memref_slice %arg4[%add3A_345, %dma_start3A_346] : memref<16384x2048xf32, #tpu.memory_space<hbm>> -> memref<8x2048xf32, #tpu.memory_space<hbm>>
    %dma_start3A_348 = arith.constant 0 : i32
    %dma_start3A_349 = tpu.memref_slice %arg4[%add3A_345, %dma_start3A_348] : memref<16384x2048xf32, #tpu.memory_space<hbm>> -> memref<8x2048xf32, #tpu.memory_space<hbm>>
    tpu.enqueue_dma source(%arg9 : memref<8x2048xf32, #tpu.memory_space<vmem>>) target(%dma_start3A_349 : memref<8x2048xf32, #tpu.memory_space<hbm>>) target_semaphore(%arg21 : memref<!tpu.dma_semaphore, #tpu.memory_space<semaphore_mem>>)
    %add3A_350 = arith.constant 104 : i32
    %add3A_351 = arith.addi %mul3A_2, %add3A_350 : i32
    %dma_wait3A_352 = arith.constant 0 : i32
    %dma_wait3A_353 = tpu.memref_slice %arg4[%add3A_351, %dma_wait3A_352] : memref<16384x2048xf32, #tpu.memory_space<hbm>> -> memref<8x2048xf32, #tpu.memory_space<hbm>>
    %dma_wait3A_354 = arith.constant 0 : i32
    %dma_wait3A_355 = tpu.memref_slice %arg4[%add3A_351, %dma_wait3A_354] : memref<16384x2048xf32, #tpu.memory_space<hbm>> -> memref<8x2048xf32, #tpu.memory_space<hbm>>
    tpu.wait_dma2 semaphore(%arg19 : memref<!tpu.dma_semaphore, #tpu.memory_space<semaphore_mem>>) src(%arg7 : memref<8x2048xf32, #tpu.memory_space<vmem>>) dst(%dma_wait3A_355 : memref<8x2048xf32, #tpu.memory_space<hbm>>)
    %dma_start3A_356 = arith.constant 152 : i32
    %dma_start3A_357 = tpu.memref_slice %arg5[%dma_start3A_356] : memref<512xi32, #tpu.memory_space<vmem>> -> memref<8xi32, #tpu.memory_space<vmem>>
    %dma_start3A_358 = arith.constant 0 : i32
    %dma_start3A_359 = arith.constant 0 : i32
    %dma_start3A_360 = tpu.memref_slice %arg2[%dma_start3A_358, %dma_start3A_359] : memref<16384x2048xf32, #tpu.memory_space<hbm>> -> memref<16384x2048xf32, #tpu.memory_space<hbm>>
    tpu.enqueue_indirect_dma source(%dma_start3A_360 : memref<16384x2048xf32, #tpu.memory_space<hbm>>) target(%arg7 : memref<8x2048xf32, #tpu.memory_space<vmem>>) offsets(%dma_start3A_357 : memref<8xi32, #tpu.memory_space<vmem>>) semaphore(%arg13 : memref<!tpu.dma_semaphore, #tpu.memory_space<semaphore_mem>>)
    %dma_wait3A_361 = arith.constant 128 : i32
    %dma_wait3A_362 = tpu.memref_slice %arg5[%dma_wait3A_361] : memref<512xi32, #tpu.memory_space<vmem>> -> memref<8xi32, #tpu.memory_space<vmem>>
    %dma_wait3A_363 = arith.constant 0 : i32
    %dma_wait3A_364 = arith.constant 0 : i32
    %dma_wait3A_365 = tpu.memref_slice %arg2[%dma_wait3A_363, %dma_wait3A_364] : memref<16384x2048xf32, #tpu.memory_space<hbm>> -> memref<16384x2048xf32, #tpu.memory_space<hbm>>
    tpu.wait_indirect_dma semaphore(%arg16 : memref<!tpu.dma_semaphore, #tpu.memory_space<semaphore_mem>>) src(%dma_wait3A_365 : memref<16384x2048xf32, #tpu.memory_space<hbm>>) dst(%arg10 : memref<8x2048xf32, #tpu.memory_space<vmem>>)
    %add3A_366 = arith.constant 128 : i32
    %add3A_367 = arith.addi %mul3A_2, %add3A_366 : i32
    %dma_start3A_368 = arith.constant 0 : i32
    %dma_start3A_369 = tpu.memref_slice %arg4[%add3A_367, %dma_start3A_368] : memref<16384x2048xf32, #tpu.memory_space<hbm>> -> memref<8x2048xf32, #tpu.memory_space<hbm>>
    %dma_start3A_370 = arith.constant 0 : i32
    %dma_start3A_371 = tpu.memref_slice %arg4[%add3A_367, %dma_start3A_370] : memref<16384x2048xf32, #tpu.memory_space<hbm>> -> memref<8x2048xf32, #tpu.memory_space<hbm>>
    tpu.enqueue_dma source(%arg10 : memref<8x2048xf32, #tpu.memory_space<vmem>>) target(%dma_start3A_371 : memref<8x2048xf32, #tpu.memory_space<hbm>>) target_semaphore(%arg22 : memref<!tpu.dma_semaphore, #tpu.memory_space<semaphore_mem>>)
    %add3A_372 = arith.constant 112 : i32
    %add3A_373 = arith.addi %mul3A_2, %add3A_372 : i32
    %dma_wait3A_374 = arith.constant 0 : i32
    %dma_wait3A_375 = tpu.memref_slice %arg4[%add3A_373, %dma_wait3A_374] : memref<16384x2048xf32, #tpu.memory_space<hbm>> -> memref<8x2048xf32, #tpu.memory_space<hbm>>
    %dma_wait3A_376 = arith.constant 0 : i32
    %dma_wait3A_377 = tpu.memref_slice %arg4[%add3A_373, %dma_wait3A_376] : memref<16384x2048xf32, #tpu.memory_space<hbm>> -> memref<8x2048xf32, #tpu.memory_space<hbm>>
    tpu.wait_dma2 semaphore(%arg20 : memref<!tpu.dma_semaphore, #tpu.memory_space<semaphore_mem>>) src(%arg8 : memref<8x2048xf32, #tpu.memory_space<vmem>>) dst(%dma_wait3A_377 : memref<8x2048xf32, #tpu.memory_space<hbm>>)
    %dma_start3A_378 = arith.constant 160 : i32
    %dma_start3A_379 = tpu.memref_slice %arg5[%dma_start3A_378] : memref<512xi32, #tpu.memory_space<vmem>> -> memref<8xi32, #tpu.memory_space<vmem>>
    %dma_start3A_380 = arith.constant 0 : i32
    %dma_start3A_381 = arith.constant 0 : i32
    %dma_start3A_382 = tpu.memref_slice %arg2[%dma_start3A_380, %dma_start3A_381] : memref<16384x2048xf32, #tpu.memory_space<hbm>> -> memref<16384x2048xf32, #tpu.memory_space<hbm>>
    tpu.enqueue_indirect_dma source(%dma_start3A_382 : memref<16384x2048xf32, #tpu.memory_space<hbm>>) target(%arg8 : memref<8x2048xf32, #tpu.memory_space<vmem>>) offsets(%dma_start3A_379 : memref<8xi32, #tpu.memory_space<vmem>>) semaphore(%arg14 : memref<!tpu.dma_semaphore, #tpu.memory_space<semaphore_mem>>)
    %dma_wait3A_383 = arith.constant 136 : i32
    %dma_wait3A_384 = tpu.memref_slice %arg5[%dma_wait3A_383] : memref<512xi32, #tpu.memory_space<vmem>> -> memref<8xi32, #tpu.memory_space<vmem>>
    %dma_wait3A_385 = arith.constant 0 : i32
    %dma_wait3A_386 = arith.constant 0 : i32
    %dma_wait3A_387 = tpu.memref_slice %arg2[%dma_wait3A_385, %dma_wait3A_386] : memref<16384x2048xf32, #tpu.memory_space<hbm>> -> memref<16384x2048xf32, #tpu.memory_space<hbm>>
    tpu.wait_indirect_dma semaphore(%arg17 : memref<!tpu.dma_semaphore, #tpu.memory_space<semaphore_mem>>) src(%dma_wait3A_387 : memref<16384x2048xf32, #tpu.memory_space<hbm>>) dst(%arg11 : memref<8x2048xf32, #tpu.memory_space<vmem>>)
    %add3A_388 = arith.constant 136 : i32
    %add3A_389 = arith.addi %mul3A_2, %add3A_388 : i32
    %dma_start3A_390 = arith.constant 0 : i32
    %dma_start3A_391 = tpu.memref_slice %arg4[%add3A_389, %dma_start3A_390] : memref<16384x2048xf32, #tpu.memory_space<hbm>> -> memref<8x2048xf32, #tpu.memory_space<hbm>>
    %dma_start3A_392 = arith.constant 0 : i32
    %dma_start3A_393 = tpu.memref_slice %arg4[%add3A_389, %dma_start3A_392] : memref<16384x2048xf32, #tpu.memory_space<hbm>> -> memref<8x2048xf32, #tpu.memory_space<hbm>>
    tpu.enqueue_dma source(%arg11 : memref<8x2048xf32, #tpu.memory_space<vmem>>) target(%dma_start3A_393 : memref<8x2048xf32, #tpu.memory_space<hbm>>) target_semaphore(%arg23 : memref<!tpu.dma_semaphore, #tpu.memory_space<semaphore_mem>>)
    %add3A_394 = arith.constant 120 : i32
    %add3A_395 = arith.addi %mul3A_2, %add3A_394 : i32
    %dma_wait3A_396 = arith.constant 0 : i32
    %dma_wait3A_397 = tpu.memref_slice %arg4[%add3A_395, %dma_wait3A_396] : memref<16384x2048xf32, #tpu.memory_space<hbm>> -> memref<8x2048xf32, #tpu.memory_space<hbm>>
    %dma_wait3A_398 = arith.constant 0 : i32
    %dma_wait3A_399 = tpu.memref_slice %arg4[%add3A_395, %dma_wait3A_398] : memref<16384x2048xf32, #tpu.memory_space<hbm>> -> memref<8x2048xf32, #tpu.memory_space<hbm>>
    tpu.wait_dma2 semaphore(%arg21 : memref<!tpu.dma_semaphore, #tpu.memory_space<semaphore_mem>>) src(%arg9 : memref<8x2048xf32, #tpu.memory_space<vmem>>) dst(%dma_wait3A_399 : memref<8x2048xf32, #tpu.memory_space<hbm>>)
    %dma_start3A_400 = arith.constant 168 : i32
    %dma_start3A_401 = tpu.memref_slice %arg5[%dma_start3A_400] : memref<512xi32, #tpu.memory_space<vmem>> -> memref<8xi32, #tpu.memory_space<vmem>>
    %dma_start3A_402 = arith.constant 0 : i32
    %dma_start3A_403 = arith.constant 0 : i32
    %dma_start3A_404 = tpu.memref_slice %arg2[%dma_start3A_402, %dma_start3A_403] : memref<16384x2048xf32, #tpu.memory_space<hbm>> -> memref<16384x2048xf32, #tpu.memory_space<hbm>>
    tpu.enqueue_indirect_dma source(%dma_start3A_404 : memref<16384x2048xf32, #tpu.memory_space<hbm>>) target(%arg9 : memref<8x2048xf32, #tpu.memory_space<vmem>>) offsets(%dma_start3A_401 : memref<8xi32, #tpu.memory_space<vmem>>) semaphore(%arg15 : memref<!tpu.dma_semaphore, #tpu.memory_space<semaphore_mem>>)
    %dma_wait3A_405 = arith.constant 144 : i32
    %dma_wait3A_406 = tpu.memref_slice %arg5[%dma_wait3A_405] : memref<512xi32, #tpu.memory_space<vmem>> -> memref<8xi32, #tpu.memory_space<vmem>>
    %dma_wait3A_407 = arith.constant 0 : i32
    %dma_wait3A_408 = arith.constant 0 : i32
    %dma_wait3A_409 = tpu.memref_slice %arg2[%dma_wait3A_407, %dma_wait3A_408] : memref<16384x2048xf32, #tpu.memory_space<hbm>> -> memref<16384x2048xf32, #tpu.memory_space<hbm>>
    tpu.wait_indirect_dma semaphore(%arg12 : memref<!tpu.dma_semaphore, #tpu.memory_space<semaphore_mem>>) src(%dma_wait3A_409 : memref<16384x2048xf32, #tpu.memory_space<hbm>>) dst(%arg6 : memref<8x2048xf32, #tpu.memory_space<vmem>>)
    %add3A_410 = arith.constant 144 : i32
    %add3A_411 = arith.addi %mul3A_2, %add3A_410 : i32
    %dma_start3A_412 = arith.constant 0 : i32
    %dma_start3A_413 = tpu.memref_slice %arg4[%add3A_411, %dma_start3A_412] : memref<16384x2048xf32, #tpu.memory_space<hbm>> -> memref<8x2048xf32, #tpu.memory_space<hbm>>
    %dma_start3A_414 = arith.constant 0 : i32
    %dma_start3A_415 = tpu.memref_slice %arg4[%add3A_411, %dma_start3A_414] : memref<16384x2048xf32, #tpu.memory_space<hbm>> -> memref<8x2048xf32, #tpu.memory_space<hbm>>
    tpu.enqueue_dma source(%arg6 : memref<8x2048xf32, #tpu.memory_space<vmem>>) target(%dma_start3A_415 : memref<8x2048xf32, #tpu.memory_space<hbm>>) target_semaphore(%arg18 : memref<!tpu.dma_semaphore, #tpu.memory_space<semaphore_mem>>)
    %add3A_416 = arith.constant 128 : i32
    %add3A_417 = arith.addi %mul3A_2, %add3A_416 : i32
    %dma_wait3A_418 = arith.constant 0 : i32
    %dma_wait3A_419 = tpu.memref_slice %arg4[%add3A_417, %dma_wait3A_418] : memref<16384x2048xf32, #tpu.memory_space<hbm>> -> memref<8x2048xf32, #tpu.memory_space<hbm>>
    %dma_wait3A_420 = arith.constant 0 : i32
    %dma_wait3A_421 = tpu.memref_slice %arg4[%add3A_417, %dma_wait3A_420] : memref<16384x2048xf32, #tpu.memory_space<hbm>> -> memref<8x2048xf32, #tpu.memory_space<hbm>>
    tpu.wait_dma2 semaphore(%arg22 : memref<!tpu.dma_semaphore, #tpu.memory_space<semaphore_mem>>) src(%arg10 : memref<8x2048xf32, #tpu.memory_space<vmem>>) dst(%dma_wait3A_421 : memref<8x2048xf32, #tpu.memory_space<hbm>>)
    %dma_start3A_422 = arith.constant 176 : i32
    %dma_start3A_423 = tpu.memref_slice %arg5[%dma_start3A_422] : memref<512xi32, #tpu.memory_space<vmem>> -> memref<8xi32, #tpu.memory_space<vmem>>
    %dma_start3A_424 = arith.constant 0 : i32
    %dma_start3A_425 = arith.constant 0 : i32
    %dma_start3A_426 = tpu.memref_slice %arg2[%dma_start3A_424, %dma_start3A_425] : memref<16384x2048xf32, #tpu.memory_space<hbm>> -> memref<16384x2048xf32, #tpu.memory_space<hbm>>
    tpu.enqueue_indirect_dma source(%dma_start3A_426 : memref<16384x2048xf32, #tpu.memory_space<hbm>>) target(%arg10 : memref<8x2048xf32, #tpu.memory_space<vmem>>) offsets(%dma_start3A_423 : memref<8xi32, #tpu.memory_space<vmem>>) semaphore(%arg16 : memref<!tpu.dma_semaphore, #tpu.memory_space<semaphore_mem>>)
    %dma_wait3A_427 = arith.constant 152 : i32
    %dma_wait3A_428 = tpu.memref_slice %arg5[%dma_wait3A_427] : memref<512xi32, #tpu.memory_space<vmem>> -> memref<8xi32, #tpu.memory_space<vmem>>
    %dma_wait3A_429 = arith.constant 0 : i32
    %dma_wait3A_430 = arith.constant 0 : i32
    %dma_wait3A_431 = tpu.memref_slice %arg2[%dma_wait3A_429, %dma_wait3A_430] : memref<16384x2048xf32, #tpu.memory_space<hbm>> -> memref<16384x2048xf32, #tpu.memory_space<hbm>>
    tpu.wait_indirect_dma semaphore(%arg13 : memref<!tpu.dma_semaphore, #tpu.memory_space<semaphore_mem>>) src(%dma_wait3A_431 : memref<16384x2048xf32, #tpu.memory_space<hbm>>) dst(%arg7 : memref<8x2048xf32, #tpu.memory_space<vmem>>)
    %add3A_432 = arith.constant 152 : i32
    %add3A_433 = arith.addi %mul3A_2, %add3A_432 : i32
    %dma_start3A_434 = arith.constant 0 : i32
    %dma_start3A_435 = tpu.memref_slice %arg4[%add3A_433, %dma_start3A_434] : memref<16384x2048xf32, #tpu.memory_space<hbm>> -> memref<8x2048xf32, #tpu.memory_space<hbm>>
    %dma_start3A_436 = arith.constant 0 : i32
    %dma_start3A_437 = tpu.memref_slice %arg4[%add3A_433, %dma_start3A_436] : memref<16384x2048xf32, #tpu.memory_space<hbm>> -> memref<8x2048xf32, #tpu.memory_space<hbm>>
    tpu.enqueue_dma source(%arg7 : memref<8x2048xf32, #tpu.memory_space<vmem>>) target(%dma_start3A_437 : memref<8x2048xf32, #tpu.memory_space<hbm>>) target_semaphore(%arg19 : memref<!tpu.dma_semaphore, #tpu.memory_space<semaphore_mem>>)
    %add3A_438 = arith.constant 136 : i32
    %add3A_439 = arith.addi %mul3A_2, %add3A_438 : i32
    %dma_wait3A_440 = arith.constant 0 : i32
    %dma_wait3A_441 = tpu.memref_slice %arg4[%add3A_439, %dma_wait3A_440] : memref<16384x2048xf32, #tpu.memory_space<hbm>> -> memref<8x2048xf32, #tpu.memory_space<hbm>>
    %dma_wait3A_442 = arith.constant 0 : i32
    %dma_wait3A_443 = tpu.memref_slice %arg4[%add3A_439, %dma_wait3A_442] : memref<16384x2048xf32, #tpu.memory_space<hbm>> -> memref<8x2048xf32, #tpu.memory_space<hbm>>
    tpu.wait_dma2 semaphore(%arg23 : memref<!tpu.dma_semaphore, #tpu.memory_space<semaphore_mem>>) src(%arg11 : memref<8x2048xf32, #tpu.memory_space<vmem>>) dst(%dma_wait3A_443 : memref<8x2048xf32, #tpu.memory_space<hbm>>)
    %dma_start3A_444 = arith.constant 184 : i32
    %dma_start3A_445 = tpu.memref_slice %arg5[%dma_start3A_444] : memref<512xi32, #tpu.memory_space<vmem>> -> memref<8xi32, #tpu.memory_space<vmem>>
    %dma_start3A_446 = arith.constant 0 : i32
    %dma_start3A_447 = arith.constant 0 : i32
    %dma_start3A_448 = tpu.memref_slice %arg2[%dma_start3A_446, %dma_start3A_447] : memref<16384x2048xf32, #tpu.memory_space<hbm>> -> memref<16384x2048xf32, #tpu.memory_space<hbm>>
    tpu.enqueue_indirect_dma source(%dma_start3A_448 : memref<16384x2048xf32, #tpu.memory_space<hbm>>) target(%arg11 : memref<8x2048xf32, #tpu.memory_space<vmem>>) offsets(%dma_start3A_445 : memref<8xi32, #tpu.memory_space<vmem>>) semaphore(%arg17 : memref<!tpu.dma_semaphore, #tpu.memory_space<semaphore_mem>>)
    %dma_wait3A_449 = arith.constant 160 : i32
    %dma_wait3A_450 = tpu.memref_slice %arg5[%dma_wait3A_449] : memref<512xi32, #tpu.memory_space<vmem>> -> memref<8xi32, #tpu.memory_space<vmem>>
    %dma_wait3A_451 = arith.constant 0 : i32
    %dma_wait3A_452 = arith.constant 0 : i32
    %dma_wait3A_453 = tpu.memref_slice %arg2[%dma_wait3A_451, %dma_wait3A_452] : memref<16384x2048xf32, #tpu.memory_space<hbm>> -> memref<16384x2048xf32, #tpu.memory_space<hbm>>
    tpu.wait_indirect_dma semaphore(%arg14 : memref<!tpu.dma_semaphore, #tpu.memory_space<semaphore_mem>>) src(%dma_wait3A_453 : memref<16384x2048xf32, #tpu.memory_space<hbm>>) dst(%arg8 : memref<8x2048xf32, #tpu.memory_space<vmem>>)
    %add3A_454 = arith.constant 160 : i32
    %add3A_455 = arith.addi %mul3A_2, %add3A_454 : i32
    %dma_start3A_456 = arith.constant 0 : i32
    %dma_start3A_457 = tpu.memref_slice %arg4[%add3A_455, %dma_start3A_456] : memref<16384x2048xf32, #tpu.memory_space<hbm>> -> memref<8x2048xf32, #tpu.memory_space<hbm>>
    %dma_start3A_458 = arith.constant 0 : i32
    %dma_start3A_459 = tpu.memref_slice %arg4[%add3A_455, %dma_start3A_458] : memref<16384x2048xf32, #tpu.memory_space<hbm>> -> memref<8x2048xf32, #tpu.memory_space<hbm>>
    tpu.enqueue_dma source(%arg8 : memref<8x2048xf32, #tpu.memory_space<vmem>>) target(%dma_start3A_459 : memref<8x2048xf32, #tpu.memory_space<hbm>>) target_semaphore(%arg20 : memref<!tpu.dma_semaphore, #tpu.memory_space<semaphore_mem>>)
    %add3A_460 = arith.constant 144 : i32
    %add3A_461 = arith.addi %mul3A_2, %add3A_460 : i32
    %dma_wait3A_462 = arith.constant 0 : i32
    %dma_wait3A_463 = tpu.memref_slice %arg4[%add3A_461, %dma_wait3A_462] : memref<16384x2048xf32, #tpu.memory_space<hbm>> -> memref<8x2048xf32, #tpu.memory_space<hbm>>
    %dma_wait3A_464 = arith.constant 0 : i32
    %dma_wait3A_465 = tpu.memref_slice %arg4[%add3A_461, %dma_wait3A_464] : memref<16384x2048xf32, #tpu.memory_space<hbm>> -> memref<8x2048xf32, #tpu.memory_space<hbm>>
    tpu.wait_dma2 semaphore(%arg18 : memref<!tpu.dma_semaphore, #tpu.memory_space<semaphore_mem>>) src(%arg6 : memref<8x2048xf32, #tpu.memory_space<vmem>>) dst(%dma_wait3A_465 : memref<8x2048xf32, #tpu.memory_space<hbm>>)
    %dma_start3A_466 = arith.constant 192 : i32
    %dma_start3A_467 = tpu.memref_slice %arg5[%dma_start3A_466] : memref<512xi32, #tpu.memory_space<vmem>> -> memref<8xi32, #tpu.memory_space<vmem>>
    %dma_start3A_468 = arith.constant 0 : i32
    %dma_start3A_469 = arith.constant 0 : i32
    %dma_start3A_470 = tpu.memref_slice %arg2[%dma_start3A_468, %dma_start3A_469] : memref<16384x2048xf32, #tpu.memory_space<hbm>> -> memref<16384x2048xf32, #tpu.memory_space<hbm>>
    tpu.enqueue_indirect_dma source(%dma_start3A_470 : memref<16384x2048xf32, #tpu.memory_space<hbm>>) target(%arg6 : memref<8x2048xf32, #tpu.memory_space<vmem>>) offsets(%dma_start3A_467 : memref<8xi32, #tpu.memory_space<vmem>>) semaphore(%arg12 : memref<!tpu.dma_semaphore, #tpu.memory_space<semaphore_mem>>)
    %dma_wait3A_471 = arith.constant 168 : i32
    %dma_wait3A_472 = tpu.memref_slice %arg5[%dma_wait3A_471] : memref<512xi32, #tpu.memory_space<vmem>> -> memref<8xi32, #tpu.memory_space<vmem>>
    %dma_wait3A_473 = arith.constant 0 : i32
    %dma_wait3A_474 = arith.constant 0 : i32
    %dma_wait3A_475 = tpu.memref_slice %arg2[%dma_wait3A_473, %dma_wait3A_474] : memref<16384x2048xf32, #tpu.memory_space<hbm>> -> memref<16384x2048xf32, #tpu.memory_space<hbm>>
    tpu.wait_indirect_dma semaphore(%arg15 : memref<!tpu.dma_semaphore, #tpu.memory_space<semaphore_mem>>) src(%dma_wait3A_475 : memref<16384x2048xf32, #tpu.memory_space<hbm>>) dst(%arg9 : memref<8x2048xf32, #tpu.memory_space<vmem>>)
    %add3A_476 = arith.constant 168 : i32
    %add3A_477 = arith.addi %mul3A_2, %add3A_476 : i32
    %dma_start3A_478 = arith.constant 0 : i32
    %dma_start3A_479 = tpu.memref_slice %arg4[%add3A_477, %dma_start3A_478] : memref<16384x2048xf32, #tpu.memory_space<hbm>> -> memref<8x2048xf32, #tpu.memory_space<hbm>>
    %dma_start3A_480 = arith.constant 0 : i32
    %dma_start3A_481 = tpu.memref_slice %arg4[%add3A_477, %dma_start3A_480] : memref<16384x2048xf32, #tpu.memory_space<hbm>> -> memref<8x2048xf32, #tpu.memory_space<hbm>>
    tpu.enqueue_dma source(%arg9 : memref<8x2048xf32, #tpu.memory_space<vmem>>) target(%dma_start3A_481 : memref<8x2048xf32, #tpu.memory_space<hbm>>) target_semaphore(%arg21 : memref<!tpu.dma_semaphore, #tpu.memory_space<semaphore_mem>>)
    %add3A_482 = arith.constant 152 : i32
    %add3A_483 = arith.addi %mul3A_2, %add3A_482 : i32
    %dma_wait3A_484 = arith.constant 0 : i32
    %dma_wait3A_485 = tpu.memref_slice %arg4[%add3A_483, %dma_wait3A_484] : memref<16384x2048xf32, #tpu.memory_space<hbm>> -> memref<8x2048xf32, #tpu.memory_space<hbm>>
    %dma_wait3A_486 = arith.constant 0 : i32
    %dma_wait3A_487 = tpu.memref_slice %arg4[%add3A_483, %dma_wait3A_486] : memref<16384x2048xf32, #tpu.memory_space<hbm>> -> memref<8x2048xf32, #tpu.memory_space<hbm>>
    tpu.wait_dma2 semaphore(%arg19 : memref<!tpu.dma_semaphore, #tpu.memory_space<semaphore_mem>>) src(%arg7 : memref<8x2048xf32, #tpu.memory_space<vmem>>) dst(%dma_wait3A_487 : memref<8x2048xf32, #tpu.memory_space<hbm>>)
    %dma_start3A_488 = arith.constant 200 : i32
    %dma_start3A_489 = tpu.memref_slice %arg5[%dma_start3A_488] : memref<512xi32, #tpu.memory_space<vmem>> -> memref<8xi32, #tpu.memory_space<vmem>>
    %dma_start3A_490 = arith.constant 0 : i32
    %dma_start3A_491 = arith.constant 0 : i32
    %dma_start3A_492 = tpu.memref_slice %arg2[%dma_start3A_490, %dma_start3A_491] : memref<16384x2048xf32, #tpu.memory_space<hbm>> -> memref<16384x2048xf32, #tpu.memory_space<hbm>>
    tpu.enqueue_indirect_dma source(%dma_start3A_492 : memref<16384x2048xf32, #tpu.memory_space<hbm>>) target(%arg7 : memref<8x2048xf32, #tpu.memory_space<vmem>>) offsets(%dma_start3A_489 : memref<8xi32, #tpu.memory_space<vmem>>) semaphore(%arg13 : memref<!tpu.dma_semaphore, #tpu.memory_space<semaphore_mem>>)
    %dma_wait3A_493 = arith.constant 176 : i32
    %dma_wait3A_494 = tpu.memref_slice %arg5[%dma_wait3A_493] : memref<512xi32, #tpu.memory_space<vmem>> -> memref<8xi32, #tpu.memory_space<vmem>>
    %dma_wait3A_495 = arith.constant 0 : i32
    %dma_wait3A_496 = arith.constant 0 : i32
    %dma_wait3A_497 = tpu.memref_slice %arg2[%dma_wait3A_495, %dma_wait3A_496] : memref<16384x2048xf32, #tpu.memory_space<hbm>> -> memref<16384x2048xf32, #tpu.memory_space<hbm>>
    tpu.wait_indirect_dma semaphore(%arg16 : memref<!tpu.dma_semaphore, #tpu.memory_space<semaphore_mem>>) src(%dma_wait3A_497 : memref<16384x2048xf32, #tpu.memory_space<hbm>>) dst(%arg10 : memref<8x2048xf32, #tpu.memory_space<vmem>>)
    %add3A_498 = arith.constant 176 : i32
    %add3A_499 = arith.addi %mul3A_2, %add3A_498 : i32
    %dma_start3A_500 = arith.constant 0 : i32
    %dma_start3A_501 = tpu.memref_slice %arg4[%add3A_499, %dma_start3A_500] : memref<16384x2048xf32, #tpu.memory_space<hbm>> -> memref<8x2048xf32, #tpu.memory_space<hbm>>
    %dma_start3A_502 = arith.constant 0 : i32
    %dma_start3A_503 = tpu.memref_slice %arg4[%add3A_499, %dma_start3A_502] : memref<16384x2048xf32, #tpu.memory_space<hbm>> -> memref<8x2048xf32, #tpu.memory_space<hbm>>
    tpu.enqueue_dma source(%arg10 : memref<8x2048xf32, #tpu.memory_space<vmem>>) target(%dma_start3A_503 : memref<8x2048xf32, #tpu.memory_space<hbm>>) target_semaphore(%arg22 : memref<!tpu.dma_semaphore, #tpu.memory_space<semaphore_mem>>)
    %add3A_504 = arith.constant 160 : i32
    %add3A_505 = arith.addi %mul3A_2, %add3A_504 : i32
    %dma_wait3A_506 = arith.constant 0 : i32
    %dma_wait3A_507 = tpu.memref_slice %arg4[%add3A_505, %dma_wait3A_506] : memref<16384x2048xf32, #tpu.memory_space<hbm>> -> memref<8x2048xf32, #tpu.memory_space<hbm>>
    %dma_wait3A_508 = arith.constant 0 : i32
    %dma_wait3A_509 = tpu.memref_slice %arg4[%add3A_505, %dma_wait3A_508] : memref<16384x2048xf32, #tpu.memory_space<hbm>> -> memref<8x2048xf32, #tpu.memory_space<hbm>>
    tpu.wait_dma2 semaphore(%arg20 : memref<!tpu.dma_semaphore, #tpu.memory_space<semaphore_mem>>) src(%arg8 : memref<8x2048xf32, #tpu.memory_space<vmem>>) dst(%dma_wait3A_509 : memref<8x2048xf32, #tpu.memory_space<hbm>>)
    %dma_start3A_510 = arith.constant 208 : i32
    %dma_start3A_511 = tpu.memref_slice %arg5[%dma_start3A_510] : memref<512xi32, #tpu.memory_space<vmem>> -> memref<8xi32, #tpu.memory_space<vmem>>
    %dma_start3A_512 = arith.constant 0 : i32
    %dma_start3A_513 = arith.constant 0 : i32
    %dma_start3A_514 = tpu.memref_slice %arg2[%dma_start3A_512, %dma_start3A_513] : memref<16384x2048xf32, #tpu.memory_space<hbm>> -> memref<16384x2048xf32, #tpu.memory_space<hbm>>
    tpu.enqueue_indirect_dma source(%dma_start3A_514 : memref<16384x2048xf32, #tpu.memory_space<hbm>>) target(%arg8 : memref<8x2048xf32, #tpu.memory_space<vmem>>) offsets(%dma_start3A_511 : memref<8xi32, #tpu.memory_space<vmem>>) semaphore(%arg14 : memref<!tpu.dma_semaphore, #tpu.memory_space<semaphore_mem>>)
    %dma_wait3A_515 = arith.constant 184 : i32
    %dma_wait3A_516 = tpu.memref_slice %arg5[%dma_wait3A_515] : memref<512xi32, #tpu.memory_space<vmem>> -> memref<8xi32, #tpu.memory_space<vmem>>
    %dma_wait3A_517 = arith.constant 0 : i32
    %dma_wait3A_518 = arith.constant 0 : i32
    %dma_wait3A_519 = tpu.memref_slice %arg2[%dma_wait3A_517, %dma_wait3A_518] : memref<16384x2048xf32, #tpu.memory_space<hbm>> -> memref<16384x2048xf32, #tpu.memory_space<hbm>>
    tpu.wait_indirect_dma semaphore(%arg17 : memref<!tpu.dma_semaphore, #tpu.memory_space<semaphore_mem>>) src(%dma_wait3A_519 : memref<16384x2048xf32, #tpu.memory_space<hbm>>) dst(%arg11 : memref<8x2048xf32, #tpu.memory_space<vmem>>)
    %add3A_520 = arith.constant 184 : i32
    %add3A_521 = arith.addi %mul3A_2, %add3A_520 : i32
    %dma_start3A_522 = arith.constant 0 : i32
    %dma_start3A_523 = tpu.memref_slice %arg4[%add3A_521, %dma_start3A_522] : memref<16384x2048xf32, #tpu.memory_space<hbm>> -> memref<8x2048xf32, #tpu.memory_space<hbm>>
    %dma_start3A_524 = arith.constant 0 : i32
    %dma_start3A_525 = tpu.memref_slice %arg4[%add3A_521, %dma_start3A_524] : memref<16384x2048xf32, #tpu.memory_space<hbm>> -> memref<8x2048xf32, #tpu.memory_space<hbm>>
    tpu.enqueue_dma source(%arg11 : memref<8x2048xf32, #tpu.memory_space<vmem>>) target(%dma_start3A_525 : memref<8x2048xf32, #tpu.memory_space<hbm>>) target_semaphore(%arg23 : memref<!tpu.dma_semaphore, #tpu.memory_space<semaphore_mem>>)
    %add3A_526 = arith.constant 168 : i32
    %add3A_527 = arith.addi %mul3A_2, %add3A_526 : i32
    %dma_wait3A_528 = arith.constant 0 : i32
    %dma_wait3A_529 = tpu.memref_slice %arg4[%add3A_527, %dma_wait3A_528] : memref<16384x2048xf32, #tpu.memory_space<hbm>> -> memref<8x2048xf32, #tpu.memory_space<hbm>>
    %dma_wait3A_530 = arith.constant 0 : i32
    %dma_wait3A_531 = tpu.memref_slice %arg4[%add3A_527, %dma_wait3A_530] : memref<16384x2048xf32, #tpu.memory_space<hbm>> -> memref<8x2048xf32, #tpu.memory_space<hbm>>
    tpu.wait_dma2 semaphore(%arg21 : memref<!tpu.dma_semaphore, #tpu.memory_space<semaphore_mem>>) src(%arg9 : memref<8x2048xf32, #tpu.memory_space<vmem>>) dst(%dma_wait3A_531 : memref<8x2048xf32, #tpu.memory_space<hbm>>)
    %dma_start3A_532 = arith.constant 216 : i32
    %dma_start3A_533 = tpu.memref_slice %arg5[%dma_start3A_532] : memref<512xi32, #tpu.memory_space<vmem>> -> memref<8xi32, #tpu.memory_space<vmem>>
    %dma_start3A_534 = arith.constant 0 : i32
    %dma_start3A_535 = arith.constant 0 : i32
    %dma_start3A_536 = tpu.memref_slice %arg2[%dma_start3A_534, %dma_start3A_535] : memref<16384x2048xf32, #tpu.memory_space<hbm>> -> memref<16384x2048xf32, #tpu.memory_space<hbm>>
    tpu.enqueue_indirect_dma source(%dma_start3A_536 : memref<16384x2048xf32, #tpu.memory_space<hbm>>) target(%arg9 : memref<8x2048xf32, #tpu.memory_space<vmem>>) offsets(%dma_start3A_533 : memref<8xi32, #tpu.memory_space<vmem>>) semaphore(%arg15 : memref<!tpu.dma_semaphore, #tpu.memory_space<semaphore_mem>>)
    %dma_wait3A_537 = arith.constant 192 : i32
    %dma_wait3A_538 = tpu.memref_slice %arg5[%dma_wait3A_537] : memref<512xi32, #tpu.memory_space<vmem>> -> memref<8xi32, #tpu.memory_space<vmem>>
    %dma_wait3A_539 = arith.constant 0 : i32
    %dma_wait3A_540 = arith.constant 0 : i32
    %dma_wait3A_541 = tpu.memref_slice %arg2[%dma_wait3A_539, %dma_wait3A_540] : memref<16384x2048xf32, #tpu.memory_space<hbm>> -> memref<16384x2048xf32, #tpu.memory_space<hbm>>
    tpu.wait_indirect_dma semaphore(%arg12 : memref<!tpu.dma_semaphore, #tpu.memory_space<semaphore_mem>>) src(%dma_wait3A_541 : memref<16384x2048xf32, #tpu.memory_space<hbm>>) dst(%arg6 : memref<8x2048xf32, #tpu.memory_space<vmem>>)
    %add3A_542 = arith.constant 192 : i32
    %add3A_543 = arith.addi %mul3A_2, %add3A_542 : i32
    %dma_start3A_544 = arith.constant 0 : i32
    %dma_start3A_545 = tpu.memref_slice %arg4[%add3A_543, %dma_start3A_544] : memref<16384x2048xf32, #tpu.memory_space<hbm>> -> memref<8x2048xf32, #tpu.memory_space<hbm>>
    %dma_start3A_546 = arith.constant 0 : i32
    %dma_start3A_547 = tpu.memref_slice %arg4[%add3A_543, %dma_start3A_546] : memref<16384x2048xf32, #tpu.memory_space<hbm>> -> memref<8x2048xf32, #tpu.memory_space<hbm>>
    tpu.enqueue_dma source(%arg6 : memref<8x2048xf32, #tpu.memory_space<vmem>>) target(%dma_start3A_547 : memref<8x2048xf32, #tpu.memory_space<hbm>>) target_semaphore(%arg18 : memref<!tpu.dma_semaphore, #tpu.memory_space<semaphore_mem>>)
    %add3A_548 = arith.constant 176 : i32
    %add3A_549 = arith.addi %mul3A_2, %add3A_548 : i32
    %dma_wait3A_550 = arith.constant 0 : i32
    %dma_wait3A_551 = tpu.memref_slice %arg4[%add3A_549, %dma_wait3A_550] : memref<16384x2048xf32, #tpu.memory_space<hbm>> -> memref<8x2048xf32, #tpu.memory_space<hbm>>
    %dma_wait3A_552 = arith.constant 0 : i32
    %dma_wait3A_553 = tpu.memref_slice %arg4[%add3A_549, %dma_wait3A_552] : memref<16384x2048xf32, #tpu.memory_space<hbm>> -> memref<8x2048xf32, #tpu.memory_space<hbm>>
    tpu.wait_dma2 semaphore(%arg22 : memref<!tpu.dma_semaphore, #tpu.memory_space<semaphore_mem>>) src(%arg10 : memref<8x2048xf32, #tpu.memory_space<vmem>>) dst(%dma_wait3A_553 : memref<8x2048xf32, #tpu.memory_space<hbm>>)
    %dma_start3A_554 = arith.constant 224 : i32
    %dma_start3A_555 = tpu.memref_slice %arg5[%dma_start3A_554] : memref<512xi32, #tpu.memory_space<vmem>> -> memref<8xi32, #tpu.memory_space<vmem>>
    %dma_start3A_556 = arith.constant 0 : i32
    %dma_start3A_557 = arith.constant 0 : i32
    %dma_start3A_558 = tpu.memref_slice %arg2[%dma_start3A_556, %dma_start3A_557] : memref<16384x2048xf32, #tpu.memory_space<hbm>> -> memref<16384x2048xf32, #tpu.memory_space<hbm>>
    tpu.enqueue_indirect_dma source(%dma_start3A_558 : memref<16384x2048xf32, #tpu.memory_space<hbm>>) target(%arg10 : memref<8x2048xf32, #tpu.memory_space<vmem>>) offsets(%dma_start3A_555 : memref<8xi32, #tpu.memory_space<vmem>>) semaphore(%arg16 : memref<!tpu.dma_semaphore, #tpu.memory_space<semaphore_mem>>)
    %dma_wait3A_559 = arith.constant 200 : i32
    %dma_wait3A_560 = tpu.memref_slice %arg5[%dma_wait3A_559] : memref<512xi32, #tpu.memory_space<vmem>> -> memref<8xi32, #tpu.memory_space<vmem>>
    %dma_wait3A_561 = arith.constant 0 : i32
    %dma_wait3A_562 = arith.constant 0 : i32
    %dma_wait3A_563 = tpu.memref_slice %arg2[%dma_wait3A_561, %dma_wait3A_562] : memref<16384x2048xf32, #tpu.memory_space<hbm>> -> memref<16384x2048xf32, #tpu.memory_space<hbm>>
    tpu.wait_indirect_dma semaphore(%arg13 : memref<!tpu.dma_semaphore, #tpu.memory_space<semaphore_mem>>) src(%dma_wait3A_563 : memref<16384x2048xf32, #tpu.memory_space<hbm>>) dst(%arg7 : memref<8x2048xf32, #tpu.memory_space<vmem>>)
    %add3A_564 = arith.constant 200 : i32
    %add3A_565 = arith.addi %mul3A_2, %add3A_564 : i32
    %dma_start3A_566 = arith.constant 0 : i32
    %dma_start3A_567 = tpu.memref_slice %arg4[%add3A_565, %dma_start3A_566] : memref<16384x2048xf32, #tpu.memory_space<hbm>> -> memref<8x2048xf32, #tpu.memory_space<hbm>>
    %dma_start3A_568 = arith.constant 0 : i32
    %dma_start3A_569 = tpu.memref_slice %arg4[%add3A_565, %dma_start3A_568] : memref<16384x2048xf32, #tpu.memory_space<hbm>> -> memref<8x2048xf32, #tpu.memory_space<hbm>>
    tpu.enqueue_dma source(%arg7 : memref<8x2048xf32, #tpu.memory_space<vmem>>) target(%dma_start3A_569 : memref<8x2048xf32, #tpu.memory_space<hbm>>) target_semaphore(%arg19 : memref<!tpu.dma_semaphore, #tpu.memory_space<semaphore_mem>>)
    %add3A_570 = arith.constant 184 : i32
    %add3A_571 = arith.addi %mul3A_2, %add3A_570 : i32
    %dma_wait3A_572 = arith.constant 0 : i32
    %dma_wait3A_573 = tpu.memref_slice %arg4[%add3A_571, %dma_wait3A_572] : memref<16384x2048xf32, #tpu.memory_space<hbm>> -> memref<8x2048xf32, #tpu.memory_space<hbm>>
    %dma_wait3A_574 = arith.constant 0 : i32
    %dma_wait3A_575 = tpu.memref_slice %arg4[%add3A_571, %dma_wait3A_574] : memref<16384x2048xf32, #tpu.memory_space<hbm>> -> memref<8x2048xf32, #tpu.memory_space<hbm>>
    tpu.wait_dma2 semaphore(%arg23 : memref<!tpu.dma_semaphore, #tpu.memory_space<semaphore_mem>>) src(%arg11 : memref<8x2048xf32, #tpu.memory_space<vmem>>) dst(%dma_wait3A_575 : memref<8x2048xf32, #tpu.memory_space<hbm>>)
    %dma_start3A_576 = arith.constant 232 : i32
    %dma_start3A_577 = tpu.memref_slice %arg5[%dma_start3A_576] : memref<512xi32, #tpu.memory_space<vmem>> -> memref<8xi32, #tpu.memory_space<vmem>>
    %dma_start3A_578 = arith.constant 0 : i32
    %dma_start3A_579 = arith.constant 0 : i32
    %dma_start3A_580 = tpu.memref_slice %arg2[%dma_start3A_578, %dma_start3A_579] : memref<16384x2048xf32, #tpu.memory_space<hbm>> -> memref<16384x2048xf32, #tpu.memory_space<hbm>>
    tpu.enqueue_indirect_dma source(%dma_start3A_580 : memref<16384x2048xf32, #tpu.memory_space<hbm>>) target(%arg11 : memref<8x2048xf32, #tpu.memory_space<vmem>>) offsets(%dma_start3A_577 : memref<8xi32, #tpu.memory_space<vmem>>) semaphore(%arg17 : memref<!tpu.dma_semaphore, #tpu.memory_space<semaphore_mem>>)
    %dma_wait3A_581 = arith.constant 208 : i32
    %dma_wait3A_582 = tpu.memref_slice %arg5[%dma_wait3A_581] : memref<512xi32, #tpu.memory_space<vmem>> -> memref<8xi32, #tpu.memory_space<vmem>>
    %dma_wait3A_583 = arith.constant 0 : i32
    %dma_wait3A_584 = arith.constant 0 : i32
    %dma_wait3A_585 = tpu.memref_slice %arg2[%dma_wait3A_583, %dma_wait3A_584] : memref<16384x2048xf32, #tpu.memory_space<hbm>> -> memref<16384x2048xf32, #tpu.memory_space<hbm>>
    tpu.wait_indirect_dma semaphore(%arg14 : memref<!tpu.dma_semaphore, #tpu.memory_space<semaphore_mem>>) src(%dma_wait3A_585 : memref<16384x2048xf32, #tpu.memory_space<hbm>>) dst(%arg8 : memref<8x2048xf32, #tpu.memory_space<vmem>>)
    %add3A_586 = arith.constant 208 : i32
    %add3A_587 = arith.addi %mul3A_2, %add3A_586 : i32
    %dma_start3A_588 = arith.constant 0 : i32
    %dma_start3A_589 = tpu.memref_slice %arg4[%add3A_587, %dma_start3A_588] : memref<16384x2048xf32, #tpu.memory_space<hbm>> -> memref<8x2048xf32, #tpu.memory_space<hbm>>
    %dma_start3A_590 = arith.constant 0 : i32
    %dma_start3A_591 = tpu.memref_slice %arg4[%add3A_587, %dma_start3A_590] : memref<16384x2048xf32, #tpu.memory_space<hbm>> -> memref<8x2048xf32, #tpu.memory_space<hbm>>
    tpu.enqueue_dma source(%arg8 : memref<8x2048xf32, #tpu.memory_space<vmem>>) target(%dma_start3A_591 : memref<8x2048xf32, #tpu.memory_space<hbm>>) target_semaphore(%arg20 : memref<!tpu.dma_semaphore, #tpu.memory_space<semaphore_mem>>)
    %add3A_592 = arith.constant 192 : i32
    %add3A_593 = arith.addi %mul3A_2, %add3A_592 : i32
    %dma_wait3A_594 = arith.constant 0 : i32
    %dma_wait3A_595 = tpu.memref_slice %arg4[%add3A_593, %dma_wait3A_594] : memref<16384x2048xf32, #tpu.memory_space<hbm>> -> memref<8x2048xf32, #tpu.memory_space<hbm>>
    %dma_wait3A_596 = arith.constant 0 : i32
    %dma_wait3A_597 = tpu.memref_slice %arg4[%add3A_593, %dma_wait3A_596] : memref<16384x2048xf32, #tpu.memory_space<hbm>> -> memref<8x2048xf32, #tpu.memory_space<hbm>>
    tpu.wait_dma2 semaphore(%arg18 : memref<!tpu.dma_semaphore, #tpu.memory_space<semaphore_mem>>) src(%arg6 : memref<8x2048xf32, #tpu.memory_space<vmem>>) dst(%dma_wait3A_597 : memref<8x2048xf32, #tpu.memory_space<hbm>>)
    %dma_start3A_598 = arith.constant 240 : i32
    %dma_start3A_599 = tpu.memref_slice %arg5[%dma_start3A_598] : memref<512xi32, #tpu.memory_space<vmem>> -> memref<8xi32, #tpu.memory_space<vmem>>
    %dma_start3A_600 = arith.constant 0 : i32
    %dma_start3A_601 = arith.constant 0 : i32
    %dma_start3A_602 = tpu.memref_slice %arg2[%dma_start3A_600, %dma_start3A_601] : memref<16384x2048xf32, #tpu.memory_space<hbm>> -> memref<16384x2048xf32, #tpu.memory_space<hbm>>
    tpu.enqueue_indirect_dma source(%dma_start3A_602 : memref<16384x2048xf32, #tpu.memory_space<hbm>>) target(%arg6 : memref<8x2048xf32, #tpu.memory_space<vmem>>) offsets(%dma_start3A_599 : memref<8xi32, #tpu.memory_space<vmem>>) semaphore(%arg12 : memref<!tpu.dma_semaphore, #tpu.memory_space<semaphore_mem>>)
    %dma_wait3A_603 = arith.constant 216 : i32
    %dma_wait3A_604 = tpu.memref_slice %arg5[%dma_wait3A_603] : memref<512xi32, #tpu.memory_space<vmem>> -> memref<8xi32, #tpu.memory_space<vmem>>
    %dma_wait3A_605 = arith.constant 0 : i32
    %dma_wait3A_606 = arith.constant 0 : i32
    %dma_wait3A_607 = tpu.memref_slice %arg2[%dma_wait3A_605, %dma_wait3A_606] : memref<16384x2048xf32, #tpu.memory_space<hbm>> -> memref<16384x2048xf32, #tpu.memory_space<hbm>>
    tpu.wait_indirect_dma semaphore(%arg15 : memref<!tpu.dma_semaphore, #tpu.memory_space<semaphore_mem>>) src(%dma_wait3A_607 : memref<16384x2048xf32, #tpu.memory_space<hbm>>) dst(%arg9 : memref<8x2048xf32, #tpu.memory_space<vmem>>)
    %add3A_608 = arith.constant 216 : i32
    %add3A_609 = arith.addi %mul3A_2, %add3A_608 : i32
    %dma_start3A_610 = arith.constant 0 : i32
    %dma_start3A_611 = tpu.memref_slice %arg4[%add3A_609, %dma_start3A_610] : memref<16384x2048xf32, #tpu.memory_space<hbm>> -> memref<8x2048xf32, #tpu.memory_space<hbm>>
    %dma_start3A_612 = arith.constant 0 : i32
    %dma_start3A_613 = tpu.memref_slice %arg4[%add3A_609, %dma_start3A_612] : memref<16384x2048xf32, #tpu.memory_space<hbm>> -> memref<8x2048xf32, #tpu.memory_space<hbm>>
    tpu.enqueue_dma source(%arg9 : memref<8x2048xf32, #tpu.memory_space<vmem>>) target(%dma_start3A_613 : memref<8x2048xf32, #tpu.memory_space<hbm>>) target_semaphore(%arg21 : memref<!tpu.dma_semaphore, #tpu.memory_space<semaphore_mem>>)
    %add3A_614 = arith.constant 200 : i32
    %add3A_615 = arith.addi %mul3A_2, %add3A_614 : i32
    %dma_wait3A_616 = arith.constant 0 : i32
    %dma_wait3A_617 = tpu.memref_slice %arg4[%add3A_615, %dma_wait3A_616] : memref<16384x2048xf32, #tpu.memory_space<hbm>> -> memref<8x2048xf32, #tpu.memory_space<hbm>>
    %dma_wait3A_618 = arith.constant 0 : i32
    %dma_wait3A_619 = tpu.memref_slice %arg4[%add3A_615, %dma_wait3A_618] : memref<16384x2048xf32, #tpu.memory_space<hbm>> -> memref<8x2048xf32, #tpu.memory_space<hbm>>
    tpu.wait_dma2 semaphore(%arg19 : memref<!tpu.dma_semaphore, #tpu.memory_space<semaphore_mem>>) src(%arg7 : memref<8x2048xf32, #tpu.memory_space<vmem>>) dst(%dma_wait3A_619 : memref<8x2048xf32, #tpu.memory_space<hbm>>)
    %dma_start3A_620 = arith.constant 248 : i32
    %dma_start3A_621 = tpu.memref_slice %arg5[%dma_start3A_620] : memref<512xi32, #tpu.memory_space<vmem>> -> memref<8xi32, #tpu.memory_space<vmem>>
    %dma_start3A_622 = arith.constant 0 : i32
    %dma_start3A_623 = arith.constant 0 : i32
    %dma_start3A_624 = tpu.memref_slice %arg2[%dma_start3A_622, %dma_start3A_623] : memref<16384x2048xf32, #tpu.memory_space<hbm>> -> memref<16384x2048xf32, #tpu.memory_space<hbm>>
    tpu.enqueue_indirect_dma source(%dma_start3A_624 : memref<16384x2048xf32, #tpu.memory_space<hbm>>) target(%arg7 : memref<8x2048xf32, #tpu.memory_space<vmem>>) offsets(%dma_start3A_621 : memref<8xi32, #tpu.memory_space<vmem>>) semaphore(%arg13 : memref<!tpu.dma_semaphore, #tpu.memory_space<semaphore_mem>>)
    %dma_wait3A_625 = arith.constant 224 : i32
    %dma_wait3A_626 = tpu.memref_slice %arg5[%dma_wait3A_625] : memref<512xi32, #tpu.memory_space<vmem>> -> memref<8xi32, #tpu.memory_space<vmem>>
    %dma_wait3A_627 = arith.constant 0 : i32
    %dma_wait3A_628 = arith.constant 0 : i32
    %dma_wait3A_629 = tpu.memref_slice %arg2[%dma_wait3A_627, %dma_wait3A_628] : memref<16384x2048xf32, #tpu.memory_space<hbm>> -> memref<16384x2048xf32, #tpu.memory_space<hbm>>
    tpu.wait_indirect_dma semaphore(%arg16 : memref<!tpu.dma_semaphore, #tpu.memory_space<semaphore_mem>>) src(%dma_wait3A_629 : memref<16384x2048xf32, #tpu.memory_space<hbm>>) dst(%arg10 : memref<8x2048xf32, #tpu.memory_space<vmem>>)
    %add3A_630 = arith.constant 224 : i32
    %add3A_631 = arith.addi %mul3A_2, %add3A_630 : i32
    %dma_start3A_632 = arith.constant 0 : i32
    %dma_start3A_633 = tpu.memref_slice %arg4[%add3A_631, %dma_start3A_632] : memref<16384x2048xf32, #tpu.memory_space<hbm>> -> memref<8x2048xf32, #tpu.memory_space<hbm>>
    %dma_start3A_634 = arith.constant 0 : i32
    %dma_start3A_635 = tpu.memref_slice %arg4[%add3A_631, %dma_start3A_634] : memref<16384x2048xf32, #tpu.memory_space<hbm>> -> memref<8x2048xf32, #tpu.memory_space<hbm>>
    tpu.enqueue_dma source(%arg10 : memref<8x2048xf32, #tpu.memory_space<vmem>>) target(%dma_start3A_635 : memref<8x2048xf32, #tpu.memory_space<hbm>>) target_semaphore(%arg22 : memref<!tpu.dma_semaphore, #tpu.memory_space<semaphore_mem>>)
    %add3A_636 = arith.constant 208 : i32
    %add3A_637 = arith.addi %mul3A_2, %add3A_636 : i32
    %dma_wait3A_638 = arith.constant 0 : i32
    %dma_wait3A_639 = tpu.memref_slice %arg4[%add3A_637, %dma_wait3A_638] : memref<16384x2048xf32, #tpu.memory_space<hbm>> -> memref<8x2048xf32, #tpu.memory_space<hbm>>
    %dma_wait3A_640 = arith.constant 0 : i32
    %dma_wait3A_641 = tpu.memref_slice %arg4[%add3A_637, %dma_wait3A_640] : memref<16384x2048xf32, #tpu.memory_space<hbm>> -> memref<8x2048xf32, #tpu.memory_space<hbm>>
    tpu.wait_dma2 semaphore(%arg20 : memref<!tpu.dma_semaphore, #tpu.memory_space<semaphore_mem>>) src(%arg8 : memref<8x2048xf32, #tpu.memory_space<vmem>>) dst(%dma_wait3A_641 : memref<8x2048xf32, #tpu.memory_space<hbm>>)
    %dma_start3A_642 = arith.constant 256 : i32
    %dma_start3A_643 = tpu.memref_slice %arg5[%dma_start3A_642] : memref<512xi32, #tpu.memory_space<vmem>> -> memref<8xi32, #tpu.memory_space<vmem>>
    %dma_start3A_644 = arith.constant 0 : i32
    %dma_start3A_645 = arith.constant 0 : i32
    %dma_start3A_646 = tpu.memref_slice %arg2[%dma_start3A_644, %dma_start3A_645] : memref<16384x2048xf32, #tpu.memory_space<hbm>> -> memref<16384x2048xf32, #tpu.memory_space<hbm>>
    tpu.enqueue_indirect_dma source(%dma_start3A_646 : memref<16384x2048xf32, #tpu.memory_space<hbm>>) target(%arg8 : memref<8x2048xf32, #tpu.memory_space<vmem>>) offsets(%dma_start3A_643 : memref<8xi32, #tpu.memory_space<vmem>>) semaphore(%arg14 : memref<!tpu.dma_semaphore, #tpu.memory_space<semaphore_mem>>)
    %dma_wait3A_647 = arith.constant 232 : i32
    %dma_wait3A_648 = tpu.memref_slice %arg5[%dma_wait3A_647] : memref<512xi32, #tpu.memory_space<vmem>> -> memref<8xi32, #tpu.memory_space<vmem>>
    %dma_wait3A_649 = arith.constant 0 : i32
    %dma_wait3A_650 = arith.constant 0 : i32
    %dma_wait3A_651 = tpu.memref_slice %arg2[%dma_wait3A_649, %dma_wait3A_650] : memref<16384x2048xf32, #tpu.memory_space<hbm>> -> memref<16384x2048xf32, #tpu.memory_space<hbm>>
    tpu.wait_indirect_dma semaphore(%arg17 : memref<!tpu.dma_semaphore, #tpu.memory_space<semaphore_mem>>) src(%dma_wait3A_651 : memref<16384x2048xf32, #tpu.memory_space<hbm>>) dst(%arg11 : memref<8x2048xf32, #tpu.memory_space<vmem>>)
    %add3A_652 = arith.constant 232 : i32
    %add3A_653 = arith.addi %mul3A_2, %add3A_652 : i32
    %dma_start3A_654 = arith.constant 0 : i32
    %dma_start3A_655 = tpu.memref_slice %arg4[%add3A_653, %dma_start3A_654] : memref<16384x2048xf32, #tpu.memory_space<hbm>> -> memref<8x2048xf32, #tpu.memory_space<hbm>>
    %dma_start3A_656 = arith.constant 0 : i32
    %dma_start3A_657 = tpu.memref_slice %arg4[%add3A_653, %dma_start3A_656] : memref<16384x2048xf32, #tpu.memory_space<hbm>> -> memref<8x2048xf32, #tpu.memory_space<hbm>>
    tpu.enqueue_dma source(%arg11 : memref<8x2048xf32, #tpu.memory_space<vmem>>) target(%dma_start3A_657 : memref<8x2048xf32, #tpu.memory_space<hbm>>) target_semaphore(%arg23 : memref<!tpu.dma_semaphore, #tpu.memory_space<semaphore_mem>>)
    %add3A_658 = arith.constant 216 : i32
    %add3A_659 = arith.addi %mul3A_2, %add3A_658 : i32
    %dma_wait3A_660 = arith.constant 0 : i32
    %dma_wait3A_661 = tpu.memref_slice %arg4[%add3A_659, %dma_wait3A_660] : memref<16384x2048xf32, #tpu.memory_space<hbm>> -> memref<8x2048xf32, #tpu.memory_space<hbm>>
    %dma_wait3A_662 = arith.constant 0 : i32
    %dma_wait3A_663 = tpu.memref_slice %arg4[%add3A_659, %dma_wait3A_662] : memref<16384x2048xf32, #tpu.memory_space<hbm>> -> memref<8x2048xf32, #tpu.memory_space<hbm>>
    tpu.wait_dma2 semaphore(%arg21 : memref<!tpu.dma_semaphore, #tpu.memory_space<semaphore_mem>>) src(%arg9 : memref<8x2048xf32, #tpu.memory_space<vmem>>) dst(%dma_wait3A_663 : memref<8x2048xf32, #tpu.memory_space<hbm>>)
    %dma_start3A_664 = arith.constant 264 : i32
    %dma_start3A_665 = tpu.memref_slice %arg5[%dma_start3A_664] : memref<512xi32, #tpu.memory_space<vmem>> -> memref<8xi32, #tpu.memory_space<vmem>>
    %dma_start3A_666 = arith.constant 0 : i32
    %dma_start3A_667 = arith.constant 0 : i32
    %dma_start3A_668 = tpu.memref_slice %arg2[%dma_start3A_666, %dma_start3A_667] : memref<16384x2048xf32, #tpu.memory_space<hbm>> -> memref<16384x2048xf32, #tpu.memory_space<hbm>>
    tpu.enqueue_indirect_dma source(%dma_start3A_668 : memref<16384x2048xf32, #tpu.memory_space<hbm>>) target(%arg9 : memref<8x2048xf32, #tpu.memory_space<vmem>>) offsets(%dma_start3A_665 : memref<8xi32, #tpu.memory_space<vmem>>) semaphore(%arg15 : memref<!tpu.dma_semaphore, #tpu.memory_space<semaphore_mem>>)
    %dma_wait3A_669 = arith.constant 240 : i32
    %dma_wait3A_670 = tpu.memref_slice %arg5[%dma_wait3A_669] : memref<512xi32, #tpu.memory_space<vmem>> -> memref<8xi32, #tpu.memory_space<vmem>>
    %dma_wait3A_671 = arith.constant 0 : i32
    %dma_wait3A_672 = arith.constant 0 : i32
    %dma_wait3A_673 = tpu.memref_slice %arg2[%dma_wait3A_671, %dma_wait3A_672] : memref<16384x2048xf32, #tpu.memory_space<hbm>> -> memref<16384x2048xf32, #tpu.memory_space<hbm>>
    tpu.wait_indirect_dma semaphore(%arg12 : memref<!tpu.dma_semaphore, #tpu.memory_space<semaphore_mem>>) src(%dma_wait3A_673 : memref<16384x2048xf32, #tpu.memory_space<hbm>>) dst(%arg6 : memref<8x2048xf32, #tpu.memory_space<vmem>>)
    %add3A_674 = arith.constant 240 : i32
    %add3A_675 = arith.addi %mul3A_2, %add3A_674 : i32
    %dma_start3A_676 = arith.constant 0 : i32
    %dma_start3A_677 = tpu.memref_slice %arg4[%add3A_675, %dma_start3A_676] : memref<16384x2048xf32, #tpu.memory_space<hbm>> -> memref<8x2048xf32, #tpu.memory_space<hbm>>
    %dma_start3A_678 = arith.constant 0 : i32
    %dma_start3A_679 = tpu.memref_slice %arg4[%add3A_675, %dma_start3A_678] : memref<16384x2048xf32, #tpu.memory_space<hbm>> -> memref<8x2048xf32, #tpu.memory_space<hbm>>
    tpu.enqueue_dma source(%arg6 : memref<8x2048xf32, #tpu.memory_space<vmem>>) target(%dma_start3A_679 : memref<8x2048xf32, #tpu.memory_space<hbm>>) target_semaphore(%arg18 : memref<!tpu.dma_semaphore, #tpu.memory_space<semaphore_mem>>)
    %add3A_680 = arith.constant 224 : i32
    %add3A_681 = arith.addi %mul3A_2, %add3A_680 : i32
    %dma_wait3A_682 = arith.constant 0 : i32
    %dma_wait3A_683 = tpu.memref_slice %arg4[%add3A_681, %dma_wait3A_682] : memref<16384x2048xf32, #tpu.memory_space<hbm>> -> memref<8x2048xf32, #tpu.memory_space<hbm>>
    %dma_wait3A_684 = arith.constant 0 : i32
    %dma_wait3A_685 = tpu.memref_slice %arg4[%add3A_681, %dma_wait3A_684] : memref<16384x2048xf32, #tpu.memory_space<hbm>> -> memref<8x2048xf32, #tpu.memory_space<hbm>>
    tpu.wait_dma2 semaphore(%arg22 : memref<!tpu.dma_semaphore, #tpu.memory_space<semaphore_mem>>) src(%arg10 : memref<8x2048xf32, #tpu.memory_space<vmem>>) dst(%dma_wait3A_685 : memref<8x2048xf32, #tpu.memory_space<hbm>>)
    %dma_start3A_686 = arith.constant 272 : i32
    %dma_start3A_687 = tpu.memref_slice %arg5[%dma_start3A_686] : memref<512xi32, #tpu.memory_space<vmem>> -> memref<8xi32, #tpu.memory_space<vmem>>
    %dma_start3A_688 = arith.constant 0 : i32
    %dma_start3A_689 = arith.constant 0 : i32
    %dma_start3A_690 = tpu.memref_slice %arg2[%dma_start3A_688, %dma_start3A_689] : memref<16384x2048xf32, #tpu.memory_space<hbm>> -> memref<16384x2048xf32, #tpu.memory_space<hbm>>
    tpu.enqueue_indirect_dma source(%dma_start3A_690 : memref<16384x2048xf32, #tpu.memory_space<hbm>>) target(%arg10 : memref<8x2048xf32, #tpu.memory_space<vmem>>) offsets(%dma_start3A_687 : memref<8xi32, #tpu.memory_space<vmem>>) semaphore(%arg16 : memref<!tpu.dma_semaphore, #tpu.memory_space<semaphore_mem>>)
    %dma_wait3A_691 = arith.constant 248 : i32
    %dma_wait3A_692 = tpu.memref_slice %arg5[%dma_wait3A_691] : memref<512xi32, #tpu.memory_space<vmem>> -> memref<8xi32, #tpu.memory_space<vmem>>
    %dma_wait3A_693 = arith.constant 0 : i32
    %dma_wait3A_694 = arith.constant 0 : i32
    %dma_wait3A_695 = tpu.memref_slice %arg2[%dma_wait3A_693, %dma_wait3A_694] : memref<16384x2048xf32, #tpu.memory_space<hbm>> -> memref<16384x2048xf32, #tpu.memory_space<hbm>>
    tpu.wait_indirect_dma semaphore(%arg13 : memref<!tpu.dma_semaphore, #tpu.memory_space<semaphore_mem>>) src(%dma_wait3A_695 : memref<16384x2048xf32, #tpu.memory_space<hbm>>) dst(%arg7 : memref<8x2048xf32, #tpu.memory_space<vmem>>)
    %add3A_696 = arith.constant 248 : i32
    %add3A_697 = arith.addi %mul3A_2, %add3A_696 : i32
    %dma_start3A_698 = arith.constant 0 : i32
    %dma_start3A_699 = tpu.memref_slice %arg4[%add3A_697, %dma_start3A_698] : memref<16384x2048xf32, #tpu.memory_space<hbm>> -> memref<8x2048xf32, #tpu.memory_space<hbm>>
    %dma_start3A_700 = arith.constant 0 : i32
    %dma_start3A_701 = tpu.memref_slice %arg4[%add3A_697, %dma_start3A_700] : memref<16384x2048xf32, #tpu.memory_space<hbm>> -> memref<8x2048xf32, #tpu.memory_space<hbm>>
    tpu.enqueue_dma source(%arg7 : memref<8x2048xf32, #tpu.memory_space<vmem>>) target(%dma_start3A_701 : memref<8x2048xf32, #tpu.memory_space<hbm>>) target_semaphore(%arg19 : memref<!tpu.dma_semaphore, #tpu.memory_space<semaphore_mem>>)
    %add3A_702 = arith.constant 232 : i32
    %add3A_703 = arith.addi %mul3A_2, %add3A_702 : i32
    %dma_wait3A_704 = arith.constant 0 : i32
    %dma_wait3A_705 = tpu.memref_slice %arg4[%add3A_703, %dma_wait3A_704] : memref<16384x2048xf32, #tpu.memory_space<hbm>> -> memref<8x2048xf32, #tpu.memory_space<hbm>>
    %dma_wait3A_706 = arith.constant 0 : i32
    %dma_wait3A_707 = tpu.memref_slice %arg4[%add3A_703, %dma_wait3A_706] : memref<16384x2048xf32, #tpu.memory_space<hbm>> -> memref<8x2048xf32, #tpu.memory_space<hbm>>
    tpu.wait_dma2 semaphore(%arg23 : memref<!tpu.dma_semaphore, #tpu.memory_space<semaphore_mem>>) src(%arg11 : memref<8x2048xf32, #tpu.memory_space<vmem>>) dst(%dma_wait3A_707 : memref<8x2048xf32, #tpu.memory_space<hbm>>)
    %dma_start3A_708 = arith.constant 280 : i32
    %dma_start3A_709 = tpu.memref_slice %arg5[%dma_start3A_708] : memref<512xi32, #tpu.memory_space<vmem>> -> memref<8xi32, #tpu.memory_space<vmem>>
    %dma_start3A_710 = arith.constant 0 : i32
    %dma_start3A_711 = arith.constant 0 : i32
    %dma_start3A_712 = tpu.memref_slice %arg2[%dma_start3A_710, %dma_start3A_711] : memref<16384x2048xf32, #tpu.memory_space<hbm>> -> memref<16384x2048xf32, #tpu.memory_space<hbm>>
    tpu.enqueue_indirect_dma source(%dma_start3A_712 : memref<16384x2048xf32, #tpu.memory_space<hbm>>) target(%arg11 : memref<8x2048xf32, #tpu.memory_space<vmem>>) offsets(%dma_start3A_709 : memref<8xi32, #tpu.memory_space<vmem>>) semaphore(%arg17 : memref<!tpu.dma_semaphore, #tpu.memory_space<semaphore_mem>>)
    %dma_wait3A_713 = arith.constant 256 : i32
    %dma_wait3A_714 = tpu.memref_slice %arg5[%dma_wait3A_713] : memref<512xi32, #tpu.memory_space<vmem>> -> memref<8xi32, #tpu.memory_space<vmem>>
    %dma_wait3A_715 = arith.constant 0 : i32
    %dma_wait3A_716 = arith.constant 0 : i32
    %dma_wait3A_717 = tpu.memref_slice %arg2[%dma_wait3A_715, %dma_wait3A_716] : memref<16384x2048xf32, #tpu.memory_space<hbm>> -> memref<16384x2048xf32, #tpu.memory_space<hbm>>
    tpu.wait_indirect_dma semaphore(%arg14 : memref<!tpu.dma_semaphore, #tpu.memory_space<semaphore_mem>>) src(%dma_wait3A_717 : memref<16384x2048xf32, #tpu.memory_space<hbm>>) dst(%arg8 : memref<8x2048xf32, #tpu.memory_space<vmem>>)
    %add3A_718 = arith.constant 256 : i32
    %add3A_719 = arith.addi %mul3A_2, %add3A_718 : i32
    %dma_start3A_720 = arith.constant 0 : i32
    %dma_start3A_721 = tpu.memref_slice %arg4[%add3A_719, %dma_start3A_720] : memref<16384x2048xf32, #tpu.memory_space<hbm>> -> memref<8x2048xf32, #tpu.memory_space<hbm>>
    %dma_start3A_722 = arith.constant 0 : i32
    %dma_start3A_723 = tpu.memref_slice %arg4[%add3A_719, %dma_start3A_722] : memref<16384x2048xf32, #tpu.memory_space<hbm>> -> memref<8x2048xf32, #tpu.memory_space<hbm>>
    tpu.enqueue_dma source(%arg8 : memref<8x2048xf32, #tpu.memory_space<vmem>>) target(%dma_start3A_723 : memref<8x2048xf32, #tpu.memory_space<hbm>>) target_semaphore(%arg20 : memref<!tpu.dma_semaphore, #tpu.memory_space<semaphore_mem>>)
    %add3A_724 = arith.constant 240 : i32
    %add3A_725 = arith.addi %mul3A_2, %add3A_724 : i32
    %dma_wait3A_726 = arith.constant 0 : i32
    %dma_wait3A_727 = tpu.memref_slice %arg4[%add3A_725, %dma_wait3A_726] : memref<16384x2048xf32, #tpu.memory_space<hbm>> -> memref<8x2048xf32, #tpu.memory_space<hbm>>
    %dma_wait3A_728 = arith.constant 0 : i32
    %dma_wait3A_729 = tpu.memref_slice %arg4[%add3A_725, %dma_wait3A_728] : memref<16384x2048xf32, #tpu.memory_space<hbm>> -> memref<8x2048xf32, #tpu.memory_space<hbm>>
    tpu.wait_dma2 semaphore(%arg18 : memref<!tpu.dma_semaphore, #tpu.memory_space<semaphore_mem>>) src(%arg6 : memref<8x2048xf32, #tpu.memory_space<vmem>>) dst(%dma_wait3A_729 : memref<8x2048xf32, #tpu.memory_space<hbm>>)
    %dma_start3A_730 = arith.constant 288 : i32
    %dma_start3A_731 = tpu.memref_slice %arg5[%dma_start3A_730] : memref<512xi32, #tpu.memory_space<vmem>> -> memref<8xi32, #tpu.memory_space<vmem>>
    %dma_start3A_732 = arith.constant 0 : i32
    %dma_start3A_733 = arith.constant 0 : i32
    %dma_start3A_734 = tpu.memref_slice %arg2[%dma_start3A_732, %dma_start3A_733] : memref<16384x2048xf32, #tpu.memory_space<hbm>> -> memref<16384x2048xf32, #tpu.memory_space<hbm>>
    tpu.enqueue_indirect_dma source(%dma_start3A_734 : memref<16384x2048xf32, #tpu.memory_space<hbm>>) target(%arg6 : memref<8x2048xf32, #tpu.memory_space<vmem>>) offsets(%dma_start3A_731 : memref<8xi32, #tpu.memory_space<vmem>>) semaphore(%arg12 : memref<!tpu.dma_semaphore, #tpu.memory_space<semaphore_mem>>)
    %dma_wait3A_735 = arith.constant 264 : i32
    %dma_wait3A_736 = tpu.memref_slice %arg5[%dma_wait3A_735] : memref<512xi32, #tpu.memory_space<vmem>> -> memref<8xi32, #tpu.memory_space<vmem>>
    %dma_wait3A_737 = arith.constant 0 : i32
    %dma_wait3A_738 = arith.constant 0 : i32
    %dma_wait3A_739 = tpu.memref_slice %arg2[%dma_wait3A_737, %dma_wait3A_738] : memref<16384x2048xf32, #tpu.memory_space<hbm>> -> memref<16384x2048xf32, #tpu.memory_space<hbm>>
    tpu.wait_indirect_dma semaphore(%arg15 : memref<!tpu.dma_semaphore, #tpu.memory_space<semaphore_mem>>) src(%dma_wait3A_739 : memref<16384x2048xf32, #tpu.memory_space<hbm>>) dst(%arg9 : memref<8x2048xf32, #tpu.memory_space<vmem>>)
    %add3A_740 = arith.constant 264 : i32
    %add3A_741 = arith.addi %mul3A_2, %add3A_740 : i32
    %dma_start3A_742 = arith.constant 0 : i32
    %dma_start3A_743 = tpu.memref_slice %arg4[%add3A_741, %dma_start3A_742] : memref<16384x2048xf32, #tpu.memory_space<hbm>> -> memref<8x2048xf32, #tpu.memory_space<hbm>>
    %dma_start3A_744 = arith.constant 0 : i32
    %dma_start3A_745 = tpu.memref_slice %arg4[%add3A_741, %dma_start3A_744] : memref<16384x2048xf32, #tpu.memory_space<hbm>> -> memref<8x2048xf32, #tpu.memory_space<hbm>>
    tpu.enqueue_dma source(%arg9 : memref<8x2048xf32, #tpu.memory_space<vmem>>) target(%dma_start3A_745 : memref<8x2048xf32, #tpu.memory_space<hbm>>) target_semaphore(%arg21 : memref<!tpu.dma_semaphore, #tpu.memory_space<semaphore_mem>>)
    %add3A_746 = arith.constant 248 : i32
    %add3A_747 = arith.addi %mul3A_2, %add3A_746 : i32
    %dma_wait3A_748 = arith.constant 0 : i32
    %dma_wait3A_749 = tpu.memref_slice %arg4[%add3A_747, %dma_wait3A_748] : memref<16384x2048xf32, #tpu.memory_space<hbm>> -> memref<8x2048xf32, #tpu.memory_space<hbm>>
    %dma_wait3A_750 = arith.constant 0 : i32
    %dma_wait3A_751 = tpu.memref_slice %arg4[%add3A_747, %dma_wait3A_750] : memref<16384x2048xf32, #tpu.memory_space<hbm>> -> memref<8x2048xf32, #tpu.memory_space<hbm>>
    tpu.wait_dma2 semaphore(%arg19 : memref<!tpu.dma_semaphore, #tpu.memory_space<semaphore_mem>>) src(%arg7 : memref<8x2048xf32, #tpu.memory_space<vmem>>) dst(%dma_wait3A_751 : memref<8x2048xf32, #tpu.memory_space<hbm>>)
    %dma_start3A_752 = arith.constant 296 : i32
    %dma_start3A_753 = tpu.memref_slice %arg5[%dma_start3A_752] : memref<512xi32, #tpu.memory_space<vmem>> -> memref<8xi32, #tpu.memory_space<vmem>>
    %dma_start3A_754 = arith.constant 0 : i32
    %dma_start3A_755 = arith.constant 0 : i32
    %dma_start3A_756 = tpu.memref_slice %arg2[%dma_start3A_754, %dma_start3A_755] : memref<16384x2048xf32, #tpu.memory_space<hbm>> -> memref<16384x2048xf32, #tpu.memory_space<hbm>>
    tpu.enqueue_indirect_dma source(%dma_start3A_756 : memref<16384x2048xf32, #tpu.memory_space<hbm>>) target(%arg7 : memref<8x2048xf32, #tpu.memory_space<vmem>>) offsets(%dma_start3A_753 : memref<8xi32, #tpu.memory_space<vmem>>) semaphore(%arg13 : memref<!tpu.dma_semaphore, #tpu.memory_space<semaphore_mem>>)
    %dma_wait3A_757 = arith.constant 272 : i32
    %dma_wait3A_758 = tpu.memref_slice %arg5[%dma_wait3A_757] : memref<512xi32, #tpu.memory_space<vmem>> -> memref<8xi32, #tpu.memory_space<vmem>>
    %dma_wait3A_759 = arith.constant 0 : i32
    %dma_wait3A_760 = arith.constant 0 : i32
    %dma_wait3A_761 = tpu.memref_slice %arg2[%dma_wait3A_759, %dma_wait3A_760] : memref<16384x2048xf32, #tpu.memory_space<hbm>> -> memref<16384x2048xf32, #tpu.memory_space<hbm>>
    tpu.wait_indirect_dma semaphore(%arg16 : memref<!tpu.dma_semaphore, #tpu.memory_space<semaphore_mem>>) src(%dma_wait3A_761 : memref<16384x2048xf32, #tpu.memory_space<hbm>>) dst(%arg10 : memref<8x2048xf32, #tpu.memory_space<vmem>>)
    %add3A_762 = arith.constant 272 : i32
    %add3A_763 = arith.addi %mul3A_2, %add3A_762 : i32
    %dma_start3A_764 = arith.constant 0 : i32
    %dma_start3A_765 = tpu.memref_slice %arg4[%add3A_763, %dma_start3A_764] : memref<16384x2048xf32, #tpu.memory_space<hbm>> -> memref<8x2048xf32, #tpu.memory_space<hbm>>
    %dma_start3A_766 = arith.constant 0 : i32
    %dma_start3A_767 = tpu.memref_slice %arg4[%add3A_763, %dma_start3A_766] : memref<16384x2048xf32, #tpu.memory_space<hbm>> -> memref<8x2048xf32, #tpu.memory_space<hbm>>
    tpu.enqueue_dma source(%arg10 : memref<8x2048xf32, #tpu.memory_space<vmem>>) target(%dma_start3A_767 : memref<8x2048xf32, #tpu.memory_space<hbm>>) target_semaphore(%arg22 : memref<!tpu.dma_semaphore, #tpu.memory_space<semaphore_mem>>)
    %add3A_768 = arith.constant 256 : i32
    %add3A_769 = arith.addi %mul3A_2, %add3A_768 : i32
    %dma_wait3A_770 = arith.constant 0 : i32
    %dma_wait3A_771 = tpu.memref_slice %arg4[%add3A_769, %dma_wait3A_770] : memref<16384x2048xf32, #tpu.memory_space<hbm>> -> memref<8x2048xf32, #tpu.memory_space<hbm>>
    %dma_wait3A_772 = arith.constant 0 : i32
    %dma_wait3A_773 = tpu.memref_slice %arg4[%add3A_769, %dma_wait3A_772] : memref<16384x2048xf32, #tpu.memory_space<hbm>> -> memref<8x2048xf32, #tpu.memory_space<hbm>>
    tpu.wait_dma2 semaphore(%arg20 : memref<!tpu.dma_semaphore, #tpu.memory_space<semaphore_mem>>) src(%arg8 : memref<8x2048xf32, #tpu.memory_space<vmem>>) dst(%dma_wait3A_773 : memref<8x2048xf32, #tpu.memory_space<hbm>>)
    %dma_start3A_774 = arith.constant 304 : i32
    %dma_start3A_775 = tpu.memref_slice %arg5[%dma_start3A_774] : memref<512xi32, #tpu.memory_space<vmem>> -> memref<8xi32, #tpu.memory_space<vmem>>
    %dma_start3A_776 = arith.constant 0 : i32
    %dma_start3A_777 = arith.constant 0 : i32
    %dma_start3A_778 = tpu.memref_slice %arg2[%dma_start3A_776, %dma_start3A_777] : memref<16384x2048xf32, #tpu.memory_space<hbm>> -> memref<16384x2048xf32, #tpu.memory_space<hbm>>
    tpu.enqueue_indirect_dma source(%dma_start3A_778 : memref<16384x2048xf32, #tpu.memory_space<hbm>>) target(%arg8 : memref<8x2048xf32, #tpu.memory_space<vmem>>) offsets(%dma_start3A_775 : memref<8xi32, #tpu.memory_space<vmem>>) semaphore(%arg14 : memref<!tpu.dma_semaphore, #tpu.memory_space<semaphore_mem>>)
    %dma_wait3A_779 = arith.constant 280 : i32
    %dma_wait3A_780 = tpu.memref_slice %arg5[%dma_wait3A_779] : memref<512xi32, #tpu.memory_space<vmem>> -> memref<8xi32, #tpu.memory_space<vmem>>
    %dma_wait3A_781 = arith.constant 0 : i32
    %dma_wait3A_782 = arith.constant 0 : i32
    %dma_wait3A_783 = tpu.memref_slice %arg2[%dma_wait3A_781, %dma_wait3A_782] : memref<16384x2048xf32, #tpu.memory_space<hbm>> -> memref<16384x2048xf32, #tpu.memory_space<hbm>>
    tpu.wait_indirect_dma semaphore(%arg17 : memref<!tpu.dma_semaphore, #tpu.memory_space<semaphore_mem>>) src(%dma_wait3A_783 : memref<16384x2048xf32, #tpu.memory_space<hbm>>) dst(%arg11 : memref<8x2048xf32, #tpu.memory_space<vmem>>)
    %add3A_784 = arith.constant 280 : i32
    %add3A_785 = arith.addi %mul3A_2, %add3A_784 : i32
    %dma_start3A_786 = arith.constant 0 : i32
    %dma_start3A_787 = tpu.memref_slice %arg4[%add3A_785, %dma_start3A_786] : memref<16384x2048xf32, #tpu.memory_space<hbm>> -> memref<8x2048xf32, #tpu.memory_space<hbm>>
    %dma_start3A_788 = arith.constant 0 : i32
    %dma_start3A_789 = tpu.memref_slice %arg4[%add3A_785, %dma_start3A_788] : memref<16384x2048xf32, #tpu.memory_space<hbm>> -> memref<8x2048xf32, #tpu.memory_space<hbm>>
    tpu.enqueue_dma source(%arg11 : memref<8x2048xf32, #tpu.memory_space<vmem>>) target(%dma_start3A_789 : memref<8x2048xf32, #tpu.memory_space<hbm>>) target_semaphore(%arg23 : memref<!tpu.dma_semaphore, #tpu.memory_space<semaphore_mem>>)
    %add3A_790 = arith.constant 264 : i32
    %add3A_791 = arith.addi %mul3A_2, %add3A_790 : i32
    %dma_wait3A_792 = arith.constant 0 : i32
    %dma_wait3A_793 = tpu.memref_slice %arg4[%add3A_791, %dma_wait3A_792] : memref<16384x2048xf32, #tpu.memory_space<hbm>> -> memref<8x2048xf32, #tpu.memory_space<hbm>>
    %dma_wait3A_794 = arith.constant 0 : i32
    %dma_wait3A_795 = tpu.memref_slice %arg4[%add3A_791, %dma_wait3A_794] : memref<16384x2048xf32, #tpu.memory_space<hbm>> -> memref<8x2048xf32, #tpu.memory_space<hbm>>
    tpu.wait_dma2 semaphore(%arg21 : memref<!tpu.dma_semaphore, #tpu.memory_space<semaphore_mem>>) src(%arg9 : memref<8x2048xf32, #tpu.memory_space<vmem>>) dst(%dma_wait3A_795 : memref<8x2048xf32, #tpu.memory_space<hbm>>)
    %dma_start3A_796 = arith.constant 312 : i32
    %dma_start3A_797 = tpu.memref_slice %arg5[%dma_start3A_796] : memref<512xi32, #tpu.memory_space<vmem>> -> memref<8xi32, #tpu.memory_space<vmem>>
    %dma_start3A_798 = arith.constant 0 : i32
    %dma_start3A_799 = arith.constant 0 : i32
    %dma_start3A_800 = tpu.memref_slice %arg2[%dma_start3A_798, %dma_start3A_799] : memref<16384x2048xf32, #tpu.memory_space<hbm>> -> memref<16384x2048xf32, #tpu.memory_space<hbm>>
    tpu.enqueue_indirect_dma source(%dma_start3A_800 : memref<16384x2048xf32, #tpu.memory_space<hbm>>) target(%arg9 : memref<8x2048xf32, #tpu.memory_space<vmem>>) offsets(%dma_start3A_797 : memref<8xi32, #tpu.memory_space<vmem>>) semaphore(%arg15 : memref<!tpu.dma_semaphore, #tpu.memory_space<semaphore_mem>>)
    %dma_wait3A_801 = arith.constant 288 : i32
    %dma_wait3A_802 = tpu.memref_slice %arg5[%dma_wait3A_801] : memref<512xi32, #tpu.memory_space<vmem>> -> memref<8xi32, #tpu.memory_space<vmem>>
    %dma_wait3A_803 = arith.constant 0 : i32
    %dma_wait3A_804 = arith.constant 0 : i32
    %dma_wait3A_805 = tpu.memref_slice %arg2[%dma_wait3A_803, %dma_wait3A_804] : memref<16384x2048xf32, #tpu.memory_space<hbm>> -> memref<16384x2048xf32, #tpu.memory_space<hbm>>
    tpu.wait_indirect_dma semaphore(%arg12 : memref<!tpu.dma_semaphore, #tpu.memory_space<semaphore_mem>>) src(%dma_wait3A_805 : memref<16384x2048xf32, #tpu.memory_space<hbm>>) dst(%arg6 : memref<8x2048xf32, #tpu.memory_space<vmem>>)
    %add3A_806 = arith.constant 288 : i32
    %add3A_807 = arith.addi %mul3A_2, %add3A_806 : i32
    %dma_start3A_808 = arith.constant 0 : i32
    %dma_start3A_809 = tpu.memref_slice %arg4[%add3A_807, %dma_start3A_808] : memref<16384x2048xf32, #tpu.memory_space<hbm>> -> memref<8x2048xf32, #tpu.memory_space<hbm>>
    %dma_start3A_810 = arith.constant 0 : i32
    %dma_start3A_811 = tpu.memref_slice %arg4[%add3A_807, %dma_start3A_810] : memref<16384x2048xf32, #tpu.memory_space<hbm>> -> memref<8x2048xf32, #tpu.memory_space<hbm>>
    tpu.enqueue_dma source(%arg6 : memref<8x2048xf32, #tpu.memory_space<vmem>>) target(%dma_start3A_811 : memref<8x2048xf32, #tpu.memory_space<hbm>>) target_semaphore(%arg18 : memref<!tpu.dma_semaphore, #tpu.memory_space<semaphore_mem>>)
    %add3A_812 = arith.constant 272 : i32
    %add3A_813 = arith.addi %mul3A_2, %add3A_812 : i32
    %dma_wait3A_814 = arith.constant 0 : i32
    %dma_wait3A_815 = tpu.memref_slice %arg4[%add3A_813, %dma_wait3A_814] : memref<16384x2048xf32, #tpu.memory_space<hbm>> -> memref<8x2048xf32, #tpu.memory_space<hbm>>
    %dma_wait3A_816 = arith.constant 0 : i32
    %dma_wait3A_817 = tpu.memref_slice %arg4[%add3A_813, %dma_wait3A_816] : memref<16384x2048xf32, #tpu.memory_space<hbm>> -> memref<8x2048xf32, #tpu.memory_space<hbm>>
    tpu.wait_dma2 semaphore(%arg22 : memref<!tpu.dma_semaphore, #tpu.memory_space<semaphore_mem>>) src(%arg10 : memref<8x2048xf32, #tpu.memory_space<vmem>>) dst(%dma_wait3A_817 : memref<8x2048xf32, #tpu.memory_space<hbm>>)
    %dma_start3A_818 = arith.constant 320 : i32
    %dma_start3A_819 = tpu.memref_slice %arg5[%dma_start3A_818] : memref<512xi32, #tpu.memory_space<vmem>> -> memref<8xi32, #tpu.memory_space<vmem>>
    %dma_start3A_820 = arith.constant 0 : i32
    %dma_start3A_821 = arith.constant 0 : i32
    %dma_start3A_822 = tpu.memref_slice %arg2[%dma_start3A_820, %dma_start3A_821] : memref<16384x2048xf32, #tpu.memory_space<hbm>> -> memref<16384x2048xf32, #tpu.memory_space<hbm>>
    tpu.enqueue_indirect_dma source(%dma_start3A_822 : memref<16384x2048xf32, #tpu.memory_space<hbm>>) target(%arg10 : memref<8x2048xf32, #tpu.memory_space<vmem>>) offsets(%dma_start3A_819 : memref<8xi32, #tpu.memory_space<vmem>>) semaphore(%arg16 : memref<!tpu.dma_semaphore, #tpu.memory_space<semaphore_mem>>)
    %dma_wait3A_823 = arith.constant 296 : i32
    %dma_wait3A_824 = tpu.memref_slice %arg5[%dma_wait3A_823] : memref<512xi32, #tpu.memory_space<vmem>> -> memref<8xi32, #tpu.memory_space<vmem>>
    %dma_wait3A_825 = arith.constant 0 : i32
    %dma_wait3A_826 = arith.constant 0 : i32
    %dma_wait3A_827 = tpu.memref_slice %arg2[%dma_wait3A_825, %dma_wait3A_826] : memref<16384x2048xf32, #tpu.memory_space<hbm>> -> memref<16384x2048xf32, #tpu.memory_space<hbm>>
    tpu.wait_indirect_dma semaphore(%arg13 : memref<!tpu.dma_semaphore, #tpu.memory_space<semaphore_mem>>) src(%dma_wait3A_827 : memref<16384x2048xf32, #tpu.memory_space<hbm>>) dst(%arg7 : memref<8x2048xf32, #tpu.memory_space<vmem>>)
    %add3A_828 = arith.constant 296 : i32
    %add3A_829 = arith.addi %mul3A_2, %add3A_828 : i32
    %dma_start3A_830 = arith.constant 0 : i32
    %dma_start3A_831 = tpu.memref_slice %arg4[%add3A_829, %dma_start3A_830] : memref<16384x2048xf32, #tpu.memory_space<hbm>> -> memref<8x2048xf32, #tpu.memory_space<hbm>>
    %dma_start3A_832 = arith.constant 0 : i32
    %dma_start3A_833 = tpu.memref_slice %arg4[%add3A_829, %dma_start3A_832] : memref<16384x2048xf32, #tpu.memory_space<hbm>> -> memref<8x2048xf32, #tpu.memory_space<hbm>>
    tpu.enqueue_dma source(%arg7 : memref<8x2048xf32, #tpu.memory_space<vmem>>) target(%dma_start3A_833 : memref<8x2048xf32, #tpu.memory_space<hbm>>) target_semaphore(%arg19 : memref<!tpu.dma_semaphore, #tpu.memory_space<semaphore_mem>>)
    %add3A_834 = arith.constant 280 : i32
    %add3A_835 = arith.addi %mul3A_2, %add3A_834 : i32
    %dma_wait3A_836 = arith.constant 0 : i32
    %dma_wait3A_837 = tpu.memref_slice %arg4[%add3A_835, %dma_wait3A_836] : memref<16384x2048xf32, #tpu.memory_space<hbm>> -> memref<8x2048xf32, #tpu.memory_space<hbm>>
    %dma_wait3A_838 = arith.constant 0 : i32
    %dma_wait3A_839 = tpu.memref_slice %arg4[%add3A_835, %dma_wait3A_838] : memref<16384x2048xf32, #tpu.memory_space<hbm>> -> memref<8x2048xf32, #tpu.memory_space<hbm>>
    tpu.wait_dma2 semaphore(%arg23 : memref<!tpu.dma_semaphore, #tpu.memory_space<semaphore_mem>>) src(%arg11 : memref<8x2048xf32, #tpu.memory_space<vmem>>) dst(%dma_wait3A_839 : memref<8x2048xf32, #tpu.memory_space<hbm>>)
    %dma_start3A_840 = arith.constant 328 : i32
    %dma_start3A_841 = tpu.memref_slice %arg5[%dma_start3A_840] : memref<512xi32, #tpu.memory_space<vmem>> -> memref<8xi32, #tpu.memory_space<vmem>>
    %dma_start3A_842 = arith.constant 0 : i32
    %dma_start3A_843 = arith.constant 0 : i32
    %dma_start3A_844 = tpu.memref_slice %arg2[%dma_start3A_842, %dma_start3A_843] : memref<16384x2048xf32, #tpu.memory_space<hbm>> -> memref<16384x2048xf32, #tpu.memory_space<hbm>>
    tpu.enqueue_indirect_dma source(%dma_start3A_844 : memref<16384x2048xf32, #tpu.memory_space<hbm>>) target(%arg11 : memref<8x2048xf32, #tpu.memory_space<vmem>>) offsets(%dma_start3A_841 : memref<8xi32, #tpu.memory_space<vmem>>) semaphore(%arg17 : memref<!tpu.dma_semaphore, #tpu.memory_space<semaphore_mem>>)
    %dma_wait3A_845 = arith.constant 304 : i32
    %dma_wait3A_846 = tpu.memref_slice %arg5[%dma_wait3A_845] : memref<512xi32, #tpu.memory_space<vmem>> -> memref<8xi32, #tpu.memory_space<vmem>>
    %dma_wait3A_847 = arith.constant 0 : i32
    %dma_wait3A_848 = arith.constant 0 : i32
    %dma_wait3A_849 = tpu.memref_slice %arg2[%dma_wait3A_847, %dma_wait3A_848] : memref<16384x2048xf32, #tpu.memory_space<hbm>> -> memref<16384x2048xf32, #tpu.memory_space<hbm>>
    tpu.wait_indirect_dma semaphore(%arg14 : memref<!tpu.dma_semaphore, #tpu.memory_space<semaphore_mem>>) src(%dma_wait3A_849 : memref<16384x2048xf32, #tpu.memory_space<hbm>>) dst(%arg8 : memref<8x2048xf32, #tpu.memory_space<vmem>>)
    %add3A_850 = arith.constant 304 : i32
    %add3A_851 = arith.addi %mul3A_2, %add3A_850 : i32
    %dma_start3A_852 = arith.constant 0 : i32
    %dma_start3A_853 = tpu.memref_slice %arg4[%add3A_851, %dma_start3A_852] : memref<16384x2048xf32, #tpu.memory_space<hbm>> -> memref<8x2048xf32, #tpu.memory_space<hbm>>
    %dma_start3A_854 = arith.constant 0 : i32
    %dma_start3A_855 = tpu.memref_slice %arg4[%add3A_851, %dma_start3A_854] : memref<16384x2048xf32, #tpu.memory_space<hbm>> -> memref<8x2048xf32, #tpu.memory_space<hbm>>
    tpu.enqueue_dma source(%arg8 : memref<8x2048xf32, #tpu.memory_space<vmem>>) target(%dma_start3A_855 : memref<8x2048xf32, #tpu.memory_space<hbm>>) target_semaphore(%arg20 : memref<!tpu.dma_semaphore, #tpu.memory_space<semaphore_mem>>)
    %add3A_856 = arith.constant 288 : i32
    %add3A_857 = arith.addi %mul3A_2, %add3A_856 : i32
    %dma_wait3A_858 = arith.constant 0 : i32
    %dma_wait3A_859 = tpu.memref_slice %arg4[%add3A_857, %dma_wait3A_858] : memref<16384x2048xf32, #tpu.memory_space<hbm>> -> memref<8x2048xf32, #tpu.memory_space<hbm>>
    %dma_wait3A_860 = arith.constant 0 : i32
    %dma_wait3A_861 = tpu.memref_slice %arg4[%add3A_857, %dma_wait3A_860] : memref<16384x2048xf32, #tpu.memory_space<hbm>> -> memref<8x2048xf32, #tpu.memory_space<hbm>>
    tpu.wait_dma2 semaphore(%arg18 : memref<!tpu.dma_semaphore, #tpu.memory_space<semaphore_mem>>) src(%arg6 : memref<8x2048xf32, #tpu.memory_space<vmem>>) dst(%dma_wait3A_861 : memref<8x2048xf32, #tpu.memory_space<hbm>>)
    %dma_start3A_862 = arith.constant 336 : i32
    %dma_start3A_863 = tpu.memref_slice %arg5[%dma_start3A_862] : memref<512xi32, #tpu.memory_space<vmem>> -> memref<8xi32, #tpu.memory_space<vmem>>
    %dma_start3A_864 = arith.constant 0 : i32
    %dma_start3A_865 = arith.constant 0 : i32
    %dma_start3A_866 = tpu.memref_slice %arg2[%dma_start3A_864, %dma_start3A_865] : memref<16384x2048xf32, #tpu.memory_space<hbm>> -> memref<16384x2048xf32, #tpu.memory_space<hbm>>
    tpu.enqueue_indirect_dma source(%dma_start3A_866 : memref<16384x2048xf32, #tpu.memory_space<hbm>>) target(%arg6 : memref<8x2048xf32, #tpu.memory_space<vmem>>) offsets(%dma_start3A_863 : memref<8xi32, #tpu.memory_space<vmem>>) semaphore(%arg12 : memref<!tpu.dma_semaphore, #tpu.memory_space<semaphore_mem>>)
    %dma_wait3A_867 = arith.constant 312 : i32
    %dma_wait3A_868 = tpu.memref_slice %arg5[%dma_wait3A_867] : memref<512xi32, #tpu.memory_space<vmem>> -> memref<8xi32, #tpu.memory_space<vmem>>
    %dma_wait3A_869 = arith.constant 0 : i32
    %dma_wait3A_870 = arith.constant 0 : i32
    %dma_wait3A_871 = tpu.memref_slice %arg2[%dma_wait3A_869, %dma_wait3A_870] : memref<16384x2048xf32, #tpu.memory_space<hbm>> -> memref<16384x2048xf32, #tpu.memory_space<hbm>>
    tpu.wait_indirect_dma semaphore(%arg15 : memref<!tpu.dma_semaphore, #tpu.memory_space<semaphore_mem>>) src(%dma_wait3A_871 : memref<16384x2048xf32, #tpu.memory_space<hbm>>) dst(%arg9 : memref<8x2048xf32, #tpu.memory_space<vmem>>)
    %add3A_872 = arith.constant 312 : i32
    %add3A_873 = arith.addi %mul3A_2, %add3A_872 : i32
    %dma_start3A_874 = arith.constant 0 : i32
    %dma_start3A_875 = tpu.memref_slice %arg4[%add3A_873, %dma_start3A_874] : memref<16384x2048xf32, #tpu.memory_space<hbm>> -> memref<8x2048xf32, #tpu.memory_space<hbm>>
    %dma_start3A_876 = arith.constant 0 : i32
    %dma_start3A_877 = tpu.memref_slice %arg4[%add3A_873, %dma_start3A_876] : memref<16384x2048xf32, #tpu.memory_space<hbm>> -> memref<8x2048xf32, #tpu.memory_space<hbm>>
    tpu.enqueue_dma source(%arg9 : memref<8x2048xf32, #tpu.memory_space<vmem>>) target(%dma_start3A_877 : memref<8x2048xf32, #tpu.memory_space<hbm>>) target_semaphore(%arg21 : memref<!tpu.dma_semaphore, #tpu.memory_space<semaphore_mem>>)
    %add3A_878 = arith.constant 296 : i32
    %add3A_879 = arith.addi %mul3A_2, %add3A_878 : i32
    %dma_wait3A_880 = arith.constant 0 : i32
    %dma_wait3A_881 = tpu.memref_slice %arg4[%add3A_879, %dma_wait3A_880] : memref<16384x2048xf32, #tpu.memory_space<hbm>> -> memref<8x2048xf32, #tpu.memory_space<hbm>>
    %dma_wait3A_882 = arith.constant 0 : i32
    %dma_wait3A_883 = tpu.memref_slice %arg4[%add3A_879, %dma_wait3A_882] : memref<16384x2048xf32, #tpu.memory_space<hbm>> -> memref<8x2048xf32, #tpu.memory_space<hbm>>
    tpu.wait_dma2 semaphore(%arg19 : memref<!tpu.dma_semaphore, #tpu.memory_space<semaphore_mem>>) src(%arg7 : memref<8x2048xf32, #tpu.memory_space<vmem>>) dst(%dma_wait3A_883 : memref<8x2048xf32, #tpu.memory_space<hbm>>)
    %dma_start3A_884 = arith.constant 344 : i32
    %dma_start3A_885 = tpu.memref_slice %arg5[%dma_start3A_884] : memref<512xi32, #tpu.memory_space<vmem>> -> memref<8xi32, #tpu.memory_space<vmem>>
    %dma_start3A_886 = arith.constant 0 : i32
    %dma_start3A_887 = arith.constant 0 : i32
    %dma_start3A_888 = tpu.memref_slice %arg2[%dma_start3A_886, %dma_start3A_887] : memref<16384x2048xf32, #tpu.memory_space<hbm>> -> memref<16384x2048xf32, #tpu.memory_space<hbm>>
    tpu.enqueue_indirect_dma source(%dma_start3A_888 : memref<16384x2048xf32, #tpu.memory_space<hbm>>) target(%arg7 : memref<8x2048xf32, #tpu.memory_space<vmem>>) offsets(%dma_start3A_885 : memref<8xi32, #tpu.memory_space<vmem>>) semaphore(%arg13 : memref<!tpu.dma_semaphore, #tpu.memory_space<semaphore_mem>>)
    %dma_wait3A_889 = arith.constant 320 : i32
    %dma_wait3A_890 = tpu.memref_slice %arg5[%dma_wait3A_889] : memref<512xi32, #tpu.memory_space<vmem>> -> memref<8xi32, #tpu.memory_space<vmem>>
    %dma_wait3A_891 = arith.constant 0 : i32
    %dma_wait3A_892 = arith.constant 0 : i32
    %dma_wait3A_893 = tpu.memref_slice %arg2[%dma_wait3A_891, %dma_wait3A_892] : memref<16384x2048xf32, #tpu.memory_space<hbm>> -> memref<16384x2048xf32, #tpu.memory_space<hbm>>
    tpu.wait_indirect_dma semaphore(%arg16 : memref<!tpu.dma_semaphore, #tpu.memory_space<semaphore_mem>>) src(%dma_wait3A_893 : memref<16384x2048xf32, #tpu.memory_space<hbm>>) dst(%arg10 : memref<8x2048xf32, #tpu.memory_space<vmem>>)
    %add3A_894 = arith.constant 320 : i32
    %add3A_895 = arith.addi %mul3A_2, %add3A_894 : i32
    %dma_start3A_896 = arith.constant 0 : i32
    %dma_start3A_897 = tpu.memref_slice %arg4[%add3A_895, %dma_start3A_896] : memref<16384x2048xf32, #tpu.memory_space<hbm>> -> memref<8x2048xf32, #tpu.memory_space<hbm>>
    %dma_start3A_898 = arith.constant 0 : i32
    %dma_start3A_899 = tpu.memref_slice %arg4[%add3A_895, %dma_start3A_898] : memref<16384x2048xf32, #tpu.memory_space<hbm>> -> memref<8x2048xf32, #tpu.memory_space<hbm>>
    tpu.enqueue_dma source(%arg10 : memref<8x2048xf32, #tpu.memory_space<vmem>>) target(%dma_start3A_899 : memref<8x2048xf32, #tpu.memory_space<hbm>>) target_semaphore(%arg22 : memref<!tpu.dma_semaphore, #tpu.memory_space<semaphore_mem>>)
    %add3A_900 = arith.constant 304 : i32
    %add3A_901 = arith.addi %mul3A_2, %add3A_900 : i32
    %dma_wait3A_902 = arith.constant 0 : i32
    %dma_wait3A_903 = tpu.memref_slice %arg4[%add3A_901, %dma_wait3A_902] : memref<16384x2048xf32, #tpu.memory_space<hbm>> -> memref<8x2048xf32, #tpu.memory_space<hbm>>
    %dma_wait3A_904 = arith.constant 0 : i32
    %dma_wait3A_905 = tpu.memref_slice %arg4[%add3A_901, %dma_wait3A_904] : memref<16384x2048xf32, #tpu.memory_space<hbm>> -> memref<8x2048xf32, #tpu.memory_space<hbm>>
    tpu.wait_dma2 semaphore(%arg20 : memref<!tpu.dma_semaphore, #tpu.memory_space<semaphore_mem>>) src(%arg8 : memref<8x2048xf32, #tpu.memory_space<vmem>>) dst(%dma_wait3A_905 : memref<8x2048xf32, #tpu.memory_space<hbm>>)
    %dma_start3A_906 = arith.constant 352 : i32
    %dma_start3A_907 = tpu.memref_slice %arg5[%dma_start3A_906] : memref<512xi32, #tpu.memory_space<vmem>> -> memref<8xi32, #tpu.memory_space<vmem>>
    %dma_start3A_908 = arith.constant 0 : i32
    %dma_start3A_909 = arith.constant 0 : i32
    %dma_start3A_910 = tpu.memref_slice %arg2[%dma_start3A_908, %dma_start3A_909] : memref<16384x2048xf32, #tpu.memory_space<hbm>> -> memref<16384x2048xf32, #tpu.memory_space<hbm>>
    tpu.enqueue_indirect_dma source(%dma_start3A_910 : memref<16384x2048xf32, #tpu.memory_space<hbm>>) target(%arg8 : memref<8x2048xf32, #tpu.memory_space<vmem>>) offsets(%dma_start3A_907 : memref<8xi32, #tpu.memory_space<vmem>>) semaphore(%arg14 : memref<!tpu.dma_semaphore, #tpu.memory_space<semaphore_mem>>)
    %dma_wait3A_911 = arith.constant 328 : i32
    %dma_wait3A_912 = tpu.memref_slice %arg5[%dma_wait3A_911] : memref<512xi32, #tpu.memory_space<vmem>> -> memref<8xi32, #tpu.memory_space<vmem>>
    %dma_wait3A_913 = arith.constant 0 : i32
    %dma_wait3A_914 = arith.constant 0 : i32
    %dma_wait3A_915 = tpu.memref_slice %arg2[%dma_wait3A_913, %dma_wait3A_914] : memref<16384x2048xf32, #tpu.memory_space<hbm>> -> memref<16384x2048xf32, #tpu.memory_space<hbm>>
    tpu.wait_indirect_dma semaphore(%arg17 : memref<!tpu.dma_semaphore, #tpu.memory_space<semaphore_mem>>) src(%dma_wait3A_915 : memref<16384x2048xf32, #tpu.memory_space<hbm>>) dst(%arg11 : memref<8x2048xf32, #tpu.memory_space<vmem>>)
    %add3A_916 = arith.constant 328 : i32
    %add3A_917 = arith.addi %mul3A_2, %add3A_916 : i32
    %dma_start3A_918 = arith.constant 0 : i32
    %dma_start3A_919 = tpu.memref_slice %arg4[%add3A_917, %dma_start3A_918] : memref<16384x2048xf32, #tpu.memory_space<hbm>> -> memref<8x2048xf32, #tpu.memory_space<hbm>>
    %dma_start3A_920 = arith.constant 0 : i32
    %dma_start3A_921 = tpu.memref_slice %arg4[%add3A_917, %dma_start3A_920] : memref<16384x2048xf32, #tpu.memory_space<hbm>> -> memref<8x2048xf32, #tpu.memory_space<hbm>>
    tpu.enqueue_dma source(%arg11 : memref<8x2048xf32, #tpu.memory_space<vmem>>) target(%dma_start3A_921 : memref<8x2048xf32, #tpu.memory_space<hbm>>) target_semaphore(%arg23 : memref<!tpu.dma_semaphore, #tpu.memory_space<semaphore_mem>>)
    %add3A_922 = arith.constant 312 : i32
    %add3A_923 = arith.addi %mul3A_2, %add3A_922 : i32
    %dma_wait3A_924 = arith.constant 0 : i32
    %dma_wait3A_925 = tpu.memref_slice %arg4[%add3A_923, %dma_wait3A_924] : memref<16384x2048xf32, #tpu.memory_space<hbm>> -> memref<8x2048xf32, #tpu.memory_space<hbm>>
    %dma_wait3A_926 = arith.constant 0 : i32
    %dma_wait3A_927 = tpu.memref_slice %arg4[%add3A_923, %dma_wait3A_926] : memref<16384x2048xf32, #tpu.memory_space<hbm>> -> memref<8x2048xf32, #tpu.memory_space<hbm>>
    tpu.wait_dma2 semaphore(%arg21 : memref<!tpu.dma_semaphore, #tpu.memory_space<semaphore_mem>>) src(%arg9 : memref<8x2048xf32, #tpu.memory_space<vmem>>) dst(%dma_wait3A_927 : memref<8x2048xf32, #tpu.memory_space<hbm>>)
    %dma_start3A_928 = arith.constant 360 : i32
    %dma_start3A_929 = tpu.memref_slice %arg5[%dma_start3A_928] : memref<512xi32, #tpu.memory_space<vmem>> -> memref<8xi32, #tpu.memory_space<vmem>>
    %dma_start3A_930 = arith.constant 0 : i32
    %dma_start3A_931 = arith.constant 0 : i32
    %dma_start3A_932 = tpu.memref_slice %arg2[%dma_start3A_930, %dma_start3A_931] : memref<16384x2048xf32, #tpu.memory_space<hbm>> -> memref<16384x2048xf32, #tpu.memory_space<hbm>>
    tpu.enqueue_indirect_dma source(%dma_start3A_932 : memref<16384x2048xf32, #tpu.memory_space<hbm>>) target(%arg9 : memref<8x2048xf32, #tpu.memory_space<vmem>>) offsets(%dma_start3A_929 : memref<8xi32, #tpu.memory_space<vmem>>) semaphore(%arg15 : memref<!tpu.dma_semaphore, #tpu.memory_space<semaphore_mem>>)
    %dma_wait3A_933 = arith.constant 336 : i32
    %dma_wait3A_934 = tpu.memref_slice %arg5[%dma_wait3A_933] : memref<512xi32, #tpu.memory_space<vmem>> -> memref<8xi32, #tpu.memory_space<vmem>>
    %dma_wait3A_935 = arith.constant 0 : i32
    %dma_wait3A_936 = arith.constant 0 : i32
    %dma_wait3A_937 = tpu.memref_slice %arg2[%dma_wait3A_935, %dma_wait3A_936] : memref<16384x2048xf32, #tpu.memory_space<hbm>> -> memref<16384x2048xf32, #tpu.memory_space<hbm>>
    tpu.wait_indirect_dma semaphore(%arg12 : memref<!tpu.dma_semaphore, #tpu.memory_space<semaphore_mem>>) src(%dma_wait3A_937 : memref<16384x2048xf32, #tpu.memory_space<hbm>>) dst(%arg6 : memref<8x2048xf32, #tpu.memory_space<vmem>>)
    %add3A_938 = arith.constant 336 : i32
    %add3A_939 = arith.addi %mul3A_2, %add3A_938 : i32
    %dma_start3A_940 = arith.constant 0 : i32
    %dma_start3A_941 = tpu.memref_slice %arg4[%add3A_939, %dma_start3A_940] : memref<16384x2048xf32, #tpu.memory_space<hbm>> -> memref<8x2048xf32, #tpu.memory_space<hbm>>
    %dma_start3A_942 = arith.constant 0 : i32
    %dma_start3A_943 = tpu.memref_slice %arg4[%add3A_939, %dma_start3A_942] : memref<16384x2048xf32, #tpu.memory_space<hbm>> -> memref<8x2048xf32, #tpu.memory_space<hbm>>
    tpu.enqueue_dma source(%arg6 : memref<8x2048xf32, #tpu.memory_space<vmem>>) target(%dma_start3A_943 : memref<8x2048xf32, #tpu.memory_space<hbm>>) target_semaphore(%arg18 : memref<!tpu.dma_semaphore, #tpu.memory_space<semaphore_mem>>)
    %add3A_944 = arith.constant 320 : i32
    %add3A_945 = arith.addi %mul3A_2, %add3A_944 : i32
    %dma_wait3A_946 = arith.constant 0 : i32
    %dma_wait3A_947 = tpu.memref_slice %arg4[%add3A_945, %dma_wait3A_946] : memref<16384x2048xf32, #tpu.memory_space<hbm>> -> memref<8x2048xf32, #tpu.memory_space<hbm>>
    %dma_wait3A_948 = arith.constant 0 : i32
    %dma_wait3A_949 = tpu.memref_slice %arg4[%add3A_945, %dma_wait3A_948] : memref<16384x2048xf32, #tpu.memory_space<hbm>> -> memref<8x2048xf32, #tpu.memory_space<hbm>>
    tpu.wait_dma2 semaphore(%arg22 : memref<!tpu.dma_semaphore, #tpu.memory_space<semaphore_mem>>) src(%arg10 : memref<8x2048xf32, #tpu.memory_space<vmem>>) dst(%dma_wait3A_949 : memref<8x2048xf32, #tpu.memory_space<hbm>>)
    %dma_start3A_950 = arith.constant 368 : i32
    %dma_start3A_951 = tpu.memref_slice %arg5[%dma_start3A_950] : memref<512xi32, #tpu.memory_space<vmem>> -> memref<8xi32, #tpu.memory_space<vmem>>
    %dma_start3A_952 = arith.constant 0 : i32
    %dma_start3A_953 = arith.constant 0 : i32
    %dma_start3A_954 = tpu.memref_slice %arg2[%dma_start3A_952, %dma_start3A_953] : memref<16384x2048xf32, #tpu.memory_space<hbm>> -> memref<16384x2048xf32, #tpu.memory_space<hbm>>
    tpu.enqueue_indirect_dma source(%dma_start3A_954 : memref<16384x2048xf32, #tpu.memory_space<hbm>>) target(%arg10 : memref<8x2048xf32, #tpu.memory_space<vmem>>) offsets(%dma_start3A_951 : memref<8xi32, #tpu.memory_space<vmem>>) semaphore(%arg16 : memref<!tpu.dma_semaphore, #tpu.memory_space<semaphore_mem>>)
    %dma_wait3A_955 = arith.constant 344 : i32
    %dma_wait3A_956 = tpu.memref_slice %arg5[%dma_wait3A_955] : memref<512xi32, #tpu.memory_space<vmem>> -> memref<8xi32, #tpu.memory_space<vmem>>
    %dma_wait3A_957 = arith.constant 0 : i32
    %dma_wait3A_958 = arith.constant 0 : i32
    %dma_wait3A_959 = tpu.memref_slice %arg2[%dma_wait3A_957, %dma_wait3A_958] : memref<16384x2048xf32, #tpu.memory_space<hbm>> -> memref<16384x2048xf32, #tpu.memory_space<hbm>>
    tpu.wait_indirect_dma semaphore(%arg13 : memref<!tpu.dma_semaphore, #tpu.memory_space<semaphore_mem>>) src(%dma_wait3A_959 : memref<16384x2048xf32, #tpu.memory_space<hbm>>) dst(%arg7 : memref<8x2048xf32, #tpu.memory_space<vmem>>)
    %add3A_960 = arith.constant 344 : i32
    %add3A_961 = arith.addi %mul3A_2, %add3A_960 : i32
    %dma_start3A_962 = arith.constant 0 : i32
    %dma_start3A_963 = tpu.memref_slice %arg4[%add3A_961, %dma_start3A_962] : memref<16384x2048xf32, #tpu.memory_space<hbm>> -> memref<8x2048xf32, #tpu.memory_space<hbm>>
    %dma_start3A_964 = arith.constant 0 : i32
    %dma_start3A_965 = tpu.memref_slice %arg4[%add3A_961, %dma_start3A_964] : memref<16384x2048xf32, #tpu.memory_space<hbm>> -> memref<8x2048xf32, #tpu.memory_space<hbm>>
    tpu.enqueue_dma source(%arg7 : memref<8x2048xf32, #tpu.memory_space<vmem>>) target(%dma_start3A_965 : memref<8x2048xf32, #tpu.memory_space<hbm>>) target_semaphore(%arg19 : memref<!tpu.dma_semaphore, #tpu.memory_space<semaphore_mem>>)
    %add3A_966 = arith.constant 328 : i32
    %add3A_967 = arith.addi %mul3A_2, %add3A_966 : i32
    %dma_wait3A_968 = arith.constant 0 : i32
    %dma_wait3A_969 = tpu.memref_slice %arg4[%add3A_967, %dma_wait3A_968] : memref<16384x2048xf32, #tpu.memory_space<hbm>> -> memref<8x2048xf32, #tpu.memory_space<hbm>>
    %dma_wait3A_970 = arith.constant 0 : i32
    %dma_wait3A_971 = tpu.memref_slice %arg4[%add3A_967, %dma_wait3A_970] : memref<16384x2048xf32, #tpu.memory_space<hbm>> -> memref<8x2048xf32, #tpu.memory_space<hbm>>
    tpu.wait_dma2 semaphore(%arg23 : memref<!tpu.dma_semaphore, #tpu.memory_space<semaphore_mem>>) src(%arg11 : memref<8x2048xf32, #tpu.memory_space<vmem>>) dst(%dma_wait3A_971 : memref<8x2048xf32, #tpu.memory_space<hbm>>)
    %dma_start3A_972 = arith.constant 376 : i32
    %dma_start3A_973 = tpu.memref_slice %arg5[%dma_start3A_972] : memref<512xi32, #tpu.memory_space<vmem>> -> memref<8xi32, #tpu.memory_space<vmem>>
    %dma_start3A_974 = arith.constant 0 : i32
    %dma_start3A_975 = arith.constant 0 : i32
    %dma_start3A_976 = tpu.memref_slice %arg2[%dma_start3A_974, %dma_start3A_975] : memref<16384x2048xf32, #tpu.memory_space<hbm>> -> memref<16384x2048xf32, #tpu.memory_space<hbm>>
    tpu.enqueue_indirect_dma source(%dma_start3A_976 : memref<16384x2048xf32, #tpu.memory_space<hbm>>) target(%arg11 : memref<8x2048xf32, #tpu.memory_space<vmem>>) offsets(%dma_start3A_973 : memref<8xi32, #tpu.memory_space<vmem>>) semaphore(%arg17 : memref<!tpu.dma_semaphore, #tpu.memory_space<semaphore_mem>>)
    %dma_wait3A_977 = arith.constant 352 : i32
    %dma_wait3A_978 = tpu.memref_slice %arg5[%dma_wait3A_977] : memref<512xi32, #tpu.memory_space<vmem>> -> memref<8xi32, #tpu.memory_space<vmem>>
    %dma_wait3A_979 = arith.constant 0 : i32
    %dma_wait3A_980 = arith.constant 0 : i32
    %dma_wait3A_981 = tpu.memref_slice %arg2[%dma_wait3A_979, %dma_wait3A_980] : memref<16384x2048xf32, #tpu.memory_space<hbm>> -> memref<16384x2048xf32, #tpu.memory_space<hbm>>
    tpu.wait_indirect_dma semaphore(%arg14 : memref<!tpu.dma_semaphore, #tpu.memory_space<semaphore_mem>>) src(%dma_wait3A_981 : memref<16384x2048xf32, #tpu.memory_space<hbm>>) dst(%arg8 : memref<8x2048xf32, #tpu.memory_space<vmem>>)
    %add3A_982 = arith.constant 352 : i32
    %add3A_983 = arith.addi %mul3A_2, %add3A_982 : i32
    %dma_start3A_984 = arith.constant 0 : i32
    %dma_start3A_985 = tpu.memref_slice %arg4[%add3A_983, %dma_start3A_984] : memref<16384x2048xf32, #tpu.memory_space<hbm>> -> memref<8x2048xf32, #tpu.memory_space<hbm>>
    %dma_start3A_986 = arith.constant 0 : i32
    %dma_start3A_987 = tpu.memref_slice %arg4[%add3A_983, %dma_start3A_986] : memref<16384x2048xf32, #tpu.memory_space<hbm>> -> memref<8x2048xf32, #tpu.memory_space<hbm>>
    tpu.enqueue_dma source(%arg8 : memref<8x2048xf32, #tpu.memory_space<vmem>>) target(%dma_start3A_987 : memref<8x2048xf32, #tpu.memory_space<hbm>>) target_semaphore(%arg20 : memref<!tpu.dma_semaphore, #tpu.memory_space<semaphore_mem>>)
    %add3A_988 = arith.constant 336 : i32
    %add3A_989 = arith.addi %mul3A_2, %add3A_988 : i32
    %dma_wait3A_990 = arith.constant 0 : i32
    %dma_wait3A_991 = tpu.memref_slice %arg4[%add3A_989, %dma_wait3A_990] : memref<16384x2048xf32, #tpu.memory_space<hbm>> -> memref<8x2048xf32, #tpu.memory_space<hbm>>
    %dma_wait3A_992 = arith.constant 0 : i32
    %dma_wait3A_993 = tpu.memref_slice %arg4[%add3A_989, %dma_wait3A_992] : memref<16384x2048xf32, #tpu.memory_space<hbm>> -> memref<8x2048xf32, #tpu.memory_space<hbm>>
    tpu.wait_dma2 semaphore(%arg18 : memref<!tpu.dma_semaphore, #tpu.memory_space<semaphore_mem>>) src(%arg6 : memref<8x2048xf32, #tpu.memory_space<vmem>>) dst(%dma_wait3A_993 : memref<8x2048xf32, #tpu.memory_space<hbm>>)
    %dma_start3A_994 = arith.constant 384 : i32
    %dma_start3A_995 = tpu.memref_slice %arg5[%dma_start3A_994] : memref<512xi32, #tpu.memory_space<vmem>> -> memref<8xi32, #tpu.memory_space<vmem>>
    %dma_start3A_996 = arith.constant 0 : i32
    %dma_start3A_997 = arith.constant 0 : i32
    %dma_start3A_998 = tpu.memref_slice %arg2[%dma_start3A_996, %dma_start3A_997] : memref<16384x2048xf32, #tpu.memory_space<hbm>> -> memref<16384x2048xf32, #tpu.memory_space<hbm>>
    tpu.enqueue_indirect_dma source(%dma_start3A_998 : memref<16384x2048xf32, #tpu.memory_space<hbm>>) target(%arg6 : memref<8x2048xf32, #tpu.memory_space<vmem>>) offsets(%dma_start3A_995 : memref<8xi32, #tpu.memory_space<vmem>>) semaphore(%arg12 : memref<!tpu.dma_semaphore, #tpu.memory_space<semaphore_mem>>)
    %dma_wait3A_999 = arith.constant 360 : i32
    %dma_wait3A_1000 = tpu.memref_slice %arg5[%dma_wait3A_999] : memref<512xi32, #tpu.memory_space<vmem>> -> memref<8xi32, #tpu.memory_space<vmem>>
    %dma_wait3A_1001 = arith.constant 0 : i32
    %dma_wait3A_1002 = arith.constant 0 : i32
    %dma_wait3A_1003 = tpu.memref_slice %arg2[%dma_wait3A_1001, %dma_wait3A_1002] : memref<16384x2048xf32, #tpu.memory_space<hbm>> -> memref<16384x2048xf32, #tpu.memory_space<hbm>>
    tpu.wait_indirect_dma semaphore(%arg15 : memref<!tpu.dma_semaphore, #tpu.memory_space<semaphore_mem>>) src(%dma_wait3A_1003 : memref<16384x2048xf32, #tpu.memory_space<hbm>>) dst(%arg9 : memref<8x2048xf32, #tpu.memory_space<vmem>>)
    %add3A_1004 = arith.constant 360 : i32
    %add3A_1005 = arith.addi %mul3A_2, %add3A_1004 : i32
    %dma_start3A_1006 = arith.constant 0 : i32
    %dma_start3A_1007 = tpu.memref_slice %arg4[%add3A_1005, %dma_start3A_1006] : memref<16384x2048xf32, #tpu.memory_space<hbm>> -> memref<8x2048xf32, #tpu.memory_space<hbm>>
    %dma_start3A_1008 = arith.constant 0 : i32
    %dma_start3A_1009 = tpu.memref_slice %arg4[%add3A_1005, %dma_start3A_1008] : memref<16384x2048xf32, #tpu.memory_space<hbm>> -> memref<8x2048xf32, #tpu.memory_space<hbm>>
    tpu.enqueue_dma source(%arg9 : memref<8x2048xf32, #tpu.memory_space<vmem>>) target(%dma_start3A_1009 : memref<8x2048xf32, #tpu.memory_space<hbm>>) target_semaphore(%arg21 : memref<!tpu.dma_semaphore, #tpu.memory_space<semaphore_mem>>)
    %add3A_1010 = arith.constant 344 : i32
    %add3A_1011 = arith.addi %mul3A_2, %add3A_1010 : i32
    %dma_wait3A_1012 = arith.constant 0 : i32
    %dma_wait3A_1013 = tpu.memref_slice %arg4[%add3A_1011, %dma_wait3A_1012] : memref<16384x2048xf32, #tpu.memory_space<hbm>> -> memref<8x2048xf32, #tpu.memory_space<hbm>>
    %dma_wait3A_1014 = arith.constant 0 : i32
    %dma_wait3A_1015 = tpu.memref_slice %arg4[%add3A_1011, %dma_wait3A_1014] : memref<16384x2048xf32, #tpu.memory_space<hbm>> -> memref<8x2048xf32, #tpu.memory_space<hbm>>
    tpu.wait_dma2 semaphore(%arg19 : memref<!tpu.dma_semaphore, #tpu.memory_space<semaphore_mem>>) src(%arg7 : memref<8x2048xf32, #tpu.memory_space<vmem>>) dst(%dma_wait3A_1015 : memref<8x2048xf32, #tpu.memory_space<hbm>>)
    %dma_start3A_1016 = arith.constant 392 : i32
    %dma_start3A_1017 = tpu.memref_slice %arg5[%dma_start3A_1016] : memref<512xi32, #tpu.memory_space<vmem>> -> memref<8xi32, #tpu.memory_space<vmem>>
    %dma_start3A_1018 = arith.constant 0 : i32
    %dma_start3A_1019 = arith.constant 0 : i32
    %dma_start3A_1020 = tpu.memref_slice %arg2[%dma_start3A_1018, %dma_start3A_1019] : memref<16384x2048xf32, #tpu.memory_space<hbm>> -> memref<16384x2048xf32, #tpu.memory_space<hbm>>
    tpu.enqueue_indirect_dma source(%dma_start3A_1020 : memref<16384x2048xf32, #tpu.memory_space<hbm>>) target(%arg7 : memref<8x2048xf32, #tpu.memory_space<vmem>>) offsets(%dma_start3A_1017 : memref<8xi32, #tpu.memory_space<vmem>>) semaphore(%arg13 : memref<!tpu.dma_semaphore, #tpu.memory_space<semaphore_mem>>)
    %dma_wait3A_1021 = arith.constant 368 : i32
    %dma_wait3A_1022 = tpu.memref_slice %arg5[%dma_wait3A_1021] : memref<512xi32, #tpu.memory_space<vmem>> -> memref<8xi32, #tpu.memory_space<vmem>>
    %dma_wait3A_1023 = arith.constant 0 : i32
    %dma_wait3A_1024 = arith.constant 0 : i32
    %dma_wait3A_1025 = tpu.memref_slice %arg2[%dma_wait3A_1023, %dma_wait3A_1024] : memref<16384x2048xf32, #tpu.memory_space<hbm>> -> memref<16384x2048xf32, #tpu.memory_space<hbm>>
    tpu.wait_indirect_dma semaphore(%arg16 : memref<!tpu.dma_semaphore, #tpu.memory_space<semaphore_mem>>) src(%dma_wait3A_1025 : memref<16384x2048xf32, #tpu.memory_space<hbm>>) dst(%arg10 : memref<8x2048xf32, #tpu.memory_space<vmem>>)
    %add3A_1026 = arith.constant 368 : i32
    %add3A_1027 = arith.addi %mul3A_2, %add3A_1026 : i32
    %dma_start3A_1028 = arith.constant 0 : i32
    %dma_start3A_1029 = tpu.memref_slice %arg4[%add3A_1027, %dma_start3A_1028] : memref<16384x2048xf32, #tpu.memory_space<hbm>> -> memref<8x2048xf32, #tpu.memory_space<hbm>>
    %dma_start3A_1030 = arith.constant 0 : i32
    %dma_start3A_1031 = tpu.memref_slice %arg4[%add3A_1027, %dma_start3A_1030] : memref<16384x2048xf32, #tpu.memory_space<hbm>> -> memref<8x2048xf32, #tpu.memory_space<hbm>>
    tpu.enqueue_dma source(%arg10 : memref<8x2048xf32, #tpu.memory_space<vmem>>) target(%dma_start3A_1031 : memref<8x2048xf32, #tpu.memory_space<hbm>>) target_semaphore(%arg22 : memref<!tpu.dma_semaphore, #tpu.memory_space<semaphore_mem>>)
    %add3A_1032 = arith.constant 352 : i32
    %add3A_1033 = arith.addi %mul3A_2, %add3A_1032 : i32
    %dma_wait3A_1034 = arith.constant 0 : i32
    %dma_wait3A_1035 = tpu.memref_slice %arg4[%add3A_1033, %dma_wait3A_1034] : memref<16384x2048xf32, #tpu.memory_space<hbm>> -> memref<8x2048xf32, #tpu.memory_space<hbm>>
    %dma_wait3A_1036 = arith.constant 0 : i32
    %dma_wait3A_1037 = tpu.memref_slice %arg4[%add3A_1033, %dma_wait3A_1036] : memref<16384x2048xf32, #tpu.memory_space<hbm>> -> memref<8x2048xf32, #tpu.memory_space<hbm>>
    tpu.wait_dma2 semaphore(%arg20 : memref<!tpu.dma_semaphore, #tpu.memory_space<semaphore_mem>>) src(%arg8 : memref<8x2048xf32, #tpu.memory_space<vmem>>) dst(%dma_wait3A_1037 : memref<8x2048xf32, #tpu.memory_space<hbm>>)
    %dma_start3A_1038 = arith.constant 400 : i32
    %dma_start3A_1039 = tpu.memref_slice %arg5[%dma_start3A_1038] : memref<512xi32, #tpu.memory_space<vmem>> -> memref<8xi32, #tpu.memory_space<vmem>>
    %dma_start3A_1040 = arith.constant 0 : i32
    %dma_start3A_1041 = arith.constant 0 : i32
    %dma_start3A_1042 = tpu.memref_slice %arg2[%dma_start3A_1040, %dma_start3A_1041] : memref<16384x2048xf32, #tpu.memory_space<hbm>> -> memref<16384x2048xf32, #tpu.memory_space<hbm>>
    tpu.enqueue_indirect_dma source(%dma_start3A_1042 : memref<16384x2048xf32, #tpu.memory_space<hbm>>) target(%arg8 : memref<8x2048xf32, #tpu.memory_space<vmem>>) offsets(%dma_start3A_1039 : memref<8xi32, #tpu.memory_space<vmem>>) semaphore(%arg14 : memref<!tpu.dma_semaphore, #tpu.memory_space<semaphore_mem>>)
    %dma_wait3A_1043 = arith.constant 376 : i32
    %dma_wait3A_1044 = tpu.memref_slice %arg5[%dma_wait3A_1043] : memref<512xi32, #tpu.memory_space<vmem>> -> memref<8xi32, #tpu.memory_space<vmem>>
    %dma_wait3A_1045 = arith.constant 0 : i32
    %dma_wait3A_1046 = arith.constant 0 : i32
    %dma_wait3A_1047 = tpu.memref_slice %arg2[%dma_wait3A_1045, %dma_wait3A_1046] : memref<16384x2048xf32, #tpu.memory_space<hbm>> -> memref<16384x2048xf32, #tpu.memory_space<hbm>>
    tpu.wait_indirect_dma semaphore(%arg17 : memref<!tpu.dma_semaphore, #tpu.memory_space<semaphore_mem>>) src(%dma_wait3A_1047 : memref<16384x2048xf32, #tpu.memory_space<hbm>>) dst(%arg11 : memref<8x2048xf32, #tpu.memory_space<vmem>>)
    %add3A_1048 = arith.constant 376 : i32
    %add3A_1049 = arith.addi %mul3A_2, %add3A_1048 : i32
    %dma_start3A_1050 = arith.constant 0 : i32
    %dma_start3A_1051 = tpu.memref_slice %arg4[%add3A_1049, %dma_start3A_1050] : memref<16384x2048xf32, #tpu.memory_space<hbm>> -> memref<8x2048xf32, #tpu.memory_space<hbm>>
    %dma_start3A_1052 = arith.constant 0 : i32
    %dma_start3A_1053 = tpu.memref_slice %arg4[%add3A_1049, %dma_start3A_1052] : memref<16384x2048xf32, #tpu.memory_space<hbm>> -> memref<8x2048xf32, #tpu.memory_space<hbm>>
    tpu.enqueue_dma source(%arg11 : memref<8x2048xf32, #tpu.memory_space<vmem>>) target(%dma_start3A_1053 : memref<8x2048xf32, #tpu.memory_space<hbm>>) target_semaphore(%arg23 : memref<!tpu.dma_semaphore, #tpu.memory_space<semaphore_mem>>)
    %add3A_1054 = arith.constant 360 : i32
    %add3A_1055 = arith.addi %mul3A_2, %add3A_1054 : i32
    %dma_wait3A_1056 = arith.constant 0 : i32
    %dma_wait3A_1057 = tpu.memref_slice %arg4[%add3A_1055, %dma_wait3A_1056] : memref<16384x2048xf32, #tpu.memory_space<hbm>> -> memref<8x2048xf32, #tpu.memory_space<hbm>>
    %dma_wait3A_1058 = arith.constant 0 : i32
    %dma_wait3A_1059 = tpu.memref_slice %arg4[%add3A_1055, %dma_wait3A_1058] : memref<16384x2048xf32, #tpu.memory_space<hbm>> -> memref<8x2048xf32, #tpu.memory_space<hbm>>
    tpu.wait_dma2 semaphore(%arg21 : memref<!tpu.dma_semaphore, #tpu.memory_space<semaphore_mem>>) src(%arg9 : memref<8x2048xf32, #tpu.memory_space<vmem>>) dst(%dma_wait3A_1059 : memref<8x2048xf32, #tpu.memory_space<hbm>>)
    %dma_start3A_1060 = arith.constant 408 : i32
    %dma_start3A_1061 = tpu.memref_slice %arg5[%dma_start3A_1060] : memref<512xi32, #tpu.memory_space<vmem>> -> memref<8xi32, #tpu.memory_space<vmem>>
    %dma_start3A_1062 = arith.constant 0 : i32
    %dma_start3A_1063 = arith.constant 0 : i32
    %dma_start3A_1064 = tpu.memref_slice %arg2[%dma_start3A_1062, %dma_start3A_1063] : memref<16384x2048xf32, #tpu.memory_space<hbm>> -> memref<16384x2048xf32, #tpu.memory_space<hbm>>
    tpu.enqueue_indirect_dma source(%dma_start3A_1064 : memref<16384x2048xf32, #tpu.memory_space<hbm>>) target(%arg9 : memref<8x2048xf32, #tpu.memory_space<vmem>>) offsets(%dma_start3A_1061 : memref<8xi32, #tpu.memory_space<vmem>>) semaphore(%arg15 : memref<!tpu.dma_semaphore, #tpu.memory_space<semaphore_mem>>)
    %dma_wait3A_1065 = arith.constant 384 : i32
    %dma_wait3A_1066 = tpu.memref_slice %arg5[%dma_wait3A_1065] : memref<512xi32, #tpu.memory_space<vmem>> -> memref<8xi32, #tpu.memory_space<vmem>>
    %dma_wait3A_1067 = arith.constant 0 : i32
    %dma_wait3A_1068 = arith.constant 0 : i32
    %dma_wait3A_1069 = tpu.memref_slice %arg2[%dma_wait3A_1067, %dma_wait3A_1068] : memref<16384x2048xf32, #tpu.memory_space<hbm>> -> memref<16384x2048xf32, #tpu.memory_space<hbm>>
    tpu.wait_indirect_dma semaphore(%arg12 : memref<!tpu.dma_semaphore, #tpu.memory_space<semaphore_mem>>) src(%dma_wait3A_1069 : memref<16384x2048xf32, #tpu.memory_space<hbm>>) dst(%arg6 : memref<8x2048xf32, #tpu.memory_space<vmem>>)
    %add3A_1070 = arith.constant 384 : i32
    %add3A_1071 = arith.addi %mul3A_2, %add3A_1070 : i32
    %dma_start3A_1072 = arith.constant 0 : i32
    %dma_start3A_1073 = tpu.memref_slice %arg4[%add3A_1071, %dma_start3A_1072] : memref<16384x2048xf32, #tpu.memory_space<hbm>> -> memref<8x2048xf32, #tpu.memory_space<hbm>>
    %dma_start3A_1074 = arith.constant 0 : i32
    %dma_start3A_1075 = tpu.memref_slice %arg4[%add3A_1071, %dma_start3A_1074] : memref<16384x2048xf32, #tpu.memory_space<hbm>> -> memref<8x2048xf32, #tpu.memory_space<hbm>>
    tpu.enqueue_dma source(%arg6 : memref<8x2048xf32, #tpu.memory_space<vmem>>) target(%dma_start3A_1075 : memref<8x2048xf32, #tpu.memory_space<hbm>>) target_semaphore(%arg18 : memref<!tpu.dma_semaphore, #tpu.memory_space<semaphore_mem>>)
    %add3A_1076 = arith.constant 368 : i32
    %add3A_1077 = arith.addi %mul3A_2, %add3A_1076 : i32
    %dma_wait3A_1078 = arith.constant 0 : i32
    %dma_wait3A_1079 = tpu.memref_slice %arg4[%add3A_1077, %dma_wait3A_1078] : memref<16384x2048xf32, #tpu.memory_space<hbm>> -> memref<8x2048xf32, #tpu.memory_space<hbm>>
    %dma_wait3A_1080 = arith.constant 0 : i32
    %dma_wait3A_1081 = tpu.memref_slice %arg4[%add3A_1077, %dma_wait3A_1080] : memref<16384x2048xf32, #tpu.memory_space<hbm>> -> memref<8x2048xf32, #tpu.memory_space<hbm>>
    tpu.wait_dma2 semaphore(%arg22 : memref<!tpu.dma_semaphore, #tpu.memory_space<semaphore_mem>>) src(%arg10 : memref<8x2048xf32, #tpu.memory_space<vmem>>) dst(%dma_wait3A_1081 : memref<8x2048xf32, #tpu.memory_space<hbm>>)
    %dma_start3A_1082 = arith.constant 416 : i32
    %dma_start3A_1083 = tpu.memref_slice %arg5[%dma_start3A_1082] : memref<512xi32, #tpu.memory_space<vmem>> -> memref<8xi32, #tpu.memory_space<vmem>>
    %dma_start3A_1084 = arith.constant 0 : i32
    %dma_start3A_1085 = arith.constant 0 : i32
    %dma_start3A_1086 = tpu.memref_slice %arg2[%dma_start3A_1084, %dma_start3A_1085] : memref<16384x2048xf32, #tpu.memory_space<hbm>> -> memref<16384x2048xf32, #tpu.memory_space<hbm>>
    tpu.enqueue_indirect_dma source(%dma_start3A_1086 : memref<16384x2048xf32, #tpu.memory_space<hbm>>) target(%arg10 : memref<8x2048xf32, #tpu.memory_space<vmem>>) offsets(%dma_start3A_1083 : memref<8xi32, #tpu.memory_space<vmem>>) semaphore(%arg16 : memref<!tpu.dma_semaphore, #tpu.memory_space<semaphore_mem>>)
    %dma_wait3A_1087 = arith.constant 392 : i32
    %dma_wait3A_1088 = tpu.memref_slice %arg5[%dma_wait3A_1087] : memref<512xi32, #tpu.memory_space<vmem>> -> memref<8xi32, #tpu.memory_space<vmem>>
    %dma_wait3A_1089 = arith.constant 0 : i32
    %dma_wait3A_1090 = arith.constant 0 : i32
    %dma_wait3A_1091 = tpu.memref_slice %arg2[%dma_wait3A_1089, %dma_wait3A_1090] : memref<16384x2048xf32, #tpu.memory_space<hbm>> -> memref<16384x2048xf32, #tpu.memory_space<hbm>>
    tpu.wait_indirect_dma semaphore(%arg13 : memref<!tpu.dma_semaphore, #tpu.memory_space<semaphore_mem>>) src(%dma_wait3A_1091 : memref<16384x2048xf32, #tpu.memory_space<hbm>>) dst(%arg7 : memref<8x2048xf32, #tpu.memory_space<vmem>>)
    %add3A_1092 = arith.constant 392 : i32
    %add3A_1093 = arith.addi %mul3A_2, %add3A_1092 : i32
    %dma_start3A_1094 = arith.constant 0 : i32
    %dma_start3A_1095 = tpu.memref_slice %arg4[%add3A_1093, %dma_start3A_1094] : memref<16384x2048xf32, #tpu.memory_space<hbm>> -> memref<8x2048xf32, #tpu.memory_space<hbm>>
    %dma_start3A_1096 = arith.constant 0 : i32
    %dma_start3A_1097 = tpu.memref_slice %arg4[%add3A_1093, %dma_start3A_1096] : memref<16384x2048xf32, #tpu.memory_space<hbm>> -> memref<8x2048xf32, #tpu.memory_space<hbm>>
    tpu.enqueue_dma source(%arg7 : memref<8x2048xf32, #tpu.memory_space<vmem>>) target(%dma_start3A_1097 : memref<8x2048xf32, #tpu.memory_space<hbm>>) target_semaphore(%arg19 : memref<!tpu.dma_semaphore, #tpu.memory_space<semaphore_mem>>)
    %add3A_1098 = arith.constant 376 : i32
    %add3A_1099 = arith.addi %mul3A_2, %add3A_1098 : i32
    %dma_wait3A_1100 = arith.constant 0 : i32
    %dma_wait3A_1101 = tpu.memref_slice %arg4[%add3A_1099, %dma_wait3A_1100] : memref<16384x2048xf32, #tpu.memory_space<hbm>> -> memref<8x2048xf32, #tpu.memory_space<hbm>>
    %dma_wait3A_1102 = arith.constant 0 : i32
    %dma_wait3A_1103 = tpu.memref_slice %arg4[%add3A_1099, %dma_wait3A_1102] : memref<16384x2048xf32, #tpu.memory_space<hbm>> -> memref<8x2048xf32, #tpu.memory_space<hbm>>
    tpu.wait_dma2 semaphore(%arg23 : memref<!tpu.dma_semaphore, #tpu.memory_space<semaphore_mem>>) src(%arg11 : memref<8x2048xf32, #tpu.memory_space<vmem>>) dst(%dma_wait3A_1103 : memref<8x2048xf32, #tpu.memory_space<hbm>>)
    %dma_start3A_1104 = arith.constant 424 : i32
    %dma_start3A_1105 = tpu.memref_slice %arg5[%dma_start3A_1104] : memref<512xi32, #tpu.memory_space<vmem>> -> memref<8xi32, #tpu.memory_space<vmem>>
    %dma_start3A_1106 = arith.constant 0 : i32
    %dma_start3A_1107 = arith.constant 0 : i32
    %dma_start3A_1108 = tpu.memref_slice %arg2[%dma_start3A_1106, %dma_start3A_1107] : memref<16384x2048xf32, #tpu.memory_space<hbm>> -> memref<16384x2048xf32, #tpu.memory_space<hbm>>
    tpu.enqueue_indirect_dma source(%dma_start3A_1108 : memref<16384x2048xf32, #tpu.memory_space<hbm>>) target(%arg11 : memref<8x2048xf32, #tpu.memory_space<vmem>>) offsets(%dma_start3A_1105 : memref<8xi32, #tpu.memory_space<vmem>>) semaphore(%arg17 : memref<!tpu.dma_semaphore, #tpu.memory_space<semaphore_mem>>)
    %dma_wait3A_1109 = arith.constant 400 : i32
    %dma_wait3A_1110 = tpu.memref_slice %arg5[%dma_wait3A_1109] : memref<512xi32, #tpu.memory_space<vmem>> -> memref<8xi32, #tpu.memory_space<vmem>>
    %dma_wait3A_1111 = arith.constant 0 : i32
    %dma_wait3A_1112 = arith.constant 0 : i32
    %dma_wait3A_1113 = tpu.memref_slice %arg2[%dma_wait3A_1111, %dma_wait3A_1112] : memref<16384x2048xf32, #tpu.memory_space<hbm>> -> memref<16384x2048xf32, #tpu.memory_space<hbm>>
    tpu.wait_indirect_dma semaphore(%arg14 : memref<!tpu.dma_semaphore, #tpu.memory_space<semaphore_mem>>) src(%dma_wait3A_1113 : memref<16384x2048xf32, #tpu.memory_space<hbm>>) dst(%arg8 : memref<8x2048xf32, #tpu.memory_space<vmem>>)
    %add3A_1114 = arith.constant 400 : i32
    %add3A_1115 = arith.addi %mul3A_2, %add3A_1114 : i32
    %dma_start3A_1116 = arith.constant 0 : i32
    %dma_start3A_1117 = tpu.memref_slice %arg4[%add3A_1115, %dma_start3A_1116] : memref<16384x2048xf32, #tpu.memory_space<hbm>> -> memref<8x2048xf32, #tpu.memory_space<hbm>>
    %dma_start3A_1118 = arith.constant 0 : i32
    %dma_start3A_1119 = tpu.memref_slice %arg4[%add3A_1115, %dma_start3A_1118] : memref<16384x2048xf32, #tpu.memory_space<hbm>> -> memref<8x2048xf32, #tpu.memory_space<hbm>>
    tpu.enqueue_dma source(%arg8 : memref<8x2048xf32, #tpu.memory_space<vmem>>) target(%dma_start3A_1119 : memref<8x2048xf32, #tpu.memory_space<hbm>>) target_semaphore(%arg20 : memref<!tpu.dma_semaphore, #tpu.memory_space<semaphore_mem>>)
    %add3A_1120 = arith.constant 384 : i32
    %add3A_1121 = arith.addi %mul3A_2, %add3A_1120 : i32
    %dma_wait3A_1122 = arith.constant 0 : i32
    %dma_wait3A_1123 = tpu.memref_slice %arg4[%add3A_1121, %dma_wait3A_1122] : memref<16384x2048xf32, #tpu.memory_space<hbm>> -> memref<8x2048xf32, #tpu.memory_space<hbm>>
    %dma_wait3A_1124 = arith.constant 0 : i32
    %dma_wait3A_1125 = tpu.memref_slice %arg4[%add3A_1121, %dma_wait3A_1124] : memref<16384x2048xf32, #tpu.memory_space<hbm>> -> memref<8x2048xf32, #tpu.memory_space<hbm>>
    tpu.wait_dma2 semaphore(%arg18 : memref<!tpu.dma_semaphore, #tpu.memory_space<semaphore_mem>>) src(%arg6 : memref<8x2048xf32, #tpu.memory_space<vmem>>) dst(%dma_wait3A_1125 : memref<8x2048xf32, #tpu.memory_space<hbm>>)
    %dma_start3A_1126 = arith.constant 432 : i32
    %dma_start3A_1127 = tpu.memref_slice %arg5[%dma_start3A_1126] : memref<512xi32, #tpu.memory_space<vmem>> -> memref<8xi32, #tpu.memory_space<vmem>>
    %dma_start3A_1128 = arith.constant 0 : i32
    %dma_start3A_1129 = arith.constant 0 : i32
    %dma_start3A_1130 = tpu.memref_slice %arg2[%dma_start3A_1128, %dma_start3A_1129] : memref<16384x2048xf32, #tpu.memory_space<hbm>> -> memref<16384x2048xf32, #tpu.memory_space<hbm>>
    tpu.enqueue_indirect_dma source(%dma_start3A_1130 : memref<16384x2048xf32, #tpu.memory_space<hbm>>) target(%arg6 : memref<8x2048xf32, #tpu.memory_space<vmem>>) offsets(%dma_start3A_1127 : memref<8xi32, #tpu.memory_space<vmem>>) semaphore(%arg12 : memref<!tpu.dma_semaphore, #tpu.memory_space<semaphore_mem>>)
    %dma_wait3A_1131 = arith.constant 408 : i32
    %dma_wait3A_1132 = tpu.memref_slice %arg5[%dma_wait3A_1131] : memref<512xi32, #tpu.memory_space<vmem>> -> memref<8xi32, #tpu.memory_space<vmem>>
    %dma_wait3A_1133 = arith.constant 0 : i32
    %dma_wait3A_1134 = arith.constant 0 : i32
    %dma_wait3A_1135 = tpu.memref_slice %arg2[%dma_wait3A_1133, %dma_wait3A_1134] : memref<16384x2048xf32, #tpu.memory_space<hbm>> -> memref<16384x2048xf32, #tpu.memory_space<hbm>>
    tpu.wait_indirect_dma semaphore(%arg15 : memref<!tpu.dma_semaphore, #tpu.memory_space<semaphore_mem>>) src(%dma_wait3A_1135 : memref<16384x2048xf32, #tpu.memory_space<hbm>>) dst(%arg9 : memref<8x2048xf32, #tpu.memory_space<vmem>>)
    %add3A_1136 = arith.constant 408 : i32
    %add3A_1137 = arith.addi %mul3A_2, %add3A_1136 : i32
    %dma_start3A_1138 = arith.constant 0 : i32
    %dma_start3A_1139 = tpu.memref_slice %arg4[%add3A_1137, %dma_start3A_1138] : memref<16384x2048xf32, #tpu.memory_space<hbm>> -> memref<8x2048xf32, #tpu.memory_space<hbm>>
    %dma_start3A_1140 = arith.constant 0 : i32
    %dma_start3A_1141 = tpu.memref_slice %arg4[%add3A_1137, %dma_start3A_1140] : memref<16384x2048xf32, #tpu.memory_space<hbm>> -> memref<8x2048xf32, #tpu.memory_space<hbm>>
    tpu.enqueue_dma source(%arg9 : memref<8x2048xf32, #tpu.memory_space<vmem>>) target(%dma_start3A_1141 : memref<8x2048xf32, #tpu.memory_space<hbm>>) target_semaphore(%arg21 : memref<!tpu.dma_semaphore, #tpu.memory_space<semaphore_mem>>)
    %add3A_1142 = arith.constant 392 : i32
    %add3A_1143 = arith.addi %mul3A_2, %add3A_1142 : i32
    %dma_wait3A_1144 = arith.constant 0 : i32
    %dma_wait3A_1145 = tpu.memref_slice %arg4[%add3A_1143, %dma_wait3A_1144] : memref<16384x2048xf32, #tpu.memory_space<hbm>> -> memref<8x2048xf32, #tpu.memory_space<hbm>>
    %dma_wait3A_1146 = arith.constant 0 : i32
    %dma_wait3A_1147 = tpu.memref_slice %arg4[%add3A_1143, %dma_wait3A_1146] : memref<16384x2048xf32, #tpu.memory_space<hbm>> -> memref<8x2048xf32, #tpu.memory_space<hbm>>
    tpu.wait_dma2 semaphore(%arg19 : memref<!tpu.dma_semaphore, #tpu.memory_space<semaphore_mem>>) src(%arg7 : memref<8x2048xf32, #tpu.memory_space<vmem>>) dst(%dma_wait3A_1147 : memref<8x2048xf32, #tpu.memory_space<hbm>>)
    %dma_start3A_1148 = arith.constant 440 : i32
    %dma_start3A_1149 = tpu.memref_slice %arg5[%dma_start3A_1148] : memref<512xi32, #tpu.memory_space<vmem>> -> memref<8xi32, #tpu.memory_space<vmem>>
    %dma_start3A_1150 = arith.constant 0 : i32
    %dma_start3A_1151 = arith.constant 0 : i32
    %dma_start3A_1152 = tpu.memref_slice %arg2[%dma_start3A_1150, %dma_start3A_1151] : memref<16384x2048xf32, #tpu.memory_space<hbm>> -> memref<16384x2048xf32, #tpu.memory_space<hbm>>
    tpu.enqueue_indirect_dma source(%dma_start3A_1152 : memref<16384x2048xf32, #tpu.memory_space<hbm>>) target(%arg7 : memref<8x2048xf32, #tpu.memory_space<vmem>>) offsets(%dma_start3A_1149 : memref<8xi32, #tpu.memory_space<vmem>>) semaphore(%arg13 : memref<!tpu.dma_semaphore, #tpu.memory_space<semaphore_mem>>)
    %dma_wait3A_1153 = arith.constant 416 : i32
    %dma_wait3A_1154 = tpu.memref_slice %arg5[%dma_wait3A_1153] : memref<512xi32, #tpu.memory_space<vmem>> -> memref<8xi32, #tpu.memory_space<vmem>>
    %dma_wait3A_1155 = arith.constant 0 : i32
    %dma_wait3A_1156 = arith.constant 0 : i32
    %dma_wait3A_1157 = tpu.memref_slice %arg2[%dma_wait3A_1155, %dma_wait3A_1156] : memref<16384x2048xf32, #tpu.memory_space<hbm>> -> memref<16384x2048xf32, #tpu.memory_space<hbm>>
    tpu.wait_indirect_dma semaphore(%arg16 : memref<!tpu.dma_semaphore, #tpu.memory_space<semaphore_mem>>) src(%dma_wait3A_1157 : memref<16384x2048xf32, #tpu.memory_space<hbm>>) dst(%arg10 : memref<8x2048xf32, #tpu.memory_space<vmem>>)
    %add3A_1158 = arith.constant 416 : i32
    %add3A_1159 = arith.addi %mul3A_2, %add3A_1158 : i32
    %dma_start3A_1160 = arith.constant 0 : i32
    %dma_start3A_1161 = tpu.memref_slice %arg4[%add3A_1159, %dma_start3A_1160] : memref<16384x2048xf32, #tpu.memory_space<hbm>> -> memref<8x2048xf32, #tpu.memory_space<hbm>>
    %dma_start3A_1162 = arith.constant 0 : i32
    %dma_start3A_1163 = tpu.memref_slice %arg4[%add3A_1159, %dma_start3A_1162] : memref<16384x2048xf32, #tpu.memory_space<hbm>> -> memref<8x2048xf32, #tpu.memory_space<hbm>>
    tpu.enqueue_dma source(%arg10 : memref<8x2048xf32, #tpu.memory_space<vmem>>) target(%dma_start3A_1163 : memref<8x2048xf32, #tpu.memory_space<hbm>>) target_semaphore(%arg22 : memref<!tpu.dma_semaphore, #tpu.memory_space<semaphore_mem>>)
    %add3A_1164 = arith.constant 400 : i32
    %add3A_1165 = arith.addi %mul3A_2, %add3A_1164 : i32
    %dma_wait3A_1166 = arith.constant 0 : i32
    %dma_wait3A_1167 = tpu.memref_slice %arg4[%add3A_1165, %dma_wait3A_1166] : memref<16384x2048xf32, #tpu.memory_space<hbm>> -> memref<8x2048xf32, #tpu.memory_space<hbm>>
    %dma_wait3A_1168 = arith.constant 0 : i32
    %dma_wait3A_1169 = tpu.memref_slice %arg4[%add3A_1165, %dma_wait3A_1168] : memref<16384x2048xf32, #tpu.memory_space<hbm>> -> memref<8x2048xf32, #tpu.memory_space<hbm>>
    tpu.wait_dma2 semaphore(%arg20 : memref<!tpu.dma_semaphore, #tpu.memory_space<semaphore_mem>>) src(%arg8 : memref<8x2048xf32, #tpu.memory_space<vmem>>) dst(%dma_wait3A_1169 : memref<8x2048xf32, #tpu.memory_space<hbm>>)
    %dma_start3A_1170 = arith.constant 448 : i32
    %dma_start3A_1171 = tpu.memref_slice %arg5[%dma_start3A_1170] : memref<512xi32, #tpu.memory_space<vmem>> -> memref<8xi32, #tpu.memory_space<vmem>>
    %dma_start3A_1172 = arith.constant 0 : i32
    %dma_start3A_1173 = arith.constant 0 : i32
    %dma_start3A_1174 = tpu.memref_slice %arg2[%dma_start3A_1172, %dma_start3A_1173] : memref<16384x2048xf32, #tpu.memory_space<hbm>> -> memref<16384x2048xf32, #tpu.memory_space<hbm>>
    tpu.enqueue_indirect_dma source(%dma_start3A_1174 : memref<16384x2048xf32, #tpu.memory_space<hbm>>) target(%arg8 : memref<8x2048xf32, #tpu.memory_space<vmem>>) offsets(%dma_start3A_1171 : memref<8xi32, #tpu.memory_space<vmem>>) semaphore(%arg14 : memref<!tpu.dma_semaphore, #tpu.memory_space<semaphore_mem>>)
    %dma_wait3A_1175 = arith.constant 424 : i32
    %dma_wait3A_1176 = tpu.memref_slice %arg5[%dma_wait3A_1175] : memref<512xi32, #tpu.memory_space<vmem>> -> memref<8xi32, #tpu.memory_space<vmem>>
    %dma_wait3A_1177 = arith.constant 0 : i32
    %dma_wait3A_1178 = arith.constant 0 : i32
    %dma_wait3A_1179 = tpu.memref_slice %arg2[%dma_wait3A_1177, %dma_wait3A_1178] : memref<16384x2048xf32, #tpu.memory_space<hbm>> -> memref<16384x2048xf32, #tpu.memory_space<hbm>>
    tpu.wait_indirect_dma semaphore(%arg17 : memref<!tpu.dma_semaphore, #tpu.memory_space<semaphore_mem>>) src(%dma_wait3A_1179 : memref<16384x2048xf32, #tpu.memory_space<hbm>>) dst(%arg11 : memref<8x2048xf32, #tpu.memory_space<vmem>>)
    %add3A_1180 = arith.constant 424 : i32
    %add3A_1181 = arith.addi %mul3A_2, %add3A_1180 : i32
    %dma_start3A_1182 = arith.constant 0 : i32
    %dma_start3A_1183 = tpu.memref_slice %arg4[%add3A_1181, %dma_start3A_1182] : memref<16384x2048xf32, #tpu.memory_space<hbm>> -> memref<8x2048xf32, #tpu.memory_space<hbm>>
    %dma_start3A_1184 = arith.constant 0 : i32
    %dma_start3A_1185 = tpu.memref_slice %arg4[%add3A_1181, %dma_start3A_1184] : memref<16384x2048xf32, #tpu.memory_space<hbm>> -> memref<8x2048xf32, #tpu.memory_space<hbm>>
    tpu.enqueue_dma source(%arg11 : memref<8x2048xf32, #tpu.memory_space<vmem>>) target(%dma_start3A_1185 : memref<8x2048xf32, #tpu.memory_space<hbm>>) target_semaphore(%arg23 : memref<!tpu.dma_semaphore, #tpu.memory_space<semaphore_mem>>)
    %add3A_1186 = arith.constant 408 : i32
    %add3A_1187 = arith.addi %mul3A_2, %add3A_1186 : i32
    %dma_wait3A_1188 = arith.constant 0 : i32
    %dma_wait3A_1189 = tpu.memref_slice %arg4[%add3A_1187, %dma_wait3A_1188] : memref<16384x2048xf32, #tpu.memory_space<hbm>> -> memref<8x2048xf32, #tpu.memory_space<hbm>>
    %dma_wait3A_1190 = arith.constant 0 : i32
    %dma_wait3A_1191 = tpu.memref_slice %arg4[%add3A_1187, %dma_wait3A_1190] : memref<16384x2048xf32, #tpu.memory_space<hbm>> -> memref<8x2048xf32, #tpu.memory_space<hbm>>
    tpu.wait_dma2 semaphore(%arg21 : memref<!tpu.dma_semaphore, #tpu.memory_space<semaphore_mem>>) src(%arg9 : memref<8x2048xf32, #tpu.memory_space<vmem>>) dst(%dma_wait3A_1191 : memref<8x2048xf32, #tpu.memory_space<hbm>>)
    %dma_start3A_1192 = arith.constant 456 : i32
    %dma_start3A_1193 = tpu.memref_slice %arg5[%dma_start3A_1192] : memref<512xi32, #tpu.memory_space<vmem>> -> memref<8xi32, #tpu.memory_space<vmem>>
    %dma_start3A_1194 = arith.constant 0 : i32
    %dma_start3A_1195 = arith.constant 0 : i32
    %dma_start3A_1196 = tpu.memref_slice %arg2[%dma_start3A_1194, %dma_start3A_1195] : memref<16384x2048xf32, #tpu.memory_space<hbm>> -> memref<16384x2048xf32, #tpu.memory_space<hbm>>
    tpu.enqueue_indirect_dma source(%dma_start3A_1196 : memref<16384x2048xf32, #tpu.memory_space<hbm>>) target(%arg9 : memref<8x2048xf32, #tpu.memory_space<vmem>>) offsets(%dma_start3A_1193 : memref<8xi32, #tpu.memory_space<vmem>>) semaphore(%arg15 : memref<!tpu.dma_semaphore, #tpu.memory_space<semaphore_mem>>)
    %dma_wait3A_1197 = arith.constant 432 : i32
    %dma_wait3A_1198 = tpu.memref_slice %arg5[%dma_wait3A_1197] : memref<512xi32, #tpu.memory_space<vmem>> -> memref<8xi32, #tpu.memory_space<vmem>>
    %dma_wait3A_1199 = arith.constant 0 : i32
    %dma_wait3A_1200 = arith.constant 0 : i32
    %dma_wait3A_1201 = tpu.memref_slice %arg2[%dma_wait3A_1199, %dma_wait3A_1200] : memref<16384x2048xf32, #tpu.memory_space<hbm>> -> memref<16384x2048xf32, #tpu.memory_space<hbm>>
    tpu.wait_indirect_dma semaphore(%arg12 : memref<!tpu.dma_semaphore, #tpu.memory_space<semaphore_mem>>) src(%dma_wait3A_1201 : memref<16384x2048xf32, #tpu.memory_space<hbm>>) dst(%arg6 : memref<8x2048xf32, #tpu.memory_space<vmem>>)
    %add3A_1202 = arith.constant 432 : i32
    %add3A_1203 = arith.addi %mul3A_2, %add3A_1202 : i32
    %dma_start3A_1204 = arith.constant 0 : i32
    %dma_start3A_1205 = tpu.memref_slice %arg4[%add3A_1203, %dma_start3A_1204] : memref<16384x2048xf32, #tpu.memory_space<hbm>> -> memref<8x2048xf32, #tpu.memory_space<hbm>>
    %dma_start3A_1206 = arith.constant 0 : i32
    %dma_start3A_1207 = tpu.memref_slice %arg4[%add3A_1203, %dma_start3A_1206] : memref<16384x2048xf32, #tpu.memory_space<hbm>> -> memref<8x2048xf32, #tpu.memory_space<hbm>>
    tpu.enqueue_dma source(%arg6 : memref<8x2048xf32, #tpu.memory_space<vmem>>) target(%dma_start3A_1207 : memref<8x2048xf32, #tpu.memory_space<hbm>>) target_semaphore(%arg18 : memref<!tpu.dma_semaphore, #tpu.memory_space<semaphore_mem>>)
    %add3A_1208 = arith.constant 416 : i32
    %add3A_1209 = arith.addi %mul3A_2, %add3A_1208 : i32
    %dma_wait3A_1210 = arith.constant 0 : i32
    %dma_wait3A_1211 = tpu.memref_slice %arg4[%add3A_1209, %dma_wait3A_1210] : memref<16384x2048xf32, #tpu.memory_space<hbm>> -> memref<8x2048xf32, #tpu.memory_space<hbm>>
    %dma_wait3A_1212 = arith.constant 0 : i32
    %dma_wait3A_1213 = tpu.memref_slice %arg4[%add3A_1209, %dma_wait3A_1212] : memref<16384x2048xf32, #tpu.memory_space<hbm>> -> memref<8x2048xf32, #tpu.memory_space<hbm>>
    tpu.wait_dma2 semaphore(%arg22 : memref<!tpu.dma_semaphore, #tpu.memory_space<semaphore_mem>>) src(%arg10 : memref<8x2048xf32, #tpu.memory_space<vmem>>) dst(%dma_wait3A_1213 : memref<8x2048xf32, #tpu.memory_space<hbm>>)
    %dma_start3A_1214 = arith.constant 464 : i32
    %dma_start3A_1215 = tpu.memref_slice %arg5[%dma_start3A_1214] : memref<512xi32, #tpu.memory_space<vmem>> -> memref<8xi32, #tpu.memory_space<vmem>>
    %dma_start3A_1216 = arith.constant 0 : i32
    %dma_start3A_1217 = arith.constant 0 : i32
    %dma_start3A_1218 = tpu.memref_slice %arg2[%dma_start3A_1216, %dma_start3A_1217] : memref<16384x2048xf32, #tpu.memory_space<hbm>> -> memref<16384x2048xf32, #tpu.memory_space<hbm>>
    tpu.enqueue_indirect_dma source(%dma_start3A_1218 : memref<16384x2048xf32, #tpu.memory_space<hbm>>) target(%arg10 : memref<8x2048xf32, #tpu.memory_space<vmem>>) offsets(%dma_start3A_1215 : memref<8xi32, #tpu.memory_space<vmem>>) semaphore(%arg16 : memref<!tpu.dma_semaphore, #tpu.memory_space<semaphore_mem>>)
    %dma_wait3A_1219 = arith.constant 440 : i32
    %dma_wait3A_1220 = tpu.memref_slice %arg5[%dma_wait3A_1219] : memref<512xi32, #tpu.memory_space<vmem>> -> memref<8xi32, #tpu.memory_space<vmem>>
    %dma_wait3A_1221 = arith.constant 0 : i32
    %dma_wait3A_1222 = arith.constant 0 : i32
    %dma_wait3A_1223 = tpu.memref_slice %arg2[%dma_wait3A_1221, %dma_wait3A_1222] : memref<16384x2048xf32, #tpu.memory_space<hbm>> -> memref<16384x2048xf32, #tpu.memory_space<hbm>>
    tpu.wait_indirect_dma semaphore(%arg13 : memref<!tpu.dma_semaphore, #tpu.memory_space<semaphore_mem>>) src(%dma_wait3A_1223 : memref<16384x2048xf32, #tpu.memory_space<hbm>>) dst(%arg7 : memref<8x2048xf32, #tpu.memory_space<vmem>>)
    %add3A_1224 = arith.constant 440 : i32
    %add3A_1225 = arith.addi %mul3A_2, %add3A_1224 : i32
    %dma_start3A_1226 = arith.constant 0 : i32
    %dma_start3A_1227 = tpu.memref_slice %arg4[%add3A_1225, %dma_start3A_1226] : memref<16384x2048xf32, #tpu.memory_space<hbm>> -> memref<8x2048xf32, #tpu.memory_space<hbm>>
    %dma_start3A_1228 = arith.constant 0 : i32
    %dma_start3A_1229 = tpu.memref_slice %arg4[%add3A_1225, %dma_start3A_1228] : memref<16384x2048xf32, #tpu.memory_space<hbm>> -> memref<8x2048xf32, #tpu.memory_space<hbm>>
    tpu.enqueue_dma source(%arg7 : memref<8x2048xf32, #tpu.memory_space<vmem>>) target(%dma_start3A_1229 : memref<8x2048xf32, #tpu.memory_space<hbm>>) target_semaphore(%arg19 : memref<!tpu.dma_semaphore, #tpu.memory_space<semaphore_mem>>)
    %add3A_1230 = arith.constant 424 : i32
    %add3A_1231 = arith.addi %mul3A_2, %add3A_1230 : i32
    %dma_wait3A_1232 = arith.constant 0 : i32
    %dma_wait3A_1233 = tpu.memref_slice %arg4[%add3A_1231, %dma_wait3A_1232] : memref<16384x2048xf32, #tpu.memory_space<hbm>> -> memref<8x2048xf32, #tpu.memory_space<hbm>>
    %dma_wait3A_1234 = arith.constant 0 : i32
    %dma_wait3A_1235 = tpu.memref_slice %arg4[%add3A_1231, %dma_wait3A_1234] : memref<16384x2048xf32, #tpu.memory_space<hbm>> -> memref<8x2048xf32, #tpu.memory_space<hbm>>
    tpu.wait_dma2 semaphore(%arg23 : memref<!tpu.dma_semaphore, #tpu.memory_space<semaphore_mem>>) src(%arg11 : memref<8x2048xf32, #tpu.memory_space<vmem>>) dst(%dma_wait3A_1235 : memref<8x2048xf32, #tpu.memory_space<hbm>>)
    %dma_start3A_1236 = arith.constant 472 : i32
    %dma_start3A_1237 = tpu.memref_slice %arg5[%dma_start3A_1236] : memref<512xi32, #tpu.memory_space<vmem>> -> memref<8xi32, #tpu.memory_space<vmem>>
    %dma_start3A_1238 = arith.constant 0 : i32
    %dma_start3A_1239 = arith.constant 0 : i32
    %dma_start3A_1240 = tpu.memref_slice %arg2[%dma_start3A_1238, %dma_start3A_1239] : memref<16384x2048xf32, #tpu.memory_space<hbm>> -> memref<16384x2048xf32, #tpu.memory_space<hbm>>
    tpu.enqueue_indirect_dma source(%dma_start3A_1240 : memref<16384x2048xf32, #tpu.memory_space<hbm>>) target(%arg11 : memref<8x2048xf32, #tpu.memory_space<vmem>>) offsets(%dma_start3A_1237 : memref<8xi32, #tpu.memory_space<vmem>>) semaphore(%arg17 : memref<!tpu.dma_semaphore, #tpu.memory_space<semaphore_mem>>)
    %dma_wait3A_1241 = arith.constant 448 : i32
    %dma_wait3A_1242 = tpu.memref_slice %arg5[%dma_wait3A_1241] : memref<512xi32, #tpu.memory_space<vmem>> -> memref<8xi32, #tpu.memory_space<vmem>>
    %dma_wait3A_1243 = arith.constant 0 : i32
    %dma_wait3A_1244 = arith.constant 0 : i32
    %dma_wait3A_1245 = tpu.memref_slice %arg2[%dma_wait3A_1243, %dma_wait3A_1244] : memref<16384x2048xf32, #tpu.memory_space<hbm>> -> memref<16384x2048xf32, #tpu.memory_space<hbm>>
    tpu.wait_indirect_dma semaphore(%arg14 : memref<!tpu.dma_semaphore, #tpu.memory_space<semaphore_mem>>) src(%dma_wait3A_1245 : memref<16384x2048xf32, #tpu.memory_space<hbm>>) dst(%arg8 : memref<8x2048xf32, #tpu.memory_space<vmem>>)
    %add3A_1246 = arith.constant 448 : i32
    %add3A_1247 = arith.addi %mul3A_2, %add3A_1246 : i32
    %dma_start3A_1248 = arith.constant 0 : i32
    %dma_start3A_1249 = tpu.memref_slice %arg4[%add3A_1247, %dma_start3A_1248] : memref<16384x2048xf32, #tpu.memory_space<hbm>> -> memref<8x2048xf32, #tpu.memory_space<hbm>>
    %dma_start3A_1250 = arith.constant 0 : i32
    %dma_start3A_1251 = tpu.memref_slice %arg4[%add3A_1247, %dma_start3A_1250] : memref<16384x2048xf32, #tpu.memory_space<hbm>> -> memref<8x2048xf32, #tpu.memory_space<hbm>>
    tpu.enqueue_dma source(%arg8 : memref<8x2048xf32, #tpu.memory_space<vmem>>) target(%dma_start3A_1251 : memref<8x2048xf32, #tpu.memory_space<hbm>>) target_semaphore(%arg20 : memref<!tpu.dma_semaphore, #tpu.memory_space<semaphore_mem>>)
    %add3A_1252 = arith.constant 432 : i32
    %add3A_1253 = arith.addi %mul3A_2, %add3A_1252 : i32
    %dma_wait3A_1254 = arith.constant 0 : i32
    %dma_wait3A_1255 = tpu.memref_slice %arg4[%add3A_1253, %dma_wait3A_1254] : memref<16384x2048xf32, #tpu.memory_space<hbm>> -> memref<8x2048xf32, #tpu.memory_space<hbm>>
    %dma_wait3A_1256 = arith.constant 0 : i32
    %dma_wait3A_1257 = tpu.memref_slice %arg4[%add3A_1253, %dma_wait3A_1256] : memref<16384x2048xf32, #tpu.memory_space<hbm>> -> memref<8x2048xf32, #tpu.memory_space<hbm>>
    tpu.wait_dma2 semaphore(%arg18 : memref<!tpu.dma_semaphore, #tpu.memory_space<semaphore_mem>>) src(%arg6 : memref<8x2048xf32, #tpu.memory_space<vmem>>) dst(%dma_wait3A_1257 : memref<8x2048xf32, #tpu.memory_space<hbm>>)
    %dma_start3A_1258 = arith.constant 480 : i32
    %dma_start3A_1259 = tpu.memref_slice %arg5[%dma_start3A_1258] : memref<512xi32, #tpu.memory_space<vmem>> -> memref<8xi32, #tpu.memory_space<vmem>>
    %dma_start3A_1260 = arith.constant 0 : i32
    %dma_start3A_1261 = arith.constant 0 : i32
    %dma_start3A_1262 = tpu.memref_slice %arg2[%dma_start3A_1260, %dma_start3A_1261] : memref<16384x2048xf32, #tpu.memory_space<hbm>> -> memref<16384x2048xf32, #tpu.memory_space<hbm>>
    tpu.enqueue_indirect_dma source(%dma_start3A_1262 : memref<16384x2048xf32, #tpu.memory_space<hbm>>) target(%arg6 : memref<8x2048xf32, #tpu.memory_space<vmem>>) offsets(%dma_start3A_1259 : memref<8xi32, #tpu.memory_space<vmem>>) semaphore(%arg12 : memref<!tpu.dma_semaphore, #tpu.memory_space<semaphore_mem>>)
    %dma_wait3A_1263 = arith.constant 456 : i32
    %dma_wait3A_1264 = tpu.memref_slice %arg5[%dma_wait3A_1263] : memref<512xi32, #tpu.memory_space<vmem>> -> memref<8xi32, #tpu.memory_space<vmem>>
    %dma_wait3A_1265 = arith.constant 0 : i32
    %dma_wait3A_1266 = arith.constant 0 : i32
    %dma_wait3A_1267 = tpu.memref_slice %arg2[%dma_wait3A_1265, %dma_wait3A_1266] : memref<16384x2048xf32, #tpu.memory_space<hbm>> -> memref<16384x2048xf32, #tpu.memory_space<hbm>>
    tpu.wait_indirect_dma semaphore(%arg15 : memref<!tpu.dma_semaphore, #tpu.memory_space<semaphore_mem>>) src(%dma_wait3A_1267 : memref<16384x2048xf32, #tpu.memory_space<hbm>>) dst(%arg9 : memref<8x2048xf32, #tpu.memory_space<vmem>>)
    %add3A_1268 = arith.constant 456 : i32
    %add3A_1269 = arith.addi %mul3A_2, %add3A_1268 : i32
    %dma_start3A_1270 = arith.constant 0 : i32
    %dma_start3A_1271 = tpu.memref_slice %arg4[%add3A_1269, %dma_start3A_1270] : memref<16384x2048xf32, #tpu.memory_space<hbm>> -> memref<8x2048xf32, #tpu.memory_space<hbm>>
    %dma_start3A_1272 = arith.constant 0 : i32
    %dma_start3A_1273 = tpu.memref_slice %arg4[%add3A_1269, %dma_start3A_1272] : memref<16384x2048xf32, #tpu.memory_space<hbm>> -> memref<8x2048xf32, #tpu.memory_space<hbm>>
    tpu.enqueue_dma source(%arg9 : memref<8x2048xf32, #tpu.memory_space<vmem>>) target(%dma_start3A_1273 : memref<8x2048xf32, #tpu.memory_space<hbm>>) target_semaphore(%arg21 : memref<!tpu.dma_semaphore, #tpu.memory_space<semaphore_mem>>)
    %add3A_1274 = arith.constant 440 : i32
    %add3A_1275 = arith.addi %mul3A_2, %add3A_1274 : i32
    %dma_wait3A_1276 = arith.constant 0 : i32
    %dma_wait3A_1277 = tpu.memref_slice %arg4[%add3A_1275, %dma_wait3A_1276] : memref<16384x2048xf32, #tpu.memory_space<hbm>> -> memref<8x2048xf32, #tpu.memory_space<hbm>>
    %dma_wait3A_1278 = arith.constant 0 : i32
    %dma_wait3A_1279 = tpu.memref_slice %arg4[%add3A_1275, %dma_wait3A_1278] : memref<16384x2048xf32, #tpu.memory_space<hbm>> -> memref<8x2048xf32, #tpu.memory_space<hbm>>
    tpu.wait_dma2 semaphore(%arg19 : memref<!tpu.dma_semaphore, #tpu.memory_space<semaphore_mem>>) src(%arg7 : memref<8x2048xf32, #tpu.memory_space<vmem>>) dst(%dma_wait3A_1279 : memref<8x2048xf32, #tpu.memory_space<hbm>>)
    %dma_start3A_1280 = arith.constant 488 : i32
    %dma_start3A_1281 = tpu.memref_slice %arg5[%dma_start3A_1280] : memref<512xi32, #tpu.memory_space<vmem>> -> memref<8xi32, #tpu.memory_space<vmem>>
    %dma_start3A_1282 = arith.constant 0 : i32
    %dma_start3A_1283 = arith.constant 0 : i32
    %dma_start3A_1284 = tpu.memref_slice %arg2[%dma_start3A_1282, %dma_start3A_1283] : memref<16384x2048xf32, #tpu.memory_space<hbm>> -> memref<16384x2048xf32, #tpu.memory_space<hbm>>
    tpu.enqueue_indirect_dma source(%dma_start3A_1284 : memref<16384x2048xf32, #tpu.memory_space<hbm>>) target(%arg7 : memref<8x2048xf32, #tpu.memory_space<vmem>>) offsets(%dma_start3A_1281 : memref<8xi32, #tpu.memory_space<vmem>>) semaphore(%arg13 : memref<!tpu.dma_semaphore, #tpu.memory_space<semaphore_mem>>)
    %dma_wait3A_1285 = arith.constant 464 : i32
    %dma_wait3A_1286 = tpu.memref_slice %arg5[%dma_wait3A_1285] : memref<512xi32, #tpu.memory_space<vmem>> -> memref<8xi32, #tpu.memory_space<vmem>>
    %dma_wait3A_1287 = arith.constant 0 : i32
    %dma_wait3A_1288 = arith.constant 0 : i32
    %dma_wait3A_1289 = tpu.memref_slice %arg2[%dma_wait3A_1287, %dma_wait3A_1288] : memref<16384x2048xf32, #tpu.memory_space<hbm>> -> memref<16384x2048xf32, #tpu.memory_space<hbm>>
    tpu.wait_indirect_dma semaphore(%arg16 : memref<!tpu.dma_semaphore, #tpu.memory_space<semaphore_mem>>) src(%dma_wait3A_1289 : memref<16384x2048xf32, #tpu.memory_space<hbm>>) dst(%arg10 : memref<8x2048xf32, #tpu.memory_space<vmem>>)
    %add3A_1290 = arith.constant 464 : i32
    %add3A_1291 = arith.addi %mul3A_2, %add3A_1290 : i32
    %dma_start3A_1292 = arith.constant 0 : i32
    %dma_start3A_1293 = tpu.memref_slice %arg4[%add3A_1291, %dma_start3A_1292] : memref<16384x2048xf32, #tpu.memory_space<hbm>> -> memref<8x2048xf32, #tpu.memory_space<hbm>>
    %dma_start3A_1294 = arith.constant 0 : i32
    %dma_start3A_1295 = tpu.memref_slice %arg4[%add3A_1291, %dma_start3A_1294] : memref<16384x2048xf32, #tpu.memory_space<hbm>> -> memref<8x2048xf32, #tpu.memory_space<hbm>>
    tpu.enqueue_dma source(%arg10 : memref<8x2048xf32, #tpu.memory_space<vmem>>) target(%dma_start3A_1295 : memref<8x2048xf32, #tpu.memory_space<hbm>>) target_semaphore(%arg22 : memref<!tpu.dma_semaphore, #tpu.memory_space<semaphore_mem>>)
    %add3A_1296 = arith.constant 448 : i32
    %add3A_1297 = arith.addi %mul3A_2, %add3A_1296 : i32
    %dma_wait3A_1298 = arith.constant 0 : i32
    %dma_wait3A_1299 = tpu.memref_slice %arg4[%add3A_1297, %dma_wait3A_1298] : memref<16384x2048xf32, #tpu.memory_space<hbm>> -> memref<8x2048xf32, #tpu.memory_space<hbm>>
    %dma_wait3A_1300 = arith.constant 0 : i32
    %dma_wait3A_1301 = tpu.memref_slice %arg4[%add3A_1297, %dma_wait3A_1300] : memref<16384x2048xf32, #tpu.memory_space<hbm>> -> memref<8x2048xf32, #tpu.memory_space<hbm>>
    tpu.wait_dma2 semaphore(%arg20 : memref<!tpu.dma_semaphore, #tpu.memory_space<semaphore_mem>>) src(%arg8 : memref<8x2048xf32, #tpu.memory_space<vmem>>) dst(%dma_wait3A_1301 : memref<8x2048xf32, #tpu.memory_space<hbm>>)
    %dma_start3A_1302 = arith.constant 496 : i32
    %dma_start3A_1303 = tpu.memref_slice %arg5[%dma_start3A_1302] : memref<512xi32, #tpu.memory_space<vmem>> -> memref<8xi32, #tpu.memory_space<vmem>>
    %dma_start3A_1304 = arith.constant 0 : i32
    %dma_start3A_1305 = arith.constant 0 : i32
    %dma_start3A_1306 = tpu.memref_slice %arg2[%dma_start3A_1304, %dma_start3A_1305] : memref<16384x2048xf32, #tpu.memory_space<hbm>> -> memref<16384x2048xf32, #tpu.memory_space<hbm>>
    tpu.enqueue_indirect_dma source(%dma_start3A_1306 : memref<16384x2048xf32, #tpu.memory_space<hbm>>) target(%arg8 : memref<8x2048xf32, #tpu.memory_space<vmem>>) offsets(%dma_start3A_1303 : memref<8xi32, #tpu.memory_space<vmem>>) semaphore(%arg14 : memref<!tpu.dma_semaphore, #tpu.memory_space<semaphore_mem>>)
    %dma_wait3A_1307 = arith.constant 472 : i32
    %dma_wait3A_1308 = tpu.memref_slice %arg5[%dma_wait3A_1307] : memref<512xi32, #tpu.memory_space<vmem>> -> memref<8xi32, #tpu.memory_space<vmem>>
    %dma_wait3A_1309 = arith.constant 0 : i32
    %dma_wait3A_1310 = arith.constant 0 : i32
    %dma_wait3A_1311 = tpu.memref_slice %arg2[%dma_wait3A_1309, %dma_wait3A_1310] : memref<16384x2048xf32, #tpu.memory_space<hbm>> -> memref<16384x2048xf32, #tpu.memory_space<hbm>>
    tpu.wait_indirect_dma semaphore(%arg17 : memref<!tpu.dma_semaphore, #tpu.memory_space<semaphore_mem>>) src(%dma_wait3A_1311 : memref<16384x2048xf32, #tpu.memory_space<hbm>>) dst(%arg11 : memref<8x2048xf32, #tpu.memory_space<vmem>>)
    %add3A_1312 = arith.constant 472 : i32
    %add3A_1313 = arith.addi %mul3A_2, %add3A_1312 : i32
    %dma_start3A_1314 = arith.constant 0 : i32
    %dma_start3A_1315 = tpu.memref_slice %arg4[%add3A_1313, %dma_start3A_1314] : memref<16384x2048xf32, #tpu.memory_space<hbm>> -> memref<8x2048xf32, #tpu.memory_space<hbm>>
    %dma_start3A_1316 = arith.constant 0 : i32
    %dma_start3A_1317 = tpu.memref_slice %arg4[%add3A_1313, %dma_start3A_1316] : memref<16384x2048xf32, #tpu.memory_space<hbm>> -> memref<8x2048xf32, #tpu.memory_space<hbm>>
    tpu.enqueue_dma source(%arg11 : memref<8x2048xf32, #tpu.memory_space<vmem>>) target(%dma_start3A_1317 : memref<8x2048xf32, #tpu.memory_space<hbm>>) target_semaphore(%arg23 : memref<!tpu.dma_semaphore, #tpu.memory_space<semaphore_mem>>)
    %add3A_1318 = arith.constant 456 : i32
    %add3A_1319 = arith.addi %mul3A_2, %add3A_1318 : i32
    %dma_wait3A_1320 = arith.constant 0 : i32
    %dma_wait3A_1321 = tpu.memref_slice %arg4[%add3A_1319, %dma_wait3A_1320] : memref<16384x2048xf32, #tpu.memory_space<hbm>> -> memref<8x2048xf32, #tpu.memory_space<hbm>>
    %dma_wait3A_1322 = arith.constant 0 : i32
    %dma_wait3A_1323 = tpu.memref_slice %arg4[%add3A_1319, %dma_wait3A_1322] : memref<16384x2048xf32, #tpu.memory_space<hbm>> -> memref<8x2048xf32, #tpu.memory_space<hbm>>
    tpu.wait_dma2 semaphore(%arg21 : memref<!tpu.dma_semaphore, #tpu.memory_space<semaphore_mem>>) src(%arg9 : memref<8x2048xf32, #tpu.memory_space<vmem>>) dst(%dma_wait3A_1323 : memref<8x2048xf32, #tpu.memory_space<hbm>>)
    %dma_start3A_1324 = arith.constant 504 : i32
    %dma_start3A_1325 = tpu.memref_slice %arg5[%dma_start3A_1324] : memref<512xi32, #tpu.memory_space<vmem>> -> memref<8xi32, #tpu.memory_space<vmem>>
    %dma_start3A_1326 = arith.constant 0 : i32
    %dma_start3A_1327 = arith.constant 0 : i32
    %dma_start3A_1328 = tpu.memref_slice %arg2[%dma_start3A_1326, %dma_start3A_1327] : memref<16384x2048xf32, #tpu.memory_space<hbm>> -> memref<16384x2048xf32, #tpu.memory_space<hbm>>
    tpu.enqueue_indirect_dma source(%dma_start3A_1328 : memref<16384x2048xf32, #tpu.memory_space<hbm>>) target(%arg9 : memref<8x2048xf32, #tpu.memory_space<vmem>>) offsets(%dma_start3A_1325 : memref<8xi32, #tpu.memory_space<vmem>>) semaphore(%arg15 : memref<!tpu.dma_semaphore, #tpu.memory_space<semaphore_mem>>)
    %dma_wait3A_1329 = arith.constant 480 : i32
    %dma_wait3A_1330 = tpu.memref_slice %arg5[%dma_wait3A_1329] : memref<512xi32, #tpu.memory_space<vmem>> -> memref<8xi32, #tpu.memory_space<vmem>>
    %dma_wait3A_1331 = arith.constant 0 : i32
    %dma_wait3A_1332 = arith.constant 0 : i32
    %dma_wait3A_1333 = tpu.memref_slice %arg2[%dma_wait3A_1331, %dma_wait3A_1332] : memref<16384x2048xf32, #tpu.memory_space<hbm>> -> memref<16384x2048xf32, #tpu.memory_space<hbm>>
    tpu.wait_indirect_dma semaphore(%arg12 : memref<!tpu.dma_semaphore, #tpu.memory_space<semaphore_mem>>) src(%dma_wait3A_1333 : memref<16384x2048xf32, #tpu.memory_space<hbm>>) dst(%arg6 : memref<8x2048xf32, #tpu.memory_space<vmem>>)
    %add3A_1334 = arith.constant 480 : i32
    %add3A_1335 = arith.addi %mul3A_2, %add3A_1334 : i32
    %dma_start3A_1336 = arith.constant 0 : i32
    %dma_start3A_1337 = tpu.memref_slice %arg4[%add3A_1335, %dma_start3A_1336] : memref<16384x2048xf32, #tpu.memory_space<hbm>> -> memref<8x2048xf32, #tpu.memory_space<hbm>>
    %dma_start3A_1338 = arith.constant 0 : i32
    %dma_start3A_1339 = tpu.memref_slice %arg4[%add3A_1335, %dma_start3A_1338] : memref<16384x2048xf32, #tpu.memory_space<hbm>> -> memref<8x2048xf32, #tpu.memory_space<hbm>>
    tpu.enqueue_dma source(%arg6 : memref<8x2048xf32, #tpu.memory_space<vmem>>) target(%dma_start3A_1339 : memref<8x2048xf32, #tpu.memory_space<hbm>>) target_semaphore(%arg18 : memref<!tpu.dma_semaphore, #tpu.memory_space<semaphore_mem>>)
    %dma_wait3A_1340 = arith.constant 488 : i32
    %dma_wait3A_1341 = tpu.memref_slice %arg5[%dma_wait3A_1340] : memref<512xi32, #tpu.memory_space<vmem>> -> memref<8xi32, #tpu.memory_space<vmem>>
    %dma_wait3A_1342 = arith.constant 0 : i32
    %dma_wait3A_1343 = arith.constant 0 : i32
    %dma_wait3A_1344 = tpu.memref_slice %arg2[%dma_wait3A_1342, %dma_wait3A_1343] : memref<16384x2048xf32, #tpu.memory_space<hbm>> -> memref<16384x2048xf32, #tpu.memory_space<hbm>>
    tpu.wait_indirect_dma semaphore(%arg13 : memref<!tpu.dma_semaphore, #tpu.memory_space<semaphore_mem>>) src(%dma_wait3A_1344 : memref<16384x2048xf32, #tpu.memory_space<hbm>>) dst(%arg7 : memref<8x2048xf32, #tpu.memory_space<vmem>>)
    %add3A_1345 = arith.constant 488 : i32
    %add3A_1346 = arith.addi %mul3A_2, %add3A_1345 : i32
    %dma_start3A_1347 = arith.constant 0 : i32
    %dma_start3A_1348 = tpu.memref_slice %arg4[%add3A_1346, %dma_start3A_1347] : memref<16384x2048xf32, #tpu.memory_space<hbm>> -> memref<8x2048xf32, #tpu.memory_space<hbm>>
    %dma_start3A_1349 = arith.constant 0 : i32
    %dma_start3A_1350 = tpu.memref_slice %arg4[%add3A_1346, %dma_start3A_1349] : memref<16384x2048xf32, #tpu.memory_space<hbm>> -> memref<8x2048xf32, #tpu.memory_space<hbm>>
    tpu.enqueue_dma source(%arg7 : memref<8x2048xf32, #tpu.memory_space<vmem>>) target(%dma_start3A_1350 : memref<8x2048xf32, #tpu.memory_space<hbm>>) target_semaphore(%arg19 : memref<!tpu.dma_semaphore, #tpu.memory_space<semaphore_mem>>)
    %dma_wait3A_1351 = arith.constant 496 : i32
    %dma_wait3A_1352 = tpu.memref_slice %arg5[%dma_wait3A_1351] : memref<512xi32, #tpu.memory_space<vmem>> -> memref<8xi32, #tpu.memory_space<vmem>>
    %dma_wait3A_1353 = arith.constant 0 : i32
    %dma_wait3A_1354 = arith.constant 0 : i32
    %dma_wait3A_1355 = tpu.memref_slice %arg2[%dma_wait3A_1353, %dma_wait3A_1354] : memref<16384x2048xf32, #tpu.memory_space<hbm>> -> memref<16384x2048xf32, #tpu.memory_space<hbm>>
    tpu.wait_indirect_dma semaphore(%arg14 : memref<!tpu.dma_semaphore, #tpu.memory_space<semaphore_mem>>) src(%dma_wait3A_1355 : memref<16384x2048xf32, #tpu.memory_space<hbm>>) dst(%arg8 : memref<8x2048xf32, #tpu.memory_space<vmem>>)
    %add3A_1356 = arith.constant 496 : i32
    %add3A_1357 = arith.addi %mul3A_2, %add3A_1356 : i32
    %dma_start3A_1358 = arith.constant 0 : i32
    %dma_start3A_1359 = tpu.memref_slice %arg4[%add3A_1357, %dma_start3A_1358] : memref<16384x2048xf32, #tpu.memory_space<hbm>> -> memref<8x2048xf32, #tpu.memory_space<hbm>>
    %dma_start3A_1360 = arith.constant 0 : i32
    %dma_start3A_1361 = tpu.memref_slice %arg4[%add3A_1357, %dma_start3A_1360] : memref<16384x2048xf32, #tpu.memory_space<hbm>> -> memref<8x2048xf32, #tpu.memory_space<hbm>>
    tpu.enqueue_dma source(%arg8 : memref<8x2048xf32, #tpu.memory_space<vmem>>) target(%dma_start3A_1361 : memref<8x2048xf32, #tpu.memory_space<hbm>>) target_semaphore(%arg20 : memref<!tpu.dma_semaphore, #tpu.memory_space<semaphore_mem>>)
    %dma_wait3A_1362 = arith.constant 504 : i32
    %dma_wait3A_1363 = tpu.memref_slice %arg5[%dma_wait3A_1362] : memref<512xi32, #tpu.memory_space<vmem>> -> memref<8xi32, #tpu.memory_space<vmem>>
    %dma_wait3A_1364 = arith.constant 0 : i32
    %dma_wait3A_1365 = arith.constant 0 : i32
    %dma_wait3A_1366 = tpu.memref_slice %arg2[%dma_wait3A_1364, %dma_wait3A_1365] : memref<16384x2048xf32, #tpu.memory_space<hbm>> -> memref<16384x2048xf32, #tpu.memory_space<hbm>>
    tpu.wait_indirect_dma semaphore(%arg15 : memref<!tpu.dma_semaphore, #tpu.memory_space<semaphore_mem>>) src(%dma_wait3A_1366 : memref<16384x2048xf32, #tpu.memory_space<hbm>>) dst(%arg9 : memref<8x2048xf32, #tpu.memory_space<vmem>>)
    %add3A_1367 = arith.constant 504 : i32
    %add3A_1368 = arith.addi %mul3A_2, %add3A_1367 : i32
    %dma_start3A_1369 = arith.constant 0 : i32
    %dma_start3A_1370 = tpu.memref_slice %arg4[%add3A_1368, %dma_start3A_1369] : memref<16384x2048xf32, #tpu.memory_space<hbm>> -> memref<8x2048xf32, #tpu.memory_space<hbm>>
    %dma_start3A_1371 = arith.constant 0 : i32
    %dma_start3A_1372 = tpu.memref_slice %arg4[%add3A_1368, %dma_start3A_1371] : memref<16384x2048xf32, #tpu.memory_space<hbm>> -> memref<8x2048xf32, #tpu.memory_space<hbm>>
    tpu.enqueue_dma source(%arg9 : memref<8x2048xf32, #tpu.memory_space<vmem>>) target(%dma_start3A_1372 : memref<8x2048xf32, #tpu.memory_space<hbm>>) target_semaphore(%arg21 : memref<!tpu.dma_semaphore, #tpu.memory_space<semaphore_mem>>)
    %add3A_1373 = arith.constant 464 : i32
    %add3A_1374 = arith.addi %mul3A_2, %add3A_1373 : i32
    %dma_wait3A_1375 = arith.constant 0 : i32
    %dma_wait3A_1376 = tpu.memref_slice %arg4[%add3A_1374, %dma_wait3A_1375] : memref<16384x2048xf32, #tpu.memory_space<hbm>> -> memref<8x2048xf32, #tpu.memory_space<hbm>>
    %dma_wait3A_1377 = arith.constant 0 : i32
    %dma_wait3A_1378 = tpu.memref_slice %arg4[%add3A_1374, %dma_wait3A_1377] : memref<16384x2048xf32, #tpu.memory_space<hbm>> -> memref<8x2048xf32, #tpu.memory_space<hbm>>
    tpu.wait_dma2 semaphore(%arg22 : memref<!tpu.dma_semaphore, #tpu.memory_space<semaphore_mem>>) src(%arg10 : memref<8x2048xf32, #tpu.memory_space<vmem>>) dst(%dma_wait3A_1378 : memref<8x2048xf32, #tpu.memory_space<hbm>>)
    %add3A_1379 = arith.constant 472 : i32
    %add3A_1380 = arith.addi %mul3A_2, %add3A_1379 : i32
    %dma_wait3A_1381 = arith.constant 0 : i32
    %dma_wait3A_1382 = tpu.memref_slice %arg4[%add3A_1380, %dma_wait3A_1381] : memref<16384x2048xf32, #tpu.memory_space<hbm>> -> memref<8x2048xf32, #tpu.memory_space<hbm>>
    %dma_wait3A_1383 = arith.constant 0 : i32
    %dma_wait3A_1384 = tpu.memref_slice %arg4[%add3A_1380, %dma_wait3A_1383] : memref<16384x2048xf32, #tpu.memory_space<hbm>> -> memref<8x2048xf32, #tpu.memory_space<hbm>>
    tpu.wait_dma2 semaphore(%arg23 : memref<!tpu.dma_semaphore, #tpu.memory_space<semaphore_mem>>) src(%arg11 : memref<8x2048xf32, #tpu.memory_space<vmem>>) dst(%dma_wait3A_1384 : memref<8x2048xf32, #tpu.memory_space<hbm>>)
    %add3A_1385 = arith.constant 480 : i32
    %add3A_1386 = arith.addi %mul3A_2, %add3A_1385 : i32
    %dma_wait3A_1387 = arith.constant 0 : i32
    %dma_wait3A_1388 = tpu.memref_slice %arg4[%add3A_1386, %dma_wait3A_1387] : memref<16384x2048xf32, #tpu.memory_space<hbm>> -> memref<8x2048xf32, #tpu.memory_space<hbm>>
    %dma_wait3A_1389 = arith.constant 0 : i32
    %dma_wait3A_1390 = tpu.memref_slice %arg4[%add3A_1386, %dma_wait3A_1389] : memref<16384x2048xf32, #tpu.memory_space<hbm>> -> memref<8x2048xf32, #tpu.memory_space<hbm>>
    tpu.wait_dma2 semaphore(%arg18 : memref<!tpu.dma_semaphore, #tpu.memory_space<semaphore_mem>>) src(%arg6 : memref<8x2048xf32, #tpu.memory_space<vmem>>) dst(%dma_wait3A_1390 : memref<8x2048xf32, #tpu.memory_space<hbm>>)
    %add3A_1391 = arith.constant 488 : i32
    %add3A_1392 = arith.addi %mul3A_2, %add3A_1391 : i32
    %dma_wait3A_1393 = arith.constant 0 : i32
    %dma_wait3A_1394 = tpu.memref_slice %arg4[%add3A_1392, %dma_wait3A_1393] : memref<16384x2048xf32, #tpu.memory_space<hbm>> -> memref<8x2048xf32, #tpu.memory_space<hbm>>
    %dma_wait3A_1395 = arith.constant 0 : i32
    %dma_wait3A_1396 = tpu.memref_slice %arg4[%add3A_1392, %dma_wait3A_1395] : memref<16384x2048xf32, #tpu.memory_space<hbm>> -> memref<8x2048xf32, #tpu.memory_space<hbm>>
    tpu.wait_dma2 semaphore(%arg19 : memref<!tpu.dma_semaphore, #tpu.memory_space<semaphore_mem>>) src(%arg7 : memref<8x2048xf32, #tpu.memory_space<vmem>>) dst(%dma_wait3A_1396 : memref<8x2048xf32, #tpu.memory_space<hbm>>)
    %add3A_1397 = arith.constant 496 : i32
    %add3A_1398 = arith.addi %mul3A_2, %add3A_1397 : i32
    %dma_wait3A_1399 = arith.constant 0 : i32
    %dma_wait3A_1400 = tpu.memref_slice %arg4[%add3A_1398, %dma_wait3A_1399] : memref<16384x2048xf32, #tpu.memory_space<hbm>> -> memref<8x2048xf32, #tpu.memory_space<hbm>>
    %dma_wait3A_1401 = arith.constant 0 : i32
    %dma_wait3A_1402 = tpu.memref_slice %arg4[%add3A_1398, %dma_wait3A_1401] : memref<16384x2048xf32, #tpu.memory_space<hbm>> -> memref<8x2048xf32, #tpu.memory_space<hbm>>
    tpu.wait_dma2 semaphore(%arg20 : memref<!tpu.dma_semaphore, #tpu.memory_space<semaphore_mem>>) src(%arg8 : memref<8x2048xf32, #tpu.memory_space<vmem>>) dst(%dma_wait3A_1402 : memref<8x2048xf32, #tpu.memory_space<hbm>>)
    %add3A_1403 = arith.constant 504 : i32
    %add3A_1404 = arith.addi %mul3A_2, %add3A_1403 : i32
    %dma_wait3A_1405 = arith.constant 0 : i32
    %dma_wait3A_1406 = tpu.memref_slice %arg4[%add3A_1404, %dma_wait3A_1405] : memref<16384x2048xf32, #tpu.memory_space<hbm>> -> memref<8x2048xf32, #tpu.memory_space<hbm>>
    %dma_wait3A_1407 = arith.constant 0 : i32
    %dma_wait3A_1408 = tpu.memref_slice %arg4[%add3A_1404, %dma_wait3A_1407] : memref<16384x2048xf32, #tpu.memory_space<hbm>> -> memref<8x2048xf32, #tpu.memory_space<hbm>>
    tpu.wait_dma2 semaphore(%arg21 : memref<!tpu.dma_semaphore, #tpu.memory_space<semaphore_mem>>) src(%arg9 : memref<8x2048xf32, #tpu.memory_space<vmem>>) dst(%dma_wait3A_1408 : memref<8x2048xf32, #tpu.memory_space<hbm>>)
    return
  }
}

</mosaic_0001>

<sc_bundles>
// kernel: kernel.3.cloned.1.call-start
scs
__scs_entry_jumppad:
0x0: {  	(pc) =	sbr.rel $0x88, $3  }
0x1: {  	(tag) =	ssettag $0x0;
	lr =	simm.s32 $0x1  }
0x2: {  	[smem:$0x3FA0] =	sst lr;
	_ =	strace $0xD0000000  }
0x3: {  	_ = 	snop  }
0x4: {  	_ = 	snop  }
0x5: {  	_ = 	snop  }
0x6: {  	_ = 	snop  }
0x7: {  	_ = 	snop  }
__scs_overlays_trampoline_lowered:
0x8: {  	[smem:$0x3FAF] =	sst s0  }
0x9: {  	[smem:$0x3FB0] =	sst s1  }
0xa: {  	[smem:$0x3FB1] =	sst s2  }
0xb: {  	[smem:$0x3FB2] =	sst s3  }
0xc: {  	[smem:$0x3FB3] =	sst s4  }
0xd: {  	[smem:$0x3FB4] =	sst s5  }
0xe: {  	[smem:$0x3FB5] =	sst s6  }
0xf: {  	[smem:$0x3FB6] =	sst s7  }
0x10: {  	[smem:$0x3FB7] =	sst s8  }
0x11: {  	[smem:$0x3FB8] =	sst s9;
	s0 =	simm.s32 @!p0 $0x0  }
0x12: {  	s1 =	sld [smem:$0x3F9E];
	s0 =	simm.s32 @p0 $0x1  }
0x13: {  	[smem:$0x3FB9] =	sst s0;
	s0 =	simm.s32 @!p1 $0x0  }
0x14: {  	s2 =	sld [smem:$0x3F9D];
	s0 =	simm.s32 @p1 $0x1  }
0x15: {  	[smem:$0x3FBA] =	sst s0;
	s0 =	simm.s32 @!p2 $0x0  }
0x16: {  	s3 =	sld [smem:$0x3FDB];
	s0 =	simm.s32 @p2 $0x1  }
0x17: {  	s4 =	simm.s32 $0x1BF5;
	[smem:$0x3FBC] =	sst s0  }
0x18: {  	s0 =	sld [smem:$0x3F9F];
	_ =	swait.ge [sflag:s4], $0x0  }
0x19: {  	s7 =	sld [smem:$0x3FA0]  }
0x1a: {  	s8 =	sadd.s32 $0xFFFFE003, lr  }
0x1b: {  	s9 =	sadd.s32 $0xFFFFFEF7, lr;
	s5 =	simm.s32 $0xFFFFFFFF;
	p2 =	slt.u32 s8, $0xFFFFF086  }
0x1c: {  	p1 =	slt.u32 s9, $0xF7A;
	s5 =	simm.s32 @!p2 $0x0  }
0x1d: {  	s5 =	simm.s32 @p1 $0x1;
	p0 =	seq.s32 s7, s2  }
0x1e: {  	s7 =	smul.u32 @!p0 $0xF7A, s2;
	p2 =	seq.s32 @!p0 s5, $0x0  }
0x1f: {  	s9 =	smul.u32 $0xF7A, s1;
	s8 =	simm.s32 @!p0 $0x1BF5;
	p2 =	por !p2, p0  }
0x20: {  	[sflag:s8] =	ssyncset.s32 @!p0 $0xFFFFF086;
	s6 =	sadd.s32 @!p0 s3, s7;
	s7 =	simm.s32 @!p0 $0x108  }
0x21: {  	s3 =	sadd.s32 s3, s9;
	s6 =	sadd.s32 @!p0 $0x88, s6;
	s7 =	simm.s32 @p2 $0x1082  }
0x22: {  	[simem:s7], [sflag:s8] =	dma.local @!p0 [hbm:s6], $0xF7A  }
0x23: {  	s9 =	sor.u32 $0xD0000000, s2;
	s6 =	simm.s32 $0x108;
	_ =	swait.ge @!p0 [sflag:s8], $0x0  }
0x24: {  	s3 =	sadd.s32 $0x88, s3;
	s6 =	simm.s32 @!p1 $0x1082;
	[sflag:s4] =	ssyncset.s32 $0xFFFFF086  }
0x25: {  	[simem:s6], [sflag:s4] =	dma.local [hbm:s3], $0xF7A  }
0x26: {  	[smem:$0x3FA0] =	sst s1;
	(tag) =	ssettag s2;
	_ =	strace s9  }
0x27: {  	s1 =	sld [smem:$0x3FB0]  }
0x28: {  	s2 =	sld [smem:$0x3FB1]  }
0x29: {  	s4 =	sld [smem:$0x3FB3]  }
0x2a: {  	p0 =	seq.s32 s5, $0x0;
	s5 =	sld [smem:$0x3FB4]  }
0x2b: {  	s6 =	sld [smem:$0x3FB5]  }
0x2c: {  	s7 =	sld [smem:$0x3FB6]  }
0x2d: {  	s3 =	simm.s32 $0x108;
	s8 =	sld [smem:$0x3FB7]  }
0x2e: {  	s3 =	simm.s32 @!p0 $0x1082;
	s9 =	sld [smem:$0x3FB8]  }
0x2f: {  	lr =	sadd.s32 s0, s3;
	s0 =	sld [smem:$0x3FAF]  }
0x30: {  	s3 =	sld [smem:$0x3FB2]  }
0x31: {  	[smem:$0x3FBB] =	sst s10  }
0x32: {  	s10 =	sld [smem:$0x3FB9];
	_ =	sdelay $0x3  }
0x33: {  	p0 =	seq.s32 s10, $0x1;
	s10 =	sld [smem:$0x3FBB];
	_ =	sdelay $0x3  }
0x34: {  	[smem:$0x3FBB] =	sst s10  }
0x35: {  	s10 =	sld [smem:$0x3FBA];
	_ =	sdelay $0x3  }
0x36: {  	p1 =	seq.s32 s10, $0x1;
	s10 =	sld [smem:$0x3FBB];
	_ =	sdelay $0x3  }
0x37: {  	[smem:$0x3FBB] =	sst s10  }
0x38: {  	s10 =	sld [smem:$0x3FBC]  }
0x39: {  	_ = 	snop;
	(pc) =	sbr.ind lr, $3  }
0x3a: {  	_ = 	snop  }
0x3b: {  	_ = 	snop  }
0x3c: {  	p2 =	seq.s32 s10, $0x1;
	s10 =	sld [smem:$0x3FBB]  }
0x3d: {  	_ =	shalt  }
0x3e: {  	_ =	shalt  }
0x3f: {  	_ =	shalt  }
0x40: {  	_ =	shalt  }
0x41: {  	_ =	shalt  }
0x42: {  	_ =	shalt  }
0x43: {  	_ =	shalt  }
0x44: {  	_ =	shalt  }
0x45: {  	_ =	shalt  }
0x46: {  	_ =	shalt  }
0x47: {  	_ =	shalt  }
0x48: {  	_ =	shalt  }
0x49: {  	_ =	shalt  }
0x4a: {  	_ =	shalt  }
0x4b: {  	_ =	shalt  }
0x4c: {  	_ =	shalt  }
0x4d: {  	_ =	shalt  }
0x4e: {  	_ =	shalt  }
0x4f: {  	_ =	shalt  }
0x50: {  	_ =	shalt  }
0x51: {  	_ =	shalt  }
0x52: {  	_ =	shalt  }
0x53: {  	_ =	shalt  }
0x54: {  	_ =	shalt  }
0x55: {  	_ =	shalt  }
0x56: {  	_ =	shalt  }
0x57: {  	_ =	shalt  }
0x58: {  	_ =	shalt  }
0x59: {  	_ =	shalt  }
0x5a: {  	_ =	shalt  }
0x5b: {  	_ =	shalt  }
0x5c: {  	_ =	shalt  }
0x5d: {  	_ =	shalt  }
0x5e: {  	_ =	shalt  }
0x5f: {  	_ =	shalt  }
0x60: {  	_ =	shalt  }
0x61: {  	_ =	shalt  }
0x62: {  	_ =	shalt  }
0x63: {  	_ =	shalt  }
0x64: {  	_ =	shalt  }
0x65: {  	_ =	shalt  }
0x66: {  	_ =	shalt  }
0x67: {  	_ =	shalt  }
0x68: {  	_ =	shalt  }
0x69: {  	_ =	shalt  }
0x6a: {  	_ =	shalt  }
0x6b: {  	_ =	shalt  }
0x6c: {  	_ =	shalt  }
0x6d: {  	_ =	shalt  }
0x6e: {  	_ =	shalt  }
0x6f: {  	_ =	shalt  }
0x70: {  	_ =	shalt  }
0x71: {  	_ =	shalt  }
0x72: {  	_ =	shalt  }
0x73: {  	_ =	shalt  }
0x74: {  	_ =	shalt  }
0x75: {  	_ =	shalt  }
0x76: {  	_ =	shalt  }
0x77: {  	_ =	shalt  }
0x78: {  	_ =	shalt  }
0x79: {  	_ =	shalt  }
0x7a: {  	_ =	shalt  }
0x7b: {  	_ =	shalt  }
0x7c: {  	_ =	shalt  }
0x7d: {  	_ =	shalt  }
0x7e: {  	_ =	shalt  }
0x7f: {  	_ =	shalt  }
0x80: {  	_ =	shalt  }
0x81: {  	_ =	shalt  }
0x82: {  	_ =	shalt  }
0x83: {  	_ =	shalt  }
0x84: {  	_ =	shalt  }
0x85: {  	_ =	shalt  }
0x86: {  	_ =	shalt  }
0x87: {  	_ =	shalt  }
.Lfunc_end0:
.L_simem_size_0:
called_computation_lowered:
.L_overlay_start_0:
0x88: {  	s2 =	sld [smem:$0x3FD9]  }
0x89: {  	s3 =	sld [smem:$0x3FFE];
	_ =	sdelay $0x1  }
0x8a: {  	s1 =	srdreg.scid  }
0x8b: {  	s0 =	sand.u32 $0x1, s1  }
0x8c: {  	s17 =	sshll.u32 s0, $0xA;
	s2 =	sadd.s32 s3, s2  }
0x8d: {  	s2 =	sadd.s32 s2, s17  }
0x8e: {  	[smem:$0x3FC7] =	sst s2  }
0x8f: {  	_ = 	snop  }
0x90: {  	s2 =	sld [smem:$0x3FC9]  }
0x91: {  	s18 =	sld [smem:$0x3FD0];
	(tm) =	ssettm $0x1  }
0x92: {  	s4 =	sld [smem:$0x3FFB];
	_ =	sdelay $0x3  }
0x93: {  	_ =	strace s4  }
0x94: {  	s4 =	sld [smem:$0x3FFC];
	_ =	sdelay $0x3  }
0x95: {  	_ =	strace s4  }
0x96: {  	s4 =	sld [smem:$0x3FFD];
	_ =	sdelay $0x3  }
0x97: {  	_ =	strace s4  }
0x98: {  	_ =	strace $0x8FFFFFFF  }
0x99: {  	s19 =	sld [smem:$0x3FDB];
	_ =	sdelay $0x1  }
0x9a: {  	s5 =	simm.s32 $_scs_section_size  }
0x9b: {  	s6 =	simm.s32 $_size__tile_overlayer_lowered;
	s7 =	simm.s32 $_tile_overlayer_lowered  }
0x9c: {  	s22 =	simm.s32 $0x1BFF;
	s21 =	sshll.u32 s7, $0x1;
	s4 =	sadd.s32 s5, s19  }
0x9d: {  	s8 =	simm.s32 $0x0;
	s20 =	sshll.u32 s6, $0x1;
	s6 =	sadd.s32 s21, s4  }
0x9e: {  	[timem:s8], [sflag:s22] =	dma.local [hbm:s6], s20  }
0x9f: {  	_ =	swait.ge [sflag:s22], s20  }
0xa0: {  	s5 =	ssub.s32 $0x0, s20;
	[sflag:s22] =	ssyncset.done $0x0  }
0xa1: {  	[sflag:s22] =	ssyncadd.s32 s5;
	_ =	sdelay $0x1  }
0xa2: {  	s23 =	simm.s32 $0x1B8B  }
0xa3: {  	_ =	swait.ge [sflag:s23], $0x1  }
0xa4: {  	[sflag:s23] =	ssyncset.done $0x0  }
0xa5: {  	s25 =	simm.s32 $0x1B8E;
	s24 =	sld [smem:$0x3FFE];
	[sflag:s23] =	ssyncadd.s32 $0xFFFFFFFF  }
0xa6: {  	s26 =	simm.s32 $execute0_lowered;
	[smem:$0x3FD2] =	sst s25  }
0xa7: {  	s6 =	sshll.u32 s26, $0x1;
	_ =	strace $0x80000046;
	[dreg:$0x1] =	wrdreg $0xFFFFFFFF  }
0xa8: {  	s28 =	simm.s32 $_size_execute0_lowered;
	s4 =	sadd.s32 s4, s6;
	[dreg:$0x0] =	wrdreg $0x0  }
0xa9: {  	s6 =	sshll.u32 s28, $0x1;
	[dreg:$0x2] =	wrdreg s4  }
0xaa: {  	[dreg:$0x3] =	wrdreg s6  }
0xab: {  	[dreg:$0x4] =	wrdreg $0xC0  }
0xac: {  	_ =	task [dreg:s8], $0x5FFFF  }
0xad: {  	[dreg:$0x1] =	wrdreg $0xFFFFFFFF  }
0xae: {  	[dreg:$0x0] =	wrdreg $0x60  }
0xaf: {  	[dreg:$0x2] =	wrdreg s2  }
0xb0: {  	[dreg:$0x3] =	wrdreg s24  }
0xb1: {  	[dreg:$0x4] =	wrdreg s18  }
0xb2: {  	[dreg:$0x5] =	wrdreg $0x9  }
0xb3: {  	_ =	task.clear_ibuf [dreg:s8], $0x6FFFF;
	_ =	strace $0x90000046  }
0xb4: {  	s29 =	simm.s32 $0x9;
	_ =	strace $0x80000048  }
0xb5: {  	_ =	swait.ge [sflag:s29], $0x1  }
0xb6: {  	[sflag:s29] =	ssyncadd.s32 $0xFFFFFFFF  }
0xb7: {  	_ =	strace $0x90000048  }
0xb8: {  	_ =	sfence  }
0xb9: {  	s30 =	sld [smem:$0x0];
	_ =	sdelay $0x2  }
0xba: {  	s31 =	sshll.u32 s1, $0xD;
	s1 =	sshrl.u32 s1, $0x2  }
0xbb: {  	s3 =	sand.u32 $0x4000, s31;
	s1 =	sadd.s32 s1, s30  }
0xbc: {  	s0 =	sor.u32 s3, s0;
	s1 =	sshll.u32 s1, $0x11  }
0xbd: {  	s0 =	sor.u32 s1, s0  }
0xbe: {  	s0 =	sadd.s32 $0x8F2B, s0  }
0xbf: {  	[sflag:s0] =	ssyncadd.remote.s32 $0x1  }
0xc0: {  	_ =	sfence.sel $0xFFFF  }
0xc1: {  	[dreg:$0x0] =	wrdreg $0xFFFFFFFF;
	(pc) =	sbr.abs _section_cstart, $3  }
0xc2: {  	[dreg:$0x1] =	wrdreg $0xFFFFFFFF  }
0xc3: {  	_ =	task.clear_ibuf [dreg:s8], $0x2FFFF;
	_ =	strace $0x9FFFFFFF  }
0xc4: {  	(tm) =	ssettm $0x7FFFFFFF  }
0xc5: {  	_ =	shalt  }
tec
execute0_lowered:
.L_overlay_start_1:
0x0: {  	(tag) =	ssettag $0x1  }
0x1: {  	s0 =	srdreg.scid  }
0x2: {  	s1 =	rddreg [dreg:$0x0];
	s3 =	stileid.u32;
	s0 =	sand.u32 $0x1, s0  }
0x3: {  	s2 =	rddreg [dreg:$0x1];
	s3 =	sshll.u32 s3, $0xA;
	s4 =	sshll.u32 s0, $0x9  }
0x4: {  	s5 =	rddreg [dreg:$0x2];
	s4 =	sor.u32 s4, s3  }
0x5: {  	s3 =	simm.s32 $0x0;
	s6 =	sshrl.u32 s4, $0x3;
	s4 =	sshll.u32 s4, $0x8  }
0x6: {  	[smem:$0x7FF] =	sst s3;
	s2 =	sadd.s32 s6, s2;
	s12 =	sadd.s32 s5, s4  }
0x7: {  	_ =	strace $0x80000047;
	s2 =	sadd.s32 $0x400, s2;
	[smem:$0x7FC] =	sst s12  }
0x8: {  	s16 =	sadd.s32 $0x800, s12;
	[dreg:$0x4] =	wrdreg s2  }
0x9: {  	s17 =	sadd.s32 $0x1000, s12;
	[dreg:$0x5] =	wrdreg s16  }
0xa: {  	s18 =	sadd.s32 $0x1800, s12;
	[dreg:$0x6] =	wrdreg s17  }
0xb: {  	s19 =	sadd.s32 $0x2000, s12;
	[dreg:$0x7] =	wrdreg s18  }
0xc: {  	s20 =	sadd.s32 $0x2800, s12;
	[dreg:$0x8] =	wrdreg s19  }
0xd: {  	s21 =	sadd.s32 $0x3000, s12;
	[dreg:$0x9] =	wrdreg s20  }
0xe: {  	s22 =	sadd.s32 $0x3800, s12;
	[dreg:$0xa] =	wrdreg s21  }
0xf: {  	s23 =	sadd.s32 $0x4000, s12;
	[dreg:$0xb] =	wrdreg s22  }
0x10: {  	s24 =	sadd.s32 $0x4800, s12;
	[dreg:$0xc] =	wrdreg s23  }
0x11: {  	s25 =	sadd.s32 $0x5000, s12;
	[dreg:$0xd] =	wrdreg s24  }
0x12: {  	s26 =	sadd.s32 $0x5800, s12;
	[dreg:$0xe] =	wrdreg s25  }
0x13: {  	s28 =	sadd.s32 $0x6000, s12;
	[dreg:$0xf] =	wrdreg s26  }
0x14: {  	s29 =	sadd.s32 $0x6800, s12;
	[dreg:$0x10] =	wrdreg s28  }
0x15: {  	s31 =	sadd.s32 $0x7000, s12;
	[dreg:$0x11] =	wrdreg s29  }
0x16: {  	s4 =	sadd.s32 $0x7800, s12;
	[dreg:$0x12] =	wrdreg s31  }
0x17: {  	s5 =	sadd.s32 $0x8000, s12;
	[dreg:$0x13] =	wrdreg s4  }
0x18: {  	s6 =	sadd.s32 $0x8800, s12;
	[dreg:$0x14] =	wrdreg s5  }
0x19: {  	s7 =	sadd.s32 $0x9000, s12;
	[dreg:$0x15] =	wrdreg s6  }
0x1a: {  	s8 =	sadd.s32 $0x9800, s12;
	[dreg:$0x16] =	wrdreg s7  }
0x1b: {  	s9 =	sadd.s32 $0xA000, s12;
	[dreg:$0x17] =	wrdreg s8  }
0x1c: {  	s10 =	sadd.s32 $0xA800, s12;
	[dreg:$0x18] =	wrdreg s9  }
0x1d: {  	s11 =	sadd.s32 $0xB000, s12;
	[dreg:$0x19] =	wrdreg s10  }
0x1e: {  	s13 =	sadd.s32 $0xB800, s12;
	[dreg:$0x1a] =	wrdreg s11  }
0x1f: {  	s14 =	sadd.s32 $0xC000, s12;
	[dreg:$0x1b] =	wrdreg s13  }
0x20: {  	s15 =	sadd.s32 $0xC800, s12;
	[dreg:$0x1c] =	wrdreg s14  }
0x21: {  	[dreg:$0x1d] =	wrdreg s15;
	s16 =	sadd.s32 $0xD000, s12  }
0x22: {  	s17 =	sadd.s32 $0xD800, s12;
	[dreg:$0x1e] =	wrdreg s16  }
0x23: {  	s18 =	sadd.s32 $0xE000, s12;
	[dreg:$0x1f] =	wrdreg s17  }
0x24: {  	s19 =	sadd.s32 $0xE800, s12;
	[smem:$0x7D9] =	sst s18  }
0x25: {  	s20 =	sadd.s32 $0xF000, s12;
	[smem:$0x7DA] =	sst s19  }
0x26: {  	s21 =	sadd.s32 $0xF800, s12;
	[smem:$0x7DB] =	sst s20  }
0x27: {  	s22 =	sadd.s32 $0x10000, s12;
	[smem:$0x7DC] =	sst s21  }
0x28: {  	s23 =	sadd.s32 $0x10800, s12;
	[smem:$0x7DD] =	sst s22  }
0x29: {  	s24 =	sadd.s32 $0x11000, s12;
	[smem:$0x7DE] =	sst s23  }
0x2a: {  	s25 =	sadd.s32 $0x11800, s12;
	[smem:$0x7DF] =	sst s24  }
0x2b: {  	s26 =	sadd.s32 $0x12000, s12;
	[smem:$0x7E0] =	sst s25  }
0x2c: {  	s28 =	sadd.s32 $0x12800, s12;
	[smem:$0x7E1] =	sst s26  }
0x2d: {  	s29 =	sadd.s32 $0x13000, s12;
	[smem:$0x7E2] =	sst s28  }
0x2e: {  	s31 =	sadd.s32 $0x13800, s12;
	[smem:$0x7E3] =	sst s29  }
0x2f: {  	s4 =	sadd.s32 $0x14000, s12;
	[smem:$0x7E4] =	sst s31  }
0x30: {  	s5 =	sadd.s32 $0x14800, s12;
	[smem:$0x7E5] =	sst s4  }
0x31: {  	s6 =	sadd.s32 $0x15000, s12;
	[smem:$0x7E6] =	sst s5  }
0x32: {  	s7 =	sadd.s32 $0x15800, s12;
	[smem:$0x7E7] =	sst s6  }
0x33: {  	s8 =	sadd.s32 $0x16000, s12;
	[smem:$0x7E8] =	sst s7  }
0x34: {  	s9 =	sadd.s32 $0x16800, s12;
	[smem:$0x7E9] =	sst s8  }
0x35: {  	s10 =	sadd.s32 $0x17000, s12;
	[smem:$0x7EA] =	sst s9  }
0x36: {  	s11 =	sadd.s32 $0x17800, s12;
	[smem:$0x7EB] =	sst s10  }
0x37: {  	s13 =	sadd.s32 $0x18000, s12;
	[smem:$0x7EC] =	sst s11  }
0x38: {  	s14 =	sadd.s32 $0x18800, s12;
	[smem:$0x7ED] =	sst s13  }
0x39: {  	s15 =	sadd.s32 $0x19000, s12;
	[smem:$0x7EE] =	sst s14  }
0x3a: {  	s30 =	simm.s32 $0x1;
	[smem:$0x7EF] =	sst s15;
	s16 =	sadd.s32 $0x19800, s12  }
0x3b: {  	s0 =	ssub.s32 $0x2, s0;
	s17 =	sadd.s32 $0x1A000, s12;
	[smem:$0x7F0] =	sst s16  }
0x3c: {  	s18 =	sadd.s32 $0x1A800, s12;
	s19 =	sadd.s32 $0x1B000, s12;
	[smem:$0x7F1] =	sst s17  }
0x3d: {  	s20 =	sshrl.u32 s0, $0x1;
	s21 =	sadd.s32 $0x1B800, s12;
	[smem:$0x7F2] =	sst s18  }
0x3e: {  	s22 =	sadd.s32 $0x1C000, s12;
	s5 =	sadd.s32 $0x100, s1;
	[smem:$0x7F3] =	sst s19  }
0x3f: {  	s23 =	sadd.s32 $0x1C800, s12;
	s6 =	sadd.s32 $0x200, s1;
	[smem:$0x7F4] =	sst s21  }
0x40: {  	s24 =	sadd.s32 $0x1D000, s12;
	s7 =	sadd.s32 $0x300, s1;
	[smem:$0x7F5] =	sst s22  }
0x41: {  	s25 =	sadd.s32 $0x1D800, s12;
	s8 =	sadd.s32 $0x400, s1;
	[smem:$0x7F6] =	sst s23  }
0x42: {  	s26 =	sadd.s32 $0x1E000, s12;
	s9 =	sadd.s32 $0x500, s1;
	[smem:$0x7F7] =	sst s24  }
0x43: {  	s28 =	sadd.s32 $0x1E800, s12;
	s10 =	sadd.s32 $0x600, s1;
	[smem:$0x7F8] =	sst s25  }
0x44: {  	s29 =	sadd.s32 $0x1F000, s12;
	s11 =	sadd.s32 $0x700, s1;
	[smem:$0x7F9] =	sst s26  }
0x45: {  	v0 =	vlaneseq.u32;
	s31 =	sadd.s32 $0x1F800, s12;
	s14 =	simm.s32 $0x2;
	[smem:$0x7FA] =	sst s28  }
0x46: {  	v1 =	vshrl.u32 v0, $0x3;
	s13 =	simm.s32 $0x3;
	s0 =	ssub.s32 s0, s20;
	[smem:$0x7FB] =	sst s29  }
0x47: {  	vm0 =	vmmov $0xffff;
	v0 =	vand.u32 $0x7, v0;
	v1 =	vmul.u32 $0x8, v1;
	s4 =	simm.s32 $0x7;
	[smem:$0x7FD] =	sst s31;
	s12 =	smax.u32 s0, $0x1  }
.LBB2_1:
0x48: {  	[smem:$0x7D8] =	sst s12  }
0x49: {  	s24 =	rddreg [dreg:$0x4];
	s15 =	simm.s32 $0xD  }
0x4a: {  	[tilespmem:s3], [sflag:$0xD] =	stream.linear.gather [hbm4b:s24+s3], $0x200, $0x38;
	[tilespmem:$0x18200] =	vst v63  }
0x4b: {  	_ =	swait.ge [sflag:s15], $0x200  }
0x4c: {  	[sflag:s15] =	ssyncset.done $0x0  }
0x4d: {  	[sflag:s15] =	ssyncadd.s32 $0xFFFFFE00  }
0x4e: {  	v2 =	vld.msk [tilespmem:$0x0], $0xff;
	_ =	sdelay $0x4  }
0x4f: {  	v3 =	vshll.u32 v2, $0x4  }
0x50: {  	v2 =	vand.u32 $0x7, v2;
	v3 =	vand.u32 $0xFFFFFF80, v3  }
0x51: {  	v2 =	vor.u32 v2, v3  }
0x52: {  	v2 =	vperm.xlane v2, v0;
	_ =	sdelay $0x1  }
0x53: {  	v2 =	vadd.s32 v1, v2;
	_ =	sdelay $0x3  }
0x54: {  	s2 =	simm.s32 $0x200  }
0x55: {  	[tilespmem:s2], [sflag:$0x1] =	stream.indirect_vreg.gather [hbm4b:s1+s3], $0x80, v2, vm0, $0xb8;
	[tilespmem:$0x18200] =	vst v63  }
0x56: {  	s16 =	simm.s32 $0xA00  }
0x57: {  	[tilespmem:s16], [sflag:$0x1] =	stream.indirect_vreg.gather [hbm4b:s5+s3], $0x80, v2, vm0, $0xb8;
	[tilespmem:$0x18200] =	vst v63  }
0x58: {  	s17 =	simm.s32 $0x1200  }
0x59: {  	[tilespmem:s17], [sflag:$0x1] =	stream.indirect_vreg.gather [hbm4b:s6+s3], $0x80, v2, vm0, $0xb8;
	[tilespmem:$0x18200] =	vst v63  }
0x5a: {  	s18 =	simm.s32 $0x1A00  }
0x5b: {  	[tilespmem:s18], [sflag:$0x1] =	stream.indirect_vreg.gather [hbm4b:s7+s3], $0x80, v2, vm0, $0xb8;
	[tilespmem:$0x18200] =	vst v63  }
0x5c: {  	s19 =	simm.s32 $0x2200  }
0x5d: {  	[tilespmem:s19], [sflag:$0x1] =	stream.indirect_vreg.gather [hbm4b:s8+s3], $0x80, v2, vm0, $0xb8;
	[tilespmem:$0x18200] =	vst v63  }
0x5e: {  	s20 =	simm.s32 $0x2A00  }
0x5f: {  	[tilespmem:s20], [sflag:$0x1] =	stream.indirect_vreg.gather [hbm4b:s9+s3], $0x80, v2, vm0, $0xb8;
	[tilespmem:$0x18200] =	vst v63  }
0x60: {  	s21 =	simm.s32 $0x3200  }
0x61: {  	[tilespmem:s21], [sflag:$0x1] =	stream.indirect_vreg.gather [hbm4b:s10+s3], $0x80, v2, vm0, $0xb8;
	[tilespmem:$0x18200] =	vst v63  }
0x62: {  	s22 =	simm.s32 $0x3A00  }
0x63: {  	[tilespmem:s22], [sflag:$0x1] =	stream.indirect_vreg.gather [hbm4b:s11+s3], $0x80, v2, vm0, $0xb8;
	[tilespmem:$0x18200] =	vst v63  }
0x64: {  	v2 =	vld.msk [tilespmem:$0x8], $0xff;
	_ =	sdelay $0x4  }
0x65: {  	v3 =	vshll.u32 v2, $0x4  }
0x66: {  	v2 =	vand.u32 $0x7, v2;
	v3 =	vand.u32 $0xFFFFFF80, v3  }
0x67: {  	v2 =	vor.u32 v2, v3  }
0x68: {  	v2 =	vperm.xlane v2, v0;
	_ =	sdelay $0x1  }
0x69: {  	v2 =	vadd.s32 v1, v2;
	_ =	sdelay $0x3  }
0x6a: {  	s23 =	simm.s32 $0x4200  }
0x6b: {  	[tilespmem:s23], [sflag:$0x2] =	stream.indirect_vreg.gather [hbm4b:s1+s3], $0x80, v2, vm0, $0xb8;
	[tilespmem:$0x18200] =	vst v63  }
0x6c: {  	s24 =	simm.s32 $0x4A00  }
0x6d: {  	[tilespmem:s24], [sflag:$0x2] =	stream.indirect_vreg.gather [hbm4b:s5+s3], $0x80, v2, vm0, $0xb8;
	[tilespmem:$0x18200] =	vst v63  }
0x6e: {  	s25 =	simm.s32 $0x5200  }
0x6f: {  	[tilespmem:s25], [sflag:$0x2] =	stream.indirect_vreg.gather [hbm4b:s6+s3], $0x80, v2, vm0, $0xb8;
	[tilespmem:$0x18200] =	vst v63  }
0x70: {  	s28 =	simm.s32 $0x5A00  }
0x71: {  	[tilespmem:s28], [sflag:$0x2] =	stream.indirect_vreg.gather [hbm4b:s7+s3], $0x80, v2, vm0, $0xb8;
	[tilespmem:$0x18200] =	vst v63  }
0x72: {  	s31 =	simm.s32 $0x6200  }
0x73: {  	[tilespmem:s31], [sflag:$0x2] =	stream.indirect_vreg.gather [hbm4b:s8+s3], $0x80, v2, vm0, $0xb8;
	[tilespmem:$0x18200] =	vst v63  }
0x74: {  	s0 =	simm.s32 $0x6A00  }
0x75: {  	[tilespmem:s0], [sflag:$0x2] =	stream.indirect_vreg.gather [hbm4b:s9+s3], $0x80, v2, vm0, $0xb8;
	[tilespmem:$0x18200] =	vst v63  }
0x76: {  	s19 =	simm.s32 $0x7200  }
0x77: {  	[tilespmem:s19], [sflag:$0x2] =	stream.indirect_vreg.gather [hbm4b:s10+s3], $0x80, v2, vm0, $0xb8;
	[tilespmem:$0x18200] =	vst v63  }
0x78: {  	s22 =	simm.s32 $0x7A00  }
0x79: {  	[tilespmem:s22], [sflag:$0x2] =	stream.indirect_vreg.gather [hbm4b:s11+s3], $0x80, v2, vm0, $0xb8;
	[tilespmem:$0x18200] =	vst v63  }
0x7a: {  	v2 =	vld.msk [tilespmem:$0x10], $0xff;
	_ =	sdelay $0x4  }
0x7b: {  	v3 =	vshll.u32 v2, $0x4  }
0x7c: {  	v2 =	vand.u32 $0x7, v2;
	v3 =	vand.u32 $0xFFFFFF80, v3  }
0x7d: {  	v2 =	vor.u32 v2, v3  }
0x7e: {  	v2 =	vperm.xlane v2, v0;
	_ =	sdelay $0x1  }
0x7f: {  	v2 =	vadd.s32 v1, v2;
	_ =	sdelay $0x3  }
0x80: {  	s23 =	simm.s32 $0x8200  }
0x81: {  	[tilespmem:s23], [sflag:$0x3] =	stream.indirect_vreg.gather [hbm4b:s1+s3], $0x80, v2, vm0, $0xb8;
	[tilespmem:$0x18200] =	vst v63  }
0x82: {  	s24 =	simm.s32 $0x8A00  }
0x83: {  	[tilespmem:s24], [sflag:$0x3] =	stream.indirect_vreg.gather [hbm4b:s5+s3], $0x80, v2, vm0, $0xb8;
	[tilespmem:$0x18200] =	vst v63  }
0x84: {  	s28 =	simm.s32 $0x9200  }
0x85: {  	[tilespmem:s28], [sflag:$0x3] =	stream.indirect_vreg.gather [hbm4b:s6+s3], $0x80, v2, vm0, $0xb8;
	[tilespmem:$0x18200] =	vst v63  }
0x86: {  	s0 =	simm.s32 $0x9A00  }
0x87: {  	[tilespmem:s0], [sflag:$0x3] =	stream.indirect_vreg.gather [hbm4b:s7+s3], $0x80, v2, vm0, $0xb8;
	[tilespmem:$0x18200] =	vst v63  }
0x88: {  	s19 =	simm.s32 $0xA200  }
0x89: {  	[tilespmem:s19], [sflag:$0x3] =	stream.indirect_vreg.gather [hbm4b:s8+s3], $0x80, v2, vm0, $0xb8;
	[tilespmem:$0x18200] =	vst v63  }
0x8a: {  	s23 =	simm.s32 $0xAA00  }
0x8b: {  	[tilespmem:s23], [sflag:$0x3] =	stream.indirect_vreg.gather [hbm4b:s9+s3], $0x80, v2, vm0, $0xb8;
	[tilespmem:$0x18200] =	vst v63  }
0x8c: {  	s24 =	simm.s32 $0xB200  }
0x8d: {  	[tilespmem:s24], [sflag:$0x3] =	stream.indirect_vreg.gather [hbm4b:s10+s3], $0x80, v2, vm0, $0xb8;
	[tilespmem:$0x18200] =	vst v63  }
0x8e: {  	s28 =	simm.s32 $0xBA00  }
0x8f: {  	[tilespmem:s28], [sflag:$0x3] =	stream.indirect_vreg.gather [hbm4b:s11+s3], $0x80, v2, vm0, $0xb8;
	[tilespmem:$0x18200] =	vst v63  }
0x90: {  	v2 =	vld.msk [tilespmem:$0x18], $0xff;
	_ =	sdelay $0x4  }
0x91: {  	v3 =	vshll.u32 v2, $0x4  }
0x92: {  	v2 =	vand.u32 $0x7, v2;
	v3 =	vand.u32 $0xFFFFFF80, v3  }
0x93: {  	v2 =	vor.u32 v2, v3  }
0x94: {  	v2 =	vperm.xlane v2, v0;
	_ =	sdelay $0x1  }
0x95: {  	v2 =	vadd.s32 v1, v2;
	_ =	sdelay $0x3  }
0x96: {  	s0 =	simm.s32 $0xC200  }
0x97: {  	[tilespmem:s0], [sflag:$0x4] =	stream.indirect_vreg.gather [hbm4b:s1+s3], $0x80, v2, vm0, $0xb8;
	[tilespmem:$0x18200] =	vst v63  }
0x98: {  	s2 =	simm.s32 $0xCA00  }
0x99: {  	[tilespmem:s2], [sflag:$0x4] =	stream.indirect_vreg.gather [hbm4b:s5+s3], $0x80, v2, vm0, $0xb8;
	[tilespmem:$0x18200] =	vst v63  }
0x9a: {  	s23 =	simm.s32 $0xD200  }
0x9b: {  	[tilespmem:s23], [sflag:$0x4] =	stream.indirect_vreg.gather [hbm4b:s6+s3], $0x80, v2, vm0, $0xb8;
	[tilespmem:$0x18200] =	vst v63  }
0x9c: {  	s0 =	simm.s32 $0xDA00  }
0x9d: {  	[tilespmem:s0], [sflag:$0x4] =	stream.indirect_vreg.gather [hbm4b:s7+s3], $0x80, v2, vm0, $0xb8;
	[tilespmem:$0x18200] =	vst v63  }
0x9e: {  	s2 =	simm.s32 $0xE200  }
0x9f: {  	[tilespmem:s2], [sflag:$0x4] =	stream.indirect_vreg.gather [hbm4b:s8+s3], $0x80, v2, vm0, $0xb8;
	[tilespmem:$0x18200] =	vst v63  }
0xa0: {  	s23 =	simm.s32 $0xEA00  }
0xa1: {  	[tilespmem:s23], [sflag:$0x4] =	stream.indirect_vreg.gather [hbm4b:s9+s3], $0x80, v2, vm0, $0xb8;
	[tilespmem:$0x18200] =	vst v63  }
0xa2: {  	s0 =	simm.s32 $0xF200  }
0xa3: {  	[tilespmem:s0], [sflag:$0x4] =	stream.indirect_vreg.gather [hbm4b:s10+s3], $0x80, v2, vm0, $0xb8;
	[tilespmem:$0x18200] =	vst v63  }
0xa4: {  	s2 =	simm.s32 $0xFA00  }
0xa5: {  	[tilespmem:s2], [sflag:$0x4] =	stream.indirect_vreg.gather [hbm4b:s11+s3], $0x80, v2, vm0, $0xb8;
	[tilespmem:$0x18200] =	vst v63  }
0xa6: {  	_ =	swait.ge [sflag:s30], $0x4000  }
0xa7: {  	s23 =	sld [smem:$0x7FC]  }
0xa8: {  	[sflag:s30] =	ssyncset.done $0x0  }
0xa9: {  	s2 =	simm.s32 $0x200;
	[sflag:s30] =	ssyncadd.s32 $0xFFFFC000  }
0xaa: {  	[hbm4b:s23+s3] =	stream.linear.scatter [tilespmem:s2], [sflag:$0x7], $0x4000, $0x38;
	[tilespmem:$0x18200] =	vst v63  }
0xab: {  	v2 =	vld.msk [tilespmem:$0x20], $0xff;
	_ =	sdelay $0x4  }
0xac: {  	v3 =	vshll.u32 v2, $0x4  }
0xad: {  	v2 =	vand.u32 $0x7, v2;
	v3 =	vand.u32 $0xFFFFFF80, v3  }
0xae: {  	v2 =	vor.u32 v2, v3  }
0xaf: {  	v2 =	vperm.xlane v2, v0;
	_ =	sdelay $0x1  }
0xb0: {  	v2 =	vadd.s32 v1, v2;
	_ =	sdelay $0x3  }
0xb1: {  	s0 =	simm.s32 $0x10200  }
0xb2: {  	[tilespmem:s0], [sflag:$0x5] =	stream.indirect_vreg.gather [hbm4b:s1+s3], $0x80, v2, vm0, $0xb8;
	[tilespmem:$0x18200] =	vst v63  }
0xb3: {  	s23 =	simm.s32 $0x10A00  }
0xb4: {  	[tilespmem:s23], [sflag:$0x5] =	stream.indirect_vreg.gather [hbm4b:s5+s3], $0x80, v2, vm0, $0xb8;
	[tilespmem:$0x18200] =	vst v63  }
0xb5: {  	s23 =	simm.s32 $0x11200  }
0xb6: {  	[tilespmem:s23], [sflag:$0x5] =	stream.indirect_vreg.gather [hbm4b:s6+s3], $0x80, v2, vm0, $0xb8;
	[tilespmem:$0x18200] =	vst v63  }
0xb7: {  	s23 =	simm.s32 $0x11A00  }
0xb8: {  	[tilespmem:s23], [sflag:$0x5] =	stream.indirect_vreg.gather [hbm4b:s7+s3], $0x80, v2, vm0, $0xb8;
	[tilespmem:$0x18200] =	vst v63  }
0xb9: {  	s23 =	simm.s32 $0x12200  }
0xba: {  	[tilespmem:s23], [sflag:$0x5] =	stream.indirect_vreg.gather [hbm4b:s8+s3], $0x80, v2, vm0, $0xb8;
	[tilespmem:$0x18200] =	vst v63  }
0xbb: {  	s23 =	simm.s32 $0x12A00  }
0xbc: {  	[tilespmem:s23], [sflag:$0x5] =	stream.indirect_vreg.gather [hbm4b:s9+s3], $0x80, v2, vm0, $0xb8;
	[tilespmem:$0x18200] =	vst v63  }
0xbd: {  	s23 =	simm.s32 $0x13200  }
0xbe: {  	[tilespmem:s23], [sflag:$0x5] =	stream.indirect_vreg.gather [hbm4b:s10+s3], $0x80, v2, vm0, $0xb8;
	[tilespmem:$0x18200] =	vst v63  }
0xbf: {  	s23 =	simm.s32 $0x13A00  }
0xc0: {  	[tilespmem:s23], [sflag:$0x5] =	stream.indirect_vreg.gather [hbm4b:s11+s3], $0x80, v2, vm0, $0xb8;
	[tilespmem:$0x18200] =	vst v63  }
0xc1: {  	_ =	swait.ge [sflag:s14], $0x4000  }
0xc2: {  	[sflag:s14] =	ssyncset.done $0x0  }
0xc3: {  	s12 =	simm.s32 $0x4200;
	s23 =	rddreg [dreg:$0x5];
	[sflag:s14] =	ssyncadd.s32 $0xFFFFC000  }
0xc4: {  	[hbm4b:s23+s3] =	stream.linear.scatter [tilespmem:s12], [sflag:$0x8], $0x4000, $0x38;
	[tilespmem:$0x18200] =	vst v63  }
0xc5: {  	v2 =	vld.msk [tilespmem:$0x28], $0xff;
	_ =	sdelay $0x4  }
0xc6: {  	v3 =	vshll.u32 v2, $0x4  }
0xc7: {  	v2 =	vand.u32 $0x7, v2;
	v3 =	vand.u32 $0xFFFFFF80, v3  }
0xc8: {  	v2 =	vor.u32 v2, v3  }
0xc9: {  	v2 =	vperm.xlane v2, v0;
	_ =	sdelay $0x1  }
0xca: {  	v2 =	vadd.s32 v1, v2;
	_ =	sdelay $0x3  }
0xcb: {  	s23 =	simm.s32 $0x14200  }
0xcc: {  	[tilespmem:s23], [sflag:$0x6] =	stream.indirect_vreg.gather [hbm4b:s1+s3], $0x80, v2, vm0, $0xb8;
	[tilespmem:$0x18200] =	vst v63  }
0xcd: {  	s23 =	simm.s32 $0x14A00  }
0xce: {  	[tilespmem:s23], [sflag:$0x6] =	stream.indirect_vreg.gather [hbm4b:s5+s3], $0x80, v2, vm0, $0xb8;
	[tilespmem:$0x18200] =	vst v63  }
0xcf: {  	s23 =	simm.s32 $0x15200  }
0xd0: {  	[tilespmem:s23], [sflag:$0x6] =	stream.indirect_vreg.gather [hbm4b:s6+s3], $0x80, v2, vm0, $0xb8;
	[tilespmem:$0x18200] =	vst v63  }
0xd1: {  	s23 =	simm.s32 $0x15A00  }
0xd2: {  	[tilespmem:s23], [sflag:$0x6] =	stream.indirect_vreg.gather [hbm4b:s7+s3], $0x80, v2, vm0, $0xb8;
	[tilespmem:$0x18200] =	vst v63  }
0xd3: {  	s23 =	simm.s32 $0x16200  }
0xd4: {  	[tilespmem:s23], [sflag:$0x6] =	stream.indirect_vreg.gather [hbm4b:s8+s3], $0x80, v2, vm0, $0xb8;
	[tilespmem:$0x18200] =	vst v63  }
0xd5: {  	s23 =	simm.s32 $0x16A00  }
0xd6: {  	[tilespmem:s23], [sflag:$0x6] =	stream.indirect_vreg.gather [hbm4b:s9+s3], $0x80, v2, vm0, $0xb8;
	[tilespmem:$0x18200] =	vst v63  }
0xd7: {  	s23 =	simm.s32 $0x17200  }
0xd8: {  	[tilespmem:s23], [sflag:$0x6] =	stream.indirect_vreg.gather [hbm4b:s10+s3], $0x80, v2, vm0, $0xb8;
	[tilespmem:$0x18200] =	vst v63  }
0xd9: {  	s23 =	simm.s32 $0x17A00  }
0xda: {  	[tilespmem:s23], [sflag:$0x6] =	stream.indirect_vreg.gather [hbm4b:s11+s3], $0x80, v2, vm0, $0xb8;
	[tilespmem:$0x18200] =	vst v63  }
0xdb: {  	_ =	swait.ge [sflag:s13], $0x4000  }
0xdc: {  	[sflag:s13] =	ssyncset.done $0x0  }
0xdd: {  	s22 =	simm.s32 $0x8200;
	s23 =	rddreg [dreg:$0x6];
	[sflag:s13] =	ssyncadd.s32 $0xFFFFC000  }
0xde: {  	[hbm4b:s23+s3] =	stream.linear.scatter [tilespmem:s22], [sflag:$0x9], $0x4000, $0x38;
	[tilespmem:$0x18200] =	vst v63  }
0xdf: {  	_ =	swait.ge [sflag:s4], $0x4000  }
0xe0: {  	[sflag:s4] =	ssyncset.done $0x0  }
0xe1: {  	[sflag:s4] =	ssyncadd.s32 $0xFFFFC000  }
0xe2: {  	v2 =	vld.msk [tilespmem:$0x30], $0xff;
	_ =	sdelay $0x4  }
0xe3: {  	v3 =	vshll.u32 v2, $0x4  }
0xe4: {  	v2 =	vand.u32 $0x7, v2;
	v3 =	vand.u32 $0xFFFFFF80, v3  }
0xe5: {  	v2 =	vor.u32 v2, v3  }
0xe6: {  	v2 =	vperm.xlane v2, v0;
	_ =	sdelay $0x1  }
0xe7: {  	v2 =	vadd.s32 v1, v2;
	_ =	sdelay $0x4  }
0xe8: {  	[tilespmem:s2], [sflag:$0x1] =	stream.indirect_vreg.gather [hbm4b:s1+s3], $0x80, v2, vm0, $0xb8;
	[tilespmem:$0x18200] =	vst v63  }
0xe9: {  	s15 =	simm.s32 $0xA00  }
0xea: {  	[tilespmem:s15], [sflag:$0x1] =	stream.indirect_vreg.gather [hbm4b:s5+s3], $0x80, v2, vm0, $0xb8;
	[tilespmem:$0x18200] =	vst v63  }
0xeb: {  	s17 =	simm.s32 $0x1200  }
0xec: {  	[tilespmem:s17], [sflag:$0x1] =	stream.indirect_vreg.gather [hbm4b:s6+s3], $0x80, v2, vm0, $0xb8;
	[tilespmem:$0x18200] =	vst v63  }
0xed: {  	s29 =	simm.s32 $0x1A00  }
0xee: {  	[tilespmem:s29], [sflag:$0x1] =	stream.indirect_vreg.gather [hbm4b:s7+s3], $0x80, v2, vm0, $0xb8;
	[tilespmem:$0x18200] =	vst v63  }
0xef: {  	s18 =	simm.s32 $0x2200  }
0xf0: {  	[tilespmem:s18], [sflag:$0x1] =	stream.indirect_vreg.gather [hbm4b:s8+s3], $0x80, v2, vm0, $0xb8;
	[tilespmem:$0x18200] =	vst v63  }
0xf1: {  	s26 =	simm.s32 $0x2A00  }
0xf2: {  	[tilespmem:s26], [sflag:$0x1] =	stream.indirect_vreg.gather [hbm4b:s9+s3], $0x80, v2, vm0, $0xb8;
	[tilespmem:$0x18200] =	vst v63  }
0xf3: {  	s17 =	simm.s32 $0x3200  }
0xf4: {  	[tilespmem:s17], [sflag:$0x1] =	stream.indirect_vreg.gather [hbm4b:s10+s3], $0x80, v2, vm0, $0xb8;
	[tilespmem:$0x18200] =	vst v63  }
0xf5: {  	s16 =	simm.s32 $0x3A00;
	s15 =	simm.s32 $0x4  }
0xf6: {  	[tilespmem:s16], [sflag:$0x1] =	stream.indirect_vreg.gather [hbm4b:s11+s3], $0x80, v2, vm0, $0xb8;
	[tilespmem:$0x18200] =	vst v63  }
0xf7: {  	_ =	swait.ge [sflag:s15], $0x4000  }
0xf8: {  	s19 =	simm.s32 $0xC200;
	[sflag:s15] =	ssyncset.done $0x0  }
0xf9: {  	s17 =	simm.s32 $0x8;
	s18 =	rddreg [dreg:$0x7];
	[sflag:s15] =	ssyncadd.s32 $0xFFFFC000  }
0xfa: {  	[hbm4b:s18+s3] =	stream.linear.scatter [tilespmem:s19], [sflag:$0xA], $0x4000, $0x38;
	[tilespmem:$0x18200] =	vst v63  }
0xfb: {  	_ =	swait.ge [sflag:s17], $0x4000  }
0xfc: {  	[sflag:s17] =	ssyncset.done $0x0  }
0xfd: {  	[sflag:s17] =	ssyncadd.s32 $0xFFFFC000  }
0xfe: {  	v2 =	vld.msk [tilespmem:$0x38], $0xff;
	_ =	sdelay $0x4  }
0xff: {  	v3 =	vshll.u32 v2, $0x4  }
0x100: {  	v2 =	vand.u32 $0x7, v2;
	v3 =	vand.u32 $0xFFFFFF80, v3  }
0x101: {  	v2 =	vor.u32 v2, v3  }
0x102: {  	v2 =	vperm.xlane v2, v0;
	_ =	sdelay $0x1  }
0x103: {  	v2 =	vadd.s32 v1, v2;
	_ =	sdelay $0x3  }
0x104: {  	s12 =	simm.s32 $0x4200  }
0x105: {  	[tilespmem:s12], [sflag:$0x2] =	stream.indirect_vreg.gather [hbm4b:s1+s3], $0x80, v2, vm0, $0xb8;
	[tilespmem:$0x18200] =	vst v63  }
0x106: {  	s20 =	simm.s32 $0x4A00  }
0x107: {  	[tilespmem:s20], [sflag:$0x2] =	stream.indirect_vreg.gather [hbm4b:s5+s3], $0x80, v2, vm0, $0xb8;
	[tilespmem:$0x18200] =	vst v63  }
0x108: {  	s21 =	simm.s32 $0x5200  }
0x109: {  	[tilespmem:s21], [sflag:$0x2] =	stream.indirect_vreg.gather [hbm4b:s6+s3], $0x80, v2, vm0, $0xb8;
	[tilespmem:$0x18200] =	vst v63  }
0x10a: {  	s25 =	simm.s32 $0x5A00  }
0x10b: {  	[tilespmem:s25], [sflag:$0x2] =	stream.indirect_vreg.gather [hbm4b:s7+s3], $0x80, v2, vm0, $0xb8;
	[tilespmem:$0x18200] =	vst v63  }
0x10c: {  	s31 =	simm.s32 $0x6200  }
0x10d: {  	[tilespmem:s31], [sflag:$0x2] =	stream.indirect_vreg.gather [hbm4b:s8+s3], $0x80, v2, vm0, $0xb8;
	[tilespmem:$0x18200] =	vst v63  }
0x10e: {  	s25 =	simm.s32 $0x6A00  }
0x10f: {  	[tilespmem:s25], [sflag:$0x2] =	stream.indirect_vreg.gather [hbm4b:s9+s3], $0x80, v2, vm0, $0xb8;
	[tilespmem:$0x18200] =	vst v63  }
0x110: {  	s26 =	simm.s32 $0x7200  }
0x111: {  	[tilespmem:s26], [sflag:$0x2] =	stream.indirect_vreg.gather [hbm4b:s10+s3], $0x80, v2, vm0, $0xb8;
	[tilespmem:$0x18200] =	vst v63  }
0x112: {  	s19 =	simm.s32 $0x5;
	s31 =	simm.s32 $0x7A00  }
0x113: {  	[tilespmem:s31], [sflag:$0x2] =	stream.indirect_vreg.gather [hbm4b:s11+s3], $0x80, v2, vm0, $0xb8;
	[tilespmem:$0x18200] =	vst v63  }
0x114: {  	_ =	swait.ge [sflag:s19], $0x4000  }
0x115: {  	s0 =	simm.s32 $0x10200;
	[sflag:s19] =	ssyncset.done $0x0  }
0x116: {  	s20 =	simm.s32 $0x9;
	s29 =	rddreg [dreg:$0x8];
	[sflag:s19] =	ssyncadd.s32 $0xFFFFC000  }
0x117: {  	[hbm4b:s29+s3] =	stream.linear.scatter [tilespmem:s0], [sflag:$0xB], $0x4000, $0x38;
	[tilespmem:$0x18200] =	vst v63  }
0x118: {  	_ =	swait.ge [sflag:s20], $0x4000  }
0x119: {  	[sflag:s20] =	ssyncset.done $0x0  }
0x11a: {  	[sflag:s20] =	ssyncadd.s32 $0xFFFFC000  }
0x11b: {  	v2 =	vld.msk [tilespmem:$0x40], $0xff;
	_ =	sdelay $0x4  }
0x11c: {  	v3 =	vshll.u32 v2, $0x4  }
0x11d: {  	v2 =	vand.u32 $0x7, v2;
	v3 =	vand.u32 $0xFFFFFF80, v3  }
0x11e: {  	v2 =	vor.u32 v2, v3  }
0x11f: {  	v2 =	vperm.xlane v2, v0;
	_ =	sdelay $0x1  }
0x120: {  	v2 =	vadd.s32 v1, v2;
	_ =	sdelay $0x3  }
0x121: {  	s22 =	simm.s32 $0x8200  }
0x122: {  	[tilespmem:s22], [sflag:$0x3] =	stream.indirect_vreg.gather [hbm4b:s1+s3], $0x80, v2, vm0, $0xb8;
	[tilespmem:$0x18200] =	vst v63  }
0x123: {  	s2 =	simm.s32 $0x8A00  }
0x124: {  	[tilespmem:s2], [sflag:$0x3] =	stream.indirect_vreg.gather [hbm4b:s5+s3], $0x80, v2, vm0, $0xb8;
	[tilespmem:$0x18200] =	vst v63  }
0x125: {  	s18 =	simm.s32 $0x9200  }
0x126: {  	[tilespmem:s18], [sflag:$0x3] =	stream.indirect_vreg.gather [hbm4b:s6+s3], $0x80, v2, vm0, $0xb8;
	[tilespmem:$0x18200] =	vst v63  }
0x127: {  	s21 =	simm.s32 $0x9A00  }
0x128: {  	[tilespmem:s21], [sflag:$0x3] =	stream.indirect_vreg.gather [hbm4b:s7+s3], $0x80, v2, vm0, $0xb8;
	[tilespmem:$0x18200] =	vst v63  }
0x129: {  	s22 =	simm.s32 $0xA200  }
0x12a: {  	[tilespmem:s22], [sflag:$0x3] =	stream.indirect_vreg.gather [hbm4b:s8+s3], $0x80, v2, vm0, $0xb8;
	[tilespmem:$0x18200] =	vst v63  }
0x12b: {  	s24 =	simm.s32 $0xAA00  }
0x12c: {  	[tilespmem:s24], [sflag:$0x3] =	stream.indirect_vreg.gather [hbm4b:s9+s3], $0x80, v2, vm0, $0xb8;
	[tilespmem:$0x18200] =	vst v63  }
0x12d: {  	s29 =	simm.s32 $0xB200  }
0x12e: {  	[tilespmem:s29], [sflag:$0x3] =	stream.indirect_vreg.gather [hbm4b:s10+s3], $0x80, v2, vm0, $0xb8;
	[tilespmem:$0x18200] =	vst v63  }
0x12f: {  	s2 =	simm.s32 $0xBA00;
	s21 =	simm.s32 $0x6  }
0x130: {  	[tilespmem:s2], [sflag:$0x3] =	stream.indirect_vreg.gather [hbm4b:s11+s3], $0x80, v2, vm0, $0xb8;
	[tilespmem:$0x18200] =	vst v63  }
0x131: {  	_ =	swait.ge [sflag:s21], $0x4000  }
0x132: {  	s0 =	simm.s32 $0xA;
	[sflag:s21] =	ssyncset.done $0x0  }
0x133: {  	s2 =	simm.s32 $0x14200;
	s18 =	rddreg [dreg:$0x9];
	[sflag:s21] =	ssyncadd.s32 $0xFFFFC000  }
0x134: {  	[hbm4b:s18+s3] =	stream.linear.scatter [tilespmem:s2], [sflag:$0xC], $0x4000, $0x38;
	[tilespmem:$0x18200] =	vst v63  }
0x135: {  	_ =	swait.ge [sflag:s0], $0x4000  }
0x136: {  	[sflag:s0] =	ssyncset.done $0x0  }
0x137: {  	[sflag:s0] =	ssyncadd.s32 $0xFFFFC000  }
0x138: {  	v2 =	vld.msk [tilespmem:$0x48], $0xff;
	_ =	sdelay $0x4  }
0x139: {  	v3 =	vshll.u32 v2, $0x4  }
0x13a: {  	v2 =	vand.u32 $0x7, v2;
	v3 =	vand.u32 $0xFFFFFF80, v3  }
0x13b: {  	v2 =	vor.u32 v2, v3  }
0x13c: {  	v2 =	vperm.xlane v2, v0;
	_ =	sdelay $0x1  }
0x13d: {  	v2 =	vadd.s32 v1, v2;
	_ =	sdelay $0x3  }
0x13e: {  	s16 =	simm.s32 $0xC200  }
0x13f: {  	[tilespmem:s16], [sflag:$0x4] =	stream.indirect_vreg.gather [hbm4b:s1+s3], $0x80, v2, vm0, $0xb8;
	[tilespmem:$0x18200] =	vst v63  }
0x140: {  	s28 =	simm.s32 $0xCA00  }
0x141: {  	[tilespmem:s28], [sflag:$0x4] =	stream.indirect_vreg.gather [hbm4b:s5+s3], $0x80, v2, vm0, $0xb8;
	[tilespmem:$0x18200] =	vst v63  }
0x142: {  	s22 =	simm.s32 $0xD200  }
0x143: {  	[tilespmem:s22], [sflag:$0x4] =	stream.indirect_vreg.gather [hbm4b:s6+s3], $0x80, v2, vm0, $0xb8;
	[tilespmem:$0x18200] =	vst v63  }
0x144: {  	s24 =	simm.s32 $0xDA00  }
0x145: {  	[tilespmem:s24], [sflag:$0x4] =	stream.indirect_vreg.gather [hbm4b:s7+s3], $0x80, v2, vm0, $0xb8;
	[tilespmem:$0x18200] =	vst v63  }
0x146: {  	s28 =	simm.s32 $0xE200  }
0x147: {  	[tilespmem:s28], [sflag:$0x4] =	stream.indirect_vreg.gather [hbm4b:s8+s3], $0x80, v2, vm0, $0xb8;
	[tilespmem:$0x18200] =	vst v63  }
0x148: {  	s29 =	simm.s32 $0xEA00  }
0x149: {  	[tilespmem:s29], [sflag:$0x4] =	stream.indirect_vreg.gather [hbm4b:s9+s3], $0x80, v2, vm0, $0xb8;
	[tilespmem:$0x18200] =	vst v63  }
0x14a: {  	s22 =	simm.s32 $0xF200  }
0x14b: {  	[tilespmem:s22], [sflag:$0x4] =	stream.indirect_vreg.gather [hbm4b:s10+s3], $0x80, v2, vm0, $0xb8;
	[tilespmem:$0x18200] =	vst v63  }
0x14c: {  	s24 =	simm.s32 $0xFA00  }
0x14d: {  	[tilespmem:s24], [sflag:$0x4] =	stream.indirect_vreg.gather [hbm4b:s11+s3], $0x80, v2, vm0, $0xb8;
	[tilespmem:$0x18200] =	vst v63  }
0x14e: {  	_ =	swait.ge [sflag:s30], $0x4000  }
0x14f: {  	[sflag:s30] =	ssyncset.done $0x0  }
0x150: {  	s23 =	simm.s32 $0x200;
	s28 =	rddreg [dreg:$0xa];
	[sflag:s30] =	ssyncadd.s32 $0xFFFFC000  }
0x151: {  	[hbm4b:s28+s3] =	stream.linear.scatter [tilespmem:s23], [sflag:$0x7], $0x4000, $0x38;
	[tilespmem:$0x18200] =	vst v63  }
0x152: {  	s23 =	simm.s32 $0xB  }
0x153: {  	_ =	swait.ge [sflag:s23], $0x4000  }
0x154: {  	[sflag:s23] =	ssyncset.done $0x0  }
0x155: {  	[sflag:s23] =	ssyncadd.s32 $0xFFFFC000  }
0x156: {  	v2 =	vld.msk [tilespmem:$0x50], $0xff;
	_ =	sdelay $0x4  }
0x157: {  	v3 =	vshll.u32 v2, $0x4  }
0x158: {  	v2 =	vand.u32 $0x7, v2;
	v3 =	vand.u32 $0xFFFFFF80, v3  }
0x159: {  	v2 =	vor.u32 v2, v3  }
0x15a: {  	v2 =	vperm.xlane v2, v0;
	_ =	sdelay $0x1  }
0x15b: {  	v2 =	vadd.s32 v1, v2;
	_ =	sdelay $0x3  }
0x15c: {  	s26 =	simm.s32 $0x10200  }
0x15d: {  	[tilespmem:s26], [sflag:$0x5] =	stream.indirect_vreg.gather [hbm4b:s1+s3], $0x80, v2, vm0, $0xb8;
	[tilespmem:$0x18200] =	vst v63  }
0x15e: {  	s26 =	simm.s32 $0x10A00  }
0x15f: {  	[tilespmem:s26], [sflag:$0x5] =	stream.indirect_vreg.gather [hbm4b:s5+s3], $0x80, v2, vm0, $0xb8;
	[tilespmem:$0x18200] =	vst v63  }
0x160: {  	s29 =	simm.s32 $0x11200  }
0x161: {  	[tilespmem:s29], [sflag:$0x5] =	stream.indirect_vreg.gather [hbm4b:s6+s3], $0x80, v2, vm0, $0xb8;
	[tilespmem:$0x18200] =	vst v63  }
0x162: {  	s28 =	simm.s32 $0x11A00  }
0x163: {  	[tilespmem:s28], [sflag:$0x5] =	stream.indirect_vreg.gather [hbm4b:s7+s3], $0x80, v2, vm0, $0xb8;
	[tilespmem:$0x18200] =	vst v63  }
0x164: {  	s29 =	simm.s32 $0x12200  }
0x165: {  	[tilespmem:s29], [sflag:$0x5] =	stream.indirect_vreg.gather [hbm4b:s8+s3], $0x80, v2, vm0, $0xb8;
	[tilespmem:$0x18200] =	vst v63  }
0x166: {  	s28 =	simm.s32 $0x12A00  }
0x167: {  	[tilespmem:s28], [sflag:$0x5] =	stream.indirect_vreg.gather [hbm4b:s9+s3], $0x80, v2, vm0, $0xb8;
	[tilespmem:$0x18200] =	vst v63  }
0x168: {  	s29 =	simm.s32 $0x13200  }
0x169: {  	[tilespmem:s29], [sflag:$0x5] =	stream.indirect_vreg.gather [hbm4b:s10+s3], $0x80, v2, vm0, $0xb8;
	[tilespmem:$0x18200] =	vst v63  }
0x16a: {  	s28 =	simm.s32 $0x13A00  }
0x16b: {  	[tilespmem:s28], [sflag:$0x5] =	stream.indirect_vreg.gather [hbm4b:s11+s3], $0x80, v2, vm0, $0xb8;
	[tilespmem:$0x18200] =	vst v63  }
0x16c: {  	_ =	swait.ge [sflag:s14], $0x4000  }
0x16d: {  	s12 =	simm.s32 $0x4200;
	[sflag:s14] =	ssyncset.done $0x0  }
0x16e: {  	s28 =	simm.s32 $0xC;
	s29 =	rddreg [dreg:$0xb];
	[sflag:s14] =	ssyncadd.s32 $0xFFFFC000  }
0x16f: {  	[hbm4b:s29+s3] =	stream.linear.scatter [tilespmem:s12], [sflag:$0x8], $0x4000, $0x38;
	[tilespmem:$0x18200] =	vst v63  }
0x170: {  	_ =	swait.ge [sflag:s28], $0x4000  }
0x171: {  	[sflag:s28] =	ssyncset.done $0x0  }
0x172: {  	[sflag:s28] =	ssyncadd.s32 $0xFFFFC000  }
0x173: {  	v2 =	vld.msk [tilespmem:$0x58], $0xff;
	_ =	sdelay $0x4  }
0x174: {  	v3 =	vshll.u32 v2, $0x4  }
0x175: {  	v2 =	vand.u32 $0x7, v2;
	v3 =	vand.u32 $0xFFFFFF80, v3  }
0x176: {  	v2 =	vor.u32 v2, v3  }
0x177: {  	v2 =	vperm.xlane v2, v0;
	_ =	sdelay $0x1  }
0x178: {  	v2 =	vadd.s32 v1, v2;
	_ =	sdelay $0x4  }
0x179: {  	[tilespmem:s2], [sflag:$0x6] =	stream.indirect_vreg.gather [hbm4b:s1+s3], $0x80, v2, vm0, $0xb8;
	[tilespmem:$0x18200] =	vst v63  }
0x17a: {  	s24 =	simm.s32 $0x14A00  }
0x17b: {  	[tilespmem:s24], [sflag:$0x6] =	stream.indirect_vreg.gather [hbm4b:s5+s3], $0x80, v2, vm0, $0xb8;
	[tilespmem:$0x18200] =	vst v63  }
0x17c: {  	s24 =	simm.s32 $0x15200  }
0x17d: {  	[tilespmem:s24], [sflag:$0x6] =	stream.indirect_vreg.gather [hbm4b:s6+s3], $0x80, v2, vm0, $0xb8;
	[tilespmem:$0x18200] =	vst v63  }
0x17e: {  	s24 =	simm.s32 $0x15A00  }
0x17f: {  	[tilespmem:s24], [sflag:$0x6] =	stream.indirect_vreg.gather [hbm4b:s7+s3], $0x80, v2, vm0, $0xb8;
	[tilespmem:$0x18200] =	vst v63  }
0x180: {  	s24 =	simm.s32 $0x16200  }
0x181: {  	[tilespmem:s24], [sflag:$0x6] =	stream.indirect_vreg.gather [hbm4b:s8+s3], $0x80, v2, vm0, $0xb8;
	[tilespmem:$0x18200] =	vst v63  }
0x182: {  	s24 =	simm.s32 $0x16A00  }
0x183: {  	[tilespmem:s24], [sflag:$0x6] =	stream.indirect_vreg.gather [hbm4b:s9+s3], $0x80, v2, vm0, $0xb8;
	[tilespmem:$0x18200] =	vst v63  }
0x184: {  	s24 =	simm.s32 $0x17200  }
0x185: {  	[tilespmem:s24], [sflag:$0x6] =	stream.indirect_vreg.gather [hbm4b:s10+s3], $0x80, v2, vm0, $0xb8;
	[tilespmem:$0x18200] =	vst v63  }
0x186: {  	s24 =	simm.s32 $0x17A00  }
0x187: {  	[tilespmem:s24], [sflag:$0x6] =	stream.indirect_vreg.gather [hbm4b:s11+s3], $0x80, v2, vm0, $0xb8;
	[tilespmem:$0x18200] =	vst v63  }
0x188: {  	_ =	swait.ge [sflag:s13], $0x4000  }
0x189: {  	[sflag:s13] =	ssyncset.done $0x0  }
0x18a: {  	s25 =	simm.s32 $0x8200;
	s12 =	rddreg [dreg:$0xc];
	[sflag:s13] =	ssyncadd.s32 $0xFFFFC000  }
0x18b: {  	[hbm4b:s12+s3] =	stream.linear.scatter [tilespmem:s25], [sflag:$0x9], $0x4000, $0x38;
	[tilespmem:$0x18200] =	vst v63  }
0x18c: {  	_ =	swait.ge [sflag:s4], $0x4000  }
0x18d: {  	[sflag:s4] =	ssyncset.done $0x0  }
0x18e: {  	[sflag:s4] =	ssyncadd.s32 $0xFFFFC000  }
0x18f: {  	v2 =	vld.msk [tilespmem:$0x60], $0xff;
	_ =	sdelay $0x4  }
0x190: {  	v3 =	vshll.u32 v2, $0x4  }
0x191: {  	v2 =	vand.u32 $0x7, v2;
	v3 =	vand.u32 $0xFFFFFF80, v3  }
0x192: {  	v2 =	vor.u32 v2, v3  }
0x193: {  	v2 =	vperm.xlane v2, v0;
	_ =	sdelay $0x1  }
0x194: {  	v2 =	vadd.s32 v1, v2;
	_ =	sdelay $0x3  }
0x195: {  	s18 =	simm.s32 $0x200  }
0x196: {  	[tilespmem:s18], [sflag:$0x1] =	stream.indirect_vreg.gather [hbm4b:s1+s3], $0x80, v2, vm0, $0xb8;
	[tilespmem:$0x18200] =	vst v63  }
0x197: {  	s24 =	simm.s32 $0xA00  }
0x198: {  	[tilespmem:s24], [sflag:$0x1] =	stream.indirect_vreg.gather [hbm4b:s5+s3], $0x80, v2, vm0, $0xb8;
	[tilespmem:$0x18200] =	vst v63  }
0x199: {  	s24 =	simm.s32 $0x1200  }
0x19a: {  	[tilespmem:s24], [sflag:$0x1] =	stream.indirect_vreg.gather [hbm4b:s6+s3], $0x80, v2, vm0, $0xb8;
	[tilespmem:$0x18200] =	vst v63  }
0x19b: {  	s24 =	simm.s32 $0x1A00  }
0x19c: {  	[tilespmem:s24], [sflag:$0x1] =	stream.indirect_vreg.gather [hbm4b:s7+s3], $0x80, v2, vm0, $0xb8;
	[tilespmem:$0x18200] =	vst v63  }
0x19d: {  	s24 =	simm.s32 $0x2200  }
0x19e: {  	[tilespmem:s24], [sflag:$0x1] =	stream.indirect_vreg.gather [hbm4b:s8+s3], $0x80, v2, vm0, $0xb8;
	[tilespmem:$0x18200] =	vst v63  }
0x19f: {  	s24 =	simm.s32 $0x2A00  }
0x1a0: {  	[tilespmem:s24], [sflag:$0x1] =	stream.indirect_vreg.gather [hbm4b:s9+s3], $0x80, v2, vm0, $0xb8;
	[tilespmem:$0x18200] =	vst v63  }
0x1a1: {  	s24 =	simm.s32 $0x3200  }
0x1a2: {  	[tilespmem:s24], [sflag:$0x1] =	stream.indirect_vreg.gather [hbm4b:s10+s3], $0x80, v2, vm0, $0xb8;
	[tilespmem:$0x18200] =	vst v63  }
0x1a3: {  	s24 =	simm.s32 $0x3A00  }
0x1a4: {  	[tilespmem:s24], [sflag:$0x1] =	stream.indirect_vreg.gather [hbm4b:s11+s3], $0x80, v2, vm0, $0xb8;
	[tilespmem:$0x18200] =	vst v63  }
0x1a5: {  	_ =	swait.ge [sflag:s15], $0x4000  }
0x1a6: {  	[sflag:s15] =	ssyncset.done $0x0  }
0x1a7: {  	s16 =	simm.s32 $0xC200;
	s18 =	rddreg [dreg:$0xd];
	[sflag:s15] =	ssyncadd.s32 $0xFFFFC000  }
0x1a8: {  	[hbm4b:s18+s3] =	stream.linear.scatter [tilespmem:s16], [sflag:$0xA], $0x4000, $0x38;
	[tilespmem:$0x18200] =	vst v63  }
0x1a9: {  	_ =	swait.ge [sflag:s17], $0x4000  }
0x1aa: {  	[sflag:s17] =	ssyncset.done $0x0  }
0x1ab: {  	[sflag:s17] =	ssyncadd.s32 $0xFFFFC000  }
0x1ac: {  	v2 =	vld.msk [tilespmem:$0x68], $0xff;
	_ =	sdelay $0x4  }
0x1ad: {  	v3 =	vshll.u32 v2, $0x4  }
0x1ae: {  	v2 =	vand.u32 $0x7, v2;
	v3 =	vand.u32 $0xFFFFFF80, v3  }
0x1af: {  	v2 =	vor.u32 v2, v3  }
0x1b0: {  	v2 =	vperm.xlane v2, v0;
	_ =	sdelay $0x1  }
0x1b1: {  	v2 =	vadd.s32 v1, v2;
	_ =	sdelay $0x3  }
0x1b2: {  	s29 =	simm.s32 $0x4200  }
0x1b3: {  	[tilespmem:s29], [sflag:$0x2] =	stream.indirect_vreg.gather [hbm4b:s1+s3], $0x80, v2, vm0, $0xb8;
	[tilespmem:$0x18200] =	vst v63  }
0x1b4: {  	s29 =	simm.s32 $0x4A00  }
0x1b5: {  	[tilespmem:s29], [sflag:$0x2] =	stream.indirect_vreg.gather [hbm4b:s5+s3], $0x80, v2, vm0, $0xb8;
	[tilespmem:$0x18200] =	vst v63  }
0x1b6: {  	s29 =	simm.s32 $0x5200  }
0x1b7: {  	[tilespmem:s29], [sflag:$0x2] =	stream.indirect_vreg.gather [hbm4b:s6+s3], $0x80, v2, vm0, $0xb8;
	[tilespmem:$0x18200] =	vst v63  }
0x1b8: {  	s29 =	simm.s32 $0x5A00  }
0x1b9: {  	[tilespmem:s29], [sflag:$0x2] =	stream.indirect_vreg.gather [hbm4b:s7+s3], $0x80, v2, vm0, $0xb8;
	[tilespmem:$0x18200] =	vst v63  }
0x1ba: {  	s29 =	simm.s32 $0x6200  }
0x1bb: {  	[tilespmem:s29], [sflag:$0x2] =	stream.indirect_vreg.gather [hbm4b:s8+s3], $0x80, v2, vm0, $0xb8;
	[tilespmem:$0x18200] =	vst v63  }
0x1bc: {  	s29 =	simm.s32 $0x6A00  }
0x1bd: {  	[tilespmem:s29], [sflag:$0x2] =	stream.indirect_vreg.gather [hbm4b:s9+s3], $0x80, v2, vm0, $0xb8;
	[tilespmem:$0x18200] =	vst v63  }
0x1be: {  	s29 =	simm.s32 $0x7200  }
0x1bf: {  	[tilespmem:s29], [sflag:$0x2] =	stream.indirect_vreg.gather [hbm4b:s10+s3], $0x80, v2, vm0, $0xb8;
	[tilespmem:$0x18200] =	vst v63  }
0x1c0: {  	_ = 	snop  }
0x1c1: {  	[tilespmem:s31], [sflag:$0x2] =	stream.indirect_vreg.gather [hbm4b:s11+s3], $0x80, v2, vm0, $0xb8;
	[tilespmem:$0x18200] =	vst v63  }
0x1c2: {  	_ =	swait.ge [sflag:s19], $0x4000  }
0x1c3: {  	[sflag:s19] =	ssyncset.done $0x0  }
0x1c4: {  	s22 =	simm.s32 $0x10200;
	s31 =	rddreg [dreg:$0xe];
	[sflag:s19] =	ssyncadd.s32 $0xFFFFC000  }
0x1c5: {  	[hbm4b:s31+s3] =	stream.linear.scatter [tilespmem:s22], [sflag:$0xB], $0x4000, $0x38;
	[tilespmem:$0x18200] =	vst v63  }
0x1c6: {  	_ =	swait.ge [sflag:s20], $0x4000  }
0x1c7: {  	[sflag:s20] =	ssyncset.done $0x0  }
0x1c8: {  	[sflag:s20] =	ssyncadd.s32 $0xFFFFC000  }
0x1c9: {  	v2 =	vld.msk [tilespmem:$0x70], $0xff;
	_ =	sdelay $0x4  }
0x1ca: {  	v3 =	vshll.u32 v2, $0x4  }
0x1cb: {  	v2 =	vand.u32 $0x7, v2;
	v3 =	vand.u32 $0xFFFFFF80, v3  }
0x1cc: {  	v2 =	vor.u32 v2, v3  }
0x1cd: {  	v2 =	vperm.xlane v2, v0;
	_ =	sdelay $0x1  }
0x1ce: {  	v2 =	vadd.s32 v1, v2;
	_ =	sdelay $0x3  }
0x1cf: {  	s25 =	simm.s32 $0x8200  }
0x1d0: {  	[tilespmem:s25], [sflag:$0x3] =	stream.indirect_vreg.gather [hbm4b:s1+s3], $0x80, v2, vm0, $0xb8;
	[tilespmem:$0x18200] =	vst v63  }
0x1d1: {  	s29 =	simm.s32 $0x8A00  }
0x1d2: {  	[tilespmem:s29], [sflag:$0x3] =	stream.indirect_vreg.gather [hbm4b:s5+s3], $0x80, v2, vm0, $0xb8;
	[tilespmem:$0x18200] =	vst v63  }
0x1d3: {  	s25 =	simm.s32 $0x9200  }
0x1d4: {  	[tilespmem:s25], [sflag:$0x3] =	stream.indirect_vreg.gather [hbm4b:s6+s3], $0x80, v2, vm0, $0xb8;
	[tilespmem:$0x18200] =	vst v63  }
0x1d5: {  	s29 =	simm.s32 $0x9A00  }
0x1d6: {  	[tilespmem:s29], [sflag:$0x3] =	stream.indirect_vreg.gather [hbm4b:s7+s3], $0x80, v2, vm0, $0xb8;
	[tilespmem:$0x18200] =	vst v63  }
0x1d7: {  	s25 =	simm.s32 $0xA200  }
0x1d8: {  	[tilespmem:s25], [sflag:$0x3] =	stream.indirect_vreg.gather [hbm4b:s8+s3], $0x80, v2, vm0, $0xb8;
	[tilespmem:$0x18200] =	vst v63  }
0x1d9: {  	s29 =	simm.s32 $0xAA00  }
0x1da: {  	[tilespmem:s29], [sflag:$0x3] =	stream.indirect_vreg.gather [hbm4b:s9+s3], $0x80, v2, vm0, $0xb8;
	[tilespmem:$0x18200] =	vst v63  }
0x1db: {  	s25 =	simm.s32 $0xB200  }
0x1dc: {  	[tilespmem:s25], [sflag:$0x3] =	stream.indirect_vreg.gather [hbm4b:s10+s3], $0x80, v2, vm0, $0xb8;
	[tilespmem:$0x18200] =	vst v63  }
0x1dd: {  	s29 =	simm.s32 $0xBA00  }
0x1de: {  	[tilespmem:s29], [sflag:$0x3] =	stream.indirect_vreg.gather [hbm4b:s11+s3], $0x80, v2, vm0, $0xb8;
	[tilespmem:$0x18200] =	vst v63  }
0x1df: {  	_ =	swait.ge [sflag:s21], $0x4000  }
0x1e0: {  	[sflag:s21] =	ssyncset.done $0x0  }
0x1e1: {  	s25 =	rddreg [dreg:$0xf];
	[sflag:s21] =	ssyncadd.s32 $0xFFFFC000  }
0x1e2: {  	[hbm4b:s25+s3] =	stream.linear.scatter [tilespmem:s2], [sflag:$0xC], $0x4000, $0x38;
	[tilespmem:$0x18200] =	vst v63  }
0x1e3: {  	_ =	swait.ge [sflag:s0], $0x4000  }
0x1e4: {  	[sflag:s0] =	ssyncset.done $0x0  }
0x1e5: {  	[sflag:s0] =	ssyncadd.s32 $0xFFFFC000  }
0x1e6: {  	v2 =	vld.msk [tilespmem:$0x78], $0xff;
	_ =	sdelay $0x4  }
0x1e7: {  	v3 =	vshll.u32 v2, $0x4  }
0x1e8: {  	v2 =	vand.u32 $0x7, v2;
	v3 =	vand.u32 $0xFFFFFF80, v3  }
0x1e9: {  	v2 =	vor.u32 v2, v3  }
0x1ea: {  	v2 =	vperm.xlane v2, v0;
	_ =	sdelay $0x1  }
0x1eb: {  	v2 =	vadd.s32 v1, v2;
	_ =	sdelay $0x3  }
0x1ec: {  	s16 =	simm.s32 $0xC200  }
0x1ed: {  	[tilespmem:s16], [sflag:$0x4] =	stream.indirect_vreg.gather [hbm4b:s1+s3], $0x80, v2, vm0, $0xb8;
	[tilespmem:$0x18200] =	vst v63  }
0x1ee: {  	s29 =	simm.s32 $0xCA00  }
0x1ef: {  	[tilespmem:s29], [sflag:$0x4] =	stream.indirect_vreg.gather [hbm4b:s5+s3], $0x80, v2, vm0, $0xb8;
	[tilespmem:$0x18200] =	vst v63  }
0x1f0: {  	s24 =	simm.s32 $0xD200  }
0x1f1: {  	[tilespmem:s24], [sflag:$0x4] =	stream.indirect_vreg.gather [hbm4b:s6+s3], $0x80, v2, vm0, $0xb8;
	[tilespmem:$0x18200] =	vst v63  }
0x1f2: {  	s29 =	simm.s32 $0xDA00  }
0x1f3: {  	[tilespmem:s29], [sflag:$0x4] =	stream.indirect_vreg.gather [hbm4b:s7+s3], $0x80, v2, vm0, $0xb8;
	[tilespmem:$0x18200] =	vst v63  }
0x1f4: {  	s24 =	simm.s32 $0xE200  }
0x1f5: {  	[tilespmem:s24], [sflag:$0x4] =	stream.indirect_vreg.gather [hbm4b:s8+s3], $0x80, v2, vm0, $0xb8;
	[tilespmem:$0x18200] =	vst v63  }
0x1f6: {  	s29 =	simm.s32 $0xEA00  }
0x1f7: {  	[tilespmem:s29], [sflag:$0x4] =	stream.indirect_vreg.gather [hbm4b:s9+s3], $0x80, v2, vm0, $0xb8;
	[tilespmem:$0x18200] =	vst v63  }
0x1f8: {  	s24 =	simm.s32 $0xF200  }
0x1f9: {  	[tilespmem:s24], [sflag:$0x4] =	stream.indirect_vreg.gather [hbm4b:s10+s3], $0x80, v2, vm0, $0xb8;
	[tilespmem:$0x18200] =	vst v63  }
0x1fa: {  	s29 =	simm.s32 $0xFA00  }
0x1fb: {  	[tilespmem:s29], [sflag:$0x4] =	stream.indirect_vreg.gather [hbm4b:s11+s3], $0x80, v2, vm0, $0xb8;
	[tilespmem:$0x18200] =	vst v63  }
0x1fc: {  	_ =	swait.ge [sflag:s30], $0x4000  }
0x1fd: {  	[sflag:s30] =	ssyncset.done $0x0  }
0x1fe: {  	s12 =	simm.s32 $0x200;
	s2 =	rddreg [dreg:$0x10];
	[sflag:s30] =	ssyncadd.s32 $0xFFFFC000  }
0x1ff: {  	[hbm4b:s2+s3] =	stream.linear.scatter [tilespmem:s12], [sflag:$0x7], $0x4000, $0x38;
	[tilespmem:$0x18200] =	vst v63  }
0x200: {  	_ =	swait.ge [sflag:s23], $0x4000  }
0x201: {  	[sflag:s23] =	ssyncset.done $0x0  }
0x202: {  	[sflag:s23] =	ssyncadd.s32 $0xFFFFC000  }
0x203: {  	v2 =	vld.msk [tilespmem:$0x80], $0xff;
	_ =	sdelay $0x4  }
0x204: {  	v3 =	vshll.u32 v2, $0x4  }
0x205: {  	v2 =	vand.u32 $0x7, v2;
	v3 =	vand.u32 $0xFFFFFF80, v3  }
0x206: {  	v2 =	vor.u32 v2, v3  }
0x207: {  	v2 =	vperm.xlane v2, v0;
	_ =	sdelay $0x1  }
0x208: {  	v2 =	vadd.s32 v1, v2;
	_ =	sdelay $0x3  }
0x209: {  	s31 =	simm.s32 $0x10200  }
0x20a: {  	[tilespmem:s31], [sflag:$0x5] =	stream.indirect_vreg.gather [hbm4b:s1+s3], $0x80, v2, vm0, $0xb8;
	[tilespmem:$0x18200] =	vst v63  }
0x20b: {  	_ = 	snop  }
0x20c: {  	[tilespmem:s26], [sflag:$0x5] =	stream.indirect_vreg.gather [hbm4b:s5+s3], $0x80, v2, vm0, $0xb8;
	[tilespmem:$0x18200] =	vst v63  }
0x20d: {  	s26 =	simm.s32 $0x11200  }
0x20e: {  	[tilespmem:s26], [sflag:$0x5] =	stream.indirect_vreg.gather [hbm4b:s6+s3], $0x80, v2, vm0, $0xb8;
	[tilespmem:$0x18200] =	vst v63  }
0x20f: {  	s31 =	simm.s32 $0x11A00  }
0x210: {  	[tilespmem:s31], [sflag:$0x5] =	stream.indirect_vreg.gather [hbm4b:s7+s3], $0x80, v2, vm0, $0xb8;
	[tilespmem:$0x18200] =	vst v63  }
0x211: {  	s24 =	simm.s32 $0x12200  }
0x212: {  	[tilespmem:s24], [sflag:$0x5] =	stream.indirect_vreg.gather [hbm4b:s8+s3], $0x80, v2, vm0, $0xb8;
	[tilespmem:$0x18200] =	vst v63  }
0x213: {  	s26 =	simm.s32 $0x12A00  }
0x214: {  	[tilespmem:s26], [sflag:$0x5] =	stream.indirect_vreg.gather [hbm4b:s9+s3], $0x80, v2, vm0, $0xb8;
	[tilespmem:$0x18200] =	vst v63  }
0x215: {  	s31 =	simm.s32 $0x13200  }
0x216: {  	[tilespmem:s31], [sflag:$0x5] =	stream.indirect_vreg.gather [hbm4b:s10+s3], $0x80, v2, vm0, $0xb8;
	[tilespmem:$0x18200] =	vst v63  }
0x217: {  	s24 =	simm.s32 $0x13A00  }
0x218: {  	[tilespmem:s24], [sflag:$0x5] =	stream.indirect_vreg.gather [hbm4b:s11+s3], $0x80, v2, vm0, $0xb8;
	[tilespmem:$0x18200] =	vst v63  }
0x219: {  	_ =	swait.ge [sflag:s14], $0x4000  }
0x21a: {  	[sflag:s14] =	ssyncset.done $0x0  }
0x21b: {  	s18 =	simm.s32 $0x4200;
	s26 =	rddreg [dreg:$0x11];
	[sflag:s14] =	ssyncadd.s32 $0xFFFFC000  }
0x21c: {  	[hbm4b:s26+s3] =	stream.linear.scatter [tilespmem:s18], [sflag:$0x8], $0x4000, $0x38;
	[tilespmem:$0x18200] =	vst v63  }
0x21d: {  	_ =	swait.ge [sflag:s28], $0x4000  }
0x21e: {  	[sflag:s28] =	ssyncset.done $0x0  }
0x21f: {  	[sflag:s28] =	ssyncadd.s32 $0xFFFFC000  }
0x220: {  	v2 =	vld.msk [tilespmem:$0x88], $0xff;
	_ =	sdelay $0x4  }
0x221: {  	v3 =	vshll.u32 v2, $0x4  }
0x222: {  	v2 =	vand.u32 $0x7, v2;
	v3 =	vand.u32 $0xFFFFFF80, v3  }
0x223: {  	v2 =	vor.u32 v2, v3  }
0x224: {  	v2 =	vperm.xlane v2, v0;
	_ =	sdelay $0x1  }
0x225: {  	v2 =	vadd.s32 v1, v2;
	_ =	sdelay $0x3  }
0x226: {  	s25 =	simm.s32 $0x14200  }
0x227: {  	[tilespmem:s25], [sflag:$0x6] =	stream.indirect_vreg.gather [hbm4b:s1+s3], $0x80, v2, vm0, $0xb8;
	[tilespmem:$0x18200] =	vst v63  }
0x228: {  	s31 =	simm.s32 $0x14A00  }
0x229: {  	[tilespmem:s31], [sflag:$0x6] =	stream.indirect_vreg.gather [hbm4b:s5+s3], $0x80, v2, vm0, $0xb8;
	[tilespmem:$0x18200] =	vst v63  }
0x22a: {  	s24 =	simm.s32 $0x15200  }
0x22b: {  	[tilespmem:s24], [sflag:$0x6] =	stream.indirect_vreg.gather [hbm4b:s6+s3], $0x80, v2, vm0, $0xb8;
	[tilespmem:$0x18200] =	vst v63  }
0x22c: {  	s31 =	simm.s32 $0x15A00  }
0x22d: {  	[tilespmem:s31], [sflag:$0x6] =	stream.indirect_vreg.gather [hbm4b:s7+s3], $0x80, v2, vm0, $0xb8;
	[tilespmem:$0x18200] =	vst v63  }
0x22e: {  	s24 =	simm.s32 $0x16200  }
0x22f: {  	[tilespmem:s24], [sflag:$0x6] =	stream.indirect_vreg.gather [hbm4b:s8+s3], $0x80, v2, vm0, $0xb8;
	[tilespmem:$0x18200] =	vst v63  }
0x230: {  	s24 =	simm.s32 $0x16A00  }
0x231: {  	[tilespmem:s24], [sflag:$0x6] =	stream.indirect_vreg.gather [hbm4b:s9+s3], $0x80, v2, vm0, $0xb8;
	[tilespmem:$0x18200] =	vst v63  }
0x232: {  	s24 =	simm.s32 $0x17200  }
0x233: {  	[tilespmem:s24], [sflag:$0x6] =	stream.indirect_vreg.gather [hbm4b:s10+s3], $0x80, v2, vm0, $0xb8;
	[tilespmem:$0x18200] =	vst v63  }
0x234: {  	s24 =	simm.s32 $0x17A00  }
0x235: {  	[tilespmem:s24], [sflag:$0x6] =	stream.indirect_vreg.gather [hbm4b:s11+s3], $0x80, v2, vm0, $0xb8;
	[tilespmem:$0x18200] =	vst v63  }
0x236: {  	_ =	swait.ge [sflag:s13], $0x4000  }
0x237: {  	[sflag:s13] =	ssyncset.done $0x0  }
0x238: {  	s22 =	simm.s32 $0x8200;
	s24 =	rddreg [dreg:$0x12];
	[sflag:s13] =	ssyncadd.s32 $0xFFFFC000  }
0x239: {  	[hbm4b:s24+s3] =	stream.linear.scatter [tilespmem:s22], [sflag:$0x9], $0x4000, $0x38;
	[tilespmem:$0x18200] =	vst v63  }
0x23a: {  	_ =	swait.ge [sflag:s4], $0x4000  }
0x23b: {  	[sflag:s4] =	ssyncset.done $0x0  }
0x23c: {  	[sflag:s4] =	ssyncadd.s32 $0xFFFFC000  }
0x23d: {  	v2 =	vld.msk [tilespmem:$0x90], $0xff;
	_ =	sdelay $0x4  }
0x23e: {  	v3 =	vshll.u32 v2, $0x4  }
0x23f: {  	v2 =	vand.u32 $0x7, v2;
	v3 =	vand.u32 $0xFFFFFF80, v3  }
0x240: {  	v2 =	vor.u32 v2, v3  }
0x241: {  	v2 =	vperm.xlane v2, v0;
	_ =	sdelay $0x1  }
0x242: {  	v2 =	vadd.s32 v1, v2;
	_ =	sdelay $0x3  }
0x243: {  	s29 =	simm.s32 $0x200  }
0x244: {  	[tilespmem:s29], [sflag:$0x1] =	stream.indirect_vreg.gather [hbm4b:s1+s3], $0x80, v2, vm0, $0xb8;
	[tilespmem:$0x18200] =	vst v63  }
0x245: {  	s24 =	simm.s32 $0xA00  }
0x246: {  	[tilespmem:s24], [sflag:$0x1] =	stream.indirect_vreg.gather [hbm4b:s5+s3], $0x80, v2, vm0, $0xb8;
	[tilespmem:$0x18200] =	vst v63  }
0x247: {  	s24 =	simm.s32 $0x1200  }
0x248: {  	[tilespmem:s24], [sflag:$0x1] =	stream.indirect_vreg.gather [hbm4b:s6+s3], $0x80, v2, vm0, $0xb8;
	[tilespmem:$0x18200] =	vst v63  }
0x249: {  	s24 =	simm.s32 $0x1A00  }
0x24a: {  	[tilespmem:s24], [sflag:$0x1] =	stream.indirect_vreg.gather [hbm4b:s7+s3], $0x80, v2, vm0, $0xb8;
	[tilespmem:$0x18200] =	vst v63  }
0x24b: {  	s24 =	simm.s32 $0x2200  }
0x24c: {  	[tilespmem:s24], [sflag:$0x1] =	stream.indirect_vreg.gather [hbm4b:s8+s3], $0x80, v2, vm0, $0xb8;
	[tilespmem:$0x18200] =	vst v63  }
0x24d: {  	s24 =	simm.s32 $0x2A00  }
0x24e: {  	[tilespmem:s24], [sflag:$0x1] =	stream.indirect_vreg.gather [hbm4b:s9+s3], $0x80, v2, vm0, $0xb8;
	[tilespmem:$0x18200] =	vst v63  }
0x24f: {  	s24 =	simm.s32 $0x3200  }
0x250: {  	[tilespmem:s24], [sflag:$0x1] =	stream.indirect_vreg.gather [hbm4b:s10+s3], $0x80, v2, vm0, $0xb8;
	[tilespmem:$0x18200] =	vst v63  }
0x251: {  	s24 =	simm.s32 $0x3A00  }
0x252: {  	[tilespmem:s24], [sflag:$0x1] =	stream.indirect_vreg.gather [hbm4b:s11+s3], $0x80, v2, vm0, $0xb8;
	[tilespmem:$0x18200] =	vst v63  }
0x253: {  	_ =	swait.ge [sflag:s15], $0x4000  }
0x254: {  	[sflag:s15] =	ssyncset.done $0x0  }
0x255: {  	s24 =	rddreg [dreg:$0x13];
	[sflag:s15] =	ssyncadd.s32 $0xFFFFC000  }
0x256: {  	[hbm4b:s24+s3] =	stream.linear.scatter [tilespmem:s16], [sflag:$0xA], $0x4000, $0x38;
	[tilespmem:$0x18200] =	vst v63  }
0x257: {  	_ =	swait.ge [sflag:s17], $0x4000  }
0x258: {  	[sflag:s17] =	ssyncset.done $0x0  }
0x259: {  	[sflag:s17] =	ssyncadd.s32 $0xFFFFC000  }
0x25a: {  	v2 =	vld.msk [tilespmem:$0x98], $0xff;
	_ =	sdelay $0x4  }
0x25b: {  	v3 =	vshll.u32 v2, $0x4  }
0x25c: {  	v2 =	vand.u32 $0x7, v2;
	v3 =	vand.u32 $0xFFFFFF80, v3  }
0x25d: {  	v2 =	vor.u32 v2, v3  }
0x25e: {  	v2 =	vperm.xlane v2, v0;
	_ =	sdelay $0x1  }
0x25f: {  	v2 =	vadd.s32 v1, v2;
	_ =	sdelay $0x4  }
0x260: {  	[tilespmem:s18], [sflag:$0x2] =	stream.indirect_vreg.gather [hbm4b:s1+s3], $0x80, v2, vm0, $0xb8;
	[tilespmem:$0x18200] =	vst v63  }
0x261: {  	s24 =	simm.s32 $0x4A00  }
0x262: {  	[tilespmem:s24], [sflag:$0x2] =	stream.indirect_vreg.gather [hbm4b:s5+s3], $0x80, v2, vm0, $0xb8;
	[tilespmem:$0x18200] =	vst v63  }
0x263: {  	s24 =	simm.s32 $0x5200  }
0x264: {  	[tilespmem:s24], [sflag:$0x2] =	stream.indirect_vreg.gather [hbm4b:s6+s3], $0x80, v2, vm0, $0xb8;
	[tilespmem:$0x18200] =	vst v63  }
0x265: {  	s24 =	simm.s32 $0x5A00  }
0x266: {  	[tilespmem:s24], [sflag:$0x2] =	stream.indirect_vreg.gather [hbm4b:s7+s3], $0x80, v2, vm0, $0xb8;
	[tilespmem:$0x18200] =	vst v63  }
0x267: {  	s24 =	simm.s32 $0x6200  }
0x268: {  	[tilespmem:s24], [sflag:$0x2] =	stream.indirect_vreg.gather [hbm4b:s8+s3], $0x80, v2, vm0, $0xb8;
	[tilespmem:$0x18200] =	vst v63  }
0x269: {  	s24 =	simm.s32 $0x6A00  }
0x26a: {  	[tilespmem:s24], [sflag:$0x2] =	stream.indirect_vreg.gather [hbm4b:s9+s3], $0x80, v2, vm0, $0xb8;
	[tilespmem:$0x18200] =	vst v63  }
0x26b: {  	s24 =	simm.s32 $0x7200  }
0x26c: {  	[tilespmem:s24], [sflag:$0x2] =	stream.indirect_vreg.gather [hbm4b:s10+s3], $0x80, v2, vm0, $0xb8;
	[tilespmem:$0x18200] =	vst v63  }
0x26d: {  	s24 =	simm.s32 $0x7A00  }
0x26e: {  	[tilespmem:s24], [sflag:$0x2] =	stream.indirect_vreg.gather [hbm4b:s11+s3], $0x80, v2, vm0, $0xb8;
	[tilespmem:$0x18200] =	vst v63  }
0x26f: {  	_ =	swait.ge [sflag:s19], $0x4000  }
0x270: {  	[sflag:s19] =	ssyncset.done $0x0  }
0x271: {  	s2 =	simm.s32 $0x10200;
	s24 =	rddreg [dreg:$0x14];
	[sflag:s19] =	ssyncadd.s32 $0xFFFFC000  }
0x272: {  	[hbm4b:s24+s3] =	stream.linear.scatter [tilespmem:s2], [sflag:$0xB], $0x4000, $0x38;
	[tilespmem:$0x18200] =	vst v63  }
0x273: {  	_ =	swait.ge [sflag:s20], $0x4000  }
0x274: {  	[sflag:s20] =	ssyncset.done $0x0  }
0x275: {  	[sflag:s20] =	ssyncadd.s32 $0xFFFFC000  }
0x276: {  	v2 =	vld.msk [tilespmem:$0xA0], $0xff;
	_ =	sdelay $0x4  }
0x277: {  	v3 =	vshll.u32 v2, $0x4  }
0x278: {  	v2 =	vand.u32 $0x7, v2;
	v3 =	vand.u32 $0xFFFFFF80, v3  }
0x279: {  	v2 =	vor.u32 v2, v3  }
0x27a: {  	v2 =	vperm.xlane v2, v0;
	_ =	sdelay $0x1  }
0x27b: {  	v2 =	vadd.s32 v1, v2;
	_ =	sdelay $0x4  }
0x27c: {  	[tilespmem:s22], [sflag:$0x3] =	stream.indirect_vreg.gather [hbm4b:s1+s3], $0x80, v2, vm0, $0xb8;
	[tilespmem:$0x18200] =	vst v63  }
0x27d: {  	s24 =	simm.s32 $0x8A00  }
0x27e: {  	[tilespmem:s24], [sflag:$0x3] =	stream.indirect_vreg.gather [hbm4b:s5+s3], $0x80, v2, vm0, $0xb8;
	[tilespmem:$0x18200] =	vst v63  }
0x27f: {  	s24 =	simm.s32 $0x9200  }
0x280: {  	[tilespmem:s24], [sflag:$0x3] =	stream.indirect_vreg.gather [hbm4b:s6+s3], $0x80, v2, vm0, $0xb8;
	[tilespmem:$0x18200] =	vst v63  }
0x281: {  	s24 =	simm.s32 $0x9A00  }
0x282: {  	[tilespmem:s24], [sflag:$0x3] =	stream.indirect_vreg.gather [hbm4b:s7+s3], $0x80, v2, vm0, $0xb8;
	[tilespmem:$0x18200] =	vst v63  }
0x283: {  	s24 =	simm.s32 $0xA200  }
0x284: {  	[tilespmem:s24], [sflag:$0x3] =	stream.indirect_vreg.gather [hbm4b:s8+s3], $0x80, v2, vm0, $0xb8;
	[tilespmem:$0x18200] =	vst v63  }
0x285: {  	s24 =	simm.s32 $0xAA00  }
0x286: {  	[tilespmem:s24], [sflag:$0x3] =	stream.indirect_vreg.gather [hbm4b:s9+s3], $0x80, v2, vm0, $0xb8;
	[tilespmem:$0x18200] =	vst v63  }
0x287: {  	s24 =	simm.s32 $0xB200  }
0x288: {  	[tilespmem:s24], [sflag:$0x3] =	stream.indirect_vreg.gather [hbm4b:s10+s3], $0x80, v2, vm0, $0xb8;
	[tilespmem:$0x18200] =	vst v63  }
0x289: {  	s24 =	simm.s32 $0xBA00  }
0x28a: {  	[tilespmem:s24], [sflag:$0x3] =	stream.indirect_vreg.gather [hbm4b:s11+s3], $0x80, v2, vm0, $0xb8;
	[tilespmem:$0x18200] =	vst v63  }
0x28b: {  	_ =	swait.ge [sflag:s21], $0x4000  }
0x28c: {  	[sflag:s21] =	ssyncset.done $0x0  }
0x28d: {  	s24 =	rddreg [dreg:$0x15];
	[sflag:s21] =	ssyncadd.s32 $0xFFFFC000  }
0x28e: {  	[hbm4b:s24+s3] =	stream.linear.scatter [tilespmem:s25], [sflag:$0xC], $0x4000, $0x38;
	[tilespmem:$0x18200] =	vst v63  }
0x28f: {  	_ =	swait.ge [sflag:s0], $0x4000  }
0x290: {  	[sflag:s0] =	ssyncset.done $0x0  }
0x291: {  	[sflag:s0] =	ssyncadd.s32 $0xFFFFC000  }
0x292: {  	v2 =	vld.msk [tilespmem:$0xA8], $0xff;
	_ =	sdelay $0x4  }
0x293: {  	v3 =	vshll.u32 v2, $0x4  }
0x294: {  	v2 =	vand.u32 $0x7, v2;
	v3 =	vand.u32 $0xFFFFFF80, v3  }
0x295: {  	v2 =	vor.u32 v2, v3  }
0x296: {  	v2 =	vperm.xlane v2, v0;
	_ =	sdelay $0x1  }
0x297: {  	v2 =	vadd.s32 v1, v2;
	_ =	sdelay $0x4  }
0x298: {  	[tilespmem:s16], [sflag:$0x4] =	stream.indirect_vreg.gather [hbm4b:s1+s3], $0x80, v2, vm0, $0xb8;
	[tilespmem:$0x18200] =	vst v63  }
0x299: {  	s24 =	simm.s32 $0xCA00  }
0x29a: {  	[tilespmem:s24], [sflag:$0x4] =	stream.indirect_vreg.gather [hbm4b:s5+s3], $0x80, v2, vm0, $0xb8;
	[tilespmem:$0x18200] =	vst v63  }
0x29b: {  	s24 =	simm.s32 $0xD200  }
0x29c: {  	[tilespmem:s24], [sflag:$0x4] =	stream.indirect_vreg.gather [hbm4b:s6+s3], $0x80, v2, vm0, $0xb8;
	[tilespmem:$0x18200] =	vst v63  }
0x29d: {  	s24 =	simm.s32 $0xDA00  }
0x29e: {  	[tilespmem:s24], [sflag:$0x4] =	stream.indirect_vreg.gather [hbm4b:s7+s3], $0x80, v2, vm0, $0xb8;
	[tilespmem:$0x18200] =	vst v63  }
0x29f: {  	s24 =	simm.s32 $0xE200  }
0x2a0: {  	[tilespmem:s24], [sflag:$0x4] =	stream.indirect_vreg.gather [hbm4b:s8+s3], $0x80, v2, vm0, $0xb8;
	[tilespmem:$0x18200] =	vst v63  }
0x2a1: {  	s24 =	simm.s32 $0xEA00  }
0x2a2: {  	[tilespmem:s24], [sflag:$0x4] =	stream.indirect_vreg.gather [hbm4b:s9+s3], $0x80, v2, vm0, $0xb8;
	[tilespmem:$0x18200] =	vst v63  }
0x2a3: {  	s24 =	simm.s32 $0xF200  }
0x2a4: {  	[tilespmem:s24], [sflag:$0x4] =	stream.indirect_vreg.gather [hbm4b:s10+s3], $0x80, v2, vm0, $0xb8;
	[tilespmem:$0x18200] =	vst v63  }
0x2a5: {  	s24 =	simm.s32 $0xFA00  }
0x2a6: {  	[tilespmem:s24], [sflag:$0x4] =	stream.indirect_vreg.gather [hbm4b:s11+s3], $0x80, v2, vm0, $0xb8;
	[tilespmem:$0x18200] =	vst v63  }
0x2a7: {  	_ =	swait.ge [sflag:s30], $0x4000  }
0x2a8: {  	[sflag:s30] =	ssyncset.done $0x0  }
0x2a9: {  	s24 =	rddreg [dreg:$0x16];
	[sflag:s30] =	ssyncadd.s32 $0xFFFFC000  }
0x2aa: {  	[hbm4b:s24+s3] =	stream.linear.scatter [tilespmem:s29], [sflag:$0x7], $0x4000, $0x38;
	[tilespmem:$0x18200] =	vst v63  }
0x2ab: {  	_ =	swait.ge [sflag:s23], $0x4000  }
0x2ac: {  	[sflag:s23] =	ssyncset.done $0x0  }
0x2ad: {  	[sflag:s23] =	ssyncadd.s32 $0xFFFFC000  }
0x2ae: {  	v2 =	vld.msk [tilespmem:$0xB0], $0xff;
	_ =	sdelay $0x4  }
0x2af: {  	v3 =	vshll.u32 v2, $0x4  }
0x2b0: {  	v2 =	vand.u32 $0x7, v2;
	v3 =	vand.u32 $0xFFFFFF80, v3  }
0x2b1: {  	v2 =	vor.u32 v2, v3  }
0x2b2: {  	v2 =	vperm.xlane v2, v0;
	_ =	sdelay $0x1  }
0x2b3: {  	v2 =	vadd.s32 v1, v2;
	_ =	sdelay $0x4  }
0x2b4: {  	[tilespmem:s2], [sflag:$0x5] =	stream.indirect_vreg.gather [hbm4b:s1+s3], $0x80, v2, vm0, $0xb8;
	[tilespmem:$0x18200] =	vst v63  }
0x2b5: {  	s24 =	simm.s32 $0x10A00  }
0x2b6: {  	[tilespmem:s24], [sflag:$0x5] =	stream.indirect_vreg.gather [hbm4b:s5+s3], $0x80, v2, vm0, $0xb8;
	[tilespmem:$0x18200] =	vst v63  }
0x2b7: {  	s24 =	simm.s32 $0x11200  }
0x2b8: {  	[tilespmem:s24], [sflag:$0x5] =	stream.indirect_vreg.gather [hbm4b:s6+s3], $0x80, v2, vm0, $0xb8;
	[tilespmem:$0x18200] =	vst v63  }
0x2b9: {  	s24 =	simm.s32 $0x11A00  }
0x2ba: {  	[tilespmem:s24], [sflag:$0x5] =	stream.indirect_vreg.gather [hbm4b:s7+s3], $0x80, v2, vm0, $0xb8;
	[tilespmem:$0x18200] =	vst v63  }
0x2bb: {  	s24 =	simm.s32 $0x12200  }
0x2bc: {  	[tilespmem:s24], [sflag:$0x5] =	stream.indirect_vreg.gather [hbm4b:s8+s3], $0x80, v2, vm0, $0xb8;
	[tilespmem:$0x18200] =	vst v63  }
0x2bd: {  	s24 =	simm.s32 $0x12A00  }
0x2be: {  	[tilespmem:s24], [sflag:$0x5] =	stream.indirect_vreg.gather [hbm4b:s9+s3], $0x80, v2, vm0, $0xb8;
	[tilespmem:$0x18200] =	vst v63  }
0x2bf: {  	s24 =	simm.s32 $0x13200  }
0x2c0: {  	[tilespmem:s24], [sflag:$0x5] =	stream.indirect_vreg.gather [hbm4b:s10+s3], $0x80, v2, vm0, $0xb8;
	[tilespmem:$0x18200] =	vst v63  }
0x2c1: {  	s24 =	simm.s32 $0x13A00  }
0x2c2: {  	[tilespmem:s24], [sflag:$0x5] =	stream.indirect_vreg.gather [hbm4b:s11+s3], $0x80, v2, vm0, $0xb8;
	[tilespmem:$0x18200] =	vst v63  }
0x2c3: {  	_ =	swait.ge [sflag:s14], $0x4000  }
0x2c4: {  	[sflag:s14] =	ssyncset.done $0x0  }
0x2c5: {  	s24 =	rddreg [dreg:$0x17];
	[sflag:s14] =	ssyncadd.s32 $0xFFFFC000  }
0x2c6: {  	[hbm4b:s24+s3] =	stream.linear.scatter [tilespmem:s18], [sflag:$0x8], $0x4000, $0x38;
	[tilespmem:$0x18200] =	vst v63  }
0x2c7: {  	_ =	swait.ge [sflag:s28], $0x4000  }
0x2c8: {  	[sflag:s28] =	ssyncset.done $0x0  }
0x2c9: {  	[sflag:s28] =	ssyncadd.s32 $0xFFFFC000  }
0x2ca: {  	v2 =	vld.msk [tilespmem:$0xB8], $0xff;
	_ =	sdelay $0x4  }
0x2cb: {  	v3 =	vshll.u32 v2, $0x4  }
0x2cc: {  	v2 =	vand.u32 $0x7, v2;
	v3 =	vand.u32 $0xFFFFFF80, v3  }
0x2cd: {  	v2 =	vor.u32 v2, v3  }
0x2ce: {  	v2 =	vperm.xlane v2, v0;
	_ =	sdelay $0x1  }
0x2cf: {  	v2 =	vadd.s32 v1, v2;
	_ =	sdelay $0x4  }
0x2d0: {  	[tilespmem:s25], [sflag:$0x6] =	stream.indirect_vreg.gather [hbm4b:s1+s3], $0x80, v2, vm0, $0xb8;
	[tilespmem:$0x18200] =	vst v63  }
0x2d1: {  	s26 =	simm.s32 $0x14A00  }
0x2d2: {  	[tilespmem:s26], [sflag:$0x6] =	stream.indirect_vreg.gather [hbm4b:s5+s3], $0x80, v2, vm0, $0xb8;
	[tilespmem:$0x18200] =	vst v63  }
0x2d3: {  	s12 =	simm.s32 $0x15200  }
0x2d4: {  	[tilespmem:s12], [sflag:$0x6] =	stream.indirect_vreg.gather [hbm4b:s6+s3], $0x80, v2, vm0, $0xb8;
	[tilespmem:$0x18200] =	vst v63  }
0x2d5: {  	s31 =	simm.s32 $0x15A00  }
0x2d6: {  	[tilespmem:s31], [sflag:$0x6] =	stream.indirect_vreg.gather [hbm4b:s7+s3], $0x80, v2, vm0, $0xb8;
	[tilespmem:$0x18200] =	vst v63  }
0x2d7: {  	s24 =	simm.s32 $0x16200  }
0x2d8: {  	[tilespmem:s24], [sflag:$0x6] =	stream.indirect_vreg.gather [hbm4b:s8+s3], $0x80, v2, vm0, $0xb8;
	[tilespmem:$0x18200] =	vst v63  }
0x2d9: {  	s24 =	simm.s32 $0x16A00  }
0x2da: {  	[tilespmem:s24], [sflag:$0x6] =	stream.indirect_vreg.gather [hbm4b:s9+s3], $0x80, v2, vm0, $0xb8;
	[tilespmem:$0x18200] =	vst v63  }
0x2db: {  	s24 =	simm.s32 $0x17200  }
0x2dc: {  	[tilespmem:s24], [sflag:$0x6] =	stream.indirect_vreg.gather [hbm4b:s10+s3], $0x80, v2, vm0, $0xb8;
	[tilespmem:$0x18200] =	vst v63  }
0x2dd: {  	s24 =	simm.s32 $0x17A00  }
0x2de: {  	[tilespmem:s24], [sflag:$0x6] =	stream.indirect_vreg.gather [hbm4b:s11+s3], $0x80, v2, vm0, $0xb8;
	[tilespmem:$0x18200] =	vst v63  }
0x2df: {  	_ =	swait.ge [sflag:s13], $0x4000  }
0x2e0: {  	[sflag:s13] =	ssyncset.done $0x0  }
0x2e1: {  	s24 =	rddreg [dreg:$0x18];
	[sflag:s13] =	ssyncadd.s32 $0xFFFFC000  }
0x2e2: {  	[hbm4b:s24+s3] =	stream.linear.scatter [tilespmem:s22], [sflag:$0x9], $0x4000, $0x38;
	[tilespmem:$0x18200] =	vst v63  }
0x2e3: {  	_ =	swait.ge [sflag:s4], $0x4000  }
0x2e4: {  	[sflag:s4] =	ssyncset.done $0x0  }
0x2e5: {  	[sflag:s4] =	ssyncadd.s32 $0xFFFFC000  }
0x2e6: {  	v2 =	vld.msk [tilespmem:$0xC0], $0xff;
	_ =	sdelay $0x4  }
0x2e7: {  	v3 =	vshll.u32 v2, $0x4  }
0x2e8: {  	v2 =	vand.u32 $0x7, v2;
	v3 =	vand.u32 $0xFFFFFF80, v3  }
0x2e9: {  	v2 =	vor.u32 v2, v3  }
0x2ea: {  	v2 =	vperm.xlane v2, v0;
	_ =	sdelay $0x1  }
0x2eb: {  	v2 =	vadd.s32 v1, v2;
	_ =	sdelay $0x4  }
0x2ec: {  	[tilespmem:s29], [sflag:$0x1] =	stream.indirect_vreg.gather [hbm4b:s1+s3], $0x80, v2, vm0, $0xb8;
	[tilespmem:$0x18200] =	vst v63  }
0x2ed: {  	s24 =	simm.s32 $0xA00  }
0x2ee: {  	[tilespmem:s24], [sflag:$0x1] =	stream.indirect_vreg.gather [hbm4b:s5+s3], $0x80, v2, vm0, $0xb8;
	[tilespmem:$0x18200] =	vst v63  }
0x2ef: {  	s24 =	simm.s32 $0x1200  }
0x2f0: {  	[tilespmem:s24], [sflag:$0x1] =	stream.indirect_vreg.gather [hbm4b:s6+s3], $0x80, v2, vm0, $0xb8;
	[tilespmem:$0x18200] =	vst v63  }
0x2f1: {  	s24 =	simm.s32 $0x1A00  }
0x2f2: {  	[tilespmem:s24], [sflag:$0x1] =	stream.indirect_vreg.gather [hbm4b:s7+s3], $0x80, v2, vm0, $0xb8;
	[tilespmem:$0x18200] =	vst v63  }
0x2f3: {  	s24 =	simm.s32 $0x2200  }
0x2f4: {  	[tilespmem:s24], [sflag:$0x1] =	stream.indirect_vreg.gather [hbm4b:s8+s3], $0x80, v2, vm0, $0xb8;
	[tilespmem:$0x18200] =	vst v63  }
0x2f5: {  	s24 =	simm.s32 $0x2A00  }
0x2f6: {  	[tilespmem:s24], [sflag:$0x1] =	stream.indirect_vreg.gather [hbm4b:s9+s3], $0x80, v2, vm0, $0xb8;
	[tilespmem:$0x18200] =	vst v63  }
0x2f7: {  	s24 =	simm.s32 $0x3200  }
0x2f8: {  	[tilespmem:s24], [sflag:$0x1] =	stream.indirect_vreg.gather [hbm4b:s10+s3], $0x80, v2, vm0, $0xb8;
	[tilespmem:$0x18200] =	vst v63  }
0x2f9: {  	s24 =	simm.s32 $0x3A00  }
0x2fa: {  	[tilespmem:s24], [sflag:$0x1] =	stream.indirect_vreg.gather [hbm4b:s11+s3], $0x80, v2, vm0, $0xb8;
	[tilespmem:$0x18200] =	vst v63  }
0x2fb: {  	_ =	swait.ge [sflag:s15], $0x4000  }
0x2fc: {  	[sflag:s15] =	ssyncset.done $0x0  }
0x2fd: {  	s24 =	rddreg [dreg:$0x19];
	[sflag:s15] =	ssyncadd.s32 $0xFFFFC000  }
0x2fe: {  	[hbm4b:s24+s3] =	stream.linear.scatter [tilespmem:s16], [sflag:$0xA], $0x4000, $0x38;
	[tilespmem:$0x18200] =	vst v63  }
0x2ff: {  	_ =	swait.ge [sflag:s17], $0x4000  }
0x300: {  	[sflag:s17] =	ssyncset.done $0x0  }
0x301: {  	[sflag:s17] =	ssyncadd.s32 $0xFFFFC000  }
0x302: {  	v2 =	vld.msk [tilespmem:$0xC8], $0xff;
	_ =	sdelay $0x4  }
0x303: {  	v3 =	vshll.u32 v2, $0x4  }
0x304: {  	v2 =	vand.u32 $0x7, v2;
	v3 =	vand.u32 $0xFFFFFF80, v3  }
0x305: {  	v2 =	vor.u32 v2, v3  }
0x306: {  	v2 =	vperm.xlane v2, v0;
	_ =	sdelay $0x1  }
0x307: {  	v2 =	vadd.s32 v1, v2;
	_ =	sdelay $0x4  }
0x308: {  	[tilespmem:s18], [sflag:$0x2] =	stream.indirect_vreg.gather [hbm4b:s1+s3], $0x80, v2, vm0, $0xb8;
	[tilespmem:$0x18200] =	vst v63  }
0x309: {  	s24 =	simm.s32 $0x4A00  }
0x30a: {  	[tilespmem:s24], [sflag:$0x2] =	stream.indirect_vreg.gather [hbm4b:s5+s3], $0x80, v2, vm0, $0xb8;
	[tilespmem:$0x18200] =	vst v63  }
0x30b: {  	s24 =	simm.s32 $0x5200  }
0x30c: {  	[tilespmem:s24], [sflag:$0x2] =	stream.indirect_vreg.gather [hbm4b:s6+s3], $0x80, v2, vm0, $0xb8;
	[tilespmem:$0x18200] =	vst v63  }
0x30d: {  	s24 =	simm.s32 $0x5A00  }
0x30e: {  	[tilespmem:s24], [sflag:$0x2] =	stream.indirect_vreg.gather [hbm4b:s7+s3], $0x80, v2, vm0, $0xb8;
	[tilespmem:$0x18200] =	vst v63  }
0x30f: {  	s24 =	simm.s32 $0x6200  }
0x310: {  	[tilespmem:s24], [sflag:$0x2] =	stream.indirect_vreg.gather [hbm4b:s8+s3], $0x80, v2, vm0, $0xb8;
	[tilespmem:$0x18200] =	vst v63  }
0x311: {  	s24 =	simm.s32 $0x6A00  }
0x312: {  	[tilespmem:s24], [sflag:$0x2] =	stream.indirect_vreg.gather [hbm4b:s9+s3], $0x80, v2, vm0, $0xb8;
	[tilespmem:$0x18200] =	vst v63  }
0x313: {  	s24 =	simm.s32 $0x7200  }
0x314: {  	[tilespmem:s24], [sflag:$0x2] =	stream.indirect_vreg.gather [hbm4b:s10+s3], $0x80, v2, vm0, $0xb8;
	[tilespmem:$0x18200] =	vst v63  }
0x315: {  	s24 =	simm.s32 $0x7A00  }
0x316: {  	[tilespmem:s24], [sflag:$0x2] =	stream.indirect_vreg.gather [hbm4b:s11+s3], $0x80, v2, vm0, $0xb8;
	[tilespmem:$0x18200] =	vst v63  }
0x317: {  	_ =	swait.ge [sflag:s19], $0x4000  }
0x318: {  	[sflag:s19] =	ssyncset.done $0x0  }
0x319: {  	s24 =	rddreg [dreg:$0x1a];
	[sflag:s19] =	ssyncadd.s32 $0xFFFFC000  }
0x31a: {  	[hbm4b:s24+s3] =	stream.linear.scatter [tilespmem:s2], [sflag:$0xB], $0x4000, $0x38;
	[tilespmem:$0x18200] =	vst v63  }
0x31b: {  	_ =	swait.ge [sflag:s20], $0x4000  }
0x31c: {  	[sflag:s20] =	ssyncset.done $0x0  }
0x31d: {  	[sflag:s20] =	ssyncadd.s32 $0xFFFFC000  }
0x31e: {  	v2 =	vld.msk [tilespmem:$0xD0], $0xff;
	_ =	sdelay $0x4  }
0x31f: {  	v3 =	vshll.u32 v2, $0x4  }
0x320: {  	v2 =	vand.u32 $0x7, v2;
	v3 =	vand.u32 $0xFFFFFF80, v3  }
0x321: {  	v2 =	vor.u32 v2, v3  }
0x322: {  	v2 =	vperm.xlane v2, v0;
	_ =	sdelay $0x1  }
0x323: {  	v2 =	vadd.s32 v1, v2;
	_ =	sdelay $0x4  }
0x324: {  	[tilespmem:s22], [sflag:$0x3] =	stream.indirect_vreg.gather [hbm4b:s1+s3], $0x80, v2, vm0, $0xb8;
	[tilespmem:$0x18200] =	vst v63  }
0x325: {  	s24 =	simm.s32 $0x8A00  }
0x326: {  	[tilespmem:s24], [sflag:$0x3] =	stream.indirect_vreg.gather [hbm4b:s5+s3], $0x80, v2, vm0, $0xb8;
	[tilespmem:$0x18200] =	vst v63  }
0x327: {  	s24 =	simm.s32 $0x9200  }
0x328: {  	[tilespmem:s24], [sflag:$0x3] =	stream.indirect_vreg.gather [hbm4b:s6+s3], $0x80, v2, vm0, $0xb8;
	[tilespmem:$0x18200] =	vst v63  }
0x329: {  	s24 =	simm.s32 $0x9A00  }
0x32a: {  	[tilespmem:s24], [sflag:$0x3] =	stream.indirect_vreg.gather [hbm4b:s7+s3], $0x80, v2, vm0, $0xb8;
	[tilespmem:$0x18200] =	vst v63  }
0x32b: {  	s24 =	simm.s32 $0xA200  }
0x32c: {  	[tilespmem:s24], [sflag:$0x3] =	stream.indirect_vreg.gather [hbm4b:s8+s3], $0x80, v2, vm0, $0xb8;
	[tilespmem:$0x18200] =	vst v63  }
0x32d: {  	s24 =	simm.s32 $0xAA00  }
0x32e: {  	[tilespmem:s24], [sflag:$0x3] =	stream.indirect_vreg.gather [hbm4b:s9+s3], $0x80, v2, vm0, $0xb8;
	[tilespmem:$0x18200] =	vst v63  }
0x32f: {  	s24 =	simm.s32 $0xB200  }
0x330: {  	[tilespmem:s24], [sflag:$0x3] =	stream.indirect_vreg.gather [hbm4b:s10+s3], $0x80, v2, vm0, $0xb8;
	[tilespmem:$0x18200] =	vst v63  }
0x331: {  	s24 =	simm.s32 $0xBA00  }
0x332: {  	[tilespmem:s24], [sflag:$0x3] =	stream.indirect_vreg.gather [hbm4b:s11+s3], $0x80, v2, vm0, $0xb8;
	[tilespmem:$0x18200] =	vst v63  }
0x333: {  	_ =	swait.ge [sflag:s21], $0x4000  }
0x334: {  	[sflag:s21] =	ssyncset.done $0x0  }
0x335: {  	s24 =	rddreg [dreg:$0x1b];
	[sflag:s21] =	ssyncadd.s32 $0xFFFFC000  }
0x336: {  	[hbm4b:s24+s3] =	stream.linear.scatter [tilespmem:s25], [sflag:$0xC], $0x4000, $0x38;
	[tilespmem:$0x18200] =	vst v63  }
0x337: {  	_ =	swait.ge [sflag:s0], $0x4000  }
0x338: {  	[sflag:s0] =	ssyncset.done $0x0  }
0x339: {  	[sflag:s0] =	ssyncadd.s32 $0xFFFFC000  }
0x33a: {  	v2 =	vld.msk [tilespmem:$0xD8], $0xff;
	_ =	sdelay $0x4  }
0x33b: {  	v3 =	vshll.u32 v2, $0x4  }
0x33c: {  	v2 =	vand.u32 $0x7, v2;
	v3 =	vand.u32 $0xFFFFFF80, v3  }
0x33d: {  	v2 =	vor.u32 v2, v3  }
0x33e: {  	v2 =	vperm.xlane v2, v0;
	_ =	sdelay $0x1  }
0x33f: {  	v2 =	vadd.s32 v1, v2;
	_ =	sdelay $0x4  }
0x340: {  	[tilespmem:s16], [sflag:$0x4] =	stream.indirect_vreg.gather [hbm4b:s1+s3], $0x80, v2, vm0, $0xb8;
	[tilespmem:$0x18200] =	vst v63  }
0x341: {  	s24 =	simm.s32 $0xCA00  }
0x342: {  	[tilespmem:s24], [sflag:$0x4] =	stream.indirect_vreg.gather [hbm4b:s5+s3], $0x80, v2, vm0, $0xb8;
	[tilespmem:$0x18200] =	vst v63  }
0x343: {  	s24 =	simm.s32 $0xD200  }
0x344: {  	[tilespmem:s24], [sflag:$0x4] =	stream.indirect_vreg.gather [hbm4b:s6+s3], $0x80, v2, vm0, $0xb8;
	[tilespmem:$0x18200] =	vst v63  }
0x345: {  	s24 =	simm.s32 $0xDA00  }
0x346: {  	[tilespmem:s24], [sflag:$0x4] =	stream.indirect_vreg.gather [hbm4b:s7+s3], $0x80, v2, vm0, $0xb8;
	[tilespmem:$0x18200] =	vst v63  }
0x347: {  	s24 =	simm.s32 $0xE200  }
0x348: {  	[tilespmem:s24], [sflag:$0x4] =	stream.indirect_vreg.gather [hbm4b:s8+s3], $0x80, v2, vm0, $0xb8;
	[tilespmem:$0x18200] =	vst v63  }
0x349: {  	s24 =	simm.s32 $0xEA00  }
0x34a: {  	[tilespmem:s24], [sflag:$0x4] =	stream.indirect_vreg.gather [hbm4b:s9+s3], $0x80, v2, vm0, $0xb8;
	[tilespmem:$0x18200] =	vst v63  }
0x34b: {  	s24 =	simm.s32 $0xF200  }
0x34c: {  	[tilespmem:s24], [sflag:$0x4] =	stream.indirect_vreg.gather [hbm4b:s10+s3], $0x80, v2, vm0, $0xb8;
	[tilespmem:$0x18200] =	vst v63  }
0x34d: {  	s24 =	simm.s32 $0xFA00  }
0x34e: {  	[tilespmem:s24], [sflag:$0x4] =	stream.indirect_vreg.gather [hbm4b:s11+s3], $0x80, v2, vm0, $0xb8;
	[tilespmem:$0x18200] =	vst v63  }
0x34f: {  	_ =	swait.ge [sflag:s30], $0x4000  }
0x350: {  	[sflag:s30] =	ssyncset.done $0x0  }
0x351: {  	s24 =	rddreg [dreg:$0x1c];
	[sflag:s30] =	ssyncadd.s32 $0xFFFFC000  }
0x352: {  	[hbm4b:s24+s3] =	stream.linear.scatter [tilespmem:s29], [sflag:$0x7], $0x4000, $0x38;
	[tilespmem:$0x18200] =	vst v63  }
0x353: {  	_ =	swait.ge [sflag:s23], $0x4000  }
0x354: {  	[sflag:s23] =	ssyncset.done $0x0  }
0x355: {  	[sflag:s23] =	ssyncadd.s32 $0xFFFFC000  }
0x356: {  	v2 =	vld.msk [tilespmem:$0xE0], $0xff;
	_ =	sdelay $0x4  }
0x357: {  	v3 =	vshll.u32 v2, $0x4  }
0x358: {  	v2 =	vand.u32 $0x7, v2;
	v3 =	vand.u32 $0xFFFFFF80, v3  }
0x359: {  	v2 =	vor.u32 v2, v3  }
0x35a: {  	v2 =	vperm.xlane v2, v0;
	_ =	sdelay $0x1  }
0x35b: {  	v2 =	vadd.s32 v1, v2;
	_ =	sdelay $0x4  }
0x35c: {  	[tilespmem:s2], [sflag:$0x5] =	stream.indirect_vreg.gather [hbm4b:s1+s3], $0x80, v2, vm0, $0xb8;
	[tilespmem:$0x18200] =	vst v63  }
0x35d: {  	s24 =	simm.s32 $0x10A00  }
0x35e: {  	[tilespmem:s24], [sflag:$0x5] =	stream.indirect_vreg.gather [hbm4b:s5+s3], $0x80, v2, vm0, $0xb8;
	[tilespmem:$0x18200] =	vst v63  }
0x35f: {  	s24 =	simm.s32 $0x11200  }
0x360: {  	[tilespmem:s24], [sflag:$0x5] =	stream.indirect_vreg.gather [hbm4b:s6+s3], $0x80, v2, vm0, $0xb8;
	[tilespmem:$0x18200] =	vst v63  }
0x361: {  	s24 =	simm.s32 $0x11A00  }
0x362: {  	[tilespmem:s24], [sflag:$0x5] =	stream.indirect_vreg.gather [hbm4b:s7+s3], $0x80, v2, vm0, $0xb8;
	[tilespmem:$0x18200] =	vst v63  }
0x363: {  	s24 =	simm.s32 $0x12200  }
0x364: {  	[tilespmem:s24], [sflag:$0x5] =	stream.indirect_vreg.gather [hbm4b:s8+s3], $0x80, v2, vm0, $0xb8;
	[tilespmem:$0x18200] =	vst v63  }
0x365: {  	s24 =	simm.s32 $0x12A00  }
0x366: {  	[tilespmem:s24], [sflag:$0x5] =	stream.indirect_vreg.gather [hbm4b:s9+s3], $0x80, v2, vm0, $0xb8;
	[tilespmem:$0x18200] =	vst v63  }
0x367: {  	s24 =	simm.s32 $0x13200  }
0x368: {  	[tilespmem:s24], [sflag:$0x5] =	stream.indirect_vreg.gather [hbm4b:s10+s3], $0x80, v2, vm0, $0xb8;
	[tilespmem:$0x18200] =	vst v63  }
0x369: {  	s24 =	simm.s32 $0x13A00  }
0x36a: {  	[tilespmem:s24], [sflag:$0x5] =	stream.indirect_vreg.gather [hbm4b:s11+s3], $0x80, v2, vm0, $0xb8;
	[tilespmem:$0x18200] =	vst v63  }
0x36b: {  	_ =	swait.ge [sflag:s14], $0x4000  }
0x36c: {  	[sflag:s14] =	ssyncset.done $0x0  }
0x36d: {  	s24 =	rddreg [dreg:$0x1d];
	[sflag:s14] =	ssyncadd.s32 $0xFFFFC000  }
0x36e: {  	[hbm4b:s24+s3] =	stream.linear.scatter [tilespmem:s18], [sflag:$0x8], $0x4000, $0x38;
	[tilespmem:$0x18200] =	vst v63  }
0x36f: {  	_ =	swait.ge [sflag:s28], $0x4000  }
0x370: {  	[sflag:s28] =	ssyncset.done $0x0  }
0x371: {  	[sflag:s28] =	ssyncadd.s32 $0xFFFFC000  }
0x372: {  	v2 =	vld.msk [tilespmem:$0xE8], $0xff;
	_ =	sdelay $0x4  }
0x373: {  	v3 =	vshll.u32 v2, $0x4  }
0x374: {  	v2 =	vand.u32 $0x7, v2;
	v3 =	vand.u32 $0xFFFFFF80, v3  }
0x375: {  	v2 =	vor.u32 v2, v3  }
0x376: {  	v2 =	vperm.xlane v2, v0;
	_ =	sdelay $0x1  }
0x377: {  	v2 =	vadd.s32 v1, v2;
	_ =	sdelay $0x4  }
0x378: {  	[tilespmem:s25], [sflag:$0x6] =	stream.indirect_vreg.gather [hbm4b:s1+s3], $0x80, v2, vm0, $0xb8;
	[tilespmem:$0x18200] =	vst v63  }
0x379: {  	s24 =	simm.s32 $0x14A00  }
0x37a: {  	[tilespmem:s24], [sflag:$0x6] =	stream.indirect_vreg.gather [hbm4b:s5+s3], $0x80, v2, vm0, $0xb8;
	[tilespmem:$0x18200] =	vst v63  }
0x37b: {  	s26 =	simm.s32 $0x15200  }
0x37c: {  	[tilespmem:s26], [sflag:$0x6] =	stream.indirect_vreg.gather [hbm4b:s6+s3], $0x80, v2, vm0, $0xb8;
	[tilespmem:$0x18200] =	vst v63  }
0x37d: {  	s31 =	simm.s32 $0x15A00  }
0x37e: {  	[tilespmem:s31], [sflag:$0x6] =	stream.indirect_vreg.gather [hbm4b:s7+s3], $0x80, v2, vm0, $0xb8;
	[tilespmem:$0x18200] =	vst v63  }
0x37f: {  	s12 =	simm.s32 $0x16200  }
0x380: {  	[tilespmem:s12], [sflag:$0x6] =	stream.indirect_vreg.gather [hbm4b:s8+s3], $0x80, v2, vm0, $0xb8;
	[tilespmem:$0x18200] =	vst v63  }
0x381: {  	s24 =	simm.s32 $0x16A00  }
0x382: {  	[tilespmem:s24], [sflag:$0x6] =	stream.indirect_vreg.gather [hbm4b:s9+s3], $0x80, v2, vm0, $0xb8;
	[tilespmem:$0x18200] =	vst v63  }
0x383: {  	s24 =	simm.s32 $0x17200  }
0x384: {  	[tilespmem:s24], [sflag:$0x6] =	stream.indirect_vreg.gather [hbm4b:s10+s3], $0x80, v2, vm0, $0xb8;
	[tilespmem:$0x18200] =	vst v63  }
0x385: {  	s24 =	simm.s32 $0x17A00  }
0x386: {  	[tilespmem:s24], [sflag:$0x6] =	stream.indirect_vreg.gather [hbm4b:s11+s3], $0x80, v2, vm0, $0xb8;
	[tilespmem:$0x18200] =	vst v63  }
0x387: {  	_ =	swait.ge [sflag:s13], $0x4000  }
0x388: {  	[sflag:s13] =	ssyncset.done $0x0  }
0x389: {  	s24 =	rddreg [dreg:$0x1e];
	[sflag:s13] =	ssyncadd.s32 $0xFFFFC000  }
0x38a: {  	[hbm4b:s24+s3] =	stream.linear.scatter [tilespmem:s22], [sflag:$0x9], $0x4000, $0x38;
	[tilespmem:$0x18200] =	vst v63  }
0x38b: {  	_ =	swait.ge [sflag:s4], $0x4000  }
0x38c: {  	[sflag:s4] =	ssyncset.done $0x0  }
0x38d: {  	[sflag:s4] =	ssyncadd.s32 $0xFFFFC000  }
0x38e: {  	v2 =	vld.msk [tilespmem:$0xF0], $0xff;
	_ =	sdelay $0x4  }
0x38f: {  	v3 =	vshll.u32 v2, $0x4  }
0x390: {  	v2 =	vand.u32 $0x7, v2;
	v3 =	vand.u32 $0xFFFFFF80, v3  }
0x391: {  	v2 =	vor.u32 v2, v3  }
0x392: {  	v2 =	vperm.xlane v2, v0;
	_ =	sdelay $0x1  }
0x393: {  	v2 =	vadd.s32 v1, v2;
	_ =	sdelay $0x4  }
0x394: {  	[tilespmem:s29], [sflag:$0x1] =	stream.indirect_vreg.gather [hbm4b:s1+s3], $0x80, v2, vm0, $0xb8;
	[tilespmem:$0x18200] =	vst v63  }
0x395: {  	s24 =	simm.s32 $0xA00  }
0x396: {  	[tilespmem:s24], [sflag:$0x1] =	stream.indirect_vreg.gather [hbm4b:s5+s3], $0x80, v2, vm0, $0xb8;
	[tilespmem:$0x18200] =	vst v63  }
0x397: {  	s24 =	simm.s32 $0x1200  }
0x398: {  	[tilespmem:s24], [sflag:$0x1] =	stream.indirect_vreg.gather [hbm4b:s6+s3], $0x80, v2, vm0, $0xb8;
	[tilespmem:$0x18200] =	vst v63  }
0x399: {  	s24 =	simm.s32 $0x1A00  }
0x39a: {  	[tilespmem:s24], [sflag:$0x1] =	stream.indirect_vreg.gather [hbm4b:s7+s3], $0x80, v2, vm0, $0xb8;
	[tilespmem:$0x18200] =	vst v63  }
0x39b: {  	s24 =	simm.s32 $0x2200  }
0x39c: {  	[tilespmem:s24], [sflag:$0x1] =	stream.indirect_vreg.gather [hbm4b:s8+s3], $0x80, v2, vm0, $0xb8;
	[tilespmem:$0x18200] =	vst v63  }
0x39d: {  	s24 =	simm.s32 $0x2A00  }
0x39e: {  	[tilespmem:s24], [sflag:$0x1] =	stream.indirect_vreg.gather [hbm4b:s9+s3], $0x80, v2, vm0, $0xb8;
	[tilespmem:$0x18200] =	vst v63  }
0x39f: {  	s24 =	simm.s32 $0x3200  }
0x3a0: {  	[tilespmem:s24], [sflag:$0x1] =	stream.indirect_vreg.gather [hbm4b:s10+s3], $0x80, v2, vm0, $0xb8;
	[tilespmem:$0x18200] =	vst v63  }
0x3a1: {  	s24 =	simm.s32 $0x3A00  }
0x3a2: {  	[tilespmem:s24], [sflag:$0x1] =	stream.indirect_vreg.gather [hbm4b:s11+s3], $0x80, v2, vm0, $0xb8;
	[tilespmem:$0x18200] =	vst v63  }
0x3a3: {  	_ =	swait.ge [sflag:s15], $0x4000  }
0x3a4: {  	[sflag:s15] =	ssyncset.done $0x0  }
0x3a5: {  	s24 =	rddreg [dreg:$0x1f];
	[sflag:s15] =	ssyncadd.s32 $0xFFFFC000  }
0x3a6: {  	[hbm4b:s24+s3] =	stream.linear.scatter [tilespmem:s16], [sflag:$0xA], $0x4000, $0x38;
	[tilespmem:$0x18200] =	vst v63  }
0x3a7: {  	_ =	swait.ge [sflag:s17], $0x4000  }
0x3a8: {  	[sflag:s17] =	ssyncset.done $0x0  }
0x3a9: {  	[sflag:s17] =	ssyncadd.s32 $0xFFFFC000  }
0x3aa: {  	v2 =	vld.msk [tilespmem:$0xF8], $0xff;
	_ =	sdelay $0x4  }
0x3ab: {  	v3 =	vshll.u32 v2, $0x4  }
0x3ac: {  	v2 =	vand.u32 $0x7, v2;
	v3 =	vand.u32 $0xFFFFFF80, v3  }
0x3ad: {  	v2 =	vor.u32 v2, v3  }
0x3ae: {  	v2 =	vperm.xlane v2, v0;
	_ =	sdelay $0x1  }
0x3af: {  	v2 =	vadd.s32 v1, v2;
	_ =	sdelay $0x4  }
0x3b0: {  	[tilespmem:s18], [sflag:$0x2] =	stream.indirect_vreg.gather [hbm4b:s1+s3], $0x80, v2, vm0, $0xb8;
	[tilespmem:$0x18200] =	vst v63  }
0x3b1: {  	s24 =	simm.s32 $0x4A00  }
0x3b2: {  	[tilespmem:s24], [sflag:$0x2] =	stream.indirect_vreg.gather [hbm4b:s5+s3], $0x80, v2, vm0, $0xb8;
	[tilespmem:$0x18200] =	vst v63  }
0x3b3: {  	s24 =	simm.s32 $0x5200  }
0x3b4: {  	[tilespmem:s24], [sflag:$0x2] =	stream.indirect_vreg.gather [hbm4b:s6+s3], $0x80, v2, vm0, $0xb8;
	[tilespmem:$0x18200] =	vst v63  }
0x3b5: {  	s24 =	simm.s32 $0x5A00  }
0x3b6: {  	[tilespmem:s24], [sflag:$0x2] =	stream.indirect_vreg.gather [hbm4b:s7+s3], $0x80, v2, vm0, $0xb8;
	[tilespmem:$0x18200] =	vst v63  }
0x3b7: {  	s24 =	simm.s32 $0x6200  }
0x3b8: {  	[tilespmem:s24], [sflag:$0x2] =	stream.indirect_vreg.gather [hbm4b:s8+s3], $0x80, v2, vm0, $0xb8;
	[tilespmem:$0x18200] =	vst v63  }
0x3b9: {  	s24 =	simm.s32 $0x6A00  }
0x3ba: {  	[tilespmem:s24], [sflag:$0x2] =	stream.indirect_vreg.gather [hbm4b:s9+s3], $0x80, v2, vm0, $0xb8;
	[tilespmem:$0x18200] =	vst v63  }
0x3bb: {  	s24 =	simm.s32 $0x7200  }
0x3bc: {  	[tilespmem:s24], [sflag:$0x2] =	stream.indirect_vreg.gather [hbm4b:s10+s3], $0x80, v2, vm0, $0xb8;
	[tilespmem:$0x18200] =	vst v63  }
0x3bd: {  	s24 =	simm.s32 $0x7A00  }
0x3be: {  	[tilespmem:s24], [sflag:$0x2] =	stream.indirect_vreg.gather [hbm4b:s11+s3], $0x80, v2, vm0, $0xb8;
	[tilespmem:$0x18200] =	vst v63  }
0x3bf: {  	_ =	swait.ge [sflag:s19], $0x4000  }
0x3c0: {  	s24 =	sld [smem:$0x7D9]  }
0x3c1: {  	[sflag:s19] =	ssyncset.done $0x0  }
0x3c2: {  	[sflag:s19] =	ssyncadd.s32 $0xFFFFC000  }
0x3c3: {  	[hbm4b:s24+s3] =	stream.linear.scatter [tilespmem:s2], [sflag:$0xB], $0x4000, $0x38;
	[tilespmem:$0x18200] =	vst v63  }
0x3c4: {  	_ =	swait.ge [sflag:s20], $0x4000  }
0x3c5: {  	[sflag:s20] =	ssyncset.done $0x0  }
0x3c6: {  	[sflag:s20] =	ssyncadd.s32 $0xFFFFC000  }
0x3c7: {  	v2 =	vld.msk [tilespmem:$0x100], $0xff;
	_ =	sdelay $0x4  }
0x3c8: {  	v3 =	vshll.u32 v2, $0x4  }
0x3c9: {  	v2 =	vand.u32 $0x7, v2;
	v3 =	vand.u32 $0xFFFFFF80, v3  }
0x3ca: {  	v2 =	vor.u32 v2, v3  }
0x3cb: {  	v2 =	vperm.xlane v2, v0;
	_ =	sdelay $0x1  }
0x3cc: {  	v2 =	vadd.s32 v1, v2;
	_ =	sdelay $0x4  }
0x3cd: {  	[tilespmem:s22], [sflag:$0x3] =	stream.indirect_vreg.gather [hbm4b:s1+s3], $0x80, v2, vm0, $0xb8;
	[tilespmem:$0x18200] =	vst v63  }
0x3ce: {  	s24 =	simm.s32 $0x8A00  }
0x3cf: {  	[tilespmem:s24], [sflag:$0x3] =	stream.indirect_vreg.gather [hbm4b:s5+s3], $0x80, v2, vm0, $0xb8;
	[tilespmem:$0x18200] =	vst v63  }
0x3d0: {  	s24 =	simm.s32 $0x9200  }
0x3d1: {  	[tilespmem:s24], [sflag:$0x3] =	stream.indirect_vreg.gather [hbm4b:s6+s3], $0x80, v2, vm0, $0xb8;
	[tilespmem:$0x18200] =	vst v63  }
0x3d2: {  	s24 =	simm.s32 $0x9A00  }
0x3d3: {  	[tilespmem:s24], [sflag:$0x3] =	stream.indirect_vreg.gather [hbm4b:s7+s3], $0x80, v2, vm0, $0xb8;
	[tilespmem:$0x18200] =	vst v63  }
0x3d4: {  	s24 =	simm.s32 $0xA200  }
0x3d5: {  	[tilespmem:s24], [sflag:$0x3] =	stream.indirect_vreg.gather [hbm4b:s8+s3], $0x80, v2, vm0, $0xb8;
	[tilespmem:$0x18200] =	vst v63  }
0x3d6: {  	s24 =	simm.s32 $0xAA00  }
0x3d7: {  	[tilespmem:s24], [sflag:$0x3] =	stream.indirect_vreg.gather [hbm4b:s9+s3], $0x80, v2, vm0, $0xb8;
	[tilespmem:$0x18200] =	vst v63  }
0x3d8: {  	s24 =	simm.s32 $0xB200  }
0x3d9: {  	[tilespmem:s24], [sflag:$0x3] =	stream.indirect_vreg.gather [hbm4b:s10+s3], $0x80, v2, vm0, $0xb8;
	[tilespmem:$0x18200] =	vst v63  }
0x3da: {  	s24 =	simm.s32 $0xBA00  }
0x3db: {  	[tilespmem:s24], [sflag:$0x3] =	stream.indirect_vreg.gather [hbm4b:s11+s3], $0x80, v2, vm0, $0xb8;
	[tilespmem:$0x18200] =	vst v63  }
0x3dc: {  	_ =	swait.ge [sflag:s21], $0x4000  }
0x3dd: {  	s24 =	sld [smem:$0x7DA]  }
0x3de: {  	[sflag:s21] =	ssyncset.done $0x0  }
0x3df: {  	[sflag:s21] =	ssyncadd.s32 $0xFFFFC000  }
0x3e0: {  	[hbm4b:s24+s3] =	stream.linear.scatter [tilespmem:s25], [sflag:$0xC], $0x4000, $0x38;
	[tilespmem:$0x18200] =	vst v63  }
0x3e1: {  	_ =	swait.ge [sflag:s0], $0x4000  }
0x3e2: {  	[sflag:s0] =	ssyncset.done $0x0  }
0x3e3: {  	[sflag:s0] =	ssyncadd.s32 $0xFFFFC000  }
0x3e4: {  	v2 =	vld.msk [tilespmem:$0x108], $0xff;
	_ =	sdelay $0x4  }
0x3e5: {  	v3 =	vshll.u32 v2, $0x4  }
0x3e6: {  	v2 =	vand.u32 $0x7, v2;
	v3 =	vand.u32 $0xFFFFFF80, v3  }
0x3e7: {  	v2 =	vor.u32 v2, v3  }
0x3e8: {  	v2 =	vperm.xlane v2, v0;
	_ =	sdelay $0x1  }
0x3e9: {  	v2 =	vadd.s32 v1, v2;
	_ =	sdelay $0x4  }
0x3ea: {  	[tilespmem:s16], [sflag:$0x4] =	stream.indirect_vreg.gather [hbm4b:s1+s3], $0x80, v2, vm0, $0xb8;
	[tilespmem:$0x18200] =	vst v63  }
0x3eb: {  	s24 =	simm.s32 $0xCA00  }
0x3ec: {  	[tilespmem:s24], [sflag:$0x4] =	stream.indirect_vreg.gather [hbm4b:s5+s3], $0x80, v2, vm0, $0xb8;
	[tilespmem:$0x18200] =	vst v63  }
0x3ed: {  	s24 =	simm.s32 $0xD200  }
0x3ee: {  	[tilespmem:s24], [sflag:$0x4] =	stream.indirect_vreg.gather [hbm4b:s6+s3], $0x80, v2, vm0, $0xb8;
	[tilespmem:$0x18200] =	vst v63  }
0x3ef: {  	s24 =	simm.s32 $0xDA00  }
0x3f0: {  	[tilespmem:s24], [sflag:$0x4] =	stream.indirect_vreg.gather [hbm4b:s7+s3], $0x80, v2, vm0, $0xb8;
	[tilespmem:$0x18200] =	vst v63  }
0x3f1: {  	s24 =	simm.s32 $0xE200  }
0x3f2: {  	[tilespmem:s24], [sflag:$0x4] =	stream.indirect_vreg.gather [hbm4b:s8+s3], $0x80, v2, vm0, $0xb8;
	[tilespmem:$0x18200] =	vst v63  }
0x3f3: {  	s24 =	simm.s32 $0xEA00  }
0x3f4: {  	[tilespmem:s24], [sflag:$0x4] =	stream.indirect_vreg.gather [hbm4b:s9+s3], $0x80, v2, vm0, $0xb8;
	[tilespmem:$0x18200] =	vst v63  }
0x3f5: {  	s24 =	simm.s32 $0xF200  }
0x3f6: {  	[tilespmem:s24], [sflag:$0x4] =	stream.indirect_vreg.gather [hbm4b:s10+s3], $0x80, v2, vm0, $0xb8;
	[tilespmem:$0x18200] =	vst v63  }
0x3f7: {  	s24 =	simm.s32 $0xFA00  }
0x3f8: {  	[tilespmem:s24], [sflag:$0x4] =	stream.indirect_vreg.gather [hbm4b:s11+s3], $0x80, v2, vm0, $0xb8;
	[tilespmem:$0x18200] =	vst v63  }
0x3f9: {  	_ =	swait.ge [sflag:s30], $0x4000  }
0x3fa: {  	s24 =	sld [smem:$0x7DB]  }
0x3fb: {  	[sflag:s30] =	ssyncset.done $0x0  }
0x3fc: {  	[sflag:s30] =	ssyncadd.s32 $0xFFFFC000  }
0x3fd: {  	[hbm4b:s24+s3] =	stream.linear.scatter [tilespmem:s29], [sflag:$0x7], $0x4000, $0x38;
	[tilespmem:$0x18200] =	vst v63  }
0x3fe: {  	_ =	swait.ge [sflag:s23], $0x4000  }
0x3ff: {  	[sflag:s23] =	ssyncset.done $0x0  }
0x400: {  	[sflag:s23] =	ssyncadd.s32 $0xFFFFC000  }
0x401: {  	v2 =	vld.msk [tilespmem:$0x110], $0xff;
	_ =	sdelay $0x4  }
0x402: {  	v3 =	vshll.u32 v2, $0x4  }
0x403: {  	v2 =	vand.u32 $0x7, v2;
	v3 =	vand.u32 $0xFFFFFF80, v3  }
0x404: {  	v2 =	vor.u32 v2, v3  }
0x405: {  	v2 =	vperm.xlane v2, v0;
	_ =	sdelay $0x1  }
0x406: {  	v2 =	vadd.s32 v1, v2;
	_ =	sdelay $0x4  }
0x407: {  	[tilespmem:s2], [sflag:$0x5] =	stream.indirect_vreg.gather [hbm4b:s1+s3], $0x80, v2, vm0, $0xb8;
	[tilespmem:$0x18200] =	vst v63  }
0x408: {  	s24 =	simm.s32 $0x10A00  }
0x409: {  	[tilespmem:s24], [sflag:$0x5] =	stream.indirect_vreg.gather [hbm4b:s5+s3], $0x80, v2, vm0, $0xb8;
	[tilespmem:$0x18200] =	vst v63  }
0x40a: {  	s24 =	simm.s32 $0x11200  }
0x40b: {  	[tilespmem:s24], [sflag:$0x5] =	stream.indirect_vreg.gather [hbm4b:s6+s3], $0x80, v2, vm0, $0xb8;
	[tilespmem:$0x18200] =	vst v63  }
0x40c: {  	s24 =	simm.s32 $0x11A00  }
0x40d: {  	[tilespmem:s24], [sflag:$0x5] =	stream.indirect_vreg.gather [hbm4b:s7+s3], $0x80, v2, vm0, $0xb8;
	[tilespmem:$0x18200] =	vst v63  }
0x40e: {  	s24 =	simm.s32 $0x12200  }
0x40f: {  	[tilespmem:s24], [sflag:$0x5] =	stream.indirect_vreg.gather [hbm4b:s8+s3], $0x80, v2, vm0, $0xb8;
	[tilespmem:$0x18200] =	vst v63  }
0x410: {  	s24 =	simm.s32 $0x12A00  }
0x411: {  	[tilespmem:s24], [sflag:$0x5] =	stream.indirect_vreg.gather [hbm4b:s9+s3], $0x80, v2, vm0, $0xb8;
	[tilespmem:$0x18200] =	vst v63  }
0x412: {  	s24 =	simm.s32 $0x13200  }
0x413: {  	[tilespmem:s24], [sflag:$0x5] =	stream.indirect_vreg.gather [hbm4b:s10+s3], $0x80, v2, vm0, $0xb8;
	[tilespmem:$0x18200] =	vst v63  }
0x414: {  	s24 =	simm.s32 $0x13A00  }
0x415: {  	[tilespmem:s24], [sflag:$0x5] =	stream.indirect_vreg.gather [hbm4b:s11+s3], $0x80, v2, vm0, $0xb8;
	[tilespmem:$0x18200] =	vst v63  }
0x416: {  	_ =	swait.ge [sflag:s14], $0x4000  }
0x417: {  	s24 =	sld [smem:$0x7DC]  }
0x418: {  	[sflag:s14] =	ssyncset.done $0x0  }
0x419: {  	[sflag:s14] =	ssyncadd.s32 $0xFFFFC000  }
0x41a: {  	[hbm4b:s24+s3] =	stream.linear.scatter [tilespmem:s18], [sflag:$0x8], $0x4000, $0x38;
	[tilespmem:$0x18200] =	vst v63  }
0x41b: {  	_ =	swait.ge [sflag:s28], $0x4000  }
0x41c: {  	[sflag:s28] =	ssyncset.done $0x0  }
0x41d: {  	[sflag:s28] =	ssyncadd.s32 $0xFFFFC000  }
0x41e: {  	v2 =	vld.msk [tilespmem:$0x118], $0xff;
	_ =	sdelay $0x4  }
0x41f: {  	v3 =	vshll.u32 v2, $0x4  }
0x420: {  	v2 =	vand.u32 $0x7, v2;
	v3 =	vand.u32 $0xFFFFFF80, v3  }
0x421: {  	v2 =	vor.u32 v2, v3  }
0x422: {  	v2 =	vperm.xlane v2, v0;
	_ =	sdelay $0x1  }
0x423: {  	v2 =	vadd.s32 v1, v2;
	_ =	sdelay $0x4  }
0x424: {  	[tilespmem:s25], [sflag:$0x6] =	stream.indirect_vreg.gather [hbm4b:s1+s3], $0x80, v2, vm0, $0xb8;
	[tilespmem:$0x18200] =	vst v63  }
0x425: {  	s24 =	simm.s32 $0x14A00  }
0x426: {  	[tilespmem:s24], [sflag:$0x6] =	stream.indirect_vreg.gather [hbm4b:s5+s3], $0x80, v2, vm0, $0xb8;
	[tilespmem:$0x18200] =	vst v63  }
0x427: {  	s24 =	simm.s32 $0x15200  }
0x428: {  	[tilespmem:s24], [sflag:$0x6] =	stream.indirect_vreg.gather [hbm4b:s6+s3], $0x80, v2, vm0, $0xb8;
	[tilespmem:$0x18200] =	vst v63  }
0x429: {  	s31 =	simm.s32 $0x15A00  }
0x42a: {  	[tilespmem:s31], [sflag:$0x6] =	stream.indirect_vreg.gather [hbm4b:s7+s3], $0x80, v2, vm0, $0xb8;
	[tilespmem:$0x18200] =	vst v63  }
0x42b: {  	s26 =	simm.s32 $0x16200  }
0x42c: {  	[tilespmem:s26], [sflag:$0x6] =	stream.indirect_vreg.gather [hbm4b:s8+s3], $0x80, v2, vm0, $0xb8;
	[tilespmem:$0x18200] =	vst v63  }
0x42d: {  	s12 =	simm.s32 $0x16A00  }
0x42e: {  	[tilespmem:s12], [sflag:$0x6] =	stream.indirect_vreg.gather [hbm4b:s9+s3], $0x80, v2, vm0, $0xb8;
	[tilespmem:$0x18200] =	vst v63  }
0x42f: {  	s26 =	simm.s32 $0x17200  }
0x430: {  	[tilespmem:s26], [sflag:$0x6] =	stream.indirect_vreg.gather [hbm4b:s10+s3], $0x80, v2, vm0, $0xb8;
	[tilespmem:$0x18200] =	vst v63  }
0x431: {  	s24 =	simm.s32 $0x17A00  }
0x432: {  	[tilespmem:s24], [sflag:$0x6] =	stream.indirect_vreg.gather [hbm4b:s11+s3], $0x80, v2, vm0, $0xb8;
	[tilespmem:$0x18200] =	vst v63  }
0x433: {  	_ =	swait.ge [sflag:s13], $0x4000  }
0x434: {  	s24 =	sld [smem:$0x7DD]  }
0x435: {  	[sflag:s13] =	ssyncset.done $0x0  }
0x436: {  	[sflag:s13] =	ssyncadd.s32 $0xFFFFC000  }
0x437: {  	[hbm4b:s24+s3] =	stream.linear.scatter [tilespmem:s22], [sflag:$0x9], $0x4000, $0x38;
	[tilespmem:$0x18200] =	vst v63  }
0x438: {  	_ =	swait.ge [sflag:s4], $0x4000  }
0x439: {  	[sflag:s4] =	ssyncset.done $0x0  }
0x43a: {  	[sflag:s4] =	ssyncadd.s32 $0xFFFFC000  }
0x43b: {  	v2 =	vld.msk [tilespmem:$0x120], $0xff;
	_ =	sdelay $0x4  }
0x43c: {  	v3 =	vshll.u32 v2, $0x4  }
0x43d: {  	v2 =	vand.u32 $0x7, v2;
	v3 =	vand.u32 $0xFFFFFF80, v3  }
0x43e: {  	v2 =	vor.u32 v2, v3  }
0x43f: {  	v2 =	vperm.xlane v2, v0;
	_ =	sdelay $0x1  }
0x440: {  	v2 =	vadd.s32 v1, v2;
	_ =	sdelay $0x4  }
0x441: {  	[tilespmem:s29], [sflag:$0x1] =	stream.indirect_vreg.gather [hbm4b:s1+s3], $0x80, v2, vm0, $0xb8;
	[tilespmem:$0x18200] =	vst v63  }
0x442: {  	s24 =	simm.s32 $0xA00  }
0x443: {  	[tilespmem:s24], [sflag:$0x1] =	stream.indirect_vreg.gather [hbm4b:s5+s3], $0x80, v2, vm0, $0xb8;
	[tilespmem:$0x18200] =	vst v63  }
0x444: {  	s24 =	simm.s32 $0x1200  }
0x445: {  	[tilespmem:s24], [sflag:$0x1] =	stream.indirect_vreg.gather [hbm4b:s6+s3], $0x80, v2, vm0, $0xb8;
	[tilespmem:$0x18200] =	vst v63  }
0x446: {  	s24 =	simm.s32 $0x1A00  }
0x447: {  	[tilespmem:s24], [sflag:$0x1] =	stream.indirect_vreg.gather [hbm4b:s7+s3], $0x80, v2, vm0, $0xb8;
	[tilespmem:$0x18200] =	vst v63  }
0x448: {  	s24 =	simm.s32 $0x2200  }
0x449: {  	[tilespmem:s24], [sflag:$0x1] =	stream.indirect_vreg.gather [hbm4b:s8+s3], $0x80, v2, vm0, $0xb8;
	[tilespmem:$0x18200] =	vst v63  }
0x44a: {  	s24 =	simm.s32 $0x2A00  }
0x44b: {  	[tilespmem:s24], [sflag:$0x1] =	stream.indirect_vreg.gather [hbm4b:s9+s3], $0x80, v2, vm0, $0xb8;
	[tilespmem:$0x18200] =	vst v63  }
0x44c: {  	s24 =	simm.s32 $0x3200  }
0x44d: {  	[tilespmem:s24], [sflag:$0x1] =	stream.indirect_vreg.gather [hbm4b:s10+s3], $0x80, v2, vm0, $0xb8;
	[tilespmem:$0x18200] =	vst v63  }
0x44e: {  	s24 =	simm.s32 $0x3A00  }
0x44f: {  	[tilespmem:s24], [sflag:$0x1] =	stream.indirect_vreg.gather [hbm4b:s11+s3], $0x80, v2, vm0, $0xb8;
	[tilespmem:$0x18200] =	vst v63  }
0x450: {  	_ =	swait.ge [sflag:s15], $0x4000  }
0x451: {  	s24 =	sld [smem:$0x7DE]  }
0x452: {  	[sflag:s15] =	ssyncset.done $0x0  }
0x453: {  	[sflag:s15] =	ssyncadd.s32 $0xFFFFC000  }
0x454: {  	[hbm4b:s24+s3] =	stream.linear.scatter [tilespmem:s16], [sflag:$0xA], $0x4000, $0x38;
	[tilespmem:$0x18200] =	vst v63  }
0x455: {  	_ =	swait.ge [sflag:s17], $0x4000  }
0x456: {  	[sflag:s17] =	ssyncset.done $0x0  }
0x457: {  	[sflag:s17] =	ssyncadd.s32 $0xFFFFC000  }
0x458: {  	v2 =	vld.msk [tilespmem:$0x128], $0xff;
	_ =	sdelay $0x4  }
0x459: {  	v3 =	vshll.u32 v2, $0x4  }
0x45a: {  	v2 =	vand.u32 $0x7, v2;
	v3 =	vand.u32 $0xFFFFFF80, v3  }
0x45b: {  	v2 =	vor.u32 v2, v3  }
0x45c: {  	v2 =	vperm.xlane v2, v0;
	_ =	sdelay $0x1  }
0x45d: {  	v2 =	vadd.s32 v1, v2;
	_ =	sdelay $0x4  }
0x45e: {  	[tilespmem:s18], [sflag:$0x2] =	stream.indirect_vreg.gather [hbm4b:s1+s3], $0x80, v2, vm0, $0xb8;
	[tilespmem:$0x18200] =	vst v63  }
0x45f: {  	s24 =	simm.s32 $0x4A00  }
0x460: {  	[tilespmem:s24], [sflag:$0x2] =	stream.indirect_vreg.gather [hbm4b:s5+s3], $0x80, v2, vm0, $0xb8;
	[tilespmem:$0x18200] =	vst v63  }
0x461: {  	s24 =	simm.s32 $0x5200  }
0x462: {  	[tilespmem:s24], [sflag:$0x2] =	stream.indirect_vreg.gather [hbm4b:s6+s3], $0x80, v2, vm0, $0xb8;
	[tilespmem:$0x18200] =	vst v63  }
0x463: {  	s24 =	simm.s32 $0x5A00  }
0x464: {  	[tilespmem:s24], [sflag:$0x2] =	stream.indirect_vreg.gather [hbm4b:s7+s3], $0x80, v2, vm0, $0xb8;
	[tilespmem:$0x18200] =	vst v63  }
0x465: {  	s24 =	simm.s32 $0x6200  }
0x466: {  	[tilespmem:s24], [sflag:$0x2] =	stream.indirect_vreg.gather [hbm4b:s8+s3], $0x80, v2, vm0, $0xb8;
	[tilespmem:$0x18200] =	vst v63  }
0x467: {  	s24 =	simm.s32 $0x6A00  }
0x468: {  	[tilespmem:s24], [sflag:$0x2] =	stream.indirect_vreg.gather [hbm4b:s9+s3], $0x80, v2, vm0, $0xb8;
	[tilespmem:$0x18200] =	vst v63  }
0x469: {  	s24 =	simm.s32 $0x7200  }
0x46a: {  	[tilespmem:s24], [sflag:$0x2] =	stream.indirect_vreg.gather [hbm4b:s10+s3], $0x80, v2, vm0, $0xb8;
	[tilespmem:$0x18200] =	vst v63  }
0x46b: {  	s24 =	simm.s32 $0x7A00  }
0x46c: {  	[tilespmem:s24], [sflag:$0x2] =	stream.indirect_vreg.gather [hbm4b:s11+s3], $0x80, v2, vm0, $0xb8;
	[tilespmem:$0x18200] =	vst v63  }
0x46d: {  	_ =	swait.ge [sflag:s19], $0x4000  }
0x46e: {  	s24 =	sld [smem:$0x7DF]  }
0x46f: {  	[sflag:s19] =	ssyncset.done $0x0  }
0x470: {  	[sflag:s19] =	ssyncadd.s32 $0xFFFFC000  }
0x471: {  	[hbm4b:s24+s3] =	stream.linear.scatter [tilespmem:s2], [sflag:$0xB], $0x4000, $0x38;
	[tilespmem:$0x18200] =	vst v63  }
0x472: {  	_ =	swait.ge [sflag:s20], $0x4000  }
0x473: {  	[sflag:s20] =	ssyncset.done $0x0  }
0x474: {  	[sflag:s20] =	ssyncadd.s32 $0xFFFFC000  }
0x475: {  	v2 =	vld.msk [tilespmem:$0x130], $0xff;
	_ =	sdelay $0x4  }
0x476: {  	v3 =	vshll.u32 v2, $0x4  }
0x477: {  	v2 =	vand.u32 $0x7, v2;
	v3 =	vand.u32 $0xFFFFFF80, v3  }
0x478: {  	v2 =	vor.u32 v2, v3  }
0x479: {  	v2 =	vperm.xlane v2, v0;
	_ =	sdelay $0x1  }
0x47a: {  	v2 =	vadd.s32 v1, v2;
	_ =	sdelay $0x4  }
0x47b: {  	[tilespmem:s22], [sflag:$0x3] =	stream.indirect_vreg.gather [hbm4b:s1+s3], $0x80, v2, vm0, $0xb8;
	[tilespmem:$0x18200] =	vst v63  }
0x47c: {  	s24 =	simm.s32 $0x8A00  }
0x47d: {  	[tilespmem:s24], [sflag:$0x3] =	stream.indirect_vreg.gather [hbm4b:s5+s3], $0x80, v2, vm0, $0xb8;
	[tilespmem:$0x18200] =	vst v63  }
0x47e: {  	s24 =	simm.s32 $0x9200  }
0x47f: {  	[tilespmem:s24], [sflag:$0x3] =	stream.indirect_vreg.gather [hbm4b:s6+s3], $0x80, v2, vm0, $0xb8;
	[tilespmem:$0x18200] =	vst v63  }
0x480: {  	s24 =	simm.s32 $0x9A00  }
0x481: {  	[tilespmem:s24], [sflag:$0x3] =	stream.indirect_vreg.gather [hbm4b:s7+s3], $0x80, v2, vm0, $0xb8;
	[tilespmem:$0x18200] =	vst v63  }
0x482: {  	s24 =	simm.s32 $0xA200  }
0x483: {  	[tilespmem:s24], [sflag:$0x3] =	stream.indirect_vreg.gather [hbm4b:s8+s3], $0x80, v2, vm0, $0xb8;
	[tilespmem:$0x18200] =	vst v63  }
0x484: {  	s24 =	simm.s32 $0xAA00  }
0x485: {  	[tilespmem:s24], [sflag:$0x3] =	stream.indirect_vreg.gather [hbm4b:s9+s3], $0x80, v2, vm0, $0xb8;
	[tilespmem:$0x18200] =	vst v63  }
0x486: {  	s24 =	simm.s32 $0xB200  }
0x487: {  	[tilespmem:s24], [sflag:$0x3] =	stream.indirect_vreg.gather [hbm4b:s10+s3], $0x80, v2, vm0, $0xb8;
	[tilespmem:$0x18200] =	vst v63  }
0x488: {  	s24 =	simm.s32 $0xBA00  }
0x489: {  	[tilespmem:s24], [sflag:$0x3] =	stream.indirect_vreg.gather [hbm4b:s11+s3], $0x80, v2, vm0, $0xb8;
	[tilespmem:$0x18200] =	vst v63  }
0x48a: {  	_ =	swait.ge [sflag:s21], $0x4000  }
0x48b: {  	s24 =	sld [smem:$0x7E0]  }
0x48c: {  	[sflag:s21] =	ssyncset.done $0x0  }
0x48d: {  	[sflag:s21] =	ssyncadd.s32 $0xFFFFC000  }
0x48e: {  	[hbm4b:s24+s3] =	stream.linear.scatter [tilespmem:s25], [sflag:$0xC], $0x4000, $0x38;
	[tilespmem:$0x18200] =	vst v63  }
0x48f: {  	_ =	swait.ge [sflag:s0], $0x4000  }
0x490: {  	[sflag:s0] =	ssyncset.done $0x0  }
0x491: {  	[sflag:s0] =	ssyncadd.s32 $0xFFFFC000  }
0x492: {  	v2 =	vld.msk [tilespmem:$0x138], $0xff;
	_ =	sdelay $0x4  }
0x493: {  	v3 =	vshll.u32 v2, $0x4  }
0x494: {  	v2 =	vand.u32 $0x7, v2;
	v3 =	vand.u32 $0xFFFFFF80, v3  }
0x495: {  	v2 =	vor.u32 v2, v3  }
0x496: {  	v2 =	vperm.xlane v2, v0;
	_ =	sdelay $0x1  }
0x497: {  	v2 =	vadd.s32 v1, v2;
	_ =	sdelay $0x4  }
0x498: {  	[tilespmem:s16], [sflag:$0x4] =	stream.indirect_vreg.gather [hbm4b:s1+s3], $0x80, v2, vm0, $0xb8;
	[tilespmem:$0x18200] =	vst v63  }
0x499: {  	s24 =	simm.s32 $0xCA00  }
0x49a: {  	[tilespmem:s24], [sflag:$0x4] =	stream.indirect_vreg.gather [hbm4b:s5+s3], $0x80, v2, vm0, $0xb8;
	[tilespmem:$0x18200] =	vst v63  }
0x49b: {  	s24 =	simm.s32 $0xD200  }
0x49c: {  	[tilespmem:s24], [sflag:$0x4] =	stream.indirect_vreg.gather [hbm4b:s6+s3], $0x80, v2, vm0, $0xb8;
	[tilespmem:$0x18200] =	vst v63  }
0x49d: {  	s24 =	simm.s32 $0xDA00  }
0x49e: {  	[tilespmem:s24], [sflag:$0x4] =	stream.indirect_vreg.gather [hbm4b:s7+s3], $0x80, v2, vm0, $0xb8;
	[tilespmem:$0x18200] =	vst v63  }
0x49f: {  	s24 =	simm.s32 $0xE200  }
0x4a0: {  	[tilespmem:s24], [sflag:$0x4] =	stream.indirect_vreg.gather [hbm4b:s8+s3], $0x80, v2, vm0, $0xb8;
	[tilespmem:$0x18200] =	vst v63  }
0x4a1: {  	s24 =	simm.s32 $0xEA00  }
0x4a2: {  	[tilespmem:s24], [sflag:$0x4] =	stream.indirect_vreg.gather [hbm4b:s9+s3], $0x80, v2, vm0, $0xb8;
	[tilespmem:$0x18200] =	vst v63  }
0x4a3: {  	s24 =	simm.s32 $0xF200  }
0x4a4: {  	[tilespmem:s24], [sflag:$0x4] =	stream.indirect_vreg.gather [hbm4b:s10+s3], $0x80, v2, vm0, $0xb8;
	[tilespmem:$0x18200] =	vst v63  }
0x4a5: {  	s24 =	simm.s32 $0xFA00  }
0x4a6: {  	[tilespmem:s24], [sflag:$0x4] =	stream.indirect_vreg.gather [hbm4b:s11+s3], $0x80, v2, vm0, $0xb8;
	[tilespmem:$0x18200] =	vst v63  }
0x4a7: {  	_ =	swait.ge [sflag:s30], $0x4000  }
0x4a8: {  	s24 =	sld [smem:$0x7E1]  }
0x4a9: {  	[sflag:s30] =	ssyncset.done $0x0  }
0x4aa: {  	[sflag:s30] =	ssyncadd.s32 $0xFFFFC000  }
0x4ab: {  	[hbm4b:s24+s3] =	stream.linear.scatter [tilespmem:s29], [sflag:$0x7], $0x4000, $0x38;
	[tilespmem:$0x18200] =	vst v63  }
0x4ac: {  	_ =	swait.ge [sflag:s23], $0x4000  }
0x4ad: {  	[sflag:s23] =	ssyncset.done $0x0  }
0x4ae: {  	[sflag:s23] =	ssyncadd.s32 $0xFFFFC000  }
0x4af: {  	v2 =	vld.msk [tilespmem:$0x140], $0xff;
	_ =	sdelay $0x4  }
0x4b0: {  	v3 =	vshll.u32 v2, $0x4  }
0x4b1: {  	v2 =	vand.u32 $0x7, v2;
	v3 =	vand.u32 $0xFFFFFF80, v3  }
0x4b2: {  	v2 =	vor.u32 v2, v3  }
0x4b3: {  	v2 =	vperm.xlane v2, v0;
	_ =	sdelay $0x1  }
0x4b4: {  	v2 =	vadd.s32 v1, v2;
	_ =	sdelay $0x4  }
0x4b5: {  	[tilespmem:s2], [sflag:$0x5] =	stream.indirect_vreg.gather [hbm4b:s1+s3], $0x80, v2, vm0, $0xb8;
	[tilespmem:$0x18200] =	vst v63  }
0x4b6: {  	s24 =	simm.s32 $0x10A00  }
0x4b7: {  	[tilespmem:s24], [sflag:$0x5] =	stream.indirect_vreg.gather [hbm4b:s5+s3], $0x80, v2, vm0, $0xb8;
	[tilespmem:$0x18200] =	vst v63  }
0x4b8: {  	s24 =	simm.s32 $0x11200  }
0x4b9: {  	[tilespmem:s24], [sflag:$0x5] =	stream.indirect_vreg.gather [hbm4b:s6+s3], $0x80, v2, vm0, $0xb8;
	[tilespmem:$0x18200] =	vst v63  }
0x4ba: {  	s24 =	simm.s32 $0x11A00  }
0x4bb: {  	[tilespmem:s24], [sflag:$0x5] =	stream.indirect_vreg.gather [hbm4b:s7+s3], $0x80, v2, vm0, $0xb8;
	[tilespmem:$0x18200] =	vst v63  }
0x4bc: {  	s24 =	simm.s32 $0x12200  }
0x4bd: {  	[tilespmem:s24], [sflag:$0x5] =	stream.indirect_vreg.gather [hbm4b:s8+s3], $0x80, v2, vm0, $0xb8;
	[tilespmem:$0x18200] =	vst v63  }
0x4be: {  	s24 =	simm.s32 $0x12A00  }
0x4bf: {  	[tilespmem:s24], [sflag:$0x5] =	stream.indirect_vreg.gather [hbm4b:s9+s3], $0x80, v2, vm0, $0xb8;
	[tilespmem:$0x18200] =	vst v63  }
0x4c0: {  	s24 =	simm.s32 $0x13200  }
0x4c1: {  	[tilespmem:s24], [sflag:$0x5] =	stream.indirect_vreg.gather [hbm4b:s10+s3], $0x80, v2, vm0, $0xb8;
	[tilespmem:$0x18200] =	vst v63  }
0x4c2: {  	s24 =	simm.s32 $0x13A00  }
0x4c3: {  	[tilespmem:s24], [sflag:$0x5] =	stream.indirect_vreg.gather [hbm4b:s11+s3], $0x80, v2, vm0, $0xb8;
	[tilespmem:$0x18200] =	vst v63  }
0x4c4: {  	_ =	swait.ge [sflag:s14], $0x4000  }
0x4c5: {  	s24 =	sld [smem:$0x7E2]  }
0x4c6: {  	[sflag:s14] =	ssyncset.done $0x0  }
0x4c7: {  	[sflag:s14] =	ssyncadd.s32 $0xFFFFC000  }
0x4c8: {  	[hbm4b:s24+s3] =	stream.linear.scatter [tilespmem:s18], [sflag:$0x8], $0x4000, $0x38;
	[tilespmem:$0x18200] =	vst v63  }
0x4c9: {  	_ =	swait.ge [sflag:s28], $0x4000  }
0x4ca: {  	[sflag:s28] =	ssyncset.done $0x0  }
0x4cb: {  	[sflag:s28] =	ssyncadd.s32 $0xFFFFC000  }
0x4cc: {  	v2 =	vld.msk [tilespmem:$0x148], $0xff;
	_ =	sdelay $0x4  }
0x4cd: {  	v3 =	vshll.u32 v2, $0x4  }
0x4ce: {  	v2 =	vand.u32 $0x7, v2;
	v3 =	vand.u32 $0xFFFFFF80, v3  }
0x4cf: {  	v2 =	vor.u32 v2, v3  }
0x4d0: {  	v2 =	vperm.xlane v2, v0;
	_ =	sdelay $0x1  }
0x4d1: {  	v2 =	vadd.s32 v1, v2;
	_ =	sdelay $0x4  }
0x4d2: {  	[tilespmem:s25], [sflag:$0x6] =	stream.indirect_vreg.gather [hbm4b:s1+s3], $0x80, v2, vm0, $0xb8;
	[tilespmem:$0x18200] =	vst v63  }
0x4d3: {  	s24 =	simm.s32 $0x14A00  }
0x4d4: {  	[tilespmem:s24], [sflag:$0x6] =	stream.indirect_vreg.gather [hbm4b:s5+s3], $0x80, v2, vm0, $0xb8;
	[tilespmem:$0x18200] =	vst v63  }
0x4d5: {  	s24 =	simm.s32 $0x15200  }
0x4d6: {  	[tilespmem:s24], [sflag:$0x6] =	stream.indirect_vreg.gather [hbm4b:s6+s3], $0x80, v2, vm0, $0xb8;
	[tilespmem:$0x18200] =	vst v63  }
0x4d7: {  	s24 =	simm.s32 $0x15A00  }
0x4d8: {  	[tilespmem:s24], [sflag:$0x6] =	stream.indirect_vreg.gather [hbm4b:s7+s3], $0x80, v2, vm0, $0xb8;
	[tilespmem:$0x18200] =	vst v63  }
0x4d9: {  	s31 =	simm.s32 $0x16200  }
0x4da: {  	[tilespmem:s31], [sflag:$0x6] =	stream.indirect_vreg.gather [hbm4b:s8+s3], $0x80, v2, vm0, $0xb8;
	[tilespmem:$0x18200] =	vst v63  }
0x4db: {  	s12 =	simm.s32 $0x16A00  }
0x4dc: {  	[tilespmem:s12], [sflag:$0x6] =	stream.indirect_vreg.gather [hbm4b:s9+s3], $0x80, v2, vm0, $0xb8;
	[tilespmem:$0x18200] =	vst v63  }
0x4dd: {  	s26 =	simm.s32 $0x17200  }
0x4de: {  	[tilespmem:s26], [sflag:$0x6] =	stream.indirect_vreg.gather [hbm4b:s10+s3], $0x80, v2, vm0, $0xb8;
	[tilespmem:$0x18200] =	vst v63  }
0x4df: {  	s24 =	simm.s32 $0x17A00  }
0x4e0: {  	[tilespmem:s24], [sflag:$0x6] =	stream.indirect_vreg.gather [hbm4b:s11+s3], $0x80, v2, vm0, $0xb8;
	[tilespmem:$0x18200] =	vst v63  }
0x4e1: {  	_ =	swait.ge [sflag:s13], $0x4000  }
0x4e2: {  	s24 =	sld [smem:$0x7E3]  }
0x4e3: {  	[sflag:s13] =	ssyncset.done $0x0  }
0x4e4: {  	[sflag:s13] =	ssyncadd.s32 $0xFFFFC000  }
0x4e5: {  	[hbm4b:s24+s3] =	stream.linear.scatter [tilespmem:s22], [sflag:$0x9], $0x4000, $0x38;
	[tilespmem:$0x18200] =	vst v63  }
0x4e6: {  	_ =	swait.ge [sflag:s4], $0x4000  }
0x4e7: {  	[sflag:s4] =	ssyncset.done $0x0  }
0x4e8: {  	[sflag:s4] =	ssyncadd.s32 $0xFFFFC000  }
0x4e9: {  	v2 =	vld.msk [tilespmem:$0x150], $0xff;
	_ =	sdelay $0x4  }
0x4ea: {  	v3 =	vshll.u32 v2, $0x4  }
0x4eb: {  	v2 =	vand.u32 $0x7, v2;
	v3 =	vand.u32 $0xFFFFFF80, v3  }
0x4ec: {  	v2 =	vor.u32 v2, v3  }
0x4ed: {  	v2 =	vperm.xlane v2, v0;
	_ =	sdelay $0x1  }
0x4ee: {  	v2 =	vadd.s32 v1, v2;
	_ =	sdelay $0x4  }
0x4ef: {  	[tilespmem:s29], [sflag:$0x1] =	stream.indirect_vreg.gather [hbm4b:s1+s3], $0x80, v2, vm0, $0xb8;
	[tilespmem:$0x18200] =	vst v63  }
0x4f0: {  	s24 =	simm.s32 $0xA00  }
0x4f1: {  	[tilespmem:s24], [sflag:$0x1] =	stream.indirect_vreg.gather [hbm4b:s5+s3], $0x80, v2, vm0, $0xb8;
	[tilespmem:$0x18200] =	vst v63  }
0x4f2: {  	s24 =	simm.s32 $0x1200  }
0x4f3: {  	[tilespmem:s24], [sflag:$0x1] =	stream.indirect_vreg.gather [hbm4b:s6+s3], $0x80, v2, vm0, $0xb8;
	[tilespmem:$0x18200] =	vst v63  }
0x4f4: {  	s24 =	simm.s32 $0x1A00  }
0x4f5: {  	[tilespmem:s24], [sflag:$0x1] =	stream.indirect_vreg.gather [hbm4b:s7+s3], $0x80, v2, vm0, $0xb8;
	[tilespmem:$0x18200] =	vst v63  }
0x4f6: {  	s24 =	simm.s32 $0x2200  }
0x4f7: {  	[tilespmem:s24], [sflag:$0x1] =	stream.indirect_vreg.gather [hbm4b:s8+s3], $0x80, v2, vm0, $0xb8;
	[tilespmem:$0x18200] =	vst v63  }
0x4f8: {  	s24 =	simm.s32 $0x2A00  }
0x4f9: {  	[tilespmem:s24], [sflag:$0x1] =	stream.indirect_vreg.gather [hbm4b:s9+s3], $0x80, v2, vm0, $0xb8;
	[tilespmem:$0x18200] =	vst v63  }
0x4fa: {  	s24 =	simm.s32 $0x3200  }
0x4fb: {  	[tilespmem:s24], [sflag:$0x1] =	stream.indirect_vreg.gather [hbm4b:s10+s3], $0x80, v2, vm0, $0xb8;
	[tilespmem:$0x18200] =	vst v63  }
0x4fc: {  	s24 =	simm.s32 $0x3A00  }
0x4fd: {  	[tilespmem:s24], [sflag:$0x1] =	stream.indirect_vreg.gather [hbm4b:s11+s3], $0x80, v2, vm0, $0xb8;
	[tilespmem:$0x18200] =	vst v63  }
0x4fe: {  	_ =	swait.ge [sflag:s15], $0x4000  }
0x4ff: {  	s24 =	sld [smem:$0x7E4]  }
0x500: {  	[sflag:s15] =	ssyncset.done $0x0  }
0x501: {  	[sflag:s15] =	ssyncadd.s32 $0xFFFFC000  }
0x502: {  	[hbm4b:s24+s3] =	stream.linear.scatter [tilespmem:s16], [sflag:$0xA], $0x4000, $0x38;
	[tilespmem:$0x18200] =	vst v63  }
0x503: {  	_ =	swait.ge [sflag:s17], $0x4000  }
0x504: {  	[sflag:s17] =	ssyncset.done $0x0  }
0x505: {  	[sflag:s17] =	ssyncadd.s32 $0xFFFFC000  }
0x506: {  	v2 =	vld.msk [tilespmem:$0x158], $0xff;
	_ =	sdelay $0x4  }
0x507: {  	v3 =	vshll.u32 v2, $0x4  }
0x508: {  	v2 =	vand.u32 $0x7, v2;
	v3 =	vand.u32 $0xFFFFFF80, v3  }
0x509: {  	v2 =	vor.u32 v2, v3  }
0x50a: {  	v2 =	vperm.xlane v2, v0;
	_ =	sdelay $0x1  }
0x50b: {  	v2 =	vadd.s32 v1, v2;
	_ =	sdelay $0x4  }
0x50c: {  	[tilespmem:s18], [sflag:$0x2] =	stream.indirect_vreg.gather [hbm4b:s1+s3], $0x80, v2, vm0, $0xb8;
	[tilespmem:$0x18200] =	vst v63  }
0x50d: {  	s24 =	simm.s32 $0x4A00  }
0x50e: {  	[tilespmem:s24], [sflag:$0x2] =	stream.indirect_vreg.gather [hbm4b:s5+s3], $0x80, v2, vm0, $0xb8;
	[tilespmem:$0x18200] =	vst v63  }
0x50f: {  	s24 =	simm.s32 $0x5200  }
0x510: {  	[tilespmem:s24], [sflag:$0x2] =	stream.indirect_vreg.gather [hbm4b:s6+s3], $0x80, v2, vm0, $0xb8;
	[tilespmem:$0x18200] =	vst v63  }
0x511: {  	s24 =	simm.s32 $0x5A00  }
0x512: {  	[tilespmem:s24], [sflag:$0x2] =	stream.indirect_vreg.gather [hbm4b:s7+s3], $0x80, v2, vm0, $0xb8;
	[tilespmem:$0x18200] =	vst v63  }
0x513: {  	s24 =	simm.s32 $0x6200  }
0x514: {  	[tilespmem:s24], [sflag:$0x2] =	stream.indirect_vreg.gather [hbm4b:s8+s3], $0x80, v2, vm0, $0xb8;
	[tilespmem:$0x18200] =	vst v63  }
0x515: {  	s24 =	simm.s32 $0x6A00  }
0x516: {  	[tilespmem:s24], [sflag:$0x2] =	stream.indirect_vreg.gather [hbm4b:s9+s3], $0x80, v2, vm0, $0xb8;
	[tilespmem:$0x18200] =	vst v63  }
0x517: {  	s24 =	simm.s32 $0x7200  }
0x518: {  	[tilespmem:s24], [sflag:$0x2] =	stream.indirect_vreg.gather [hbm4b:s10+s3], $0x80, v2, vm0, $0xb8;
	[tilespmem:$0x18200] =	vst v63  }
0x519: {  	s24 =	simm.s32 $0x7A00  }
0x51a: {  	[tilespmem:s24], [sflag:$0x2] =	stream.indirect_vreg.gather [hbm4b:s11+s3], $0x80, v2, vm0, $0xb8;
	[tilespmem:$0x18200] =	vst v63  }
0x51b: {  	_ =	swait.ge [sflag:s19], $0x4000  }
0x51c: {  	s24 =	sld [smem:$0x7E5]  }
0x51d: {  	[sflag:s19] =	ssyncset.done $0x0  }
0x51e: {  	[sflag:s19] =	ssyncadd.s32 $0xFFFFC000  }
0x51f: {  	[hbm4b:s24+s3] =	stream.linear.scatter [tilespmem:s2], [sflag:$0xB], $0x4000, $0x38;
	[tilespmem:$0x18200] =	vst v63  }
0x520: {  	_ =	swait.ge [sflag:s20], $0x4000  }
0x521: {  	[sflag:s20] =	ssyncset.done $0x0  }
0x522: {  	[sflag:s20] =	ssyncadd.s32 $0xFFFFC000  }
0x523: {  	v2 =	vld.msk [tilespmem:$0x160], $0xff;
	_ =	sdelay $0x4  }
0x524: {  	v3 =	vshll.u32 v2, $0x4  }
0x525: {  	v2 =	vand.u32 $0x7, v2;
	v3 =	vand.u32 $0xFFFFFF80, v3  }
0x526: {  	v2 =	vor.u32 v2, v3  }
0x527: {  	v2 =	vperm.xlane v2, v0;
	_ =	sdelay $0x1  }
0x528: {  	v2 =	vadd.s32 v1, v2;
	_ =	sdelay $0x4  }
0x529: {  	[tilespmem:s22], [sflag:$0x3] =	stream.indirect_vreg.gather [hbm4b:s1+s3], $0x80, v2, vm0, $0xb8;
	[tilespmem:$0x18200] =	vst v63  }
0x52a: {  	s24 =	simm.s32 $0x8A00  }
0x52b: {  	[tilespmem:s24], [sflag:$0x3] =	stream.indirect_vreg.gather [hbm4b:s5+s3], $0x80, v2, vm0, $0xb8;
	[tilespmem:$0x18200] =	vst v63  }
0x52c: {  	s24 =	simm.s32 $0x9200  }
0x52d: {  	[tilespmem:s24], [sflag:$0x3] =	stream.indirect_vreg.gather [hbm4b:s6+s3], $0x80, v2, vm0, $0xb8;
	[tilespmem:$0x18200] =	vst v63  }
0x52e: {  	s24 =	simm.s32 $0x9A00  }
0x52f: {  	[tilespmem:s24], [sflag:$0x3] =	stream.indirect_vreg.gather [hbm4b:s7+s3], $0x80, v2, vm0, $0xb8;
	[tilespmem:$0x18200] =	vst v63  }
0x530: {  	s24 =	simm.s32 $0xA200  }
0x531: {  	[tilespmem:s24], [sflag:$0x3] =	stream.indirect_vreg.gather [hbm4b:s8+s3], $0x80, v2, vm0, $0xb8;
	[tilespmem:$0x18200] =	vst v63  }
0x532: {  	s24 =	simm.s32 $0xAA00  }
0x533: {  	[tilespmem:s24], [sflag:$0x3] =	stream.indirect_vreg.gather [hbm4b:s9+s3], $0x80, v2, vm0, $0xb8;
	[tilespmem:$0x18200] =	vst v63  }
0x534: {  	s24 =	simm.s32 $0xB200  }
0x535: {  	[tilespmem:s24], [sflag:$0x3] =	stream.indirect_vreg.gather [hbm4b:s10+s3], $0x80, v2, vm0, $0xb8;
	[tilespmem:$0x18200] =	vst v63  }
0x536: {  	s24 =	simm.s32 $0xBA00  }
0x537: {  	[tilespmem:s24], [sflag:$0x3] =	stream.indirect_vreg.gather [hbm4b:s11+s3], $0x80, v2, vm0, $0xb8;
	[tilespmem:$0x18200] =	vst v63  }
0x538: {  	_ =	swait.ge [sflag:s21], $0x4000  }
0x539: {  	s24 =	sld [smem:$0x7E6]  }
0x53a: {  	[sflag:s21] =	ssyncset.done $0x0  }
0x53b: {  	[sflag:s21] =	ssyncadd.s32 $0xFFFFC000  }
0x53c: {  	[hbm4b:s24+s3] =	stream.linear.scatter [tilespmem:s25], [sflag:$0xC], $0x4000, $0x38;
	[tilespmem:$0x18200] =	vst v63  }
0x53d: {  	_ =	swait.ge [sflag:s0], $0x4000  }
0x53e: {  	[sflag:s0] =	ssyncset.done $0x0  }
0x53f: {  	[sflag:s0] =	ssyncadd.s32 $0xFFFFC000  }
0x540: {  	v2 =	vld.msk [tilespmem:$0x168], $0xff;
	_ =	sdelay $0x4  }
0x541: {  	v3 =	vshll.u32 v2, $0x4  }
0x542: {  	v2 =	vand.u32 $0x7, v2;
	v3 =	vand.u32 $0xFFFFFF80, v3  }
0x543: {  	v2 =	vor.u32 v2, v3  }
0x544: {  	v2 =	vperm.xlane v2, v0;
	_ =	sdelay $0x1  }
0x545: {  	v2 =	vadd.s32 v1, v2;
	_ =	sdelay $0x4  }
0x546: {  	[tilespmem:s16], [sflag:$0x4] =	stream.indirect_vreg.gather [hbm4b:s1+s3], $0x80, v2, vm0, $0xb8;
	[tilespmem:$0x18200] =	vst v63  }
0x547: {  	s24 =	simm.s32 $0xCA00  }
0x548: {  	[tilespmem:s24], [sflag:$0x4] =	stream.indirect_vreg.gather [hbm4b:s5+s3], $0x80, v2, vm0, $0xb8;
	[tilespmem:$0x18200] =	vst v63  }
0x549: {  	s24 =	simm.s32 $0xD200  }
0x54a: {  	[tilespmem:s24], [sflag:$0x4] =	stream.indirect_vreg.gather [hbm4b:s6+s3], $0x80, v2, vm0, $0xb8;
	[tilespmem:$0x18200] =	vst v63  }
0x54b: {  	s24 =	simm.s32 $0xDA00  }
0x54c: {  	[tilespmem:s24], [sflag:$0x4] =	stream.indirect_vreg.gather [hbm4b:s7+s3], $0x80, v2, vm0, $0xb8;
	[tilespmem:$0x18200] =	vst v63  }
0x54d: {  	s24 =	simm.s32 $0xE200  }
0x54e: {  	[tilespmem:s24], [sflag:$0x4] =	stream.indirect_vreg.gather [hbm4b:s8+s3], $0x80, v2, vm0, $0xb8;
	[tilespmem:$0x18200] =	vst v63  }
0x54f: {  	s24 =	simm.s32 $0xEA00  }
0x550: {  	[tilespmem:s24], [sflag:$0x4] =	stream.indirect_vreg.gather [hbm4b:s9+s3], $0x80, v2, vm0, $0xb8;
	[tilespmem:$0x18200] =	vst v63  }
0x551: {  	s24 =	simm.s32 $0xF200  }
0x552: {  	[tilespmem:s24], [sflag:$0x4] =	stream.indirect_vreg.gather [hbm4b:s10+s3], $0x80, v2, vm0, $0xb8;
	[tilespmem:$0x18200] =	vst v63  }
0x553: {  	s24 =	simm.s32 $0xFA00  }
0x554: {  	[tilespmem:s24], [sflag:$0x4] =	stream.indirect_vreg.gather [hbm4b:s11+s3], $0x80, v2, vm0, $0xb8;
	[tilespmem:$0x18200] =	vst v63  }
0x555: {  	_ =	swait.ge [sflag:s30], $0x4000  }
0x556: {  	s24 =	sld [smem:$0x7E7]  }
0x557: {  	[sflag:s30] =	ssyncset.done $0x0  }
0x558: {  	[sflag:s30] =	ssyncadd.s32 $0xFFFFC000  }
0x559: {  	[hbm4b:s24+s3] =	stream.linear.scatter [tilespmem:s29], [sflag:$0x7], $0x4000, $0x38;
	[tilespmem:$0x18200] =	vst v63  }
0x55a: {  	_ =	swait.ge [sflag:s23], $0x4000  }
0x55b: {  	[sflag:s23] =	ssyncset.done $0x0  }
0x55c: {  	[sflag:s23] =	ssyncadd.s32 $0xFFFFC000  }
0x55d: {  	v2 =	vld.msk [tilespmem:$0x170], $0xff;
	_ =	sdelay $0x4  }
0x55e: {  	v3 =	vshll.u32 v2, $0x4  }
0x55f: {  	v2 =	vand.u32 $0x7, v2;
	v3 =	vand.u32 $0xFFFFFF80, v3  }
0x560: {  	v2 =	vor.u32 v2, v3  }
0x561: {  	v2 =	vperm.xlane v2, v0;
	_ =	sdelay $0x1  }
0x562: {  	v2 =	vadd.s32 v1, v2;
	_ =	sdelay $0x4  }
0x563: {  	[tilespmem:s2], [sflag:$0x5] =	stream.indirect_vreg.gather [hbm4b:s1+s3], $0x80, v2, vm0, $0xb8;
	[tilespmem:$0x18200] =	vst v63  }
0x564: {  	s24 =	simm.s32 $0x10A00  }
0x565: {  	[tilespmem:s24], [sflag:$0x5] =	stream.indirect_vreg.gather [hbm4b:s5+s3], $0x80, v2, vm0, $0xb8;
	[tilespmem:$0x18200] =	vst v63  }
0x566: {  	s24 =	simm.s32 $0x11200  }
0x567: {  	[tilespmem:s24], [sflag:$0x5] =	stream.indirect_vreg.gather [hbm4b:s6+s3], $0x80, v2, vm0, $0xb8;
	[tilespmem:$0x18200] =	vst v63  }
0x568: {  	s24 =	simm.s32 $0x11A00  }
0x569: {  	[tilespmem:s24], [sflag:$0x5] =	stream.indirect_vreg.gather [hbm4b:s7+s3], $0x80, v2, vm0, $0xb8;
	[tilespmem:$0x18200] =	vst v63  }
0x56a: {  	s24 =	simm.s32 $0x12200  }
0x56b: {  	[tilespmem:s24], [sflag:$0x5] =	stream.indirect_vreg.gather [hbm4b:s8+s3], $0x80, v2, vm0, $0xb8;
	[tilespmem:$0x18200] =	vst v63  }
0x56c: {  	s24 =	simm.s32 $0x12A00  }
0x56d: {  	[tilespmem:s24], [sflag:$0x5] =	stream.indirect_vreg.gather [hbm4b:s9+s3], $0x80, v2, vm0, $0xb8;
	[tilespmem:$0x18200] =	vst v63  }
0x56e: {  	s24 =	simm.s32 $0x13200  }
0x56f: {  	[tilespmem:s24], [sflag:$0x5] =	stream.indirect_vreg.gather [hbm4b:s10+s3], $0x80, v2, vm0, $0xb8;
	[tilespmem:$0x18200] =	vst v63  }
0x570: {  	s24 =	simm.s32 $0x13A00  }
0x571: {  	[tilespmem:s24], [sflag:$0x5] =	stream.indirect_vreg.gather [hbm4b:s11+s3], $0x80, v2, vm0, $0xb8;
	[tilespmem:$0x18200] =	vst v63  }
0x572: {  	_ =	swait.ge [sflag:s14], $0x4000  }
0x573: {  	s24 =	sld [smem:$0x7E8]  }
0x574: {  	[sflag:s14] =	ssyncset.done $0x0  }
0x575: {  	[sflag:s14] =	ssyncadd.s32 $0xFFFFC000  }
0x576: {  	[hbm4b:s24+s3] =	stream.linear.scatter [tilespmem:s18], [sflag:$0x8], $0x4000, $0x38;
	[tilespmem:$0x18200] =	vst v63  }
0x577: {  	_ =	swait.ge [sflag:s28], $0x4000  }
0x578: {  	[sflag:s28] =	ssyncset.done $0x0  }
0x579: {  	[sflag:s28] =	ssyncadd.s32 $0xFFFFC000  }
0x57a: {  	v2 =	vld.msk [tilespmem:$0x178], $0xff;
	_ =	sdelay $0x4  }
0x57b: {  	v3 =	vshll.u32 v2, $0x4  }
0x57c: {  	v2 =	vand.u32 $0x7, v2;
	v3 =	vand.u32 $0xFFFFFF80, v3  }
0x57d: {  	v2 =	vor.u32 v2, v3  }
0x57e: {  	v2 =	vperm.xlane v2, v0;
	_ =	sdelay $0x1  }
0x57f: {  	v2 =	vadd.s32 v1, v2;
	_ =	sdelay $0x4  }
0x580: {  	[tilespmem:s25], [sflag:$0x6] =	stream.indirect_vreg.gather [hbm4b:s1+s3], $0x80, v2, vm0, $0xb8;
	[tilespmem:$0x18200] =	vst v63  }
0x581: {  	s24 =	simm.s32 $0x14A00  }
0x582: {  	[tilespmem:s24], [sflag:$0x6] =	stream.indirect_vreg.gather [hbm4b:s5+s3], $0x80, v2, vm0, $0xb8;
	[tilespmem:$0x18200] =	vst v63  }
0x583: {  	s24 =	simm.s32 $0x15200  }
0x584: {  	[tilespmem:s24], [sflag:$0x6] =	stream.indirect_vreg.gather [hbm4b:s6+s3], $0x80, v2, vm0, $0xb8;
	[tilespmem:$0x18200] =	vst v63  }
0x585: {  	s24 =	simm.s32 $0x15A00  }
0x586: {  	[tilespmem:s24], [sflag:$0x6] =	stream.indirect_vreg.gather [hbm4b:s7+s3], $0x80, v2, vm0, $0xb8;
	[tilespmem:$0x18200] =	vst v63  }
0x587: {  	s31 =	simm.s32 $0x16200  }
0x588: {  	[tilespmem:s31], [sflag:$0x6] =	stream.indirect_vreg.gather [hbm4b:s8+s3], $0x80, v2, vm0, $0xb8;
	[tilespmem:$0x18200] =	vst v63  }
0x589: {  	s12 =	simm.s32 $0x16A00  }
0x58a: {  	[tilespmem:s12], [sflag:$0x6] =	stream.indirect_vreg.gather [hbm4b:s9+s3], $0x80, v2, vm0, $0xb8;
	[tilespmem:$0x18200] =	vst v63  }
0x58b: {  	s26 =	simm.s32 $0x17200  }
0x58c: {  	[tilespmem:s26], [sflag:$0x6] =	stream.indirect_vreg.gather [hbm4b:s10+s3], $0x80, v2, vm0, $0xb8;
	[tilespmem:$0x18200] =	vst v63  }
0x58d: {  	s24 =	simm.s32 $0x17A00  }
0x58e: {  	[tilespmem:s24], [sflag:$0x6] =	stream.indirect_vreg.gather [hbm4b:s11+s3], $0x80, v2, vm0, $0xb8;
	[tilespmem:$0x18200] =	vst v63  }
0x58f: {  	_ =	swait.ge [sflag:s13], $0x4000  }
0x590: {  	s26 =	sld [smem:$0x7E9]  }
0x591: {  	[sflag:s13] =	ssyncset.done $0x0  }
0x592: {  	[sflag:s13] =	ssyncadd.s32 $0xFFFFC000  }
0x593: {  	[hbm4b:s26+s3] =	stream.linear.scatter [tilespmem:s22], [sflag:$0x9], $0x4000, $0x38;
	[tilespmem:$0x18200] =	vst v63  }
0x594: {  	_ =	swait.ge [sflag:s4], $0x4000  }
0x595: {  	[sflag:s4] =	ssyncset.done $0x0  }
0x596: {  	[sflag:s4] =	ssyncadd.s32 $0xFFFFC000  }
0x597: {  	v2 =	vld.msk [tilespmem:$0x180], $0xff;
	_ =	sdelay $0x4  }
0x598: {  	v3 =	vshll.u32 v2, $0x4  }
0x599: {  	v2 =	vand.u32 $0x7, v2;
	v3 =	vand.u32 $0xFFFFFF80, v3  }
0x59a: {  	v2 =	vor.u32 v2, v3  }
0x59b: {  	v2 =	vperm.xlane v2, v0;
	_ =	sdelay $0x1  }
0x59c: {  	v2 =	vadd.s32 v1, v2;
	_ =	sdelay $0x4  }
0x59d: {  	[tilespmem:s29], [sflag:$0x1] =	stream.indirect_vreg.gather [hbm4b:s1+s3], $0x80, v2, vm0, $0xb8;
	[tilespmem:$0x18200] =	vst v63  }
0x59e: {  	s31 =	simm.s32 $0xA00  }
0x59f: {  	[tilespmem:s31], [sflag:$0x1] =	stream.indirect_vreg.gather [hbm4b:s5+s3], $0x80, v2, vm0, $0xb8;
	[tilespmem:$0x18200] =	vst v63  }
0x5a0: {  	s24 =	simm.s32 $0x1200  }
0x5a1: {  	[tilespmem:s24], [sflag:$0x1] =	stream.indirect_vreg.gather [hbm4b:s6+s3], $0x80, v2, vm0, $0xb8;
	[tilespmem:$0x18200] =	vst v63  }
0x5a2: {  	s26 =	simm.s32 $0x1A00  }
0x5a3: {  	[tilespmem:s26], [sflag:$0x1] =	stream.indirect_vreg.gather [hbm4b:s7+s3], $0x80, v2, vm0, $0xb8;
	[tilespmem:$0x18200] =	vst v63  }
0x5a4: {  	s31 =	simm.s32 $0x2200  }
0x5a5: {  	[tilespmem:s31], [sflag:$0x1] =	stream.indirect_vreg.gather [hbm4b:s8+s3], $0x80, v2, vm0, $0xb8;
	[tilespmem:$0x18200] =	vst v63  }
0x5a6: {  	s24 =	simm.s32 $0x2A00  }
0x5a7: {  	[tilespmem:s24], [sflag:$0x1] =	stream.indirect_vreg.gather [hbm4b:s9+s3], $0x80, v2, vm0, $0xb8;
	[tilespmem:$0x18200] =	vst v63  }
0x5a8: {  	s26 =	simm.s32 $0x3200  }
0x5a9: {  	[tilespmem:s26], [sflag:$0x1] =	stream.indirect_vreg.gather [hbm4b:s10+s3], $0x80, v2, vm0, $0xb8;
	[tilespmem:$0x18200] =	vst v63  }
0x5aa: {  	s31 =	simm.s32 $0x3A00  }
0x5ab: {  	[tilespmem:s31], [sflag:$0x1] =	stream.indirect_vreg.gather [hbm4b:s11+s3], $0x80, v2, vm0, $0xb8;
	[tilespmem:$0x18200] =	vst v63  }
0x5ac: {  	_ =	swait.ge [sflag:s15], $0x4000  }
0x5ad: {  	s12 =	sld [smem:$0x7EA]  }
0x5ae: {  	[sflag:s15] =	ssyncset.done $0x0  }
0x5af: {  	[sflag:s15] =	ssyncadd.s32 $0xFFFFC000  }
0x5b0: {  	[hbm4b:s12+s3] =	stream.linear.scatter [tilespmem:s16], [sflag:$0xA], $0x4000, $0x38;
	[tilespmem:$0x18200] =	vst v63  }
0x5b1: {  	_ =	swait.ge [sflag:s17], $0x4000  }
0x5b2: {  	[sflag:s17] =	ssyncset.done $0x0  }
0x5b3: {  	[sflag:s17] =	ssyncadd.s32 $0xFFFFC000  }
0x5b4: {  	v2 =	vld.msk [tilespmem:$0x188], $0xff;
	_ =	sdelay $0x4  }
0x5b5: {  	v3 =	vshll.u32 v2, $0x4  }
0x5b6: {  	v2 =	vand.u32 $0x7, v2;
	v3 =	vand.u32 $0xFFFFFF80, v3  }
0x5b7: {  	v2 =	vor.u32 v2, v3  }
0x5b8: {  	v2 =	vperm.xlane v2, v0;
	_ =	sdelay $0x1  }
0x5b9: {  	v2 =	vadd.s32 v1, v2;
	_ =	sdelay $0x4  }
0x5ba: {  	[tilespmem:s18], [sflag:$0x2] =	stream.indirect_vreg.gather [hbm4b:s1+s3], $0x80, v2, vm0, $0xb8;
	[tilespmem:$0x18200] =	vst v63  }
0x5bb: {  	s24 =	simm.s32 $0x4A00  }
0x5bc: {  	[tilespmem:s24], [sflag:$0x2] =	stream.indirect_vreg.gather [hbm4b:s5+s3], $0x80, v2, vm0, $0xb8;
	[tilespmem:$0x18200] =	vst v63  }
0x5bd: {  	s26 =	simm.s32 $0x5200  }
0x5be: {  	[tilespmem:s26], [sflag:$0x2] =	stream.indirect_vreg.gather [hbm4b:s6+s3], $0x80, v2, vm0, $0xb8;
	[tilespmem:$0x18200] =	vst v63  }
0x5bf: {  	s31 =	simm.s32 $0x5A00  }
0x5c0: {  	[tilespmem:s31], [sflag:$0x2] =	stream.indirect_vreg.gather [hbm4b:s7+s3], $0x80, v2, vm0, $0xb8;
	[tilespmem:$0x18200] =	vst v63  }
0x5c1: {  	s24 =	simm.s32 $0x6200  }
0x5c2: {  	[tilespmem:s24], [sflag:$0x2] =	stream.indirect_vreg.gather [hbm4b:s8+s3], $0x80, v2, vm0, $0xb8;
	[tilespmem:$0x18200] =	vst v63  }
0x5c3: {  	s26 =	simm.s32 $0x6A00  }
0x5c4: {  	[tilespmem:s26], [sflag:$0x2] =	stream.indirect_vreg.gather [hbm4b:s9+s3], $0x80, v2, vm0, $0xb8;
	[tilespmem:$0x18200] =	vst v63  }
0x5c5: {  	s31 =	simm.s32 $0x7200  }
0x5c6: {  	[tilespmem:s31], [sflag:$0x2] =	stream.indirect_vreg.gather [hbm4b:s10+s3], $0x80, v2, vm0, $0xb8;
	[tilespmem:$0x18200] =	vst v63  }
0x5c7: {  	s24 =	simm.s32 $0x7A00  }
0x5c8: {  	[tilespmem:s24], [sflag:$0x2] =	stream.indirect_vreg.gather [hbm4b:s11+s3], $0x80, v2, vm0, $0xb8;
	[tilespmem:$0x18200] =	vst v63  }
0x5c9: {  	_ =	swait.ge [sflag:s19], $0x4000  }
0x5ca: {  	s26 =	sld [smem:$0x7EB]  }
0x5cb: {  	[sflag:s19] =	ssyncset.done $0x0  }
0x5cc: {  	[sflag:s19] =	ssyncadd.s32 $0xFFFFC000  }
0x5cd: {  	[hbm4b:s26+s3] =	stream.linear.scatter [tilespmem:s2], [sflag:$0xB], $0x4000, $0x38;
	[tilespmem:$0x18200] =	vst v63  }
0x5ce: {  	_ =	swait.ge [sflag:s20], $0x4000  }
0x5cf: {  	[sflag:s20] =	ssyncset.done $0x0  }
0x5d0: {  	[sflag:s20] =	ssyncadd.s32 $0xFFFFC000  }
0x5d1: {  	v2 =	vld.msk [tilespmem:$0x190], $0xff;
	_ =	sdelay $0x4  }
0x5d2: {  	v3 =	vshll.u32 v2, $0x4  }
0x5d3: {  	v2 =	vand.u32 $0x7, v2;
	v3 =	vand.u32 $0xFFFFFF80, v3  }
0x5d4: {  	v2 =	vor.u32 v2, v3  }
0x5d5: {  	v2 =	vperm.xlane v2, v0;
	_ =	sdelay $0x1  }
0x5d6: {  	v2 =	vadd.s32 v1, v2;
	_ =	sdelay $0x4  }
0x5d7: {  	[tilespmem:s22], [sflag:$0x3] =	stream.indirect_vreg.gather [hbm4b:s1+s3], $0x80, v2, vm0, $0xb8;
	[tilespmem:$0x18200] =	vst v63  }
0x5d8: {  	s31 =	simm.s32 $0x8A00  }
0x5d9: {  	[tilespmem:s31], [sflag:$0x3] =	stream.indirect_vreg.gather [hbm4b:s5+s3], $0x80, v2, vm0, $0xb8;
	[tilespmem:$0x18200] =	vst v63  }
0x5da: {  	s24 =	simm.s32 $0x9200  }
0x5db: {  	[tilespmem:s24], [sflag:$0x3] =	stream.indirect_vreg.gather [hbm4b:s6+s3], $0x80, v2, vm0, $0xb8;
	[tilespmem:$0x18200] =	vst v63  }
0x5dc: {  	s26 =	simm.s32 $0x9A00  }
0x5dd: {  	[tilespmem:s26], [sflag:$0x3] =	stream.indirect_vreg.gather [hbm4b:s7+s3], $0x80, v2, vm0, $0xb8;
	[tilespmem:$0x18200] =	vst v63  }
0x5de: {  	s31 =	simm.s32 $0xA200  }
0x5df: {  	[tilespmem:s31], [sflag:$0x3] =	stream.indirect_vreg.gather [hbm4b:s8+s3], $0x80, v2, vm0, $0xb8;
	[tilespmem:$0x18200] =	vst v63  }
0x5e0: {  	s24 =	simm.s32 $0xAA00  }
0x5e1: {  	[tilespmem:s24], [sflag:$0x3] =	stream.indirect_vreg.gather [hbm4b:s9+s3], $0x80, v2, vm0, $0xb8;
	[tilespmem:$0x18200] =	vst v63  }
0x5e2: {  	s26 =	simm.s32 $0xB200  }
0x5e3: {  	[tilespmem:s26], [sflag:$0x3] =	stream.indirect_vreg.gather [hbm4b:s10+s3], $0x80, v2, vm0, $0xb8;
	[tilespmem:$0x18200] =	vst v63  }
0x5e4: {  	s31 =	simm.s32 $0xBA00  }
0x5e5: {  	[tilespmem:s31], [sflag:$0x3] =	stream.indirect_vreg.gather [hbm4b:s11+s3], $0x80, v2, vm0, $0xb8;
	[tilespmem:$0x18200] =	vst v63  }
0x5e6: {  	_ =	swait.ge [sflag:s21], $0x4000  }
0x5e7: {  	s12 =	sld [smem:$0x7EC]  }
0x5e8: {  	[sflag:s21] =	ssyncset.done $0x0  }
0x5e9: {  	[sflag:s21] =	ssyncadd.s32 $0xFFFFC000  }
0x5ea: {  	[hbm4b:s12+s3] =	stream.linear.scatter [tilespmem:s25], [sflag:$0xC], $0x4000, $0x38;
	[tilespmem:$0x18200] =	vst v63  }
0x5eb: {  	_ =	swait.ge [sflag:s0], $0x4000  }
0x5ec: {  	[sflag:s0] =	ssyncset.done $0x0  }
0x5ed: {  	[sflag:s0] =	ssyncadd.s32 $0xFFFFC000  }
0x5ee: {  	v2 =	vld.msk [tilespmem:$0x198], $0xff;
	_ =	sdelay $0x4  }
0x5ef: {  	v3 =	vshll.u32 v2, $0x4  }
0x5f0: {  	v2 =	vand.u32 $0x7, v2;
	v3 =	vand.u32 $0xFFFFFF80, v3  }
0x5f1: {  	v2 =	vor.u32 v2, v3  }
0x5f2: {  	v2 =	vperm.xlane v2, v0;
	_ =	sdelay $0x1  }
0x5f3: {  	v2 =	vadd.s32 v1, v2;
	_ =	sdelay $0x4  }
0x5f4: {  	[tilespmem:s16], [sflag:$0x4] =	stream.indirect_vreg.gather [hbm4b:s1+s3], $0x80, v2, vm0, $0xb8;
	[tilespmem:$0x18200] =	vst v63  }
0x5f5: {  	s24 =	simm.s32 $0xCA00  }
0x5f6: {  	[tilespmem:s24], [sflag:$0x4] =	stream.indirect_vreg.gather [hbm4b:s5+s3], $0x80, v2, vm0, $0xb8;
	[tilespmem:$0x18200] =	vst v63  }
0x5f7: {  	s26 =	simm.s32 $0xD200  }
0x5f8: {  	[tilespmem:s26], [sflag:$0x4] =	stream.indirect_vreg.gather [hbm4b:s6+s3], $0x80, v2, vm0, $0xb8;
	[tilespmem:$0x18200] =	vst v63  }
0x5f9: {  	s31 =	simm.s32 $0xDA00  }
0x5fa: {  	[tilespmem:s31], [sflag:$0x4] =	stream.indirect_vreg.gather [hbm4b:s7+s3], $0x80, v2, vm0, $0xb8;
	[tilespmem:$0x18200] =	vst v63  }
0x5fb: {  	s24 =	simm.s32 $0xE200  }
0x5fc: {  	[tilespmem:s24], [sflag:$0x4] =	stream.indirect_vreg.gather [hbm4b:s8+s3], $0x80, v2, vm0, $0xb8;
	[tilespmem:$0x18200] =	vst v63  }
0x5fd: {  	s26 =	simm.s32 $0xEA00  }
0x5fe: {  	[tilespmem:s26], [sflag:$0x4] =	stream.indirect_vreg.gather [hbm4b:s9+s3], $0x80, v2, vm0, $0xb8;
	[tilespmem:$0x18200] =	vst v63  }
0x5ff: {  	s31 =	simm.s32 $0xF200  }
0x600: {  	[tilespmem:s31], [sflag:$0x4] =	stream.indirect_vreg.gather [hbm4b:s10+s3], $0x80, v2, vm0, $0xb8;
	[tilespmem:$0x18200] =	vst v63  }
0x601: {  	s24 =	simm.s32 $0xFA00  }
0x602: {  	[tilespmem:s24], [sflag:$0x4] =	stream.indirect_vreg.gather [hbm4b:s11+s3], $0x80, v2, vm0, $0xb8;
	[tilespmem:$0x18200] =	vst v63  }
0x603: {  	_ =	swait.ge [sflag:s30], $0x4000  }
0x604: {  	s26 =	sld [smem:$0x7ED]  }
0x605: {  	[sflag:s30] =	ssyncset.done $0x0  }
0x606: {  	[sflag:s30] =	ssyncadd.s32 $0xFFFFC000  }
0x607: {  	[hbm4b:s26+s3] =	stream.linear.scatter [tilespmem:s29], [sflag:$0x7], $0x4000, $0x38;
	[tilespmem:$0x18200] =	vst v63  }
0x608: {  	_ =	swait.ge [sflag:s23], $0x4000  }
0x609: {  	[sflag:s23] =	ssyncset.done $0x0  }
0x60a: {  	[sflag:s23] =	ssyncadd.s32 $0xFFFFC000  }
0x60b: {  	v2 =	vld.msk [tilespmem:$0x1A0], $0xff;
	_ =	sdelay $0x4  }
0x60c: {  	v3 =	vshll.u32 v2, $0x4  }
0x60d: {  	v2 =	vand.u32 $0x7, v2;
	v3 =	vand.u32 $0xFFFFFF80, v3  }
0x60e: {  	v2 =	vor.u32 v2, v3  }
0x60f: {  	v2 =	vperm.xlane v2, v0;
	_ =	sdelay $0x1  }
0x610: {  	v2 =	vadd.s32 v1, v2;
	_ =	sdelay $0x4  }
0x611: {  	[tilespmem:s2], [sflag:$0x5] =	stream.indirect_vreg.gather [hbm4b:s1+s3], $0x80, v2, vm0, $0xb8;
	[tilespmem:$0x18200] =	vst v63  }
0x612: {  	s31 =	simm.s32 $0x10A00  }
0x613: {  	[tilespmem:s31], [sflag:$0x5] =	stream.indirect_vreg.gather [hbm4b:s5+s3], $0x80, v2, vm0, $0xb8;
	[tilespmem:$0x18200] =	vst v63  }
0x614: {  	s24 =	simm.s32 $0x11200  }
0x615: {  	[tilespmem:s24], [sflag:$0x5] =	stream.indirect_vreg.gather [hbm4b:s6+s3], $0x80, v2, vm0, $0xb8;
	[tilespmem:$0x18200] =	vst v63  }
0x616: {  	s26 =	simm.s32 $0x11A00  }
0x617: {  	[tilespmem:s26], [sflag:$0x5] =	stream.indirect_vreg.gather [hbm4b:s7+s3], $0x80, v2, vm0, $0xb8;
	[tilespmem:$0x18200] =	vst v63  }
0x618: {  	s31 =	simm.s32 $0x12200  }
0x619: {  	[tilespmem:s31], [sflag:$0x5] =	stream.indirect_vreg.gather [hbm4b:s8+s3], $0x80, v2, vm0, $0xb8;
	[tilespmem:$0x18200] =	vst v63  }
0x61a: {  	s24 =	simm.s32 $0x12A00  }
0x61b: {  	[tilespmem:s24], [sflag:$0x5] =	stream.indirect_vreg.gather [hbm4b:s9+s3], $0x80, v2, vm0, $0xb8;
	[tilespmem:$0x18200] =	vst v63  }
0x61c: {  	s26 =	simm.s32 $0x13200  }
0x61d: {  	[tilespmem:s26], [sflag:$0x5] =	stream.indirect_vreg.gather [hbm4b:s10+s3], $0x80, v2, vm0, $0xb8;
	[tilespmem:$0x18200] =	vst v63  }
0x61e: {  	s31 =	simm.s32 $0x13A00  }
0x61f: {  	[tilespmem:s31], [sflag:$0x5] =	stream.indirect_vreg.gather [hbm4b:s11+s3], $0x80, v2, vm0, $0xb8;
	[tilespmem:$0x18200] =	vst v63  }
0x620: {  	_ =	swait.ge [sflag:s14], $0x4000  }
0x621: {  	s12 =	sld [smem:$0x7EE]  }
0x622: {  	[sflag:s14] =	ssyncset.done $0x0  }
0x623: {  	[sflag:s14] =	ssyncadd.s32 $0xFFFFC000  }
0x624: {  	[hbm4b:s12+s3] =	stream.linear.scatter [tilespmem:s18], [sflag:$0x8], $0x4000, $0x38;
	[tilespmem:$0x18200] =	vst v63  }
0x625: {  	_ =	swait.ge [sflag:s28], $0x4000  }
0x626: {  	[sflag:s28] =	ssyncset.done $0x0  }
0x627: {  	[sflag:s28] =	ssyncadd.s32 $0xFFFFC000  }
0x628: {  	v2 =	vld.msk [tilespmem:$0x1A8], $0xff;
	_ =	sdelay $0x4  }
0x629: {  	v3 =	vshll.u32 v2, $0x4  }
0x62a: {  	v2 =	vand.u32 $0x7, v2;
	v3 =	vand.u32 $0xFFFFFF80, v3  }
0x62b: {  	v2 =	vor.u32 v2, v3  }
0x62c: {  	v2 =	vperm.xlane v2, v0;
	_ =	sdelay $0x1  }
0x62d: {  	v2 =	vadd.s32 v1, v2;
	_ =	sdelay $0x4  }
0x62e: {  	[tilespmem:s25], [sflag:$0x6] =	stream.indirect_vreg.gather [hbm4b:s1+s3], $0x80, v2, vm0, $0xb8;
	[tilespmem:$0x18200] =	vst v63  }
0x62f: {  	s24 =	simm.s32 $0x14A00  }
0x630: {  	[tilespmem:s24], [sflag:$0x6] =	stream.indirect_vreg.gather [hbm4b:s5+s3], $0x80, v2, vm0, $0xb8;
	[tilespmem:$0x18200] =	vst v63  }
0x631: {  	s26 =	simm.s32 $0x15200  }
0x632: {  	[tilespmem:s26], [sflag:$0x6] =	stream.indirect_vreg.gather [hbm4b:s6+s3], $0x80, v2, vm0, $0xb8;
	[tilespmem:$0x18200] =	vst v63  }
0x633: {  	s31 =	simm.s32 $0x15A00  }
0x634: {  	[tilespmem:s31], [sflag:$0x6] =	stream.indirect_vreg.gather [hbm4b:s7+s3], $0x80, v2, vm0, $0xb8;
	[tilespmem:$0x18200] =	vst v63  }
0x635: {  	s24 =	simm.s32 $0x16200  }
0x636: {  	[tilespmem:s24], [sflag:$0x6] =	stream.indirect_vreg.gather [hbm4b:s8+s3], $0x80, v2, vm0, $0xb8;
	[tilespmem:$0x18200] =	vst v63  }
0x637: {  	s24 =	simm.s32 $0x16A00  }
0x638: {  	[tilespmem:s24], [sflag:$0x6] =	stream.indirect_vreg.gather [hbm4b:s9+s3], $0x80, v2, vm0, $0xb8;
	[tilespmem:$0x18200] =	vst v63  }
0x639: {  	s24 =	simm.s32 $0x17200  }
0x63a: {  	[tilespmem:s24], [sflag:$0x6] =	stream.indirect_vreg.gather [hbm4b:s10+s3], $0x80, v2, vm0, $0xb8;
	[tilespmem:$0x18200] =	vst v63  }
0x63b: {  	s24 =	simm.s32 $0x17A00  }
0x63c: {  	[tilespmem:s24], [sflag:$0x6] =	stream.indirect_vreg.gather [hbm4b:s11+s3], $0x80, v2, vm0, $0xb8;
	[tilespmem:$0x18200] =	vst v63  }
0x63d: {  	_ =	swait.ge [sflag:s13], $0x4000  }
0x63e: {  	s24 =	sld [smem:$0x7EF]  }
0x63f: {  	[sflag:s13] =	ssyncset.done $0x0  }
0x640: {  	[sflag:s13] =	ssyncadd.s32 $0xFFFFC000  }
0x641: {  	[hbm4b:s24+s3] =	stream.linear.scatter [tilespmem:s22], [sflag:$0x9], $0x4000, $0x38;
	[tilespmem:$0x18200] =	vst v63  }
0x642: {  	_ =	swait.ge [sflag:s4], $0x4000  }
0x643: {  	[sflag:s4] =	ssyncset.done $0x0  }
0x644: {  	[sflag:s4] =	ssyncadd.s32 $0xFFFFC000  }
0x645: {  	v2 =	vld.msk [tilespmem:$0x1B0], $0xff;
	_ =	sdelay $0x4  }
0x646: {  	v3 =	vshll.u32 v2, $0x4  }
0x647: {  	v2 =	vand.u32 $0x7, v2;
	v3 =	vand.u32 $0xFFFFFF80, v3  }
0x648: {  	v2 =	vor.u32 v2, v3  }
0x649: {  	v2 =	vperm.xlane v2, v0;
	_ =	sdelay $0x1  }
0x64a: {  	v2 =	vadd.s32 v1, v2;
	_ =	sdelay $0x4  }
0x64b: {  	[tilespmem:s29], [sflag:$0x1] =	stream.indirect_vreg.gather [hbm4b:s1+s3], $0x80, v2, vm0, $0xb8;
	[tilespmem:$0x18200] =	vst v63  }
0x64c: {  	s24 =	simm.s32 $0xA00  }
0x64d: {  	[tilespmem:s24], [sflag:$0x1] =	stream.indirect_vreg.gather [hbm4b:s5+s3], $0x80, v2, vm0, $0xb8;
	[tilespmem:$0x18200] =	vst v63  }
0x64e: {  	s24 =	simm.s32 $0x1200  }
0x64f: {  	[tilespmem:s24], [sflag:$0x1] =	stream.indirect_vreg.gather [hbm4b:s6+s3], $0x80, v2, vm0, $0xb8;
	[tilespmem:$0x18200] =	vst v63  }
0x650: {  	s24 =	simm.s32 $0x1A00  }
0x651: {  	[tilespmem:s24], [sflag:$0x1] =	stream.indirect_vreg.gather [hbm4b:s7+s3], $0x80, v2, vm0, $0xb8;
	[tilespmem:$0x18200] =	vst v63  }
0x652: {  	s24 =	simm.s32 $0x2200  }
0x653: {  	[tilespmem:s24], [sflag:$0x1] =	stream.indirect_vreg.gather [hbm4b:s8+s3], $0x80, v2, vm0, $0xb8;
	[tilespmem:$0x18200] =	vst v63  }
0x654: {  	s24 =	simm.s32 $0x2A00  }
0x655: {  	[tilespmem:s24], [sflag:$0x1] =	stream.indirect_vreg.gather [hbm4b:s9+s3], $0x80, v2, vm0, $0xb8;
	[tilespmem:$0x18200] =	vst v63  }
0x656: {  	s24 =	simm.s32 $0x3200  }
0x657: {  	[tilespmem:s24], [sflag:$0x1] =	stream.indirect_vreg.gather [hbm4b:s10+s3], $0x80, v2, vm0, $0xb8;
	[tilespmem:$0x18200] =	vst v63  }
0x658: {  	s24 =	simm.s32 $0x3A00  }
0x659: {  	[tilespmem:s24], [sflag:$0x1] =	stream.indirect_vreg.gather [hbm4b:s11+s3], $0x80, v2, vm0, $0xb8;
	[tilespmem:$0x18200] =	vst v63  }
0x65a: {  	_ =	swait.ge [sflag:s15], $0x4000  }
0x65b: {  	s24 =	sld [smem:$0x7F0]  }
0x65c: {  	[sflag:s15] =	ssyncset.done $0x0  }
0x65d: {  	[sflag:s15] =	ssyncadd.s32 $0xFFFFC000  }
0x65e: {  	[hbm4b:s24+s3] =	stream.linear.scatter [tilespmem:s16], [sflag:$0xA], $0x4000, $0x38;
	[tilespmem:$0x18200] =	vst v63  }
0x65f: {  	_ =	swait.ge [sflag:s17], $0x4000  }
0x660: {  	[sflag:s17] =	ssyncset.done $0x0  }
0x661: {  	[sflag:s17] =	ssyncadd.s32 $0xFFFFC000  }
0x662: {  	v2 =	vld.msk [tilespmem:$0x1B8], $0xff;
	_ =	sdelay $0x4  }
0x663: {  	v3 =	vshll.u32 v2, $0x4  }
0x664: {  	v2 =	vand.u32 $0x7, v2;
	v3 =	vand.u32 $0xFFFFFF80, v3  }
0x665: {  	v2 =	vor.u32 v2, v3  }
0x666: {  	v2 =	vperm.xlane v2, v0;
	_ =	sdelay $0x1  }
0x667: {  	v2 =	vadd.s32 v1, v2;
	_ =	sdelay $0x4  }
0x668: {  	[tilespmem:s18], [sflag:$0x2] =	stream.indirect_vreg.gather [hbm4b:s1+s3], $0x80, v2, vm0, $0xb8;
	[tilespmem:$0x18200] =	vst v63  }
0x669: {  	s24 =	simm.s32 $0x4A00  }
0x66a: {  	[tilespmem:s24], [sflag:$0x2] =	stream.indirect_vreg.gather [hbm4b:s5+s3], $0x80, v2, vm0, $0xb8;
	[tilespmem:$0x18200] =	vst v63  }
0x66b: {  	s24 =	simm.s32 $0x5200  }
0x66c: {  	[tilespmem:s24], [sflag:$0x2] =	stream.indirect_vreg.gather [hbm4b:s6+s3], $0x80, v2, vm0, $0xb8;
	[tilespmem:$0x18200] =	vst v63  }
0x66d: {  	s24 =	simm.s32 $0x5A00  }
0x66e: {  	[tilespmem:s24], [sflag:$0x2] =	stream.indirect_vreg.gather [hbm4b:s7+s3], $0x80, v2, vm0, $0xb8;
	[tilespmem:$0x18200] =	vst v63  }
0x66f: {  	s24 =	simm.s32 $0x6200  }
0x670: {  	[tilespmem:s24], [sflag:$0x2] =	stream.indirect_vreg.gather [hbm4b:s8+s3], $0x80, v2, vm0, $0xb8;
	[tilespmem:$0x18200] =	vst v63  }
0x671: {  	s24 =	simm.s32 $0x6A00  }
0x672: {  	[tilespmem:s24], [sflag:$0x2] =	stream.indirect_vreg.gather [hbm4b:s9+s3], $0x80, v2, vm0, $0xb8;
	[tilespmem:$0x18200] =	vst v63  }
0x673: {  	s24 =	simm.s32 $0x7200  }
0x674: {  	[tilespmem:s24], [sflag:$0x2] =	stream.indirect_vreg.gather [hbm4b:s10+s3], $0x80, v2, vm0, $0xb8;
	[tilespmem:$0x18200] =	vst v63  }
0x675: {  	s24 =	simm.s32 $0x7A00  }
0x676: {  	[tilespmem:s24], [sflag:$0x2] =	stream.indirect_vreg.gather [hbm4b:s11+s3], $0x80, v2, vm0, $0xb8;
	[tilespmem:$0x18200] =	vst v63  }
0x677: {  	_ =	swait.ge [sflag:s19], $0x4000  }
0x678: {  	s24 =	sld [smem:$0x7F1]  }
0x679: {  	[sflag:s19] =	ssyncset.done $0x0  }
0x67a: {  	[sflag:s19] =	ssyncadd.s32 $0xFFFFC000  }
0x67b: {  	[hbm4b:s24+s3] =	stream.linear.scatter [tilespmem:s2], [sflag:$0xB], $0x4000, $0x38;
	[tilespmem:$0x18200] =	vst v63  }
0x67c: {  	_ =	swait.ge [sflag:s20], $0x4000  }
0x67d: {  	[sflag:s20] =	ssyncset.done $0x0  }
0x67e: {  	[sflag:s20] =	ssyncadd.s32 $0xFFFFC000  }
0x67f: {  	v2 =	vld.msk [tilespmem:$0x1C0], $0xff;
	_ =	sdelay $0x4  }
0x680: {  	v3 =	vshll.u32 v2, $0x4  }
0x681: {  	v2 =	vand.u32 $0x7, v2;
	v3 =	vand.u32 $0xFFFFFF80, v3  }
0x682: {  	v2 =	vor.u32 v2, v3  }
0x683: {  	v2 =	vperm.xlane v2, v0;
	_ =	sdelay $0x1  }
0x684: {  	v2 =	vadd.s32 v1, v2;
	_ =	sdelay $0x4  }
0x685: {  	[tilespmem:s22], [sflag:$0x3] =	stream.indirect_vreg.gather [hbm4b:s1+s3], $0x80, v2, vm0, $0xb8;
	[tilespmem:$0x18200] =	vst v63  }
0x686: {  	s24 =	simm.s32 $0x8A00  }
0x687: {  	[tilespmem:s24], [sflag:$0x3] =	stream.indirect_vreg.gather [hbm4b:s5+s3], $0x80, v2, vm0, $0xb8;
	[tilespmem:$0x18200] =	vst v63  }
0x688: {  	s24 =	simm.s32 $0x9200  }
0x689: {  	[tilespmem:s24], [sflag:$0x3] =	stream.indirect_vreg.gather [hbm4b:s6+s3], $0x80, v2, vm0, $0xb8;
	[tilespmem:$0x18200] =	vst v63  }
0x68a: {  	s24 =	simm.s32 $0x9A00  }
0x68b: {  	[tilespmem:s24], [sflag:$0x3] =	stream.indirect_vreg.gather [hbm4b:s7+s3], $0x80, v2, vm0, $0xb8;
	[tilespmem:$0x18200] =	vst v63  }
0x68c: {  	s24 =	simm.s32 $0xA200  }
0x68d: {  	[tilespmem:s24], [sflag:$0x3] =	stream.indirect_vreg.gather [hbm4b:s8+s3], $0x80, v2, vm0, $0xb8;
	[tilespmem:$0x18200] =	vst v63  }
0x68e: {  	s24 =	simm.s32 $0xAA00  }
0x68f: {  	[tilespmem:s24], [sflag:$0x3] =	stream.indirect_vreg.gather [hbm4b:s9+s3], $0x80, v2, vm0, $0xb8;
	[tilespmem:$0x18200] =	vst v63  }
0x690: {  	s24 =	simm.s32 $0xB200  }
0x691: {  	[tilespmem:s24], [sflag:$0x3] =	stream.indirect_vreg.gather [hbm4b:s10+s3], $0x80, v2, vm0, $0xb8;
	[tilespmem:$0x18200] =	vst v63  }
0x692: {  	s24 =	simm.s32 $0xBA00  }
0x693: {  	[tilespmem:s24], [sflag:$0x3] =	stream.indirect_vreg.gather [hbm4b:s11+s3], $0x80, v2, vm0, $0xb8;
	[tilespmem:$0x18200] =	vst v63  }
0x694: {  	_ =	swait.ge [sflag:s21], $0x4000  }
0x695: {  	s24 =	sld [smem:$0x7F2]  }
0x696: {  	[sflag:s21] =	ssyncset.done $0x0  }
0x697: {  	[sflag:s21] =	ssyncadd.s32 $0xFFFFC000  }
0x698: {  	[hbm4b:s24+s3] =	stream.linear.scatter [tilespmem:s25], [sflag:$0xC], $0x4000, $0x38;
	[tilespmem:$0x18200] =	vst v63  }
0x699: {  	_ =	swait.ge [sflag:s0], $0x4000  }
0x69a: {  	[sflag:s0] =	ssyncset.done $0x0  }
0x69b: {  	[sflag:s0] =	ssyncadd.s32 $0xFFFFC000  }
0x69c: {  	v2 =	vld.msk [tilespmem:$0x1C8], $0xff;
	_ =	sdelay $0x4  }
0x69d: {  	v3 =	vshll.u32 v2, $0x4  }
0x69e: {  	v2 =	vand.u32 $0x7, v2;
	v3 =	vand.u32 $0xFFFFFF80, v3  }
0x69f: {  	v2 =	vor.u32 v2, v3  }
0x6a0: {  	v2 =	vperm.xlane v2, v0;
	_ =	sdelay $0x1  }
0x6a1: {  	v2 =	vadd.s32 v1, v2;
	_ =	sdelay $0x4  }
0x6a2: {  	[tilespmem:s16], [sflag:$0x4] =	stream.indirect_vreg.gather [hbm4b:s1+s3], $0x80, v2, vm0, $0xb8;
	[tilespmem:$0x18200] =	vst v63  }
0x6a3: {  	s24 =	simm.s32 $0xCA00  }
0x6a4: {  	[tilespmem:s24], [sflag:$0x4] =	stream.indirect_vreg.gather [hbm4b:s5+s3], $0x80, v2, vm0, $0xb8;
	[tilespmem:$0x18200] =	vst v63  }
0x6a5: {  	s24 =	simm.s32 $0xD200  }
0x6a6: {  	[tilespmem:s24], [sflag:$0x4] =	stream.indirect_vreg.gather [hbm4b:s6+s3], $0x80, v2, vm0, $0xb8;
	[tilespmem:$0x18200] =	vst v63  }
0x6a7: {  	s24 =	simm.s32 $0xDA00  }
0x6a8: {  	[tilespmem:s24], [sflag:$0x4] =	stream.indirect_vreg.gather [hbm4b:s7+s3], $0x80, v2, vm0, $0xb8;
	[tilespmem:$0x18200] =	vst v63  }
0x6a9: {  	s24 =	simm.s32 $0xE200  }
0x6aa: {  	[tilespmem:s24], [sflag:$0x4] =	stream.indirect_vreg.gather [hbm4b:s8+s3], $0x80, v2, vm0, $0xb8;
	[tilespmem:$0x18200] =	vst v63  }
0x6ab: {  	s24 =	simm.s32 $0xEA00  }
0x6ac: {  	[tilespmem:s24], [sflag:$0x4] =	stream.indirect_vreg.gather [hbm4b:s9+s3], $0x80, v2, vm0, $0xb8;
	[tilespmem:$0x18200] =	vst v63  }
0x6ad: {  	s24 =	simm.s32 $0xF200  }
0x6ae: {  	[tilespmem:s24], [sflag:$0x4] =	stream.indirect_vreg.gather [hbm4b:s10+s3], $0x80, v2, vm0, $0xb8;
	[tilespmem:$0x18200] =	vst v63  }
0x6af: {  	s24 =	simm.s32 $0xFA00  }
0x6b0: {  	[tilespmem:s24], [sflag:$0x4] =	stream.indirect_vreg.gather [hbm4b:s11+s3], $0x80, v2, vm0, $0xb8;
	[tilespmem:$0x18200] =	vst v63  }
0x6b1: {  	_ =	swait.ge [sflag:s30], $0x4000  }
0x6b2: {  	s24 =	sld [smem:$0x7F3]  }
0x6b3: {  	[sflag:s30] =	ssyncset.done $0x0  }
0x6b4: {  	[sflag:s30] =	ssyncadd.s32 $0xFFFFC000  }
0x6b5: {  	[hbm4b:s24+s3] =	stream.linear.scatter [tilespmem:s29], [sflag:$0x7], $0x4000, $0x38;
	[tilespmem:$0x18200] =	vst v63  }
0x6b6: {  	_ =	swait.ge [sflag:s23], $0x4000  }
0x6b7: {  	[sflag:s23] =	ssyncset.done $0x0  }
0x6b8: {  	[sflag:s23] =	ssyncadd.s32 $0xFFFFC000  }
0x6b9: {  	v2 =	vld.msk [tilespmem:$0x1D0], $0xff;
	_ =	sdelay $0x4  }
0x6ba: {  	v3 =	vshll.u32 v2, $0x4  }
0x6bb: {  	v2 =	vand.u32 $0x7, v2;
	v3 =	vand.u32 $0xFFFFFF80, v3  }
0x6bc: {  	v2 =	vor.u32 v2, v3  }
0x6bd: {  	v2 =	vperm.xlane v2, v0;
	_ =	sdelay $0x1  }
0x6be: {  	v2 =	vadd.s32 v1, v2;
	_ =	sdelay $0x4  }
0x6bf: {  	[tilespmem:s2], [sflag:$0x5] =	stream.indirect_vreg.gather [hbm4b:s1+s3], $0x80, v2, vm0, $0xb8;
	[tilespmem:$0x18200] =	vst v63  }
0x6c0: {  	s24 =	simm.s32 $0x10A00  }
0x6c1: {  	[tilespmem:s24], [sflag:$0x5] =	stream.indirect_vreg.gather [hbm4b:s5+s3], $0x80, v2, vm0, $0xb8;
	[tilespmem:$0x18200] =	vst v63  }
0x6c2: {  	s24 =	simm.s32 $0x11200  }
0x6c3: {  	[tilespmem:s24], [sflag:$0x5] =	stream.indirect_vreg.gather [hbm4b:s6+s3], $0x80, v2, vm0, $0xb8;
	[tilespmem:$0x18200] =	vst v63  }
0x6c4: {  	s24 =	simm.s32 $0x11A00  }
0x6c5: {  	[tilespmem:s24], [sflag:$0x5] =	stream.indirect_vreg.gather [hbm4b:s7+s3], $0x80, v2, vm0, $0xb8;
	[tilespmem:$0x18200] =	vst v63  }
0x6c6: {  	s24 =	simm.s32 $0x12200  }
0x6c7: {  	[tilespmem:s24], [sflag:$0x5] =	stream.indirect_vreg.gather [hbm4b:s8+s3], $0x80, v2, vm0, $0xb8;
	[tilespmem:$0x18200] =	vst v63  }
0x6c8: {  	s24 =	simm.s32 $0x12A00  }
0x6c9: {  	[tilespmem:s24], [sflag:$0x5] =	stream.indirect_vreg.gather [hbm4b:s9+s3], $0x80, v2, vm0, $0xb8;
	[tilespmem:$0x18200] =	vst v63  }
0x6ca: {  	s24 =	simm.s32 $0x13200  }
0x6cb: {  	[tilespmem:s24], [sflag:$0x5] =	stream.indirect_vreg.gather [hbm4b:s10+s3], $0x80, v2, vm0, $0xb8;
	[tilespmem:$0x18200] =	vst v63  }
0x6cc: {  	s24 =	simm.s32 $0x13A00  }
0x6cd: {  	[tilespmem:s24], [sflag:$0x5] =	stream.indirect_vreg.gather [hbm4b:s11+s3], $0x80, v2, vm0, $0xb8;
	[tilespmem:$0x18200] =	vst v63  }
0x6ce: {  	_ =	swait.ge [sflag:s14], $0x4000  }
0x6cf: {  	s24 =	sld [smem:$0x7F4]  }
0x6d0: {  	[sflag:s14] =	ssyncset.done $0x0  }
0x6d1: {  	[sflag:s14] =	ssyncadd.s32 $0xFFFFC000  }
0x6d2: {  	[hbm4b:s24+s3] =	stream.linear.scatter [tilespmem:s18], [sflag:$0x8], $0x4000, $0x38;
	[tilespmem:$0x18200] =	vst v63  }
0x6d3: {  	_ =	swait.ge [sflag:s28], $0x4000  }
0x6d4: {  	[sflag:s28] =	ssyncset.done $0x0  }
0x6d5: {  	[sflag:s28] =	ssyncadd.s32 $0xFFFFC000  }
0x6d6: {  	v2 =	vld.msk [tilespmem:$0x1D8], $0xff;
	_ =	sdelay $0x4  }
0x6d7: {  	v3 =	vshll.u32 v2, $0x4  }
0x6d8: {  	v2 =	vand.u32 $0x7, v2;
	v3 =	vand.u32 $0xFFFFFF80, v3  }
0x6d9: {  	v2 =	vor.u32 v2, v3  }
0x6da: {  	v2 =	vperm.xlane v2, v0;
	_ =	sdelay $0x1  }
0x6db: {  	v2 =	vadd.s32 v1, v2;
	_ =	sdelay $0x4  }
0x6dc: {  	[tilespmem:s25], [sflag:$0x6] =	stream.indirect_vreg.gather [hbm4b:s1+s3], $0x80, v2, vm0, $0xb8;
	[tilespmem:$0x18200] =	vst v63  }
0x6dd: {  	s12 =	simm.s32 $0x14A00  }
0x6de: {  	[tilespmem:s12], [sflag:$0x6] =	stream.indirect_vreg.gather [hbm4b:s5+s3], $0x80, v2, vm0, $0xb8;
	[tilespmem:$0x18200] =	vst v63  }
0x6df: {  	s26 =	simm.s32 $0x15200  }
0x6e0: {  	[tilespmem:s26], [sflag:$0x6] =	stream.indirect_vreg.gather [hbm4b:s6+s3], $0x80, v2, vm0, $0xb8;
	[tilespmem:$0x18200] =	vst v63  }
0x6e1: {  	s31 =	simm.s32 $0x15A00  }
0x6e2: {  	[tilespmem:s31], [sflag:$0x6] =	stream.indirect_vreg.gather [hbm4b:s7+s3], $0x80, v2, vm0, $0xb8;
	[tilespmem:$0x18200] =	vst v63  }
0x6e3: {  	s24 =	simm.s32 $0x16200  }
0x6e4: {  	[tilespmem:s24], [sflag:$0x6] =	stream.indirect_vreg.gather [hbm4b:s8+s3], $0x80, v2, vm0, $0xb8;
	[tilespmem:$0x18200] =	vst v63  }
0x6e5: {  	s26 =	simm.s32 $0x16A00  }
0x6e6: {  	[tilespmem:s26], [sflag:$0x6] =	stream.indirect_vreg.gather [hbm4b:s9+s3], $0x80, v2, vm0, $0xb8;
	[tilespmem:$0x18200] =	vst v63  }
0x6e7: {  	s31 =	simm.s32 $0x17200  }
0x6e8: {  	[tilespmem:s31], [sflag:$0x6] =	stream.indirect_vreg.gather [hbm4b:s10+s3], $0x80, v2, vm0, $0xb8;
	[tilespmem:$0x18200] =	vst v63  }
0x6e9: {  	s24 =	simm.s32 $0x17A00  }
0x6ea: {  	[tilespmem:s24], [sflag:$0x6] =	stream.indirect_vreg.gather [hbm4b:s11+s3], $0x80, v2, vm0, $0xb8;
	[tilespmem:$0x18200] =	vst v63  }
0x6eb: {  	_ =	swait.ge [sflag:s13], $0x4000  }
0x6ec: {  	s26 =	sld [smem:$0x7F5]  }
0x6ed: {  	[sflag:s13] =	ssyncset.done $0x0  }
0x6ee: {  	[sflag:s13] =	ssyncadd.s32 $0xFFFFC000  }
0x6ef: {  	[hbm4b:s26+s3] =	stream.linear.scatter [tilespmem:s22], [sflag:$0x9], $0x4000, $0x38;
	[tilespmem:$0x18200] =	vst v63  }
0x6f0: {  	_ =	swait.ge [sflag:s4], $0x4000  }
0x6f1: {  	[sflag:s4] =	ssyncset.done $0x0  }
0x6f2: {  	[sflag:s4] =	ssyncadd.s32 $0xFFFFC000  }
0x6f3: {  	v2 =	vld.msk [tilespmem:$0x1E0], $0xff;
	_ =	sdelay $0x4  }
0x6f4: {  	v3 =	vshll.u32 v2, $0x4  }
0x6f5: {  	v2 =	vand.u32 $0x7, v2;
	v3 =	vand.u32 $0xFFFFFF80, v3  }
0x6f6: {  	v2 =	vor.u32 v2, v3  }
0x6f7: {  	v2 =	vperm.xlane v2, v0;
	_ =	sdelay $0x1  }
0x6f8: {  	v2 =	vadd.s32 v1, v2;
	_ =	sdelay $0x4  }
0x6f9: {  	[tilespmem:s29], [sflag:$0x1] =	stream.indirect_vreg.gather [hbm4b:s1+s3], $0x80, v2, vm0, $0xb8;
	[tilespmem:$0x18200] =	vst v63  }
0x6fa: {  	s31 =	simm.s32 $0xA00  }
0x6fb: {  	[tilespmem:s31], [sflag:$0x1] =	stream.indirect_vreg.gather [hbm4b:s5+s3], $0x80, v2, vm0, $0xb8;
	[tilespmem:$0x18200] =	vst v63  }
0x6fc: {  	s24 =	simm.s32 $0x1200  }
0x6fd: {  	[tilespmem:s24], [sflag:$0x1] =	stream.indirect_vreg.gather [hbm4b:s6+s3], $0x80, v2, vm0, $0xb8;
	[tilespmem:$0x18200] =	vst v63  }
0x6fe: {  	s26 =	simm.s32 $0x1A00  }
0x6ff: {  	[tilespmem:s26], [sflag:$0x1] =	stream.indirect_vreg.gather [hbm4b:s7+s3], $0x80, v2, vm0, $0xb8;
	[tilespmem:$0x18200] =	vst v63  }
0x700: {  	s31 =	simm.s32 $0x2200  }
0x701: {  	[tilespmem:s31], [sflag:$0x1] =	stream.indirect_vreg.gather [hbm4b:s8+s3], $0x80, v2, vm0, $0xb8;
	[tilespmem:$0x18200] =	vst v63  }
0x702: {  	s24 =	simm.s32 $0x2A00  }
0x703: {  	[tilespmem:s24], [sflag:$0x1] =	stream.indirect_vreg.gather [hbm4b:s9+s3], $0x80, v2, vm0, $0xb8;
	[tilespmem:$0x18200] =	vst v63  }
0x704: {  	s26 =	simm.s32 $0x3200  }
0x705: {  	[tilespmem:s26], [sflag:$0x1] =	stream.indirect_vreg.gather [hbm4b:s10+s3], $0x80, v2, vm0, $0xb8;
	[tilespmem:$0x18200] =	vst v63  }
0x706: {  	s31 =	simm.s32 $0x3A00  }
0x707: {  	[tilespmem:s31], [sflag:$0x1] =	stream.indirect_vreg.gather [hbm4b:s11+s3], $0x80, v2, vm0, $0xb8;
	[tilespmem:$0x18200] =	vst v63  }
0x708: {  	_ =	swait.ge [sflag:s15], $0x4000  }
0x709: {  	s12 =	sld [smem:$0x7F6]  }
0x70a: {  	[sflag:s15] =	ssyncset.done $0x0  }
0x70b: {  	[sflag:s15] =	ssyncadd.s32 $0xFFFFC000  }
0x70c: {  	[hbm4b:s12+s3] =	stream.linear.scatter [tilespmem:s16], [sflag:$0xA], $0x4000, $0x38;
	[tilespmem:$0x18200] =	vst v63  }
0x70d: {  	_ =	swait.ge [sflag:s17], $0x4000  }
0x70e: {  	[sflag:s17] =	ssyncset.done $0x0  }
0x70f: {  	[sflag:s17] =	ssyncadd.s32 $0xFFFFC000  }
0x710: {  	v2 =	vld.msk [tilespmem:$0x1E8], $0xff;
	_ =	sdelay $0x4  }
0x711: {  	v3 =	vshll.u32 v2, $0x4  }
0x712: {  	v2 =	vand.u32 $0x7, v2;
	v3 =	vand.u32 $0xFFFFFF80, v3  }
0x713: {  	v2 =	vor.u32 v2, v3  }
0x714: {  	v2 =	vperm.xlane v2, v0;
	_ =	sdelay $0x1  }
0x715: {  	v2 =	vadd.s32 v1, v2;
	_ =	sdelay $0x4  }
0x716: {  	[tilespmem:s18], [sflag:$0x2] =	stream.indirect_vreg.gather [hbm4b:s1+s3], $0x80, v2, vm0, $0xb8;
	[tilespmem:$0x18200] =	vst v63  }
0x717: {  	s24 =	simm.s32 $0x4A00  }
0x718: {  	[tilespmem:s24], [sflag:$0x2] =	stream.indirect_vreg.gather [hbm4b:s5+s3], $0x80, v2, vm0, $0xb8;
	[tilespmem:$0x18200] =	vst v63  }
0x719: {  	s26 =	simm.s32 $0x5200  }
0x71a: {  	[tilespmem:s26], [sflag:$0x2] =	stream.indirect_vreg.gather [hbm4b:s6+s3], $0x80, v2, vm0, $0xb8;
	[tilespmem:$0x18200] =	vst v63  }
0x71b: {  	s31 =	simm.s32 $0x5A00  }
0x71c: {  	[tilespmem:s31], [sflag:$0x2] =	stream.indirect_vreg.gather [hbm4b:s7+s3], $0x80, v2, vm0, $0xb8;
	[tilespmem:$0x18200] =	vst v63  }
0x71d: {  	s24 =	simm.s32 $0x6200  }
0x71e: {  	[tilespmem:s24], [sflag:$0x2] =	stream.indirect_vreg.gather [hbm4b:s8+s3], $0x80, v2, vm0, $0xb8;
	[tilespmem:$0x18200] =	vst v63  }
0x71f: {  	s26 =	simm.s32 $0x6A00  }
0x720: {  	[tilespmem:s26], [sflag:$0x2] =	stream.indirect_vreg.gather [hbm4b:s9+s3], $0x80, v2, vm0, $0xb8;
	[tilespmem:$0x18200] =	vst v63  }
0x721: {  	s31 =	simm.s32 $0x7200  }
0x722: {  	[tilespmem:s31], [sflag:$0x2] =	stream.indirect_vreg.gather [hbm4b:s10+s3], $0x80, v2, vm0, $0xb8;
	[tilespmem:$0x18200] =	vst v63  }
0x723: {  	s24 =	simm.s32 $0x7A00  }
0x724: {  	[tilespmem:s24], [sflag:$0x2] =	stream.indirect_vreg.gather [hbm4b:s11+s3], $0x80, v2, vm0, $0xb8;
	[tilespmem:$0x18200] =	vst v63  }
0x725: {  	_ =	swait.ge [sflag:s19], $0x4000  }
0x726: {  	s26 =	sld [smem:$0x7F7]  }
0x727: {  	[sflag:s19] =	ssyncset.done $0x0  }
0x728: {  	[sflag:s19] =	ssyncadd.s32 $0xFFFFC000  }
0x729: {  	[hbm4b:s26+s3] =	stream.linear.scatter [tilespmem:s2], [sflag:$0xB], $0x4000, $0x38;
	[tilespmem:$0x18200] =	vst v63  }
0x72a: {  	_ =	swait.ge [sflag:s20], $0x4000  }
0x72b: {  	[sflag:s20] =	ssyncset.done $0x0  }
0x72c: {  	[sflag:s20] =	ssyncadd.s32 $0xFFFFC000  }
0x72d: {  	v2 =	vld.msk [tilespmem:$0x1F0], $0xff;
	_ =	sdelay $0x4  }
0x72e: {  	v3 =	vshll.u32 v2, $0x4  }
0x72f: {  	v2 =	vand.u32 $0x7, v2;
	v3 =	vand.u32 $0xFFFFFF80, v3  }
0x730: {  	v2 =	vor.u32 v2, v3  }
0x731: {  	v2 =	vperm.xlane v2, v0;
	_ =	sdelay $0x1  }
0x732: {  	v2 =	vadd.s32 v1, v2;
	_ =	sdelay $0x4  }
0x733: {  	[tilespmem:s22], [sflag:$0x3] =	stream.indirect_vreg.gather [hbm4b:s1+s3], $0x80, v2, vm0, $0xb8;
	[tilespmem:$0x18200] =	vst v63  }
0x734: {  	s31 =	simm.s32 $0x8A00  }
0x735: {  	[tilespmem:s31], [sflag:$0x3] =	stream.indirect_vreg.gather [hbm4b:s5+s3], $0x80, v2, vm0, $0xb8;
	[tilespmem:$0x18200] =	vst v63  }
0x736: {  	s12 =	simm.s32 $0x9200  }
0x737: {  	[tilespmem:s12], [sflag:$0x3] =	stream.indirect_vreg.gather [hbm4b:s6+s3], $0x80, v2, vm0, $0xb8;
	[tilespmem:$0x18200] =	vst v63  }
0x738: {  	s19 =	simm.s32 $0x9A00  }
0x739: {  	[tilespmem:s19], [sflag:$0x3] =	stream.indirect_vreg.gather [hbm4b:s7+s3], $0x80, v2, vm0, $0xb8;
	[tilespmem:$0x18200] =	vst v63  }
0x73a: {  	s24 =	simm.s32 $0xA200  }
0x73b: {  	[tilespmem:s24], [sflag:$0x3] =	stream.indirect_vreg.gather [hbm4b:s8+s3], $0x80, v2, vm0, $0xb8;
	[tilespmem:$0x18200] =	vst v63  }
0x73c: {  	s26 =	simm.s32 $0xAA00  }
0x73d: {  	[tilespmem:s26], [sflag:$0x3] =	stream.indirect_vreg.gather [hbm4b:s9+s3], $0x80, v2, vm0, $0xb8;
	[tilespmem:$0x18200] =	vst v63  }
0x73e: {  	s31 =	simm.s32 $0xB200  }
0x73f: {  	[tilespmem:s31], [sflag:$0x3] =	stream.indirect_vreg.gather [hbm4b:s10+s3], $0x80, v2, vm0, $0xb8;
	[tilespmem:$0x18200] =	vst v63  }
0x740: {  	s12 =	simm.s32 $0xBA00  }
0x741: {  	[tilespmem:s12], [sflag:$0x3] =	stream.indirect_vreg.gather [hbm4b:s11+s3], $0x80, v2, vm0, $0xb8;
	[tilespmem:$0x18200] =	vst v63  }
0x742: {  	_ =	swait.ge [sflag:s21], $0x4000  }
0x743: {  	s19 =	sld [smem:$0x7F8]  }
0x744: {  	[sflag:s21] =	ssyncset.done $0x0  }
0x745: {  	[sflag:s21] =	ssyncadd.s32 $0xFFFFC000  }
0x746: {  	[hbm4b:s19+s3] =	stream.linear.scatter [tilespmem:s25], [sflag:$0xC], $0x4000, $0x38;
	[tilespmem:$0x18200] =	vst v63  }
0x747: {  	_ =	swait.ge [sflag:s0], $0x4000  }
0x748: {  	[sflag:s0] =	ssyncset.done $0x0  }
0x749: {  	[sflag:s0] =	ssyncadd.s32 $0xFFFFC000  }
0x74a: {  	v2 =	vld.msk [tilespmem:$0x1F8], $0xff;
	_ =	sdelay $0x4  }
0x74b: {  	v3 =	vshll.u32 v2, $0x4  }
0x74c: {  	v2 =	vand.u32 $0x7, v2;
	v3 =	vand.u32 $0xFFFFFF80, v3  }
0x74d: {  	v2 =	vor.u32 v2, v3  }
0x74e: {  	v2 =	vperm.xlane v2, v0;
	_ =	sdelay $0x1  }
0x74f: {  	v2 =	vadd.s32 v1, v2;
	_ =	sdelay $0x4  }
0x750: {  	[tilespmem:s16], [sflag:$0x4] =	stream.indirect_vreg.gather [hbm4b:s1+s3], $0x80, v2, vm0, $0xb8;
	[tilespmem:$0x18200] =	vst v63  }
0x751: {  	s24 =	simm.s32 $0xCA00  }
0x752: {  	[tilespmem:s24], [sflag:$0x4] =	stream.indirect_vreg.gather [hbm4b:s5+s3], $0x80, v2, vm0, $0xb8;
	[tilespmem:$0x18200] =	vst v63  }
0x753: {  	s25 =	simm.s32 $0xD200  }
0x754: {  	[tilespmem:s25], [sflag:$0x4] =	stream.indirect_vreg.gather [hbm4b:s6+s3], $0x80, v2, vm0, $0xb8;
	[tilespmem:$0x18200] =	vst v63  }
0x755: {  	s26 =	simm.s32 $0xDA00  }
0x756: {  	[tilespmem:s26], [sflag:$0x4] =	stream.indirect_vreg.gather [hbm4b:s7+s3], $0x80, v2, vm0, $0xb8;
	[tilespmem:$0x18200] =	vst v63  }
0x757: {  	s31 =	simm.s32 $0xE200  }
0x758: {  	[tilespmem:s31], [sflag:$0x4] =	stream.indirect_vreg.gather [hbm4b:s8+s3], $0x80, v2, vm0, $0xb8;
	[tilespmem:$0x18200] =	vst v63  }
0x759: {  	s19 =	simm.s32 $0xEA00  }
0x75a: {  	[tilespmem:s19], [sflag:$0x4] =	stream.indirect_vreg.gather [hbm4b:s9+s3], $0x80, v2, vm0, $0xb8;
	[tilespmem:$0x18200] =	vst v63  }
0x75b: {  	s21 =	simm.s32 $0xF200  }
0x75c: {  	[tilespmem:s21], [sflag:$0x4] =	stream.indirect_vreg.gather [hbm4b:s10+s3], $0x80, v2, vm0, $0xb8;
	[tilespmem:$0x18200] =	vst v63  }
0x75d: {  	s24 =	simm.s32 $0xFA00  }
0x75e: {  	[tilespmem:s24], [sflag:$0x4] =	stream.indirect_vreg.gather [hbm4b:s11+s3], $0x80, v2, vm0, $0xb8;
	[tilespmem:$0x18200] =	vst v63  }
0x75f: {  	s12 =	sld [smem:$0x7D8];
	_ =	swait.ge [sflag:s30], $0x4000  }
0x760: {  	s25 =	sld [smem:$0x7F9]  }
0x761: {  	[sflag:s30] =	ssyncset.done $0x0  }
0x762: {  	[sflag:s30] =	ssyncadd.s32 $0xFFFFC000  }
0x763: {  	[hbm4b:s25+s3] =	stream.linear.scatter [tilespmem:s29], [sflag:$0x7], $0x4000, $0x38;
	[tilespmem:$0x18200] =	vst v63  }
0x764: {  	_ =	swait.ge [sflag:s14], $0x4000  }
0x765: {  	s26 =	sld [smem:$0x7FA]  }
0x766: {  	[sflag:s14] =	ssyncset.done $0x0  }
0x767: {  	[sflag:s14] =	ssyncadd.s32 $0xFFFFC000  }
0x768: {  	[hbm4b:s26+s3] =	stream.linear.scatter [tilespmem:s18], [sflag:$0x8], $0x4000, $0x38;
	[tilespmem:$0x18200] =	vst v63  }
0x769: {  	_ =	swait.ge [sflag:s13], $0x4000  }
0x76a: {  	s29 =	sld [smem:$0x7FB]  }
0x76b: {  	[sflag:s13] =	ssyncset.done $0x0  }
0x76c: {  	[sflag:s13] =	ssyncadd.s32 $0xFFFFC000  }
0x76d: {  	[hbm4b:s29+s3] =	stream.linear.scatter [tilespmem:s22], [sflag:$0x9], $0x4000, $0x38;
	[tilespmem:$0x18200] =	vst v63  }
0x76e: {  	_ =	swait.ge [sflag:s15], $0x4000  }
0x76f: {  	s31 =	sld [smem:$0x7FD]  }
0x770: {  	[sflag:s15] =	ssyncset.done $0x0  }
0x771: {  	[sflag:s15] =	ssyncadd.s32 $0xFFFFC000  }
0x772: {  	[hbm4b:s31+s3] =	stream.linear.scatter [tilespmem:s16], [sflag:$0xA], $0x4000, $0x38;
	[tilespmem:$0x18200] =	vst v63  }
0x773: {  	_ =	swait.ge [sflag:s23], $0x4000  }
0x774: {  	[sflag:s23] =	ssyncset.done $0x0  }
0x775: {  	[sflag:s23] =	ssyncadd.s32 $0xFFFFC000  }
0x776: {  	_ =	swait.ge [sflag:s28], $0x4000  }
0x777: {  	[sflag:s28] =	ssyncset.done $0x0  }
0x778: {  	[sflag:s28] =	ssyncadd.s32 $0xFFFFC000  }
0x779: {  	_ =	swait.ge [sflag:s4], $0x4000  }
0x77a: {  	[sflag:s4] =	ssyncset.done $0x0  }
0x77b: {  	[sflag:s4] =	ssyncadd.s32 $0xFFFFC000  }
0x77c: {  	_ =	swait.ge [sflag:s17], $0x4000  }
0x77d: {  	[sflag:s17] =	ssyncset.done $0x0  }
0x77e: {  	[sflag:s17] =	ssyncadd.s32 $0xFFFFC000  }
0x77f: {  	p0 =	sne.s32 s12, $0x1;
	_ =	swait.ge [sflag:s20], $0x4000  }
.Ltmp0:
0x780: {  	[sflag:s20] =	ssyncset.done $0x0;
	(pc) =	sbr.rel @p0 .LBB2_1-.Ltmp0, $4  }
0x781: {  	[sflag:s20] =	ssyncadd.s32 $0xFFFFC000  }
0x782: {  	_ =	swait.ge [sflag:s0], $0x4000  }
0x783: {  	[sflag:s0] =	ssyncset.done $0x0  }
0x784: {  	s12 =	sadd.s32 $0xFFFFFFFF, s12;
	[sflag:s0] =	ssyncadd.s32 $0xFFFFC000  }
0x785: {  	_ =	sfence.sel $0x180000  }
0x786: {  	[bflag:$0x0] =	sbarrier.arrive $0xFFFF  }
0x787: {  	_ =	strace $0x90000047  }
0x788: {  	s0 =	stileid.u32;
	[bflag:$0x2] =	sbarrier.arrive $0xFFFF  }
0x789: {  	p0 =	sne.s32 s0, $0x0;
	s0 =	rddreg [dreg:$0x3]  }
0x78a: {  	s0 =	sadd.s32 @!p0 $0x100000, s0  }
0x78b: {  	[sflag:s0] =	ssyncadd.tile.s32 @!p0 $0x1;
	_ =	shalt  }
.Lfunc_end2:
_tile_overlayer_lowered:
.L_overlay_start_2:
0x78c: {  	(tag) =	ssettag $0x2  }
0x78d: {  	s0 =	rddreg [dreg:$0x0];
	s2 =	stileid.u32  }
0x78e: {  	s1 =	rddreg [dreg:$0x1];
	p0 =	sne.s32 s2, $0x0  }
0x78f: {  	s3 =	rddreg [dreg:$0x2];
	[bflag:$0x3] =	sbarrier.arrive $0xFFFF;
	s2 =	simm.s32 @!p0 $0x1C0D  }
0x790: {  	[timem:s3], [sflag:s2] =	dma.local @!p0 [hbm:s0], s1  }
0x791: {  	s0 =	simm.s32 @!p0 $0xD  }
0x792: {  	_ =	swait.ge @!p0 [sflag:s0], s1  }
0x793: {  	s1 =	ssub.s32 @!p0 $0x0, s1;
	[sflag:s0] =	ssyncset.done @!p0 $0x0  }
0x794: {  	[sflag:s0] =	ssyncadd.s32 @!p0 s1  }
0x795: {  	[bflag:$0x3] =	sbarrier.arrive $0xFFFF  }
0x796: {  	_ =	shalt  }

</sc_bundles>
